<compile_context>
chip_gen: v7x
topology: tpu7x:2x2x1
jax: 0.10.2.dev20260603
libtpu: 0.0.44.dev20260713+nightly
codegen_flags: <defaults>
</compile_context>

<pallas_src>
import functools

import jax
import jax.numpy as jnp
from jax import lax
from jax.experimental import pallas as pl
from jax.experimental.pallas import tpu as pltpu
from jax.experimental.pallas import tpu_sc as plsc

N = 10000
D = 128
G = 64
N_PAD = 10240
BLK = 1024
NUM_BLK = N_PAD // BLK
NC = 2
NS = 16
NW = NC * NS
SLAB = N_PAD // NS
DEGW = 128



def _sc_mesh():
    return plsc.VectorSubcoreMesh(core_axis_name="c", subcore_axis_name="s")


AGW = 128
AGK = 8


def _make_agg(idx_rows):
    rows_per_tile = idx_rows // NW
    groups = rows_per_tile // AGK

    @functools.partial(
        pl.kernel,
        out_type=jax.ShapeDtypeStruct((NC, N_PAD, D), jnp.float32),
        mesh=_sc_mesh(),
        scratch_types=[
            pltpu.VMEM((AGK, AGW), jnp.int32),
            pltpu.VMEM((AGK, AGW), jnp.int32),
            pltpu.VMEM((AGW, D), jnp.float32),
            pltpu.VMEM((AGW, D), jnp.float32),
            pltpu.VMEM_SHARED((N_PAD, D), jnp.float32),
            pltpu.SemaphoreType.DMA,
            pltpu.SemaphoreType.DMA,
            pltpu.SemaphoreType.DMA,
            pltpu.SemaphoreType.DMA,
        ],
    )
    def agg(src_hbm, dst_hbm, u_hbm, z_hbm, out_hbm, src_v, dst_v, rows0,
            rows1, acc, gsem0, gsem1, ssem0, ssem1):
        cid = lax.axis_index("c")
        sid = lax.axis_index("s")
        wid = sid * NC + cid
        shard = wid * rows_per_tile

        pltpu.sync_copy(z_hbm, rows0)
        for j in range(SLAB // AGW):
            pltpu.sync_copy(rows0, acc.at[pl.ds(sid * SLAB + j * AGW, AGW)])
        plsc.subcore_barrier()

        bufs = (rows0, rows1)
        gsems = (gsem0, gsem1)
        ssems = (ssem0, ssem1)

        def body(g, carry):
            base = shard + g * AGK
            pltpu.sync_copy(src_hbm.at[pl.ds(base, AGK)], src_v)
            pltpu.sync_copy(dst_hbm.at[pl.ds(base, AGK)], dst_v)
            scat = [None, None]
            gd = pltpu.async_copy(u_hbm.at[src_v.at[0]], bufs[0], gsems[0])
            for j in range(AGK):
                b = j % 2
                nb = (j + 1) % 2
                gnext = None
                if j + 1 < AGK:
                    if scat[nb] is not None:
                        scat[nb].wait()
                    gnext = pltpu.async_copy(
                        u_hbm.at[src_v.at[j + 1]], bufs[nb], gsems[nb])
                gd.wait()
                scat[b] = pltpu.async_copy(
                    bufs[b], acc.at[dst_v.at[j]], ssems[b], add=True)
                gd = gnext
            scat[(AGK - 2) % 2].wait()
            scat[(AGK - 1) % 2].wait()
            return carry

        lax.fori_loop(0, groups, body, 0)

        plsc.subcore_barrier()
        for j in range(SLAB // AGW):
            sl = pl.ds(sid * SLAB + j * AGW, AGW)
            pltpu.sync_copy(acc.at[sl], rows0)
            pltpu.sync_copy(rows0, out_hbm.at[cid, sl])

    return agg


def _make_deg(idx_rows):
    idx_rows2 = idx_rows * (128 // AGW)
    rows_per_tile = idx_rows2 // NW
    dgk = 2 * AGK
    groups = rows_per_tile // dgk

    @functools.partial(
        pl.kernel,
        out_type=jax.ShapeDtypeStruct((NC, N_PAD, DEGW), jnp.float32),
        mesh=_sc_mesh(),
        scratch_types=[
            pltpu.VMEM((dgk, AGW), jnp.int32),
            pltpu.VMEM((AGW, DEGW), jnp.float32),
            pltpu.VMEM_SHARED((N_PAD, DEGW), jnp.float32),
            pltpu.SemaphoreType.DMA,
        ],
    )
    def deg(dst_hbm, z_hbm, ones_hbm, out_hbm, dst_v, rows_v, acc, ssem):
        cid = lax.axis_index("c")
        sid = lax.axis_index("s")
        wid = sid * NC + cid

        pltpu.sync_copy(z_hbm, rows_v)
        for j in range(SLAB // AGW):
            pltpu.sync_copy(rows_v, acc.at[pl.ds(sid * SLAB + j * AGW, AGW)])
        pltpu.sync_copy(ones_hbm, rows_v)
        plsc.subcore_barrier()

        def body(g, carry):
            base = wid * rows_per_tile + g * dgk
            pltpu.sync_copy(dst_hbm.at[pl.ds(base, dgk)], dst_v)
            descs = [pltpu.async_copy(rows_v, acc.at[dst_v.at[j]], ssem,
                                      add=True)
                     for j in range(dgk)]
            for dsc in descs:
                dsc.wait()
            return carry

        lax.fori_loop(0, groups, body, 0)

        plsc.subcore_barrier()
        for j in range(SLAB // AGW):
            sl = pl.ds(sid * SLAB + j * AGW, AGW)
            pltpu.sync_copy(acc.at[sl], rows_v)
            pltpu.sync_copy(rows_v, out_hbm.at[cid, sl])

    return deg



def _rowmask(i):
    return i * BLK + lax.broadcasted_iota(jnp.int32, (BLK, 1), 0) < N


def _mm_body(x_ref, w_ref, o_ref):
    o_ref[...] = jnp.dot(x_ref[...], w_ref[...],
                         preferred_element_type=jnp.float32)


def _scale_body(dp_ref, wx_ref, u_ref, dinv_ref):
    i = pl.program_id(0)
    degsum = dp_ref[0, :, 0:1] + dp_ref[1, :, 0:1] + 1.0
    dinv = jnp.where(_rowmask(i), lax.rsqrt(degsum), 0.0)
    dinv_ref[...] = dinv
    u_ref[...] = wx_ref[...] * dinv


def _post_body(p_ref, u_ref, b_ref, dinv_ref, y_ref, s_ref, q_ref):
    i = pl.program_id(0)
    y = (p_ref[0] + p_ref[1] + u_ref[...]) * dinv_ref[...] + b_ref[...]
    y_ref[...] = y
    ym = jnp.where(_rowmask(i), y, 0.0)

    @pl.when(i == 0)
    def _():
        s_ref[...] = jnp.zeros_like(s_ref)
        q_ref[...] = jnp.zeros_like(q_ref)

    s_ref[0:1, :] = s_ref[0:1, :] + jnp.sum(ym, axis=0, keepdims=True)
    q_ref[0:1, :] = q_ref[0:1, :] + jnp.sum(ym * ym, axis=0, keepdims=True)


def _bn_relu(y, s_ref, q_ref, g_ref, be_ref):
    mu = s_ref[0:1, :] * (1.0 / N)
    var = q_ref[0:1, :] * (1.0 / N) - mu * mu
    scale = lax.rsqrt(var + 1e-5) * g_ref[...]
    return jnp.maximum((y - mu) * scale + be_ref[...], 0.0)


def _mid_body(y_ref, s_ref, q_ref, g_ref, be_ref, w_ref, dinv_ref, u_ref):
    h = _bn_relu(y_ref[...], s_ref, q_ref, g_ref, be_ref)
    u_ref[...] = (
        jnp.dot(h, w_ref[...], preferred_element_type=jnp.float32)
        * dinv_ref[...])


def _pool_body(y_ref, s_ref, q_ref, g_ref, be_ref, batch_ref, sums_ref,
               cnt_ref):
    i = pl.program_id(0)
    h = _bn_relu(y_ref[...], s_ref, q_ref, g_ref, be_ref)

    @pl.when(i == 0)
    def _():
        sums_ref[...] = jnp.zeros_like(sums_ref)
        cnt_ref[...] = jnp.zeros_like(cnt_ref)

    gids = lax.broadcasted_iota(jnp.int32, (G, 128), 0)
    sums = sums_ref[...]
    cnt = cnt_ref[...]
    for half in range(BLK // 128):
        b = batch_ref[0, half:half + 1, :]
        onehot = (gids == b).astype(jnp.float32)
        sums = sums + jnp.dot(onehot, h[half * 128:(half + 1) * 128, :],
                              preferred_element_type=jnp.float32)
        cnt = cnt + jnp.broadcast_to(
            jnp.sum(onehot, axis=1, keepdims=True), (G, 128))
    sums_ref[...] = sums
    cnt_ref[...] = cnt


def _heads_body(sums_ref, cnt_ref, wc_ref, bc_ref, wd1_ref, bd1_ref, wd2_ref,
                bd2_ref, cls_ref, dom_ref, feat_ref):
    cnt = jnp.maximum(cnt_ref[...], 1.0)
    feat = sums_ref[...] / cnt
    feat_ref[...] = feat
    cls_ref[...] = jnp.dot(
        feat, wc_ref[...], preferred_element_type=jnp.float32) + bc_ref[...]
    hd = jnp.maximum(
        jnp.dot(feat, wd1_ref[...], preferred_element_type=jnp.float32)
        + bd1_ref[...], 0.0)
    dom_ref[...] = jnp.dot(
        hd, wd2_ref[...], preferred_element_type=jnp.float32) + bd2_ref[...]


def _blk(i):
    return (i, 0)


def _const(i):
    return (0, 0)


_ROWSPEC = pl.BlockSpec((BLK, 128), _blk)
_COLSPEC = pl.BlockSpec((BLK, 1), _blk)
_FULLW = pl.BlockSpec((128, 128), _const)
_VEC = pl.BlockSpec((1, 128), _const)
_STAT = pl.BlockSpec((8, 128), _const)
_PSPEC = pl.BlockSpec((NC, BLK, 128), lambda i: (0, i, 0))


def _mm_call(xp, w):
    return pl.pallas_call(
        _mm_body,
        grid=(NUM_BLK,),
        in_specs=[_ROWSPEC, _FULLW],
        out_specs=_ROWSPEC,
        out_shape=jax.ShapeDtypeStruct((N_PAD, D), jnp.float32),
    )(xp, w)


def _scale_call(deg_p, wx):
    return pl.pallas_call(
        _scale_body,
        grid=(NUM_BLK,),
        in_specs=[pl.BlockSpec((NC, BLK, DEGW), lambda i: (0, i, 0)),
                  _ROWSPEC],
        out_specs=[_ROWSPEC, _COLSPEC],
        out_shape=[jax.ShapeDtypeStruct((N_PAD, D), jnp.float32),
                   jax.ShapeDtypeStruct((N_PAD, 1), jnp.float32)],
    )(deg_p, wx)


def _post_call(p, u, b, dinv):
    return pl.pallas_call(
        _post_body,
        grid=(NUM_BLK,),
        in_specs=[_PSPEC, _ROWSPEC, _VEC, _COLSPEC],
        out_specs=[_ROWSPEC, _STAT, _STAT],
        out_shape=[jax.ShapeDtypeStruct((N_PAD, D), jnp.float32),
                   jax.ShapeDtypeStruct((8, 128), jnp.float32),
                   jax.ShapeDtypeStruct((8, 128), jnp.float32)],
    )(p, u, b, dinv)


def _mid_call(y, s, q, g, be, w, dinv):
    return pl.pallas_call(
        _mid_body,
        grid=(NUM_BLK,),
        in_specs=[_ROWSPEC, _STAT, _STAT, _VEC, _VEC, _FULLW, _COLSPEC],
        out_specs=_ROWSPEC,
        out_shape=jax.ShapeDtypeStruct((N_PAD, D), jnp.float32),
    )(y, s, q, g, be, w, dinv)


def _pool_call(y, s, q, g, be, batch3d):
    return pl.pallas_call(
        _pool_body,
        grid=(NUM_BLK,),
        in_specs=[_ROWSPEC, _STAT, _STAT, _VEC, _VEC,
                  pl.BlockSpec((1, BLK // 128, 128), lambda i: (i, 0, 0))],
        out_specs=[pl.BlockSpec((G, 128), _const),
                   pl.BlockSpec((G, 128), _const)],
        out_shape=[jax.ShapeDtypeStruct((G, 128), jnp.float32),
                   jax.ShapeDtypeStruct((G, 128), jnp.float32)],
    )(y, s, q, g, be, batch3d)


def _heads_call(sums, cnt, wc, bc, wd1, bd1, wd2, bd2):
    return pl.pallas_call(
        _heads_body,
        out_shape=[jax.ShapeDtypeStruct((G, wc.shape[1]), jnp.float32),
                   jax.ShapeDtypeStruct((G, 2), jnp.float32),
                   jax.ShapeDtypeStruct((G, 128), jnp.float32)],
    )(sums, cnt, wc, bc, wd1, bd1, wd2, bd2)



def kernel(x, edge_index, batch, W0, b0, g0, be0, W1, b1, g1, be1,
           W2, b2, g2, be2, Wc, bc, Wd1, bd1, Wd2, bd2):
    e = edge_index.shape[1]
    gran = AGW * 2 * AGK * NW
    e_pad = -(-e // gran) * gran
    idx_rows = e_pad // 128
    npad = N_PAD - N

    src = edge_index[0].astype(jnp.int32)
    dst = edge_index[1].astype(jnp.int32)
    pad = (N + jnp.arange(e_pad - e, dtype=jnp.int32) % npad)
    srcp = jnp.concatenate([src, pad]).reshape(-1, AGW)
    dstp = jnp.concatenate([dst, pad]).reshape(-1, AGW)

    xp = jnp.zeros((N_PAD, D), jnp.float32).at[:N].set(x)
    batchp = jnp.concatenate(
        [batch.astype(jnp.int32),
         jnp.full((npad,), G + 63, jnp.int32)]).reshape(NUM_BLK, BLK // 128,
                                                        128)
    zeros = jnp.zeros((AGW, D), jnp.float32)
    zeros16 = jnp.zeros((AGW, DEGW), jnp.float32)
    ones16 = jnp.ones((AGW, DEGW), jnp.float32)

    b0r, g0r, be0r = b0.reshape(1, D), g0.reshape(1, D), be0.reshape(1, D)
    b1r, g1r, be1r = b1.reshape(1, D), g1.reshape(1, D), be1.reshape(1, D)
    b2r, g2r, be2r = b2.reshape(1, D), g2.reshape(1, D), be2.reshape(1, D)

    deg_fn = _make_deg(idx_rows)
    agg_fn = _make_agg(idx_rows)

    deg_p = deg_fn(dstp, zeros16, ones16)
    w0x = _mm_call(xp, W0)
    u, dinv = _scale_call(deg_p, w0x)
    p = agg_fn(srcp, dstp, u, zeros)
    y, s, q = _post_call(p, u, b0r, dinv)

    u = _mid_call(y, s, q, g0r, be0r, W1, dinv)
    p = agg_fn(srcp, dstp, u, zeros)
    y, s, q = _post_call(p, u, b1r, dinv)

    u = _mid_call(y, s, q, g1r, be1r, W2, dinv)
    p = agg_fn(srcp, dstp, u, zeros)
    y, s, q = _post_call(p, u, b2r, dinv)

    sums, cnt = _pool_call(y, s, q, g2r, be2r, batchp)
    cls, dom, feat = _heads_call(
        sums, cnt, Wc, bc.reshape(1, -1), Wd1, bd1.reshape(1, -1),
        Wd2, bd2.reshape(1, -1))
    return (cls, dom, feat)

# --- scband reference (transcript-rebuilt; emitter-appended) ---
"""Pipeline reference for scband-gcn-dann-12214886990280 (READ-ONLY COPY).

The authoritative reference and input builder live on the scoring server;
editing this copy changes nothing except your own understanding.
"""

import jax, jax.numpy as jnp
import numpy as np

N = 10000
E = 320000
D = 128
G = 64
NUM_CLASSES = 10


def setup_inputs(seed: int = 0) -> dict:
    key = jax.random.key(seed)
    ks = jax.random.split(key, 32)
    s = 1.0 / np.sqrt(D)
    inp = {}
    inp['x'] = jax.random.normal(ks[0], (N, D), dtype=jnp.float32)
    inp['edge_index'] = jax.random.randint(ks[1], (2, E), 0, N)
    inp['batch'] = jnp.sort(jax.random.randint(ks[2], (N,), 0, G))
    # GCN layer params (3 layers, all 128->128)
    inp['W0'] = jax.random.normal(ks[3], (D, D), dtype=jnp.float32) * s
    inp['b0'] = jnp.zeros((D,), dtype=jnp.float32)
    inp['g0'] = jnp.ones((D,), dtype=jnp.float32)
    inp['be0'] = jnp.zeros((D,), dtype=jnp.float32)
    inp['W1'] = jax.random.normal(ks[4], (D, D), dtype=jnp.float32) * s
    inp['b1'] = jnp.zeros((D,), dtype=jnp.float32)
    inp['g1'] = jnp.ones((D,), dtype=jnp.float32)
    inp['be1'] = jnp.zeros((D,), dtype=jnp.float32)
    inp['W2'] = jax.random.normal(ks[5], (D, D), dtype=jnp.float32) * s
    inp['b2'] = jnp.zeros((D,), dtype=jnp.float32)
    inp['g2'] = jnp.ones((D,), dtype=jnp.float32)
    inp['be2'] = jnp.zeros((D,), dtype=jnp.float32)
    # classifier head
    inp['Wc'] = jax.random.normal(ks[6], (D, NUM_CLASSES), dtype=jnp.float32) * s
    inp['bc'] = jnp.zeros((NUM_CLASSES,), dtype=jnp.float32)
    # domain classifier head (128 -> 64 -> 2)
    inp['Wd1'] = jax.random.normal(ks[7], (D, D // 2), dtype=jnp.float32) * s
    inp['bd1'] = jnp.zeros((D // 2,), dtype=jnp.float32)
    inp['Wd2'] = jax.random.normal(ks[8], (D // 2, 2), dtype=jnp.float32) * (1.0 / np.sqrt(D // 2))
    inp['bd2'] = jnp.zeros((2,), dtype=jnp.float32)
    return inp


def gcn_conv(x, edge_index, W, b):
    n = x.shape[0]
    loop = jnp.arange(n)
    src = jnp.concatenate([edge_index[0], loop])
    dst = jnp.concatenate([edge_index[1], loop])
    deg = jnp.zeros((n,), dtype=x.dtype).at[dst].add(1.0)
    dinv = jnp.where(deg > 0, 1.0 / jnp.sqrt(deg), 0.0)
    norm = dinv[src] * dinv[dst]
    h = x @ W
    msg = h[src] * norm[:, None]
    out = jnp.zeros_like(h).at[dst].add(msg)
    return out + b


def batch_norm(x, g, b):
    mu = jnp.mean(x, axis=0)
    var = jnp.mean((x - mu) ** 2, axis=0)
    return (x - mu) / jnp.sqrt(var + 1e-5) * g + b


ALPHA = 1.0

@jax.custom_vjp
def grl(x):
    return x

def _grl_fwd(x):
    return x, None

def _grl_bwd(_, gout):
    return (-ALPHA * gout,)

grl.defvjp(_grl_fwd, _grl_bwd)


def reference(x, edge_index, batch, W0, b0, g0, be0, W1, b1, g1, be1, W2, b2, g2, be2, Wc, bc, Wd1, bd1, Wd2, bd2):
    h = x
    for (W, b, g, be) in ((W0, b0, g0, be0), (W1, b1, g1, be1), (W2, b2, g2, be2)):
        h = gcn_conv(h, edge_index, W, b)
        h = batch_norm(h, g, be)
        h = jax.nn.relu(h)
        # dropout is a no-op in eval mode
    # global mean pool over graphs
    sums = jax.ops.segment_sum(h, batch, num_segments=G)
    counts = jax.ops.segment_sum(jnp.ones((h.shape[0],), dtype=h.dtype), batch, num_segments=G)
    feature = sums / jnp.maximum(counts, 1.0)[:, None]
    class_output = feature @ Wc + bc
    rev = grl(feature)
    hd = jax.nn.relu(rev @ Wd1 + bd1)
    domain_output = hd @ Wd2 + bd2
    return (class_output, domain_output, feature)

if __name__ == "__main__":
    import jax
    _d = setup_inputs()
    print(jax.jit(kernel)(*tuple(_d.values())))

</pallas_src>

<mosaic_0001>
#map = affine_map<(d0, d1) -> (0, 0)>
#map1 = affine_map<(d0, d1) -> (0, 0, 0)>
module attributes {stable_mosaic.version = 14 : i64} {
  func.func @deg(%arg0: i32, %arg1: i32, %arg2: memref<2560x128xi32, #tpu.memory_space<hbm>>, %arg3: memref<128x128xf32, #tpu.memory_space<hbm>>, %arg4: memref<128x128xf32, #tpu.memory_space<hbm>>, %arg5: memref<2x10240x128xf32, #tpu.memory_space<hbm>>, %arg6: memref<16x128xi32, #tpu.memory_space<vmem>>, %arg7: memref<128x128xf32, #tpu.memory_space<vmem>>, %arg8: memref<10240x128xf32, #tpu.memory_space<vmem_shared>>, %arg9: memref<!tpu.dma_semaphore, #tpu.memory_space<semaphore_mem>>) attributes {dimension_semantics = [#tpu.dimension_semantics<core_parallel>, #tpu.dimension_semantics<subcore_parallel>], iteration_bounds = array<i64: 2, 16>, scalar_prefetch = 0 : i64, scratch_operands = 4 : i64, tpu.core_type = #tpu.core_type<sc_vector_subcore>, window_params = [{transform_indices = #map}, {transform_indices = #map}, {transform_indices = #map}, {transform_indices = #map1}]} {
    %mul3A = arith.constant 2 : i32
    %mul3A_0 = arith.muli %arg1, %mul3A : i32
    %add3A = arith.addi %mul3A_0, %arg0 : i32
    "tpu.region"() ({
      %run_scoped3A = tpu.sem_alloc : memref<!tpu.dma_semaphore, #tpu.memory_space<semaphore_mem>>
      tpu.enqueue_dma source(%arg3 : memref<128x128xf32, #tpu.memory_space<hbm>>) target(%arg7 : memref<128x128xf32, #tpu.memory_space<vmem>>) target_semaphore(%run_scoped3A : memref<!tpu.dma_semaphore, #tpu.memory_space<semaphore_mem>>)
      tpu.wait_dma2 semaphore(%run_scoped3A : memref<!tpu.dma_semaphore, #tpu.memory_space<semaphore_mem>>) src(%arg3 : memref<128x128xf32, #tpu.memory_space<hbm>>) dst(%arg7 : memref<128x128xf32, #tpu.memory_space<vmem>>)
      tpu.yield
    }) : () -> ()
    %mul3A_1 = arith.constant 640 : i32
    %mul3A_2 = arith.muli %arg1, %mul3A_1 : i32
    %add3A_3 = arith.constant 0 : i32
    %add3A_4 = arith.addi %mul3A_2, %add3A_3 : i32
    "tpu.region"() ({
      %run_scoped3A = tpu.sem_alloc : memref<!tpu.dma_semaphore, #tpu.memory_space<semaphore_mem>>
      %dma_start3A = arith.constant 0 : i32
      %dma_start3A_47 = tpu.memref_slice %arg8[%add3A_4, %dma_start3A] : memref<10240x128xf32, #tpu.memory_space<vmem_shared>> -> memref<128x128xf32, #tpu.memory_space<vmem_shared>>
      %dma_start3A_48 = arith.constant 0 : i32
      %dma_start3A_49 = tpu.memref_slice %arg8[%add3A_4, %dma_start3A_48] : memref<10240x128xf32, #tpu.memory_space<vmem_shared>> -> memref<128x128xf32, #tpu.memory_space<vmem_shared>>
      tpu.enqueue_dma source(%arg7 : memref<128x128xf32, #tpu.memory_space<vmem>>) target(%dma_start3A_49 : memref<128x128xf32, #tpu.memory_space<vmem_shared>>) target_semaphore(%run_scoped3A : memref<!tpu.dma_semaphore, #tpu.memory_space<semaphore_mem>>)
      %dma_wait3A = arith.constant 0 : i32
      %dma_wait3A_50 = tpu.memref_slice %arg8[%add3A_4, %dma_wait3A] : memref<10240x128xf32, #tpu.memory_space<vmem_shared>> -> memref<128x128xf32, #tpu.memory_space<vmem_shared>>
      %dma_wait3A_51 = arith.constant 0 : i32
      %dma_wait3A_52 = tpu.memref_slice %arg8[%add3A_4, %dma_wait3A_51] : memref<10240x128xf32, #tpu.memory_space<vmem_shared>> -> memref<128x128xf32, #tpu.memory_space<vmem_shared>>
      tpu.wait_dma2 semaphore(%run_scoped3A : memref<!tpu.dma_semaphore, #tpu.memory_space<semaphore_mem>>) src(%arg7 : memref<128x128xf32, #tpu.memory_space<vmem>>) dst(%dma_wait3A_52 : memref<128x128xf32, #tpu.memory_space<vmem_shared>>)
      tpu.yield
    }) : () -> ()
    %mul3A_5 = arith.constant 640 : i32
    %mul3A_6 = arith.muli %arg1, %mul3A_5 : i32
    %add3A_7 = arith.constant 128 : i32
    %add3A_8 = arith.addi %mul3A_6, %add3A_7 : i32
    "tpu.region"() ({
      %run_scoped3A = tpu.sem_alloc : memref<!tpu.dma_semaphore, #tpu.memory_space<semaphore_mem>>
      %dma_start3A = arith.constant 0 : i32
      %dma_start3A_47 = tpu.memref_slice %arg8[%add3A_8, %dma_start3A] : memref<10240x128xf32, #tpu.memory_space<vmem_shared>> -> memref<128x128xf32, #tpu.memory_space<vmem_shared>>
      %dma_start3A_48 = arith.constant 0 : i32
      %dma_start3A_49 = tpu.memref_slice %arg8[%add3A_8, %dma_start3A_48] : memref<10240x128xf32, #tpu.memory_space<vmem_shared>> -> memref<128x128xf32, #tpu.memory_space<vmem_shared>>
      tpu.enqueue_dma source(%arg7 : memref<128x128xf32, #tpu.memory_space<vmem>>) target(%dma_start3A_49 : memref<128x128xf32, #tpu.memory_space<vmem_shared>>) target_semaphore(%run_scoped3A : memref<!tpu.dma_semaphore, #tpu.memory_space<semaphore_mem>>)
      %dma_wait3A = arith.constant 0 : i32
      %dma_wait3A_50 = tpu.memref_slice %arg8[%add3A_8, %dma_wait3A] : memref<10240x128xf32, #tpu.memory_space<vmem_shared>> -> memref<128x128xf32, #tpu.memory_space<vmem_shared>>
      %dma_wait3A_51 = arith.constant 0 : i32
      %dma_wait3A_52 = tpu.memref_slice %arg8[%add3A_8, %dma_wait3A_51] : memref<10240x128xf32, #tpu.memory_space<vmem_shared>> -> memref<128x128xf32, #tpu.memory_space<vmem_shared>>
      tpu.wait_dma2 semaphore(%run_scoped3A : memref<!tpu.dma_semaphore, #tpu.memory_space<semaphore_mem>>) src(%arg7 : memref<128x128xf32, #tpu.memory_space<vmem>>) dst(%dma_wait3A_52 : memref<128x128xf32, #tpu.memory_space<vmem_shared>>)
      tpu.yield
    }) : () -> ()
    %mul3A_9 = arith.constant 640 : i32
    %mul3A_10 = arith.muli %arg1, %mul3A_9 : i32
    %add3A_11 = arith.constant 256 : i32
    %add3A_12 = arith.addi %mul3A_10, %add3A_11 : i32
    "tpu.region"() ({
      %run_scoped3A = tpu.sem_alloc : memref<!tpu.dma_semaphore, #tpu.memory_space<semaphore_mem>>
      %dma_start3A = arith.constant 0 : i32
      %dma_start3A_47 = tpu.memref_slice %arg8[%add3A_12, %dma_start3A] : memref<10240x128xf32, #tpu.memory_space<vmem_shared>> -> memref<128x128xf32, #tpu.memory_space<vmem_shared>>
      %dma_start3A_48 = arith.constant 0 : i32
      %dma_start3A_49 = tpu.memref_slice %arg8[%add3A_12, %dma_start3A_48] : memref<10240x128xf32, #tpu.memory_space<vmem_shared>> -> memref<128x128xf32, #tpu.memory_space<vmem_shared>>
      tpu.enqueue_dma source(%arg7 : memref<128x128xf32, #tpu.memory_space<vmem>>) target(%dma_start3A_49 : memref<128x128xf32, #tpu.memory_space<vmem_shared>>) target_semaphore(%run_scoped3A : memref<!tpu.dma_semaphore, #tpu.memory_space<semaphore_mem>>)
      %dma_wait3A = arith.constant 0 : i32
      %dma_wait3A_50 = tpu.memref_slice %arg8[%add3A_12, %dma_wait3A] : memref<10240x128xf32, #tpu.memory_space<vmem_shared>> -> memref<128x128xf32, #tpu.memory_space<vmem_shared>>
      %dma_wait3A_51 = arith.constant 0 : i32
      %dma_wait3A_52 = tpu.memref_slice %arg8[%add3A_12, %dma_wait3A_51] : memref<10240x128xf32, #tpu.memory_space<vmem_shared>> -> memref<128x128xf32, #tpu.memory_space<vmem_shared>>
      tpu.wait_dma2 semaphore(%run_scoped3A : memref<!tpu.dma_semaphore, #tpu.memory_space<semaphore_mem>>) src(%arg7 : memref<128x128xf32, #tpu.memory_space<vmem>>) dst(%dma_wait3A_52 : memref<128x128xf32, #tpu.memory_space<vmem_shared>>)
      tpu.yield
    }) : () -> ()
    %mul3A_13 = arith.constant 640 : i32
    %mul3A_14 = arith.muli %arg1, %mul3A_13 : i32
    %add3A_15 = arith.constant 384 : i32
    %add3A_16 = arith.addi %mul3A_14, %add3A_15 : i32
    "tpu.region"() ({
      %run_scoped3A = tpu.sem_alloc : memref<!tpu.dma_semaphore, #tpu.memory_space<semaphore_mem>>
      %dma_start3A = arith.constant 0 : i32
      %dma_start3A_47 = tpu.memref_slice %arg8[%add3A_16, %dma_start3A] : memref<10240x128xf32, #tpu.memory_space<vmem_shared>> -> memref<128x128xf32, #tpu.memory_space<vmem_shared>>
      %dma_start3A_48 = arith.constant 0 : i32
      %dma_start3A_49 = tpu.memref_slice %arg8[%add3A_16, %dma_start3A_48] : memref<10240x128xf32, #tpu.memory_space<vmem_shared>> -> memref<128x128xf32, #tpu.memory_space<vmem_shared>>
      tpu.enqueue_dma source(%arg7 : memref<128x128xf32, #tpu.memory_space<vmem>>) target(%dma_start3A_49 : memref<128x128xf32, #tpu.memory_space<vmem_shared>>) target_semaphore(%run_scoped3A : memref<!tpu.dma_semaphore, #tpu.memory_space<semaphore_mem>>)
      %dma_wait3A = arith.constant 0 : i32
      %dma_wait3A_50 = tpu.memref_slice %arg8[%add3A_16, %dma_wait3A] : memref<10240x128xf32, #tpu.memory_space<vmem_shared>> -> memref<128x128xf32, #tpu.memory_space<vmem_shared>>
      %dma_wait3A_51 = arith.constant 0 : i32
      %dma_wait3A_52 = tpu.memref_slice %arg8[%add3A_16, %dma_wait3A_51] : memref<10240x128xf32, #tpu.memory_space<vmem_shared>> -> memref<128x128xf32, #tpu.memory_space<vmem_shared>>
      tpu.wait_dma2 semaphore(%run_scoped3A : memref<!tpu.dma_semaphore, #tpu.memory_space<semaphore_mem>>) src(%arg7 : memref<128x128xf32, #tpu.memory_space<vmem>>) dst(%dma_wait3A_52 : memref<128x128xf32, #tpu.memory_space<vmem_shared>>)
      tpu.yield
    }) : () -> ()
    %mul3A_17 = arith.constant 640 : i32
    %mul3A_18 = arith.muli %arg1, %mul3A_17 : i32
    %add3A_19 = arith.constant 512 : i32
    %add3A_20 = arith.addi %mul3A_18, %add3A_19 : i32
    "tpu.region"() ({
      %run_scoped3A = tpu.sem_alloc : memref<!tpu.dma_semaphore, #tpu.memory_space<semaphore_mem>>
      %dma_start3A = arith.constant 0 : i32
      %dma_start3A_47 = tpu.memref_slice %arg8[%add3A_20, %dma_start3A] : memref<10240x128xf32, #tpu.memory_space<vmem_shared>> -> memref<128x128xf32, #tpu.memory_space<vmem_shared>>
      %dma_start3A_48 = arith.constant 0 : i32
      %dma_start3A_49 = tpu.memref_slice %arg8[%add3A_20, %dma_start3A_48] : memref<10240x128xf32, #tpu.memory_space<vmem_shared>> -> memref<128x128xf32, #tpu.memory_space<vmem_shared>>
      tpu.enqueue_dma source(%arg7 : memref<128x128xf32, #tpu.memory_space<vmem>>) target(%dma_start3A_49 : memref<128x128xf32, #tpu.memory_space<vmem_shared>>) target_semaphore(%run_scoped3A : memref<!tpu.dma_semaphore, #tpu.memory_space<semaphore_mem>>)
      %dma_wait3A = arith.constant 0 : i32
      %dma_wait3A_50 = tpu.memref_slice %arg8[%add3A_20, %dma_wait3A] : memref<10240x128xf32, #tpu.memory_space<vmem_shared>> -> memref<128x128xf32, #tpu.memory_space<vmem_shared>>
      %dma_wait3A_51 = arith.constant 0 : i32
      %dma_wait3A_52 = tpu.memref_slice %arg8[%add3A_20, %dma_wait3A_51] : memref<10240x128xf32, #tpu.memory_space<vmem_shared>> -> memref<128x128xf32, #tpu.memory_space<vmem_shared>>
      tpu.wait_dma2 semaphore(%run_scoped3A : memref<!tpu.dma_semaphore, #tpu.memory_space<semaphore_mem>>) src(%arg7 : memref<128x128xf32, #tpu.memory_space<vmem>>) dst(%dma_wait3A_52 : memref<128x128xf32, #tpu.memory_space<vmem_shared>>)
      tpu.yield
    }) : () -> ()
    "tpu.region"() ({
      %run_scoped3A = tpu.sem_alloc : memref<!tpu.dma_semaphore, #tpu.memory_space<semaphore_mem>>
      tpu.enqueue_dma source(%arg4 : memref<128x128xf32, #tpu.memory_space<hbm>>) target(%arg7 : memref<128x128xf32, #tpu.memory_space<vmem>>) target_semaphore(%run_scoped3A : memref<!tpu.dma_semaphore, #tpu.memory_space<semaphore_mem>>)
      tpu.wait_dma2 semaphore(%run_scoped3A : memref<!tpu.dma_semaphore, #tpu.memory_space<semaphore_mem>>) src(%arg4 : memref<128x128xf32, #tpu.memory_space<hbm>>) dst(%arg7 : memref<128x128xf32, #tpu.memory_space<vmem>>)
      tpu.yield
    }) : () -> ()
    %barrier3A = arith.constant 0 : index
    tpu.barrier barrier_id(%barrier3A)
    %scan3A = arith.constant 0 : i32
    %scan3A_21 = arith.constant 0 : i32
    %scan3A_22 = arith.constant 5 : i32
    %scan3A_23 = arith.addi %scan3A_21, %scan3A_22 : i32
    %scan3A_24 = arith.constant 1 : i32
    scf.for %scan3A_47 = %scan3A_21 to %scan3A_23 step %scan3A_24  : i32 {
      %mul3A_48 = arith.constant 80 : i32
      %mul3A_49 = arith.muli %add3A, %mul3A_48 : i32
      %mul3A_50 = arith.constant 16 : i32
      %mul3A_51 = arith.muli %scan3A_47, %mul3A_50 : i32
      %add3A_52 = arith.addi %mul3A_49, %mul3A_51 : i32
      "tpu.region"() ({
        %run_scoped3A = tpu.sem_alloc : memref<!tpu.dma_semaphore, #tpu.memory_space<semaphore_mem>>
        %dma_start3A_275 = arith.constant 0 : i32
        %dma_start3A_276 = tpu.memref_slice %arg2[%add3A_52, %dma_start3A_275] : memref<2560x128xi32, #tpu.memory_space<hbm>> -> memref<16x128xi32, #tpu.memory_space<hbm>>
        %dma_start3A_277 = arith.constant 0 : i32
        %dma_start3A_278 = tpu.memref_slice %arg2[%add3A_52, %dma_start3A_277] : memref<2560x128xi32, #tpu.memory_space<hbm>> -> memref<16x128xi32, #tpu.memory_space<hbm>>
        tpu.enqueue_dma source(%dma_start3A_278 : memref<16x128xi32, #tpu.memory_space<hbm>>) target(%arg6 : memref<16x128xi32, #tpu.memory_space<vmem>>) target_semaphore(%run_scoped3A : memref<!tpu.dma_semaphore, #tpu.memory_space<semaphore_mem>>)
        %dma_wait3A_279 = arith.constant 0 : i32
        %dma_wait3A_280 = tpu.memref_slice %arg2[%add3A_52, %dma_wait3A_279] : memref<2560x128xi32, #tpu.memory_space<hbm>> -> memref<16x128xi32, #tpu.memory_space<hbm>>
        %dma_wait3A_281 = arith.constant 0 : i32
        %dma_wait3A_282 = tpu.memref_slice %arg2[%add3A_52, %dma_wait3A_281] : memref<2560x128xi32, #tpu.memory_space<hbm>> -> memref<16x128xi32, #tpu.memory_space<hbm>>
        tpu.wait_dma2 semaphore(%run_scoped3A : memref<!tpu.dma_semaphore, #tpu.memory_space<semaphore_mem>>) src(%dma_wait3A_282 : memref<16x128xi32, #tpu.memory_space<hbm>>) dst(%arg6 : memref<16x128xi32, #tpu.memory_space<vmem>>)
        tpu.yield
      }) : () -> ()
      %dma_start3A = arith.constant 0 : i32
      %dma_start3A_53 = arith.constant 0 : i32
      %dma_start3A_54 = tpu.memref_slice %arg6[%dma_start3A, %dma_start3A_53] : memref<16x128xi32, #tpu.memory_space<vmem>> -> memref<1x128xi32, #tpu.memory_space<vmem>>
      %dma_start3A_55 = tpu.memref_squeeze %dma_start3A_54 : memref<1x128xi32, #tpu.memory_space<vmem>> -> memref<128xi32, #tpu.memory_space<vmem>>
      %dma_start3A_56 = arith.constant 0 : i32
      %dma_start3A_57 = arith.constant 0 : i32
      %dma_start3A_58 = tpu.memref_slice %arg8[%dma_start3A_56, %dma_start3A_57] : memref<10240x128xf32, #tpu.memory_space<vmem_shared>> -> memref<10240x128xf32, #tpu.memory_space<vmem_shared>>
      tpu.enqueue_indirect_dma source(%arg7 : memref<128x128xf32, #tpu.memory_space<vmem>>) target(%dma_start3A_58 : memref<10240x128xf32, #tpu.memory_space<vmem_shared>>) offsets(%dma_start3A_55 : memref<128xi32, #tpu.memory_space<vmem>>) semaphore(%arg9 : memref<!tpu.dma_semaphore, #tpu.memory_space<semaphore_mem>>) {add = true}
      %dma_start3A_59 = arith.constant 1 : i32
      %dma_start3A_60 = arith.constant 0 : i32
      %dma_start3A_61 = tpu.memref_slice %arg6[%dma_start3A_59, %dma_start3A_60] : memref<16x128xi32, #tpu.memory_space<vmem>> -> memref<1x128xi32, #tpu.memory_space<vmem>>
      %dma_start3A_62 = tpu.memref_squeeze %dma_start3A_61 : memref<1x128xi32, #tpu.memory_space<vmem>> -> memref<128xi32, #tpu.memory_space<vmem>>
      %dma_start3A_63 = arith.constant 0 : i32
      %dma_start3A_64 = arith.constant 0 : i32
      %dma_start3A_65 = tpu.memref_slice %arg8[%dma_start3A_63, %dma_start3A_64] : memref<10240x128xf32, #tpu.memory_space<vmem_shared>> -> memref<10240x128xf32, #tpu.memory_space<vmem_shared>>
      tpu.enqueue_indirect_dma source(%arg7 : memref<128x128xf32, #tpu.memory_space<vmem>>) target(%dma_start3A_65 : memref<10240x128xf32, #tpu.memory_space<vmem_shared>>) offsets(%dma_start3A_62 : memref<128xi32, #tpu.memory_space<vmem>>) semaphore(%arg9 : memref<!tpu.dma_semaphore, #tpu.memory_space<semaphore_mem>>) {add = true}
      %dma_start3A_66 = arith.constant 2 : i32
      %dma_start3A_67 = arith.constant 0 : i32
      %dma_start3A_68 = tpu.memref_slice %arg6[%dma_start3A_66, %dma_start3A_67] : memref<16x128xi32, #tpu.memory_space<vmem>> -> memref<1x128xi32, #tpu.memory_space<vmem>>
      %dma_start3A_69 = tpu.memref_squeeze %dma_start3A_68 : memref<1x128xi32, #tpu.memory_space<vmem>> -> memref<128xi32, #tpu.memory_space<vmem>>
      %dma_start3A_70 = arith.constant 0 : i32
      %dma_start3A_71 = arith.constant 0 : i32
      %dma_start3A_72 = tpu.memref_slice %arg8[%dma_start3A_70, %dma_start3A_71] : memref<10240x128xf32, #tpu.memory_space<vmem_shared>> -> memref<10240x128xf32, #tpu.memory_space<vmem_shared>>
      tpu.enqueue_indirect_dma source(%arg7 : memref<128x128xf32, #tpu.memory_space<vmem>>) target(%dma_start3A_72 : memref<10240x128xf32, #tpu.memory_space<vmem_shared>>) offsets(%dma_start3A_69 : memref<128xi32, #tpu.memory_space<vmem>>) semaphore(%arg9 : memref<!tpu.dma_semaphore, #tpu.memory_space<semaphore_mem>>) {add = true}
      %dma_start3A_73 = arith.constant 3 : i32
      %dma_start3A_74 = arith.constant 0 : i32
      %dma_start3A_75 = tpu.memref_slice %arg6[%dma_start3A_73, %dma_start3A_74] : memref<16x128xi32, #tpu.memory_space<vmem>> -> memref<1x128xi32, #tpu.memory_space<vmem>>
      %dma_start3A_76 = tpu.memref_squeeze %dma_start3A_75 : memref<1x128xi32, #tpu.memory_space<vmem>> -> memref<128xi32, #tpu.memory_space<vmem>>
      %dma_start3A_77 = arith.constant 0 : i32
      %dma_start3A_78 = arith.constant 0 : i32
      %dma_start3A_79 = tpu.memref_slice %arg8[%dma_start3A_77, %dma_start3A_78] : memref<10240x128xf32, #tpu.memory_space<vmem_shared>> -> memref<10240x128xf32, #tpu.memory_space<vmem_shared>>
      tpu.enqueue_indirect_dma source(%arg7 : memref<128x128xf32, #tpu.memory_space<vmem>>) target(%dma_start3A_79 : memref<10240x128xf32, #tpu.memory_space<vmem_shared>>) offsets(%dma_start3A_76 : memref<128xi32, #tpu.memory_space<vmem>>) semaphore(%arg9 : memref<!tpu.dma_semaphore, #tpu.memory_space<semaphore_mem>>) {add = true}
      %dma_start3A_80 = arith.constant 4 : i32
      %dma_start3A_81 = arith.constant 0 : i32
      %dma_start3A_82 = tpu.memref_slice %arg6[%dma_start3A_80, %dma_start3A_81] : memref<16x128xi32, #tpu.memory_space<vmem>> -> memref<1x128xi32, #tpu.memory_space<vmem>>
      %dma_start3A_83 = tpu.memref_squeeze %dma_start3A_82 : memref<1x128xi32, #tpu.memory_space<vmem>> -> memref<128xi32, #tpu.memory_space<vmem>>
      %dma_start3A_84 = arith.constant 0 : i32
      %dma_start3A_85 = arith.constant 0 : i32
      %dma_start3A_86 = tpu.memref_slice %arg8[%dma_start3A_84, %dma_start3A_85] : memref<10240x128xf32, #tpu.memory_space<vmem_shared>> -> memref<10240x128xf32, #tpu.memory_space<vmem_shared>>
      tpu.enqueue_indirect_dma source(%arg7 : memref<128x128xf32, #tpu.memory_space<vmem>>) target(%dma_start3A_86 : memref<10240x128xf32, #tpu.memory_space<vmem_shared>>) offsets(%dma_start3A_83 : memref<128xi32, #tpu.memory_space<vmem>>) semaphore(%arg9 : memref<!tpu.dma_semaphore, #tpu.memory_space<semaphore_mem>>) {add = true}
      %dma_start3A_87 = arith.constant 5 : i32
      %dma_start3A_88 = arith.constant 0 : i32
      %dma_start3A_89 = tpu.memref_slice %arg6[%dma_start3A_87, %dma_start3A_88] : memref<16x128xi32, #tpu.memory_space<vmem>> -> memref<1x128xi32, #tpu.memory_space<vmem>>
      %dma_start3A_90 = tpu.memref_squeeze %dma_start3A_89 : memref<1x128xi32, #tpu.memory_space<vmem>> -> memref<128xi32, #tpu.memory_space<vmem>>
      %dma_start3A_91 = arith.constant 0 : i32
      %dma_start3A_92 = arith.constant 0 : i32
      %dma_start3A_93 = tpu.memref_slice %arg8[%dma_start3A_91, %dma_start3A_92] : memref<10240x128xf32, #tpu.memory_space<vmem_shared>> -> memref<10240x128xf32, #tpu.memory_space<vmem_shared>>
      tpu.enqueue_indirect_dma source(%arg7 : memref<128x128xf32, #tpu.memory_space<vmem>>) target(%dma_start3A_93 : memref<10240x128xf32, #tpu.memory_space<vmem_shared>>) offsets(%dma_start3A_90 : memref<128xi32, #tpu.memory_space<vmem>>) semaphore(%arg9 : memref<!tpu.dma_semaphore, #tpu.memory_space<semaphore_mem>>) {add = true}
      %dma_start3A_94 = arith.constant 6 : i32
      %dma_start3A_95 = arith.constant 0 : i32
      %dma_start3A_96 = tpu.memref_slice %arg6[%dma_start3A_94, %dma_start3A_95] : memref<16x128xi32, #tpu.memory_space<vmem>> -> memref<1x128xi32, #tpu.memory_space<vmem>>
      %dma_start3A_97 = tpu.memref_squeeze %dma_start3A_96 : memref<1x128xi32, #tpu.memory_space<vmem>> -> memref<128xi32, #tpu.memory_space<vmem>>
      %dma_start3A_98 = arith.constant 0 : i32
      %dma_start3A_99 = arith.constant 0 : i32
      %dma_start3A_100 = tpu.memref_slice %arg8[%dma_start3A_98, %dma_start3A_99] : memref<10240x128xf32, #tpu.memory_space<vmem_shared>> -> memref<10240x128xf32, #tpu.memory_space<vmem_shared>>
      tpu.enqueue_indirect_dma source(%arg7 : memref<128x128xf32, #tpu.memory_space<vmem>>) target(%dma_start3A_100 : memref<10240x128xf32, #tpu.memory_space<vmem_shared>>) offsets(%dma_start3A_97 : memref<128xi32, #tpu.memory_space<vmem>>) semaphore(%arg9 : memref<!tpu.dma_semaphore, #tpu.memory_space<semaphore_mem>>) {add = true}
      %dma_start3A_101 = arith.constant 7 : i32
      %dma_start3A_102 = arith.constant 0 : i32
      %dma_start3A_103 = tpu.memref_slice %arg6[%dma_start3A_101, %dma_start3A_102] : memref<16x128xi32, #tpu.memory_space<vmem>> -> memref<1x128xi32, #tpu.memory_space<vmem>>
      %dma_start3A_104 = tpu.memref_squeeze %dma_start3A_103 : memref<1x128xi32, #tpu.memory_space<vmem>> -> memref<128xi32, #tpu.memory_space<vmem>>
      %dma_start3A_105 = arith.constant 0 : i32
      %dma_start3A_106 = arith.constant 0 : i32
      %dma_start3A_107 = tpu.memref_slice %arg8[%dma_start3A_105, %dma_start3A_106] : memref<10240x128xf32, #tpu.memory_space<vmem_shared>> -> memref<10240x128xf32, #tpu.memory_space<vmem_shared>>
      tpu.enqueue_indirect_dma source(%arg7 : memref<128x128xf32, #tpu.memory_space<vmem>>) target(%dma_start3A_107 : memref<10240x128xf32, #tpu.memory_space<vmem_shared>>) offsets(%dma_start3A_104 : memref<128xi32, #tpu.memory_space<vmem>>) semaphore(%arg9 : memref<!tpu.dma_semaphore, #tpu.memory_space<semaphore_mem>>) {add = true}
      %dma_start3A_108 = arith.constant 8 : i32
      %dma_start3A_109 = arith.constant 0 : i32
      %dma_start3A_110 = tpu.memref_slice %arg6[%dma_start3A_108, %dma_start3A_109] : memref<16x128xi32, #tpu.memory_space<vmem>> -> memref<1x128xi32, #tpu.memory_space<vmem>>
      %dma_start3A_111 = tpu.memref_squeeze %dma_start3A_110 : memref<1x128xi32, #tpu.memory_space<vmem>> -> memref<128xi32, #tpu.memory_space<vmem>>
      %dma_start3A_112 = arith.constant 0 : i32
      %dma_start3A_113 = arith.constant 0 : i32
      %dma_start3A_114 = tpu.memref_slice %arg8[%dma_start3A_112, %dma_start3A_113] : memref<10240x128xf32, #tpu.memory_space<vmem_shared>> -> memref<10240x128xf32, #tpu.memory_space<vmem_shared>>
      tpu.enqueue_indirect_dma source(%arg7 : memref<128x128xf32, #tpu.memory_space<vmem>>) target(%dma_start3A_114 : memref<10240x128xf32, #tpu.memory_space<vmem_shared>>) offsets(%dma_start3A_111 : memref<128xi32, #tpu.memory_space<vmem>>) semaphore(%arg9 : memref<!tpu.dma_semaphore, #tpu.memory_space<semaphore_mem>>) {add = true}
      %dma_start3A_115 = arith.constant 9 : i32
      %dma_start3A_116 = arith.constant 0 : i32
      %dma_start3A_117 = tpu.memref_slice %arg6[%dma_start3A_115, %dma_start3A_116] : memref<16x128xi32, #tpu.memory_space<vmem>> -> memref<1x128xi32, #tpu.memory_space<vmem>>
      %dma_start3A_118 = tpu.memref_squeeze %dma_start3A_117 : memref<1x128xi32, #tpu.memory_space<vmem>> -> memref<128xi32, #tpu.memory_space<vmem>>
      %dma_start3A_119 = arith.constant 0 : i32
      %dma_start3A_120 = arith.constant 0 : i32
      %dma_start3A_121 = tpu.memref_slice %arg8[%dma_start3A_119, %dma_start3A_120] : memref<10240x128xf32, #tpu.memory_space<vmem_shared>> -> memref<10240x128xf32, #tpu.memory_space<vmem_shared>>
      tpu.enqueue_indirect_dma source(%arg7 : memref<128x128xf32, #tpu.memory_space<vmem>>) target(%dma_start3A_121 : memref<10240x128xf32, #tpu.memory_space<vmem_shared>>) offsets(%dma_start3A_118 : memref<128xi32, #tpu.memory_space<vmem>>) semaphore(%arg9 : memref<!tpu.dma_semaphore, #tpu.memory_space<semaphore_mem>>) {add = true}
      %dma_start3A_122 = arith.constant 10 : i32
      %dma_start3A_123 = arith.constant 0 : i32
      %dma_start3A_124 = tpu.memref_slice %arg6[%dma_start3A_122, %dma_start3A_123] : memref<16x128xi32, #tpu.memory_space<vmem>> -> memref<1x128xi32, #tpu.memory_space<vmem>>
      %dma_start3A_125 = tpu.memref_squeeze %dma_start3A_124 : memref<1x128xi32, #tpu.memory_space<vmem>> -> memref<128xi32, #tpu.memory_space<vmem>>
      %dma_start3A_126 = arith.constant 0 : i32
      %dma_start3A_127 = arith.constant 0 : i32
      %dma_start3A_128 = tpu.memref_slice %arg8[%dma_start3A_126, %dma_start3A_127] : memref<10240x128xf32, #tpu.memory_space<vmem_shared>> -> memref<10240x128xf32, #tpu.memory_space<vmem_shared>>
      tpu.enqueue_indirect_dma source(%arg7 : memref<128x128xf32, #tpu.memory_space<vmem>>) target(%dma_start3A_128 : memref<10240x128xf32, #tpu.memory_space<vmem_shared>>) offsets(%dma_start3A_125 : memref<128xi32, #tpu.memory_space<vmem>>) semaphore(%arg9 : memref<!tpu.dma_semaphore, #tpu.memory_space<semaphore_mem>>) {add = true}
      %dma_start3A_129 = arith.constant 11 : i32
      %dma_start3A_130 = arith.constant 0 : i32
      %dma_start3A_131 = tpu.memref_slice %arg6[%dma_start3A_129, %dma_start3A_130] : memref<16x128xi32, #tpu.memory_space<vmem>> -> memref<1x128xi32, #tpu.memory_space<vmem>>
      %dma_start3A_132 = tpu.memref_squeeze %dma_start3A_131 : memref<1x128xi32, #tpu.memory_space<vmem>> -> memref<128xi32, #tpu.memory_space<vmem>>
      %dma_start3A_133 = arith.constant 0 : i32
      %dma_start3A_134 = arith.constant 0 : i32
      %dma_start3A_135 = tpu.memref_slice %arg8[%dma_start3A_133, %dma_start3A_134] : memref<10240x128xf32, #tpu.memory_space<vmem_shared>> -> memref<10240x128xf32, #tpu.memory_space<vmem_shared>>
      tpu.enqueue_indirect_dma source(%arg7 : memref<128x128xf32, #tpu.memory_space<vmem>>) target(%dma_start3A_135 : memref<10240x128xf32, #tpu.memory_space<vmem_shared>>) offsets(%dma_start3A_132 : memref<128xi32, #tpu.memory_space<vmem>>) semaphore(%arg9 : memref<!tpu.dma_semaphore, #tpu.memory_space<semaphore_mem>>) {add = true}
      %dma_start3A_136 = arith.constant 12 : i32
      %dma_start3A_137 = arith.constant 0 : i32
      %dma_start3A_138 = tpu.memref_slice %arg6[%dma_start3A_136, %dma_start3A_137] : memref<16x128xi32, #tpu.memory_space<vmem>> -> memref<1x128xi32, #tpu.memory_space<vmem>>
      %dma_start3A_139 = tpu.memref_squeeze %dma_start3A_138 : memref<1x128xi32, #tpu.memory_space<vmem>> -> memref<128xi32, #tpu.memory_space<vmem>>
      %dma_start3A_140 = arith.constant 0 : i32
      %dma_start3A_141 = arith.constant 0 : i32
      %dma_start3A_142 = tpu.memref_slice %arg8[%dma_start3A_140, %dma_start3A_141] : memref<10240x128xf32, #tpu.memory_space<vmem_shared>> -> memref<10240x128xf32, #tpu.memory_space<vmem_shared>>
      tpu.enqueue_indirect_dma source(%arg7 : memref<128x128xf32, #tpu.memory_space<vmem>>) target(%dma_start3A_142 : memref<10240x128xf32, #tpu.memory_space<vmem_shared>>) offsets(%dma_start3A_139 : memref<128xi32, #tpu.memory_space<vmem>>) semaphore(%arg9 : memref<!tpu.dma_semaphore, #tpu.memory_space<semaphore_mem>>) {add = true}
      %dma_start3A_143 = arith.constant 13 : i32
      %dma_start3A_144 = arith.constant 0 : i32
      %dma_start3A_145 = tpu.memref_slice %arg6[%dma_start3A_143, %dma_start3A_144] : memref<16x128xi32, #tpu.memory_space<vmem>> -> memref<1x128xi32, #tpu.memory_space<vmem>>
      %dma_start3A_146 = tpu.memref_squeeze %dma_start3A_145 : memref<1x128xi32, #tpu.memory_space<vmem>> -> memref<128xi32, #tpu.memory_space<vmem>>
      %dma_start3A_147 = arith.constant 0 : i32
      %dma_start3A_148 = arith.constant 0 : i32
      %dma_start3A_149 = tpu.memref_slice %arg8[%dma_start3A_147, %dma_start3A_148] : memref<10240x128xf32, #tpu.memory_space<vmem_shared>> -> memref<10240x128xf32, #tpu.memory_space<vmem_shared>>
      tpu.enqueue_indirect_dma source(%arg7 : memref<128x128xf32, #tpu.memory_space<vmem>>) target(%dma_start3A_149 : memref<10240x128xf32, #tpu.memory_space<vmem_shared>>) offsets(%dma_start3A_146 : memref<128xi32, #tpu.memory_space<vmem>>) semaphore(%arg9 : memref<!tpu.dma_semaphore, #tpu.memory_space<semaphore_mem>>) {add = true}
      %dma_start3A_150 = arith.constant 14 : i32
      %dma_start3A_151 = arith.constant 0 : i32
      %dma_start3A_152 = tpu.memref_slice %arg6[%dma_start3A_150, %dma_start3A_151] : memref<16x128xi32, #tpu.memory_space<vmem>> -> memref<1x128xi32, #tpu.memory_space<vmem>>
      %dma_start3A_153 = tpu.memref_squeeze %dma_start3A_152 : memref<1x128xi32, #tpu.memory_space<vmem>> -> memref<128xi32, #tpu.memory_space<vmem>>
      %dma_start3A_154 = arith.constant 0 : i32
      %dma_start3A_155 = arith.constant 0 : i32
      %dma_start3A_156 = tpu.memref_slice %arg8[%dma_start3A_154, %dma_start3A_155] : memref<10240x128xf32, #tpu.memory_space<vmem_shared>> -> memref<10240x128xf32, #tpu.memory_space<vmem_shared>>
      tpu.enqueue_indirect_dma source(%arg7 : memref<128x128xf32, #tpu.memory_space<vmem>>) target(%dma_start3A_156 : memref<10240x128xf32, #tpu.memory_space<vmem_shared>>) offsets(%dma_start3A_153 : memref<128xi32, #tpu.memory_space<vmem>>) semaphore(%arg9 : memref<!tpu.dma_semaphore, #tpu.memory_space<semaphore_mem>>) {add = true}
      %dma_start3A_157 = arith.constant 15 : i32
      %dma_start3A_158 = arith.constant 0 : i32
      %dma_start3A_159 = tpu.memref_slice %arg6[%dma_start3A_157, %dma_start3A_158] : memref<16x128xi32, #tpu.memory_space<vmem>> -> memref<1x128xi32, #tpu.memory_space<vmem>>
      %dma_start3A_160 = tpu.memref_squeeze %dma_start3A_159 : memref<1x128xi32, #tpu.memory_space<vmem>> -> memref<128xi32, #tpu.memory_space<vmem>>
      %dma_start3A_161 = arith.constant 0 : i32
      %dma_start3A_162 = arith.constant 0 : i32
      %dma_start3A_163 = tpu.memref_slice %arg8[%dma_start3A_161, %dma_start3A_162] : memref<10240x128xf32, #tpu.memory_space<vmem_shared>> -> memref<10240x128xf32, #tpu.memory_space<vmem_shared>>
      tpu.enqueue_indirect_dma source(%arg7 : memref<128x128xf32, #tpu.memory_space<vmem>>) target(%dma_start3A_163 : memref<10240x128xf32, #tpu.memory_space<vmem_shared>>) offsets(%dma_start3A_160 : memref<128xi32, #tpu.memory_space<vmem>>) semaphore(%arg9 : memref<!tpu.dma_semaphore, #tpu.memory_space<semaphore_mem>>) {add = true}
      %dma_wait3A = arith.constant 0 : i32
      %dma_wait3A_164 = arith.constant 0 : i32
      %dma_wait3A_165 = tpu.memref_slice %arg6[%dma_wait3A, %dma_wait3A_164] : memref<16x128xi32, #tpu.memory_space<vmem>> -> memref<1x128xi32, #tpu.memory_space<vmem>>
      %dma_wait3A_166 = tpu.memref_squeeze %dma_wait3A_165 : memref<1x128xi32, #tpu.memory_space<vmem>> -> memref<128xi32, #tpu.memory_space<vmem>>
      %dma_wait3A_167 = arith.constant 0 : i32
      %dma_wait3A_168 = arith.constant 0 : i32
      %dma_wait3A_169 = tpu.memref_slice %arg8[%dma_wait3A_167, %dma_wait3A_168] : memref<10240x128xf32, #tpu.memory_space<vmem_shared>> -> memref<10240x128xf32, #tpu.memory_space<vmem_shared>>
      tpu.wait_indirect_dma semaphore(%arg9 : memref<!tpu.dma_semaphore, #tpu.memory_space<semaphore_mem>>) src(%arg7 : memref<128x128xf32, #tpu.memory_space<vmem>>) dst(%dma_wait3A_169 : memref<10240x128xf32, #tpu.memory_space<vmem_shared>>)
      %dma_wait3A_170 = arith.constant 1 : i32
      %dma_wait3A_171 = arith.constant 0 : i32
      %dma_wait3A_172 = tpu.memref_slice %arg6[%dma_wait3A_170, %dma_wait3A_171] : memref<16x128xi32, #tpu.memory_space<vmem>> -> memref<1x128xi32, #tpu.memory_space<vmem>>
      %dma_wait3A_173 = tpu.memref_squeeze %dma_wait3A_172 : memref<1x128xi32, #tpu.memory_space<vmem>> -> memref<128xi32, #tpu.memory_space<vmem>>
      %dma_wait3A_174 = arith.constant 0 : i32
      %dma_wait3A_175 = arith.constant 0 : i32
      %dma_wait3A_176 = tpu.memref_slice %arg8[%dma_wait3A_174, %dma_wait3A_175] : memref<10240x128xf32, #tpu.memory_space<vmem_shared>> -> memref<10240x128xf32, #tpu.memory_space<vmem_shared>>
      tpu.wait_indirect_dma semaphore(%arg9 : memref<!tpu.dma_semaphore, #tpu.memory_space<semaphore_mem>>) src(%arg7 : memref<128x128xf32, #tpu.memory_space<vmem>>) dst(%dma_wait3A_176 : memref<10240x128xf32, #tpu.memory_space<vmem_shared>>)
      %dma_wait3A_177 = arith.constant 2 : i32
      %dma_wait3A_178 = arith.constant 0 : i32
      %dma_wait3A_179 = tpu.memref_slice %arg6[%dma_wait3A_177, %dma_wait3A_178] : memref<16x128xi32, #tpu.memory_space<vmem>> -> memref<1x128xi32, #tpu.memory_space<vmem>>
      %dma_wait3A_180 = tpu.memref_squeeze %dma_wait3A_179 : memref<1x128xi32, #tpu.memory_space<vmem>> -> memref<128xi32, #tpu.memory_space<vmem>>
      %dma_wait3A_181 = arith.constant 0 : i32
      %dma_wait3A_182 = arith.constant 0 : i32
      %dma_wait3A_183 = tpu.memref_slice %arg8[%dma_wait3A_181, %dma_wait3A_182] : memref<10240x128xf32, #tpu.memory_space<vmem_shared>> -> memref<10240x128xf32, #tpu.memory_space<vmem_shared>>
      tpu.wait_indirect_dma semaphore(%arg9 : memref<!tpu.dma_semaphore, #tpu.memory_space<semaphore_mem>>) src(%arg7 : memref<128x128xf32, #tpu.memory_space<vmem>>) dst(%dma_wait3A_183 : memref<10240x128xf32, #tpu.memory_space<vmem_shared>>)
      %dma_wait3A_184 = arith.constant 3 : i32
      %dma_wait3A_185 = arith.constant 0 : i32
      %dma_wait3A_186 = tpu.memref_slice %arg6[%dma_wait3A_184, %dma_wait3A_185] : memref<16x128xi32, #tpu.memory_space<vmem>> -> memref<1x128xi32, #tpu.memory_space<vmem>>
      %dma_wait3A_187 = tpu.memref_squeeze %dma_wait3A_186 : memref<1x128xi32, #tpu.memory_space<vmem>> -> memref<128xi32, #tpu.memory_space<vmem>>
      %dma_wait3A_188 = arith.constant 0 : i32
      %dma_wait3A_189 = arith.constant 0 : i32
      %dma_wait3A_190 = tpu.memref_slice %arg8[%dma_wait3A_188, %dma_wait3A_189] : memref<10240x128xf32, #tpu.memory_space<vmem_shared>> -> memref<10240x128xf32, #tpu.memory_space<vmem_shared>>
      tpu.wait_indirect_dma semaphore(%arg9 : memref<!tpu.dma_semaphore, #tpu.memory_space<semaphore_mem>>) src(%arg7 : memref<128x128xf32, #tpu.memory_space<vmem>>) dst(%dma_wait3A_190 : memref<10240x128xf32, #tpu.memory_space<vmem_shared>>)
      %dma_wait3A_191 = arith.constant 4 : i32
      %dma_wait3A_192 = arith.constant 0 : i32
      %dma_wait3A_193 = tpu.memref_slice %arg6[%dma_wait3A_191, %dma_wait3A_192] : memref<16x128xi32, #tpu.memory_space<vmem>> -> memref<1x128xi32, #tpu.memory_space<vmem>>
      %dma_wait3A_194 = tpu.memref_squeeze %dma_wait3A_193 : memref<1x128xi32, #tpu.memory_space<vmem>> -> memref<128xi32, #tpu.memory_space<vmem>>
      %dma_wait3A_195 = arith.constant 0 : i32
      %dma_wait3A_196 = arith.constant 0 : i32
      %dma_wait3A_197 = tpu.memref_slice %arg8[%dma_wait3A_195, %dma_wait3A_196] : memref<10240x128xf32, #tpu.memory_space<vmem_shared>> -> memref<10240x128xf32, #tpu.memory_space<vmem_shared>>
      tpu.wait_indirect_dma semaphore(%arg9 : memref<!tpu.dma_semaphore, #tpu.memory_space<semaphore_mem>>) src(%arg7 : memref<128x128xf32, #tpu.memory_space<vmem>>) dst(%dma_wait3A_197 : memref<10240x128xf32, #tpu.memory_space<vmem_shared>>)
      %dma_wait3A_198 = arith.constant 5 : i32
      %dma_wait3A_199 = arith.constant 0 : i32
      %dma_wait3A_200 = tpu.memref_slice %arg6[%dma_wait3A_198, %dma_wait3A_199] : memref<16x128xi32, #tpu.memory_space<vmem>> -> memref<1x128xi32, #tpu.memory_space<vmem>>
      %dma_wait3A_201 = tpu.memref_squeeze %dma_wait3A_200 : memref<1x128xi32, #tpu.memory_space<vmem>> -> memref<128xi32, #tpu.memory_space<vmem>>
      %dma_wait3A_202 = arith.constant 0 : i32
      %dma_wait3A_203 = arith.constant 0 : i32
      %dma_wait3A_204 = tpu.memref_slice %arg8[%dma_wait3A_202, %dma_wait3A_203] : memref<10240x128xf32, #tpu.memory_space<vmem_shared>> -> memref<10240x128xf32, #tpu.memory_space<vmem_shared>>
      tpu.wait_indirect_dma semaphore(%arg9 : memref<!tpu.dma_semaphore, #tpu.memory_space<semaphore_mem>>) src(%arg7 : memref<128x128xf32, #tpu.memory_space<vmem>>) dst(%dma_wait3A_204 : memref<10240x128xf32, #tpu.memory_space<vmem_shared>>)
      %dma_wait3A_205 = arith.constant 6 : i32
      %dma_wait3A_206 = arith.constant 0 : i32
      %dma_wait3A_207 = tpu.memref_slice %arg6[%dma_wait3A_205, %dma_wait3A_206] : memref<16x128xi32, #tpu.memory_space<vmem>> -> memref<1x128xi32, #tpu.memory_space<vmem>>
      %dma_wait3A_208 = tpu.memref_squeeze %dma_wait3A_207 : memref<1x128xi32, #tpu.memory_space<vmem>> -> memref<128xi32, #tpu.memory_space<vmem>>
      %dma_wait3A_209 = arith.constant 0 : i32
      %dma_wait3A_210 = arith.constant 0 : i32
      %dma_wait3A_211 = tpu.memref_slice %arg8[%dma_wait3A_209, %dma_wait3A_210] : memref<10240x128xf32, #tpu.memory_space<vmem_shared>> -> memref<10240x128xf32, #tpu.memory_space<vmem_shared>>
      tpu.wait_indirect_dma semaphore(%arg9 : memref<!tpu.dma_semaphore, #tpu.memory_space<semaphore_mem>>) src(%arg7 : memref<128x128xf32, #tpu.memory_space<vmem>>) dst(%dma_wait3A_211 : memref<10240x128xf32, #tpu.memory_space<vmem_shared>>)
      %dma_wait3A_212 = arith.constant 7 : i32
      %dma_wait3A_213 = arith.constant 0 : i32
      %dma_wait3A_214 = tpu.memref_slice %arg6[%dma_wait3A_212, %dma_wait3A_213] : memref<16x128xi32, #tpu.memory_space<vmem>> -> memref<1x128xi32, #tpu.memory_space<vmem>>
      %dma_wait3A_215 = tpu.memref_squeeze %dma_wait3A_214 : memref<1x128xi32, #tpu.memory_space<vmem>> -> memref<128xi32, #tpu.memory_space<vmem>>
      %dma_wait3A_216 = arith.constant 0 : i32
      %dma_wait3A_217 = arith.constant 0 : i32
      %dma_wait3A_218 = tpu.memref_slice %arg8[%dma_wait3A_216, %dma_wait3A_217] : memref<10240x128xf32, #tpu.memory_space<vmem_shared>> -> memref<10240x128xf32, #tpu.memory_space<vmem_shared>>
      tpu.wait_indirect_dma semaphore(%arg9 : memref<!tpu.dma_semaphore, #tpu.memory_space<semaphore_mem>>) src(%arg7 : memref<128x128xf32, #tpu.memory_space<vmem>>) dst(%dma_wait3A_218 : memref<10240x128xf32, #tpu.memory_space<vmem_shared>>)
      %dma_wait3A_219 = arith.constant 8 : i32
      %dma_wait3A_220 = arith.constant 0 : i32
      %dma_wait3A_221 = tpu.memref_slice %arg6[%dma_wait3A_219, %dma_wait3A_220] : memref<16x128xi32, #tpu.memory_space<vmem>> -> memref<1x128xi32, #tpu.memory_space<vmem>>
      %dma_wait3A_222 = tpu.memref_squeeze %dma_wait3A_221 : memref<1x128xi32, #tpu.memory_space<vmem>> -> memref<128xi32, #tpu.memory_space<vmem>>
      %dma_wait3A_223 = arith.constant 0 : i32
      %dma_wait3A_224 = arith.constant 0 : i32
      %dma_wait3A_225 = tpu.memref_slice %arg8[%dma_wait3A_223, %dma_wait3A_224] : memref<10240x128xf32, #tpu.memory_space<vmem_shared>> -> memref<10240x128xf32, #tpu.memory_space<vmem_shared>>
      tpu.wait_indirect_dma semaphore(%arg9 : memref<!tpu.dma_semaphore, #tpu.memory_space<semaphore_mem>>) src(%arg7 : memref<128x128xf32, #tpu.memory_space<vmem>>) dst(%dma_wait3A_225 : memref<10240x128xf32, #tpu.memory_space<vmem_shared>>)
      %dma_wait3A_226 = arith.constant 9 : i32
      %dma_wait3A_227 = arith.constant 0 : i32
      %dma_wait3A_228 = tpu.memref_slice %arg6[%dma_wait3A_226, %dma_wait3A_227] : memref<16x128xi32, #tpu.memory_space<vmem>> -> memref<1x128xi32, #tpu.memory_space<vmem>>
      %dma_wait3A_229 = tpu.memref_squeeze %dma_wait3A_228 : memref<1x128xi32, #tpu.memory_space<vmem>> -> memref<128xi32, #tpu.memory_space<vmem>>
      %dma_wait3A_230 = arith.constant 0 : i32
      %dma_wait3A_231 = arith.constant 0 : i32
      %dma_wait3A_232 = tpu.memref_slice %arg8[%dma_wait3A_230, %dma_wait3A_231] : memref<10240x128xf32, #tpu.memory_space<vmem_shared>> -> memref<10240x128xf32, #tpu.memory_space<vmem_shared>>
      tpu.wait_indirect_dma semaphore(%arg9 : memref<!tpu.dma_semaphore, #tpu.memory_space<semaphore_mem>>) src(%arg7 : memref<128x128xf32, #tpu.memory_space<vmem>>) dst(%dma_wait3A_232 : memref<10240x128xf32, #tpu.memory_space<vmem_shared>>)
      %dma_wait3A_233 = arith.constant 10 : i32
      %dma_wait3A_234 = arith.constant 0 : i32
      %dma_wait3A_235 = tpu.memref_slice %arg6[%dma_wait3A_233, %dma_wait3A_234] : memref<16x128xi32, #tpu.memory_space<vmem>> -> memref<1x128xi32, #tpu.memory_space<vmem>>
      %dma_wait3A_236 = tpu.memref_squeeze %dma_wait3A_235 : memref<1x128xi32, #tpu.memory_space<vmem>> -> memref<128xi32, #tpu.memory_space<vmem>>
      %dma_wait3A_237 = arith.constant 0 : i32
      %dma_wait3A_238 = arith.constant 0 : i32
      %dma_wait3A_239 = tpu.memref_slice %arg8[%dma_wait3A_237, %dma_wait3A_238] : memref<10240x128xf32, #tpu.memory_space<vmem_shared>> -> memref<10240x128xf32, #tpu.memory_space<vmem_shared>>
      tpu.wait_indirect_dma semaphore(%arg9 : memref<!tpu.dma_semaphore, #tpu.memory_space<semaphore_mem>>) src(%arg7 : memref<128x128xf32, #tpu.memory_space<vmem>>) dst(%dma_wait3A_239 : memref<10240x128xf32, #tpu.memory_space<vmem_shared>>)
      %dma_wait3A_240 = arith.constant 11 : i32
      %dma_wait3A_241 = arith.constant 0 : i32
      %dma_wait3A_242 = tpu.memref_slice %arg6[%dma_wait3A_240, %dma_wait3A_241] : memref<16x128xi32, #tpu.memory_space<vmem>> -> memref<1x128xi32, #tpu.memory_space<vmem>>
      %dma_wait3A_243 = tpu.memref_squeeze %dma_wait3A_242 : memref<1x128xi32, #tpu.memory_space<vmem>> -> memref<128xi32, #tpu.memory_space<vmem>>
      %dma_wait3A_244 = arith.constant 0 : i32
      %dma_wait3A_245 = arith.constant 0 : i32
      %dma_wait3A_246 = tpu.memref_slice %arg8[%dma_wait3A_244, %dma_wait3A_245] : memref<10240x128xf32, #tpu.memory_space<vmem_shared>> -> memref<10240x128xf32, #tpu.memory_space<vmem_shared>>
      tpu.wait_indirect_dma semaphore(%arg9 : memref<!tpu.dma_semaphore, #tpu.memory_space<semaphore_mem>>) src(%arg7 : memref<128x128xf32, #tpu.memory_space<vmem>>) dst(%dma_wait3A_246 : memref<10240x128xf32, #tpu.memory_space<vmem_shared>>)
      %dma_wait3A_247 = arith.constant 12 : i32
      %dma_wait3A_248 = arith.constant 0 : i32
      %dma_wait3A_249 = tpu.memref_slice %arg6[%dma_wait3A_247, %dma_wait3A_248] : memref<16x128xi32, #tpu.memory_space<vmem>> -> memref<1x128xi32, #tpu.memory_space<vmem>>
      %dma_wait3A_250 = tpu.memref_squeeze %dma_wait3A_249 : memref<1x128xi32, #tpu.memory_space<vmem>> -> memref<128xi32, #tpu.memory_space<vmem>>
      %dma_wait3A_251 = arith.constant 0 : i32
      %dma_wait3A_252 = arith.constant 0 : i32
      %dma_wait3A_253 = tpu.memref_slice %arg8[%dma_wait3A_251, %dma_wait3A_252] : memref<10240x128xf32, #tpu.memory_space<vmem_shared>> -> memref<10240x128xf32, #tpu.memory_space<vmem_shared>>
      tpu.wait_indirect_dma semaphore(%arg9 : memref<!tpu.dma_semaphore, #tpu.memory_space<semaphore_mem>>) src(%arg7 : memref<128x128xf32, #tpu.memory_space<vmem>>) dst(%dma_wait3A_253 : memref<10240x128xf32, #tpu.memory_space<vmem_shared>>)
      %dma_wait3A_254 = arith.constant 13 : i32
      %dma_wait3A_255 = arith.constant 0 : i32
      %dma_wait3A_256 = tpu.memref_slice %arg6[%dma_wait3A_254, %dma_wait3A_255] : memref<16x128xi32, #tpu.memory_space<vmem>> -> memref<1x128xi32, #tpu.memory_space<vmem>>
      %dma_wait3A_257 = tpu.memref_squeeze %dma_wait3A_256 : memref<1x128xi32, #tpu.memory_space<vmem>> -> memref<128xi32, #tpu.memory_space<vmem>>
      %dma_wait3A_258 = arith.constant 0 : i32
      %dma_wait3A_259 = arith.constant 0 : i32
      %dma_wait3A_260 = tpu.memref_slice %arg8[%dma_wait3A_258, %dma_wait3A_259] : memref<10240x128xf32, #tpu.memory_space<vmem_shared>> -> memref<10240x128xf32, #tpu.memory_space<vmem_shared>>
      tpu.wait_indirect_dma semaphore(%arg9 : memref<!tpu.dma_semaphore, #tpu.memory_space<semaphore_mem>>) src(%arg7 : memref<128x128xf32, #tpu.memory_space<vmem>>) dst(%dma_wait3A_260 : memref<10240x128xf32, #tpu.memory_space<vmem_shared>>)
      %dma_wait3A_261 = arith.constant 14 : i32
      %dma_wait3A_262 = arith.constant 0 : i32
      %dma_wait3A_263 = tpu.memref_slice %arg6[%dma_wait3A_261, %dma_wait3A_262] : memref<16x128xi32, #tpu.memory_space<vmem>> -> memref<1x128xi32, #tpu.memory_space<vmem>>
      %dma_wait3A_264 = tpu.memref_squeeze %dma_wait3A_263 : memref<1x128xi32, #tpu.memory_space<vmem>> -> memref<128xi32, #tpu.memory_space<vmem>>
      %dma_wait3A_265 = arith.constant 0 : i32
      %dma_wait3A_266 = arith.constant 0 : i32
      %dma_wait3A_267 = tpu.memref_slice %arg8[%dma_wait3A_265, %dma_wait3A_266] : memref<10240x128xf32, #tpu.memory_space<vmem_shared>> -> memref<10240x128xf32, #tpu.memory_space<vmem_shared>>
      tpu.wait_indirect_dma semaphore(%arg9 : memref<!tpu.dma_semaphore, #tpu.memory_space<semaphore_mem>>) src(%arg7 : memref<128x128xf32, #tpu.memory_space<vmem>>) dst(%dma_wait3A_267 : memref<10240x128xf32, #tpu.memory_space<vmem_shared>>)
      %dma_wait3A_268 = arith.constant 15 : i32
      %dma_wait3A_269 = arith.constant 0 : i32
      %dma_wait3A_270 = tpu.memref_slice %arg6[%dma_wait3A_268, %dma_wait3A_269] : memref<16x128xi32, #tpu.memory_space<vmem>> -> memref<1x128xi32, #tpu.memory_space<vmem>>
      %dma_wait3A_271 = tpu.memref_squeeze %dma_wait3A_270 : memref<1x128xi32, #tpu.memory_space<vmem>> -> memref<128xi32, #tpu.memory_space<vmem>>
      %dma_wait3A_272 = arith.constant 0 : i32
      %dma_wait3A_273 = arith.constant 0 : i32
      %dma_wait3A_274 = tpu.memref_slice %arg8[%dma_wait3A_272, %dma_wait3A_273] : memref<10240x128xf32, #tpu.memory_space<vmem_shared>> -> memref<10240x128xf32, #tpu.memory_space<vmem_shared>>
      tpu.wait_indirect_dma semaphore(%arg9 : memref<!tpu.dma_semaphore, #tpu.memory_space<semaphore_mem>>) src(%arg7 : memref<128x128xf32, #tpu.memory_space<vmem>>) dst(%dma_wait3A_274 : memref<10240x128xf32, #tpu.memory_space<vmem_shared>>)
    }
    %scan3A_25 = arith.constant 5 : i32
    %barrier3A_26 = arith.constant 0 : index
    tpu.barrier barrier_id(%barrier3A_26)
    %mul3A_27 = arith.constant 640 : i32
    %mul3A_28 = arith.muli %arg1, %mul3A_27 : i32
    %add3A_29 = arith.constant 0 : i32
    %add3A_30 = arith.addi %mul3A_28, %add3A_29 : i32
    "tpu.region"() ({
      %run_scoped3A = tpu.sem_alloc : memref<!tpu.dma_semaphore, #tpu.memory_space<semaphore_mem>>
      %dma_start3A = arith.constant 0 : i32
      %dma_start3A_47 = tpu.memref_slice %arg8[%add3A_30, %dma_start3A] : memref<10240x128xf32, #tpu.memory_space<vmem_shared>> -> memref<128x128xf32, #tpu.memory_space<vmem_shared>>
      %dma_start3A_48 = arith.constant 0 : i32
      %dma_start3A_49 = tpu.memref_slice %arg8[%add3A_30, %dma_start3A_48] : memref<10240x128xf32, #tpu.memory_space<vmem_shared>> -> memref<128x128xf32, #tpu.memory_space<vmem_shared>>
      tpu.enqueue_dma source(%dma_start3A_49 : memref<128x128xf32, #tpu.memory_space<vmem_shared>>) target(%arg7 : memref<128x128xf32, #tpu.memory_space<vmem>>) target_semaphore(%run_scoped3A : memref<!tpu.dma_semaphore, #tpu.memory_space<semaphore_mem>>)
      %dma_wait3A = arith.constant 0 : i32
      %dma_wait3A_50 = tpu.memref_slice %arg8[%add3A_30, %dma_wait3A] : memref<10240x128xf32, #tpu.memory_space<vmem_shared>> -> memref<128x128xf32, #tpu.memory_space<vmem_shared>>
      %dma_wait3A_51 = arith.constant 0 : i32
      %dma_wait3A_52 = tpu.memref_slice %arg8[%add3A_30, %dma_wait3A_51] : memref<10240x128xf32, #tpu.memory_space<vmem_shared>> -> memref<128x128xf32, #tpu.memory_space<vmem_shared>>
      tpu.wait_dma2 semaphore(%run_scoped3A : memref<!tpu.dma_semaphore, #tpu.memory_space<semaphore_mem>>) src(%dma_wait3A_52 : memref<128x128xf32, #tpu.memory_space<vmem_shared>>) dst(%arg7 : memref<128x128xf32, #tpu.memory_space<vmem>>)
      tpu.yield
    }) : () -> ()
    "tpu.region"() ({
      %run_scoped3A = tpu.sem_alloc : memref<!tpu.dma_semaphore, #tpu.memory_space<semaphore_mem>>
      %dma_start3A = arith.constant 0 : i32
      %dma_start3A_47 = tpu.memref_slice %arg5[%arg0, %add3A_30, %dma_start3A] : memref<2x10240x128xf32, #tpu.memory_space<hbm>> -> memref<1x128x128xf32, #tpu.memory_space<hbm>>
      %dma_start3A_48 = tpu.memref_squeeze %dma_start3A_47 : memref<1x128x128xf32, #tpu.memory_space<hbm>> -> memref<128x128xf32, #tpu.memory_space<hbm>>
      %dma_start3A_49 = arith.constant 0 : i32
      %dma_start3A_50 = tpu.memref_slice %arg5[%arg0, %add3A_30, %dma_start3A_49] : memref<2x10240x128xf32, #tpu.memory_space<hbm>> -> memref<1x128x128xf32, #tpu.memory_space<hbm>>
      %dma_start3A_51 = tpu.memref_squeeze %dma_start3A_50 : memref<1x128x128xf32, #tpu.memory_space<hbm>> -> memref<128x128xf32, #tpu.memory_space<hbm>>
      tpu.enqueue_dma source(%arg7 : memref<128x128xf32, #tpu.memory_space<vmem>>) target(%dma_start3A_51 : memref<128x128xf32, #tpu.memory_space<hbm>>) target_semaphore(%run_scoped3A : memref<!tpu.dma_semaphore, #tpu.memory_space<semaphore_mem>>)
      %dma_wait3A = arith.constant 0 : i32
      %dma_wait3A_52 = tpu.memref_slice %arg5[%arg0, %add3A_30, %dma_wait3A] : memref<2x10240x128xf32, #tpu.memory_space<hbm>> -> memref<1x128x128xf32, #tpu.memory_space<hbm>>
      %dma_wait3A_53 = tpu.memref_squeeze %dma_wait3A_52 : memref<1x128x128xf32, #tpu.memory_space<hbm>> -> memref<128x128xf32, #tpu.memory_space<hbm>>
      %dma_wait3A_54 = arith.constant 0 : i32
      %dma_wait3A_55 = tpu.memref_slice %arg5[%arg0, %add3A_30, %dma_wait3A_54] : memref<2x10240x128xf32, #tpu.memory_space<hbm>> -> memref<1x128x128xf32, #tpu.memory_space<hbm>>
      %dma_wait3A_56 = tpu.memref_squeeze %dma_wait3A_55 : memref<1x128x128xf32, #tpu.memory_space<hbm>> -> memref<128x128xf32, #tpu.memory_space<hbm>>
      tpu.wait_dma2 semaphore(%run_scoped3A : memref<!tpu.dma_semaphore, #tpu.memory_space<semaphore_mem>>) src(%arg7 : memref<128x128xf32, #tpu.memory_space<vmem>>) dst(%dma_wait3A_56 : memref<128x128xf32, #tpu.memory_space<hbm>>)
      tpu.yield
    }) : () -> ()
    %mul3A_31 = arith.constant 640 : i32
    %mul3A_32 = arith.muli %arg1, %mul3A_31 : i32
    %add3A_33 = arith.constant 128 : i32
    %add3A_34 = arith.addi %mul3A_32, %add3A_33 : i32
    "tpu.region"() ({
      %run_scoped3A = tpu.sem_alloc : memref<!tpu.dma_semaphore, #tpu.memory_space<semaphore_mem>>
      %dma_start3A = arith.constant 0 : i32
      %dma_start3A_47 = tpu.memref_slice %arg8[%add3A_34, %dma_start3A] : memref<10240x128xf32, #tpu.memory_space<vmem_shared>> -> memref<128x128xf32, #tpu.memory_space<vmem_shared>>
      %dma_start3A_48 = arith.constant 0 : i32
      %dma_start3A_49 = tpu.memref_slice %arg8[%add3A_34, %dma_start3A_48] : memref<10240x128xf32, #tpu.memory_space<vmem_shared>> -> memref<128x128xf32, #tpu.memory_space<vmem_shared>>
      tpu.enqueue_dma source(%dma_start3A_49 : memref<128x128xf32, #tpu.memory_space<vmem_shared>>) target(%arg7 : memref<128x128xf32, #tpu.memory_space<vmem>>) target_semaphore(%run_scoped3A : memref<!tpu.dma_semaphore, #tpu.memory_space<semaphore_mem>>)
      %dma_wait3A = arith.constant 0 : i32
      %dma_wait3A_50 = tpu.memref_slice %arg8[%add3A_34, %dma_wait3A] : memref<10240x128xf32, #tpu.memory_space<vmem_shared>> -> memref<128x128xf32, #tpu.memory_space<vmem_shared>>
      %dma_wait3A_51 = arith.constant 0 : i32
      %dma_wait3A_52 = tpu.memref_slice %arg8[%add3A_34, %dma_wait3A_51] : memref<10240x128xf32, #tpu.memory_space<vmem_shared>> -> memref<128x128xf32, #tpu.memory_space<vmem_shared>>
      tpu.wait_dma2 semaphore(%run_scoped3A : memref<!tpu.dma_semaphore, #tpu.memory_space<semaphore_mem>>) src(%dma_wait3A_52 : memref<128x128xf32, #tpu.memory_space<vmem_shared>>) dst(%arg7 : memref<128x128xf32, #tpu.memory_space<vmem>>)
      tpu.yield
    }) : () -> ()
    "tpu.region"() ({
      %run_scoped3A = tpu.sem_alloc : memref<!tpu.dma_semaphore, #tpu.memory_space<semaphore_mem>>
      %dma_start3A = arith.constant 0 : i32
      %dma_start3A_47 = tpu.memref_slice %arg5[%arg0, %add3A_34, %dma_start3A] : memref<2x10240x128xf32, #tpu.memory_space<hbm>> -> memref<1x128x128xf32, #tpu.memory_space<hbm>>
      %dma_start3A_48 = tpu.memref_squeeze %dma_start3A_47 : memref<1x128x128xf32, #tpu.memory_space<hbm>> -> memref<128x128xf32, #tpu.memory_space<hbm>>
      %dma_start3A_49 = arith.constant 0 : i32
      %dma_start3A_50 = tpu.memref_slice %arg5[%arg0, %add3A_34, %dma_start3A_49] : memref<2x10240x128xf32, #tpu.memory_space<hbm>> -> memref<1x128x128xf32, #tpu.memory_space<hbm>>
      %dma_start3A_51 = tpu.memref_squeeze %dma_start3A_50 : memref<1x128x128xf32, #tpu.memory_space<hbm>> -> memref<128x128xf32, #tpu.memory_space<hbm>>
      tpu.enqueue_dma source(%arg7 : memref<128x128xf32, #tpu.memory_space<vmem>>) target(%dma_start3A_51 : memref<128x128xf32, #tpu.memory_space<hbm>>) target_semaphore(%run_scoped3A : memref<!tpu.dma_semaphore, #tpu.memory_space<semaphore_mem>>)
      %dma_wait3A = arith.constant 0 : i32
      %dma_wait3A_52 = tpu.memref_slice %arg5[%arg0, %add3A_34, %dma_wait3A] : memref<2x10240x128xf32, #tpu.memory_space<hbm>> -> memref<1x128x128xf32, #tpu.memory_space<hbm>>
      %dma_wait3A_53 = tpu.memref_squeeze %dma_wait3A_52 : memref<1x128x128xf32, #tpu.memory_space<hbm>> -> memref<128x128xf32, #tpu.memory_space<hbm>>
      %dma_wait3A_54 = arith.constant 0 : i32
      %dma_wait3A_55 = tpu.memref_slice %arg5[%arg0, %add3A_34, %dma_wait3A_54] : memref<2x10240x128xf32, #tpu.memory_space<hbm>> -> memref<1x128x128xf32, #tpu.memory_space<hbm>>
      %dma_wait3A_56 = tpu.memref_squeeze %dma_wait3A_55 : memref<1x128x128xf32, #tpu.memory_space<hbm>> -> memref<128x128xf32, #tpu.memory_space<hbm>>
      tpu.wait_dma2 semaphore(%run_scoped3A : memref<!tpu.dma_semaphore, #tpu.memory_space<semaphore_mem>>) src(%arg7 : memref<128x128xf32, #tpu.memory_space<vmem>>) dst(%dma_wait3A_56 : memref<128x128xf32, #tpu.memory_space<hbm>>)
      tpu.yield
    }) : () -> ()
    %mul3A_35 = arith.constant 640 : i32
    %mul3A_36 = arith.muli %arg1, %mul3A_35 : i32
    %add3A_37 = arith.constant 256 : i32
    %add3A_38 = arith.addi %mul3A_36, %add3A_37 : i32
    "tpu.region"() ({
      %run_scoped3A = tpu.sem_alloc : memref<!tpu.dma_semaphore, #tpu.memory_space<semaphore_mem>>
      %dma_start3A = arith.constant 0 : i32
      %dma_start3A_47 = tpu.memref_slice %arg8[%add3A_38, %dma_start3A] : memref<10240x128xf32, #tpu.memory_space<vmem_shared>> -> memref<128x128xf32, #tpu.memory_space<vmem_shared>>
      %dma_start3A_48 = arith.constant 0 : i32
      %dma_start3A_49 = tpu.memref_slice %arg8[%add3A_38, %dma_start3A_48] : memref<10240x128xf32, #tpu.memory_space<vmem_shared>> -> memref<128x128xf32, #tpu.memory_space<vmem_shared>>
      tpu.enqueue_dma source(%dma_start3A_49 : memref<128x128xf32, #tpu.memory_space<vmem_shared>>) target(%arg7 : memref<128x128xf32, #tpu.memory_space<vmem>>) target_semaphore(%run_scoped3A : memref<!tpu.dma_semaphore, #tpu.memory_space<semaphore_mem>>)
      %dma_wait3A = arith.constant 0 : i32
      %dma_wait3A_50 = tpu.memref_slice %arg8[%add3A_38, %dma_wait3A] : memref<10240x128xf32, #tpu.memory_space<vmem_shared>> -> memref<128x128xf32, #tpu.memory_space<vmem_shared>>
      %dma_wait3A_51 = arith.constant 0 : i32
      %dma_wait3A_52 = tpu.memref_slice %arg8[%add3A_38, %dma_wait3A_51] : memref<10240x128xf32, #tpu.memory_space<vmem_shared>> -> memref<128x128xf32, #tpu.memory_space<vmem_shared>>
      tpu.wait_dma2 semaphore(%run_scoped3A : memref<!tpu.dma_semaphore, #tpu.memory_space<semaphore_mem>>) src(%dma_wait3A_52 : memref<128x128xf32, #tpu.memory_space<vmem_shared>>) dst(%arg7 : memref<128x128xf32, #tpu.memory_space<vmem>>)
      tpu.yield
    }) : () -> ()
    "tpu.region"() ({
      %run_scoped3A = tpu.sem_alloc : memref<!tpu.dma_semaphore, #tpu.memory_space<semaphore_mem>>
      %dma_start3A = arith.constant 0 : i32
      %dma_start3A_47 = tpu.memref_slice %arg5[%arg0, %add3A_38, %dma_start3A] : memref<2x10240x128xf32, #tpu.memory_space<hbm>> -> memref<1x128x128xf32, #tpu.memory_space<hbm>>
      %dma_start3A_48 = tpu.memref_squeeze %dma_start3A_47 : memref<1x128x128xf32, #tpu.memory_space<hbm>> -> memref<128x128xf32, #tpu.memory_space<hbm>>
      %dma_start3A_49 = arith.constant 0 : i32
      %dma_start3A_50 = tpu.memref_slice %arg5[%arg0, %add3A_38, %dma_start3A_49] : memref<2x10240x128xf32, #tpu.memory_space<hbm>> -> memref<1x128x128xf32, #tpu.memory_space<hbm>>
      %dma_start3A_51 = tpu.memref_squeeze %dma_start3A_50 : memref<1x128x128xf32, #tpu.memory_space<hbm>> -> memref<128x128xf32, #tpu.memory_space<hbm>>
      tpu.enqueue_dma source(%arg7 : memref<128x128xf32, #tpu.memory_space<vmem>>) target(%dma_start3A_51 : memref<128x128xf32, #tpu.memory_space<hbm>>) target_semaphore(%run_scoped3A : memref<!tpu.dma_semaphore, #tpu.memory_space<semaphore_mem>>)
      %dma_wait3A = arith.constant 0 : i32
      %dma_wait3A_52 = tpu.memref_slice %arg5[%arg0, %add3A_38, %dma_wait3A] : memref<2x10240x128xf32, #tpu.memory_space<hbm>> -> memref<1x128x128xf32, #tpu.memory_space<hbm>>
      %dma_wait3A_53 = tpu.memref_squeeze %dma_wait3A_52 : memref<1x128x128xf32, #tpu.memory_space<hbm>> -> memref<128x128xf32, #tpu.memory_space<hbm>>
      %dma_wait3A_54 = arith.constant 0 : i32
      %dma_wait3A_55 = tpu.memref_slice %arg5[%arg0, %add3A_38, %dma_wait3A_54] : memref<2x10240x128xf32, #tpu.memory_space<hbm>> -> memref<1x128x128xf32, #tpu.memory_space<hbm>>
      %dma_wait3A_56 = tpu.memref_squeeze %dma_wait3A_55 : memref<1x128x128xf32, #tpu.memory_space<hbm>> -> memref<128x128xf32, #tpu.memory_space<hbm>>
      tpu.wait_dma2 semaphore(%run_scoped3A : memref<!tpu.dma_semaphore, #tpu.memory_space<semaphore_mem>>) src(%arg7 : memref<128x128xf32, #tpu.memory_space<vmem>>) dst(%dma_wait3A_56 : memref<128x128xf32, #tpu.memory_space<hbm>>)
      tpu.yield
    }) : () -> ()
    %mul3A_39 = arith.constant 640 : i32
    %mul3A_40 = arith.muli %arg1, %mul3A_39 : i32
    %add3A_41 = arith.constant 384 : i32
    %add3A_42 = arith.addi %mul3A_40, %add3A_41 : i32
    "tpu.region"() ({
      %run_scoped3A = tpu.sem_alloc : memref<!tpu.dma_semaphore, #tpu.memory_space<semaphore_mem>>
      %dma_start3A = arith.constant 0 : i32
      %dma_start3A_47 = tpu.memref_slice %arg8[%add3A_42, %dma_start3A] : memref<10240x128xf32, #tpu.memory_space<vmem_shared>> -> memref<128x128xf32, #tpu.memory_space<vmem_shared>>
      %dma_start3A_48 = arith.constant 0 : i32
      %dma_start3A_49 = tpu.memref_slice %arg8[%add3A_42, %dma_start3A_48] : memref<10240x128xf32, #tpu.memory_space<vmem_shared>> -> memref<128x128xf32, #tpu.memory_space<vmem_shared>>
      tpu.enqueue_dma source(%dma_start3A_49 : memref<128x128xf32, #tpu.memory_space<vmem_shared>>) target(%arg7 : memref<128x128xf32, #tpu.memory_space<vmem>>) target_semaphore(%run_scoped3A : memref<!tpu.dma_semaphore, #tpu.memory_space<semaphore_mem>>)
      %dma_wait3A = arith.constant 0 : i32
      %dma_wait3A_50 = tpu.memref_slice %arg8[%add3A_42, %dma_wait3A] : memref<10240x128xf32, #tpu.memory_space<vmem_shared>> -> memref<128x128xf32, #tpu.memory_space<vmem_shared>>
      %dma_wait3A_51 = arith.constant 0 : i32
      %dma_wait3A_52 = tpu.memref_slice %arg8[%add3A_42, %dma_wait3A_51] : memref<10240x128xf32, #tpu.memory_space<vmem_shared>> -> memref<128x128xf32, #tpu.memory_space<vmem_shared>>
      tpu.wait_dma2 semaphore(%run_scoped3A : memref<!tpu.dma_semaphore, #tpu.memory_space<semaphore_mem>>) src(%dma_wait3A_52 : memref<128x128xf32, #tpu.memory_space<vmem_shared>>) dst(%arg7 : memref<128x128xf32, #tpu.memory_space<vmem>>)
      tpu.yield
    }) : () -> ()
    "tpu.region"() ({
      %run_scoped3A = tpu.sem_alloc : memref<!tpu.dma_semaphore, #tpu.memory_space<semaphore_mem>>
      %dma_start3A = arith.constant 0 : i32
      %dma_start3A_47 = tpu.memref_slice %arg5[%arg0, %add3A_42, %dma_start3A] : memref<2x10240x128xf32, #tpu.memory_space<hbm>> -> memref<1x128x128xf32, #tpu.memory_space<hbm>>
      %dma_start3A_48 = tpu.memref_squeeze %dma_start3A_47 : memref<1x128x128xf32, #tpu.memory_space<hbm>> -> memref<128x128xf32, #tpu.memory_space<hbm>>
      %dma_start3A_49 = arith.constant 0 : i32
      %dma_start3A_50 = tpu.memref_slice %arg5[%arg0, %add3A_42, %dma_start3A_49] : memref<2x10240x128xf32, #tpu.memory_space<hbm>> -> memref<1x128x128xf32, #tpu.memory_space<hbm>>
      %dma_start3A_51 = tpu.memref_squeeze %dma_start3A_50 : memref<1x128x128xf32, #tpu.memory_space<hbm>> -> memref<128x128xf32, #tpu.memory_space<hbm>>
      tpu.enqueue_dma source(%arg7 : memref<128x128xf32, #tpu.memory_space<vmem>>) target(%dma_start3A_51 : memref<128x128xf32, #tpu.memory_space<hbm>>) target_semaphore(%run_scoped3A : memref<!tpu.dma_semaphore, #tpu.memory_space<semaphore_mem>>)
      %dma_wait3A = arith.constant 0 : i32
      %dma_wait3A_52 = tpu.memref_slice %arg5[%arg0, %add3A_42, %dma_wait3A] : memref<2x10240x128xf32, #tpu.memory_space<hbm>> -> memref<1x128x128xf32, #tpu.memory_space<hbm>>
      %dma_wait3A_53 = tpu.memref_squeeze %dma_wait3A_52 : memref<1x128x128xf32, #tpu.memory_space<hbm>> -> memref<128x128xf32, #tpu.memory_space<hbm>>
      %dma_wait3A_54 = arith.constant 0 : i32
      %dma_wait3A_55 = tpu.memref_slice %arg5[%arg0, %add3A_42, %dma_wait3A_54] : memref<2x10240x128xf32, #tpu.memory_space<hbm>> -> memref<1x128x128xf32, #tpu.memory_space<hbm>>
      %dma_wait3A_56 = tpu.memref_squeeze %dma_wait3A_55 : memref<1x128x128xf32, #tpu.memory_space<hbm>> -> memref<128x128xf32, #tpu.memory_space<hbm>>
      tpu.wait_dma2 semaphore(%run_scoped3A : memref<!tpu.dma_semaphore, #tpu.memory_space<semaphore_mem>>) src(%arg7 : memref<128x128xf32, #tpu.memory_space<vmem>>) dst(%dma_wait3A_56 : memref<128x128xf32, #tpu.memory_space<hbm>>)
      tpu.yield
    }) : () -> ()
    %mul3A_43 = arith.constant 640 : i32
    %mul3A_44 = arith.muli %arg1, %mul3A_43 : i32
    %add3A_45 = arith.constant 512 : i32
    %add3A_46 = arith.addi %mul3A_44, %add3A_45 : i32
    "tpu.region"() ({
      %run_scoped3A = tpu.sem_alloc : memref<!tpu.dma_semaphore, #tpu.memory_space<semaphore_mem>>
      %dma_start3A = arith.constant 0 : i32
      %dma_start3A_47 = tpu.memref_slice %arg8[%add3A_46, %dma_start3A] : memref<10240x128xf32, #tpu.memory_space<vmem_shared>> -> memref<128x128xf32, #tpu.memory_space<vmem_shared>>
      %dma_start3A_48 = arith.constant 0 : i32
      %dma_start3A_49 = tpu.memref_slice %arg8[%add3A_46, %dma_start3A_48] : memref<10240x128xf32, #tpu.memory_space<vmem_shared>> -> memref<128x128xf32, #tpu.memory_space<vmem_shared>>
      tpu.enqueue_dma source(%dma_start3A_49 : memref<128x128xf32, #tpu.memory_space<vmem_shared>>) target(%arg7 : memref<128x128xf32, #tpu.memory_space<vmem>>) target_semaphore(%run_scoped3A : memref<!tpu.dma_semaphore, #tpu.memory_space<semaphore_mem>>)
      %dma_wait3A = arith.constant 0 : i32
      %dma_wait3A_50 = tpu.memref_slice %arg8[%add3A_46, %dma_wait3A] : memref<10240x128xf32, #tpu.memory_space<vmem_shared>> -> memref<128x128xf32, #tpu.memory_space<vmem_shared>>
      %dma_wait3A_51 = arith.constant 0 : i32
      %dma_wait3A_52 = tpu.memref_slice %arg8[%add3A_46, %dma_wait3A_51] : memref<10240x128xf32, #tpu.memory_space<vmem_shared>> -> memref<128x128xf32, #tpu.memory_space<vmem_shared>>
      tpu.wait_dma2 semaphore(%run_scoped3A : memref<!tpu.dma_semaphore, #tpu.memory_space<semaphore_mem>>) src(%dma_wait3A_52 : memref<128x128xf32, #tpu.memory_space<vmem_shared>>) dst(%arg7 : memref<128x128xf32, #tpu.memory_space<vmem>>)
      tpu.yield
    }) : () -> ()
    "tpu.region"() ({
      %run_scoped3A = tpu.sem_alloc : memref<!tpu.dma_semaphore, #tpu.memory_space<semaphore_mem>>
      %dma_start3A = arith.constant 0 : i32
      %dma_start3A_47 = tpu.memref_slice %arg5[%arg0, %add3A_46, %dma_start3A] : memref<2x10240x128xf32, #tpu.memory_space<hbm>> -> memref<1x128x128xf32, #tpu.memory_space<hbm>>
      %dma_start3A_48 = tpu.memref_squeeze %dma_start3A_47 : memref<1x128x128xf32, #tpu.memory_space<hbm>> -> memref<128x128xf32, #tpu.memory_space<hbm>>
      %dma_start3A_49 = arith.constant 0 : i32
      %dma_start3A_50 = tpu.memref_slice %arg5[%arg0, %add3A_46, %dma_start3A_49] : memref<2x10240x128xf32, #tpu.memory_space<hbm>> -> memref<1x128x128xf32, #tpu.memory_space<hbm>>
      %dma_start3A_51 = tpu.memref_squeeze %dma_start3A_50 : memref<1x128x128xf32, #tpu.memory_space<hbm>> -> memref<128x128xf32, #tpu.memory_space<hbm>>
      tpu.enqueue_dma source(%arg7 : memref<128x128xf32, #tpu.memory_space<vmem>>) target(%dma_start3A_51 : memref<128x128xf32, #tpu.memory_space<hbm>>) target_semaphore(%run_scoped3A : memref<!tpu.dma_semaphore, #tpu.memory_space<semaphore_mem>>)
      %dma_wait3A = arith.constant 0 : i32
      %dma_wait3A_52 = tpu.memref_slice %arg5[%arg0, %add3A_46, %dma_wait3A] : memref<2x10240x128xf32, #tpu.memory_space<hbm>> -> memref<1x128x128xf32, #tpu.memory_space<hbm>>
      %dma_wait3A_53 = tpu.memref_squeeze %dma_wait3A_52 : memref<1x128x128xf32, #tpu.memory_space<hbm>> -> memref<128x128xf32, #tpu.memory_space<hbm>>
      %dma_wait3A_54 = arith.constant 0 : i32
      %dma_wait3A_55 = tpu.memref_slice %arg5[%arg0, %add3A_46, %dma_wait3A_54] : memref<2x10240x128xf32, #tpu.memory_space<hbm>> -> memref<1x128x128xf32, #tpu.memory_space<hbm>>
      %dma_wait3A_56 = tpu.memref_squeeze %dma_wait3A_55 : memref<1x128x128xf32, #tpu.memory_space<hbm>> -> memref<128x128xf32, #tpu.memory_space<hbm>>
      tpu.wait_dma2 semaphore(%run_scoped3A : memref<!tpu.dma_semaphore, #tpu.memory_space<semaphore_mem>>) src(%arg7 : memref<128x128xf32, #tpu.memory_space<vmem>>) dst(%dma_wait3A_56 : memref<128x128xf32, #tpu.memory_space<hbm>>)
      tpu.yield
    }) : () -> ()
    return
  }
}

#map = affine_map<(d0, d1) -> (0, 0)>
#map1 = affine_map<(d0, d1) -> (0, 0, 0)>
module attributes {stable_mosaic.version = 14 : i64} {
  func.func @agg(%arg0: i32, %arg1: i32, %arg2: memref<2560x128xi32, #tpu.memory_space<hbm>>, %arg3: memref<2560x128xi32, #tpu.memory_space<hbm>>, %arg4: memref<10240x128xf32, #tpu.memory_space<hbm>>, %arg5: memref<128x128xf32, #tpu.memory_space<hbm>>, %arg6: memref<2x10240x128xf32, #tpu.memory_space<hbm>>, %arg7: memref<8x128xi32, #tpu.memory_space<vmem>>, %arg8: memref<8x128xi32, #tpu.memory_space<vmem>>, %arg9: memref<128x128xf32, #tpu.memory_space<vmem>>, %arg10: memref<128x128xf32, #tpu.memory_space<vmem>>, %arg11: memref<10240x128xf32, #tpu.memory_space<vmem_shared>>, %arg12: memref<!tpu.dma_semaphore, #tpu.memory_space<semaphore_mem>>, %arg13: memref<!tpu.dma_semaphore, #tpu.memory_space<semaphore_mem>>, %arg14: memref<!tpu.dma_semaphore, #tpu.memory_space<semaphore_mem>>, %arg15: memref<!tpu.dma_semaphore, #tpu.memory_space<semaphore_mem>>) attributes {dimension_semantics = [#tpu.dimension_semantics<core_parallel>, #tpu.dimension_semantics<subcore_parallel>], iteration_bounds = array<i64: 2, 16>, scalar_prefetch = 0 : i64, scratch_operands = 9 : i64, tpu.core_type = #tpu.core_type<sc_vector_subcore>, window_params = [{transform_indices = #map}, {transform_indices = #map}, {transform_indices = #map}, {transform_indices = #map}, {transform_indices = #map1}]} {
    %mul3A = arith.constant 2 : i32
    %mul3A_0 = arith.muli %arg1, %mul3A : i32
    %add3A = arith.addi %mul3A_0, %arg0 : i32
    %mul3A_1 = arith.constant 80 : i32
    %mul3A_2 = arith.muli %add3A, %mul3A_1 : i32
    "tpu.region"() ({
      %run_scoped3A = tpu.sem_alloc : memref<!tpu.dma_semaphore, #tpu.memory_space<semaphore_mem>>
      tpu.enqueue_dma source(%arg5 : memref<128x128xf32, #tpu.memory_space<hbm>>) target(%arg9 : memref<128x128xf32, #tpu.memory_space<vmem>>) target_semaphore(%run_scoped3A : memref<!tpu.dma_semaphore, #tpu.memory_space<semaphore_mem>>)
      tpu.wait_dma2 semaphore(%run_scoped3A : memref<!tpu.dma_semaphore, #tpu.memory_space<semaphore_mem>>) src(%arg5 : memref<128x128xf32, #tpu.memory_space<hbm>>) dst(%arg9 : memref<128x128xf32, #tpu.memory_space<vmem>>)
      tpu.yield
    }) : () -> ()
    %mul3A_3 = arith.constant 640 : i32
    %mul3A_4 = arith.muli %arg1, %mul3A_3 : i32
    %add3A_5 = arith.constant 0 : i32
    %add3A_6 = arith.addi %mul3A_4, %add3A_5 : i32
    "tpu.region"() ({
      %run_scoped3A = tpu.sem_alloc : memref<!tpu.dma_semaphore, #tpu.memory_space<semaphore_mem>>
      %dma_start3A = arith.constant 0 : i32
      %dma_start3A_49 = tpu.memref_slice %arg11[%add3A_6, %dma_start3A] : memref<10240x128xf32, #tpu.memory_space<vmem_shared>> -> memref<128x128xf32, #tpu.memory_space<vmem_shared>>
      %dma_start3A_50 = arith.constant 0 : i32
      %dma_start3A_51 = tpu.memref_slice %arg11[%add3A_6, %dma_start3A_50] : memref<10240x128xf32, #tpu.memory_space<vmem_shared>> -> memref<128x128xf32, #tpu.memory_space<vmem_shared>>
      tpu.enqueue_dma source(%arg9 : memref<128x128xf32, #tpu.memory_space<vmem>>) target(%dma_start3A_51 : memref<128x128xf32, #tpu.memory_space<vmem_shared>>) target_semaphore(%run_scoped3A : memref<!tpu.dma_semaphore, #tpu.memory_space<semaphore_mem>>)
      %dma_wait3A = arith.constant 0 : i32
      %dma_wait3A_52 = tpu.memref_slice %arg11[%add3A_6, %dma_wait3A] : memref<10240x128xf32, #tpu.memory_space<vmem_shared>> -> memref<128x128xf32, #tpu.memory_space<vmem_shared>>
      %dma_wait3A_53 = arith.constant 0 : i32
      %dma_wait3A_54 = tpu.memref_slice %arg11[%add3A_6, %dma_wait3A_53] : memref<10240x128xf32, #tpu.memory_space<vmem_shared>> -> memref<128x128xf32, #tpu.memory_space<vmem_shared>>
      tpu.wait_dma2 semaphore(%run_scoped3A : memref<!tpu.dma_semaphore, #tpu.memory_space<semaphore_mem>>) src(%arg9 : memref<128x128xf32, #tpu.memory_space<vmem>>) dst(%dma_wait3A_54 : memref<128x128xf32, #tpu.memory_space<vmem_shared>>)
      tpu.yield
    }) : () -> ()
    %mul3A_7 = arith.constant 640 : i32
    %mul3A_8 = arith.muli %arg1, %mul3A_7 : i32
    %add3A_9 = arith.constant 128 : i32
    %add3A_10 = arith.addi %mul3A_8, %add3A_9 : i32
    "tpu.region"() ({
      %run_scoped3A = tpu.sem_alloc : memref<!tpu.dma_semaphore, #tpu.memory_space<semaphore_mem>>
      %dma_start3A = arith.constant 0 : i32
      %dma_start3A_49 = tpu.memref_slice %arg11[%add3A_10, %dma_start3A] : memref<10240x128xf32, #tpu.memory_space<vmem_shared>> -> memref<128x128xf32, #tpu.memory_space<vmem_shared>>
      %dma_start3A_50 = arith.constant 0 : i32
      %dma_start3A_51 = tpu.memref_slice %arg11[%add3A_10, %dma_start3A_50] : memref<10240x128xf32, #tpu.memory_space<vmem_shared>> -> memref<128x128xf32, #tpu.memory_space<vmem_shared>>
      tpu.enqueue_dma source(%arg9 : memref<128x128xf32, #tpu.memory_space<vmem>>) target(%dma_start3A_51 : memref<128x128xf32, #tpu.memory_space<vmem_shared>>) target_semaphore(%run_scoped3A : memref<!tpu.dma_semaphore, #tpu.memory_space<semaphore_mem>>)
      %dma_wait3A = arith.constant 0 : i32
      %dma_wait3A_52 = tpu.memref_slice %arg11[%add3A_10, %dma_wait3A] : memref<10240x128xf32, #tpu.memory_space<vmem_shared>> -> memref<128x128xf32, #tpu.memory_space<vmem_shared>>
      %dma_wait3A_53 = arith.constant 0 : i32
      %dma_wait3A_54 = tpu.memref_slice %arg11[%add3A_10, %dma_wait3A_53] : memref<10240x128xf32, #tpu.memory_space<vmem_shared>> -> memref<128x128xf32, #tpu.memory_space<vmem_shared>>
      tpu.wait_dma2 semaphore(%run_scoped3A : memref<!tpu.dma_semaphore, #tpu.memory_space<semaphore_mem>>) src(%arg9 : memref<128x128xf32, #tpu.memory_space<vmem>>) dst(%dma_wait3A_54 : memref<128x128xf32, #tpu.memory_space<vmem_shared>>)
      tpu.yield
    }) : () -> ()
    %mul3A_11 = arith.constant 640 : i32
    %mul3A_12 = arith.muli %arg1, %mul3A_11 : i32
    %add3A_13 = arith.constant 256 : i32
    %add3A_14 = arith.addi %mul3A_12, %add3A_13 : i32
    "tpu.region"() ({
      %run_scoped3A = tpu.sem_alloc : memref<!tpu.dma_semaphore, #tpu.memory_space<semaphore_mem>>
      %dma_start3A = arith.constant 0 : i32
      %dma_start3A_49 = tpu.memref_slice %arg11[%add3A_14, %dma_start3A] : memref<10240x128xf32, #tpu.memory_space<vmem_shared>> -> memref<128x128xf32, #tpu.memory_space<vmem_shared>>
      %dma_start3A_50 = arith.constant 0 : i32
      %dma_start3A_51 = tpu.memref_slice %arg11[%add3A_14, %dma_start3A_50] : memref<10240x128xf32, #tpu.memory_space<vmem_shared>> -> memref<128x128xf32, #tpu.memory_space<vmem_shared>>
      tpu.enqueue_dma source(%arg9 : memref<128x128xf32, #tpu.memory_space<vmem>>) target(%dma_start3A_51 : memref<128x128xf32, #tpu.memory_space<vmem_shared>>) target_semaphore(%run_scoped3A : memref<!tpu.dma_semaphore, #tpu.memory_space<semaphore_mem>>)
      %dma_wait3A = arith.constant 0 : i32
      %dma_wait3A_52 = tpu.memref_slice %arg11[%add3A_14, %dma_wait3A] : memref<10240x128xf32, #tpu.memory_space<vmem_shared>> -> memref<128x128xf32, #tpu.memory_space<vmem_shared>>
      %dma_wait3A_53 = arith.constant 0 : i32
      %dma_wait3A_54 = tpu.memref_slice %arg11[%add3A_14, %dma_wait3A_53] : memref<10240x128xf32, #tpu.memory_space<vmem_shared>> -> memref<128x128xf32, #tpu.memory_space<vmem_shared>>
      tpu.wait_dma2 semaphore(%run_scoped3A : memref<!tpu.dma_semaphore, #tpu.memory_space<semaphore_mem>>) src(%arg9 : memref<128x128xf32, #tpu.memory_space<vmem>>) dst(%dma_wait3A_54 : memref<128x128xf32, #tpu.memory_space<vmem_shared>>)
      tpu.yield
    }) : () -> ()
    %mul3A_15 = arith.constant 640 : i32
    %mul3A_16 = arith.muli %arg1, %mul3A_15 : i32
    %add3A_17 = arith.constant 384 : i32
    %add3A_18 = arith.addi %mul3A_16, %add3A_17 : i32
    "tpu.region"() ({
      %run_scoped3A = tpu.sem_alloc : memref<!tpu.dma_semaphore, #tpu.memory_space<semaphore_mem>>
      %dma_start3A = arith.constant 0 : i32
      %dma_start3A_49 = tpu.memref_slice %arg11[%add3A_18, %dma_start3A] : memref<10240x128xf32, #tpu.memory_space<vmem_shared>> -> memref<128x128xf32, #tpu.memory_space<vmem_shared>>
      %dma_start3A_50 = arith.constant 0 : i32
      %dma_start3A_51 = tpu.memref_slice %arg11[%add3A_18, %dma_start3A_50] : memref<10240x128xf32, #tpu.memory_space<vmem_shared>> -> memref<128x128xf32, #tpu.memory_space<vmem_shared>>
      tpu.enqueue_dma source(%arg9 : memref<128x128xf32, #tpu.memory_space<vmem>>) target(%dma_start3A_51 : memref<128x128xf32, #tpu.memory_space<vmem_shared>>) target_semaphore(%run_scoped3A : memref<!tpu.dma_semaphore, #tpu.memory_space<semaphore_mem>>)
      %dma_wait3A = arith.constant 0 : i32
      %dma_wait3A_52 = tpu.memref_slice %arg11[%add3A_18, %dma_wait3A] : memref<10240x128xf32, #tpu.memory_space<vmem_shared>> -> memref<128x128xf32, #tpu.memory_space<vmem_shared>>
      %dma_wait3A_53 = arith.constant 0 : i32
      %dma_wait3A_54 = tpu.memref_slice %arg11[%add3A_18, %dma_wait3A_53] : memref<10240x128xf32, #tpu.memory_space<vmem_shared>> -> memref<128x128xf32, #tpu.memory_space<vmem_shared>>
      tpu.wait_dma2 semaphore(%run_scoped3A : memref<!tpu.dma_semaphore, #tpu.memory_space<semaphore_mem>>) src(%arg9 : memref<128x128xf32, #tpu.memory_space<vmem>>) dst(%dma_wait3A_54 : memref<128x128xf32, #tpu.memory_space<vmem_shared>>)
      tpu.yield
    }) : () -> ()
    %mul3A_19 = arith.constant 640 : i32
    %mul3A_20 = arith.muli %arg1, %mul3A_19 : i32
    %add3A_21 = arith.constant 512 : i32
    %add3A_22 = arith.addi %mul3A_20, %add3A_21 : i32
    "tpu.region"() ({
      %run_scoped3A = tpu.sem_alloc : memref<!tpu.dma_semaphore, #tpu.memory_space<semaphore_mem>>
      %dma_start3A = arith.constant 0 : i32
      %dma_start3A_49 = tpu.memref_slice %arg11[%add3A_22, %dma_start3A] : memref<10240x128xf32, #tpu.memory_space<vmem_shared>> -> memref<128x128xf32, #tpu.memory_space<vmem_shared>>
      %dma_start3A_50 = arith.constant 0 : i32
      %dma_start3A_51 = tpu.memref_slice %arg11[%add3A_22, %dma_start3A_50] : memref<10240x128xf32, #tpu.memory_space<vmem_shared>> -> memref<128x128xf32, #tpu.memory_space<vmem_shared>>
      tpu.enqueue_dma source(%arg9 : memref<128x128xf32, #tpu.memory_space<vmem>>) target(%dma_start3A_51 : memref<128x128xf32, #tpu.memory_space<vmem_shared>>) target_semaphore(%run_scoped3A : memref<!tpu.dma_semaphore, #tpu.memory_space<semaphore_mem>>)
      %dma_wait3A = arith.constant 0 : i32
      %dma_wait3A_52 = tpu.memref_slice %arg11[%add3A_22, %dma_wait3A] : memref<10240x128xf32, #tpu.memory_space<vmem_shared>> -> memref<128x128xf32, #tpu.memory_space<vmem_shared>>
      %dma_wait3A_53 = arith.constant 0 : i32
      %dma_wait3A_54 = tpu.memref_slice %arg11[%add3A_22, %dma_wait3A_53] : memref<10240x128xf32, #tpu.memory_space<vmem_shared>> -> memref<128x128xf32, #tpu.memory_space<vmem_shared>>
      tpu.wait_dma2 semaphore(%run_scoped3A : memref<!tpu.dma_semaphore, #tpu.memory_space<semaphore_mem>>) src(%arg9 : memref<128x128xf32, #tpu.memory_space<vmem>>) dst(%dma_wait3A_54 : memref<128x128xf32, #tpu.memory_space<vmem_shared>>)
      tpu.yield
    }) : () -> ()
    %barrier3A = arith.constant 0 : index
    tpu.barrier barrier_id(%barrier3A)
    %scan3A = arith.constant 0 : i32
    %scan3A_23 = arith.constant 0 : i32
    %scan3A_24 = arith.constant 10 : i32
    %scan3A_25 = arith.addi %scan3A_23, %scan3A_24 : i32
    %scan3A_26 = arith.constant 1 : i32
    scf.for %scan3A_49 = %scan3A_23 to %scan3A_25 step %scan3A_26  : i32 {
      %mul3A_50 = arith.constant 8 : i32
      %mul3A_51 = arith.muli %scan3A_49, %mul3A_50 : i32
      %add3A_52 = arith.addi %mul3A_2, %mul3A_51 : i32
      "tpu.region"() ({
        %run_scoped3A = tpu.sem_alloc : memref<!tpu.dma_semaphore, #tpu.memory_space<semaphore_mem>>
        %dma_start3A_275 = arith.constant 0 : i32
        %dma_start3A_276 = tpu.memref_slice %arg2[%add3A_52, %dma_start3A_275] : memref<2560x128xi32, #tpu.memory_space<hbm>> -> memref<8x128xi32, #tpu.memory_space<hbm>>
        %dma_start3A_277 = arith.constant 0 : i32
        %dma_start3A_278 = tpu.memref_slice %arg2[%add3A_52, %dma_start3A_277] : memref<2560x128xi32, #tpu.memory_space<hbm>> -> memref<8x128xi32, #tpu.memory_space<hbm>>
        tpu.enqueue_dma source(%dma_start3A_278 : memref<8x128xi32, #tpu.memory_space<hbm>>) target(%arg7 : memref<8x128xi32, #tpu.memory_space<vmem>>) target_semaphore(%run_scoped3A : memref<!tpu.dma_semaphore, #tpu.memory_space<semaphore_mem>>)
        %dma_wait3A_279 = arith.constant 0 : i32
        %dma_wait3A_280 = tpu.memref_slice %arg2[%add3A_52, %dma_wait3A_279] : memref<2560x128xi32, #tpu.memory_space<hbm>> -> memref<8x128xi32, #tpu.memory_space<hbm>>
        %dma_wait3A_281 = arith.constant 0 : i32
        %dma_wait3A_282 = tpu.memref_slice %arg2[%add3A_52, %dma_wait3A_281] : memref<2560x128xi32, #tpu.memory_space<hbm>> -> memref<8x128xi32, #tpu.memory_space<hbm>>
        tpu.wait_dma2 semaphore(%run_scoped3A : memref<!tpu.dma_semaphore, #tpu.memory_space<semaphore_mem>>) src(%dma_wait3A_282 : memref<8x128xi32, #tpu.memory_space<hbm>>) dst(%arg7 : memref<8x128xi32, #tpu.memory_space<vmem>>)
        tpu.yield
      }) : () -> ()
      "tpu.region"() ({
        %run_scoped3A = tpu.sem_alloc : memref<!tpu.dma_semaphore, #tpu.memory_space<semaphore_mem>>
        %dma_start3A_275 = arith.constant 0 : i32
        %dma_start3A_276 = tpu.memref_slice %arg3[%add3A_52, %dma_start3A_275] : memref<2560x128xi32, #tpu.memory_space<hbm>> -> memref<8x128xi32, #tpu.memory_space<hbm>>
        %dma_start3A_277 = arith.constant 0 : i32
        %dma_start3A_278 = tpu.memref_slice %arg3[%add3A_52, %dma_start3A_277] : memref<2560x128xi32, #tpu.memory_space<hbm>> -> memref<8x128xi32, #tpu.memory_space<hbm>>
        tpu.enqueue_dma source(%dma_start3A_278 : memref<8x128xi32, #tpu.memory_space<hbm>>) target(%arg8 : memref<8x128xi32, #tpu.memory_space<vmem>>) target_semaphore(%run_scoped3A : memref<!tpu.dma_semaphore, #tpu.memory_space<semaphore_mem>>)
        %dma_wait3A_279 = arith.constant 0 : i32
        %dma_wait3A_280 = tpu.memref_slice %arg3[%add3A_52, %dma_wait3A_279] : memref<2560x128xi32, #tpu.memory_space<hbm>> -> memref<8x128xi32, #tpu.memory_space<hbm>>
        %dma_wait3A_281 = arith.constant 0 : i32
        %dma_wait3A_282 = tpu.memref_slice %arg3[%add3A_52, %dma_wait3A_281] : memref<2560x128xi32, #tpu.memory_space<hbm>> -> memref<8x128xi32, #tpu.memory_space<hbm>>
        tpu.wait_dma2 semaphore(%run_scoped3A : memref<!tpu.dma_semaphore, #tpu.memory_space<semaphore_mem>>) src(%dma_wait3A_282 : memref<8x128xi32, #tpu.memory_space<hbm>>) dst(%arg8 : memref<8x128xi32, #tpu.memory_space<vmem>>)
        tpu.yield
      }) : () -> ()
      %dma_start3A = arith.constant 0 : i32
      %dma_start3A_53 = arith.constant 0 : i32
      %dma_start3A_54 = tpu.memref_slice %arg7[%dma_start3A, %dma_start3A_53] : memref<8x128xi32, #tpu.memory_space<vmem>> -> memref<1x128xi32, #tpu.memory_space<vmem>>
      %dma_start3A_55 = tpu.memref_squeeze %dma_start3A_54 : memref<1x128xi32, #tpu.memory_space<vmem>> -> memref<128xi32, #tpu.memory_space<vmem>>
      %dma_start3A_56 = arith.constant 0 : i32
      %dma_start3A_57 = arith.constant 0 : i32
      %dma_start3A_58 = tpu.memref_slice %arg4[%dma_start3A_56, %dma_start3A_57] : memref<10240x128xf32, #tpu.memory_space<hbm>> -> memref<10240x128xf32, #tpu.memory_space<hbm>>
      tpu.enqueue_indirect_dma source(%dma_start3A_58 : memref<10240x128xf32, #tpu.memory_space<hbm>>) target(%arg9 : memref<128x128xf32, #tpu.memory_space<vmem>>) offsets(%dma_start3A_55 : memref<128xi32, #tpu.memory_space<vmem>>) semaphore(%arg12 : memref<!tpu.dma_semaphore, #tpu.memory_space<semaphore_mem>>)
      %dma_start3A_59 = arith.constant 1 : i32
      %dma_start3A_60 = arith.constant 0 : i32
      %dma_start3A_61 = tpu.memref_slice %arg7[%dma_start3A_59, %dma_start3A_60] : memref<8x128xi32, #tpu.memory_space<vmem>> -> memref<1x128xi32, #tpu.memory_space<vmem>>
      %dma_start3A_62 = tpu.memref_squeeze %dma_start3A_61 : memref<1x128xi32, #tpu.memory_space<vmem>> -> memref<128xi32, #tpu.memory_space<vmem>>
      %dma_start3A_63 = arith.constant 0 : i32
      %dma_start3A_64 = arith.constant 0 : i32
      %dma_start3A_65 = tpu.memref_slice %arg4[%dma_start3A_63, %dma_start3A_64] : memref<10240x128xf32, #tpu.memory_space<hbm>> -> memref<10240x128xf32, #tpu.memory_space<hbm>>
      tpu.enqueue_indirect_dma source(%dma_start3A_65 : memref<10240x128xf32, #tpu.memory_space<hbm>>) target(%arg10 : memref<128x128xf32, #tpu.memory_space<vmem>>) offsets(%dma_start3A_62 : memref<128xi32, #tpu.memory_space<vmem>>) semaphore(%arg13 : memref<!tpu.dma_semaphore, #tpu.memory_space<semaphore_mem>>)
      %dma_wait3A = arith.constant 0 : i32
      %dma_wait3A_66 = arith.constant 0 : i32
      %dma_wait3A_67 = tpu.memref_slice %arg7[%dma_wait3A, %dma_wait3A_66] : memref<8x128xi32, #tpu.memory_space<vmem>> -> memref<1x128xi32, #tpu.memory_space<vmem>>
      %dma_wait3A_68 = tpu.memref_squeeze %dma_wait3A_67 : memref<1x128xi32, #tpu.memory_space<vmem>> -> memref<128xi32, #tpu.memory_space<vmem>>
      %dma_wait3A_69 = arith.constant 0 : i32
      %dma_wait3A_70 = arith.constant 0 : i32
      %dma_wait3A_71 = tpu.memref_slice %arg4[%dma_wait3A_69, %dma_wait3A_70] : memref<10240x128xf32, #tpu.memory_space<hbm>> -> memref<10240x128xf32, #tpu.memory_space<hbm>>
      tpu.wait_indirect_dma semaphore(%arg12 : memref<!tpu.dma_semaphore, #tpu.memory_space<semaphore_mem>>) src(%dma_wait3A_71 : memref<10240x128xf32, #tpu.memory_space<hbm>>) dst(%arg9 : memref<128x128xf32, #tpu.memory_space<vmem>>)
      %dma_start3A_72 = arith.constant 0 : i32
      %dma_start3A_73 = arith.constant 0 : i32
      %dma_start3A_74 = tpu.memref_slice %arg8[%dma_start3A_72, %dma_start3A_73] : memref<8x128xi32, #tpu.memory_space<vmem>> -> memref<1x128xi32, #tpu.memory_space<vmem>>
      %dma_start3A_75 = tpu.memref_squeeze %dma_start3A_74 : memref<1x128xi32, #tpu.memory_space<vmem>> -> memref<128xi32, #tpu.memory_space<vmem>>
      %dma_start3A_76 = arith.constant 0 : i32
      %dma_start3A_77 = arith.constant 0 : i32
      %dma_start3A_78 = tpu.memref_slice %arg11[%dma_start3A_76, %dma_start3A_77] : memref<10240x128xf32, #tpu.memory_space<vmem_shared>> -> memref<10240x128xf32, #tpu.memory_space<vmem_shared>>
      tpu.enqueue_indirect_dma source(%arg9 : memref<128x128xf32, #tpu.memory_space<vmem>>) target(%dma_start3A_78 : memref<10240x128xf32, #tpu.memory_space<vmem_shared>>) offsets(%dma_start3A_75 : memref<128xi32, #tpu.memory_space<vmem>>) semaphore(%arg14 : memref<!tpu.dma_semaphore, #tpu.memory_space<semaphore_mem>>) {add = true}
      %dma_wait3A_79 = arith.constant 0 : i32
      %dma_wait3A_80 = arith.constant 0 : i32
      %dma_wait3A_81 = tpu.memref_slice %arg8[%dma_wait3A_79, %dma_wait3A_80] : memref<8x128xi32, #tpu.memory_space<vmem>> -> memref<1x128xi32, #tpu.memory_space<vmem>>
      %dma_wait3A_82 = tpu.memref_squeeze %dma_wait3A_81 : memref<1x128xi32, #tpu.memory_space<vmem>> -> memref<128xi32, #tpu.memory_space<vmem>>
      %dma_wait3A_83 = arith.constant 0 : i32
      %dma_wait3A_84 = arith.constant 0 : i32
      %dma_wait3A_85 = tpu.memref_slice %arg11[%dma_wait3A_83, %dma_wait3A_84] : memref<10240x128xf32, #tpu.memory_space<vmem_shared>> -> memref<10240x128xf32, #tpu.memory_space<vmem_shared>>
      tpu.wait_indirect_dma semaphore(%arg14 : memref<!tpu.dma_semaphore, #tpu.memory_space<semaphore_mem>>) src(%arg9 : memref<128x128xf32, #tpu.memory_space<vmem>>) dst(%dma_wait3A_85 : memref<10240x128xf32, #tpu.memory_space<vmem_shared>>)
      %dma_start3A_86 = arith.constant 2 : i32
      %dma_start3A_87 = arith.constant 0 : i32
      %dma_start3A_88 = tpu.memref_slice %arg7[%dma_start3A_86, %dma_start3A_87] : memref<8x128xi32, #tpu.memory_space<vmem>> -> memref<1x128xi32, #tpu.memory_space<vmem>>
      %dma_start3A_89 = tpu.memref_squeeze %dma_start3A_88 : memref<1x128xi32, #tpu.memory_space<vmem>> -> memref<128xi32, #tpu.memory_space<vmem>>
      %dma_start3A_90 = arith.constant 0 : i32
      %dma_start3A_91 = arith.constant 0 : i32
      %dma_start3A_92 = tpu.memref_slice %arg4[%dma_start3A_90, %dma_start3A_91] : memref<10240x128xf32, #tpu.memory_space<hbm>> -> memref<10240x128xf32, #tpu.memory_space<hbm>>
      tpu.enqueue_indirect_dma source(%dma_start3A_92 : memref<10240x128xf32, #tpu.memory_space<hbm>>) target(%arg9 : memref<128x128xf32, #tpu.memory_space<vmem>>) offsets(%dma_start3A_89 : memref<128xi32, #tpu.memory_space<vmem>>) semaphore(%arg12 : memref<!tpu.dma_semaphore, #tpu.memory_space<semaphore_mem>>)
      %dma_wait3A_93 = arith.constant 1 : i32
      %dma_wait3A_94 = arith.constant 0 : i32
      %dma_wait3A_95 = tpu.memref_slice %arg7[%dma_wait3A_93, %dma_wait3A_94] : memref<8x128xi32, #tpu.memory_space<vmem>> -> memref<1x128xi32, #tpu.memory_space<vmem>>
      %dma_wait3A_96 = tpu.memref_squeeze %dma_wait3A_95 : memref<1x128xi32, #tpu.memory_space<vmem>> -> memref<128xi32, #tpu.memory_space<vmem>>
      %dma_wait3A_97 = arith.constant 0 : i32
      %dma_wait3A_98 = arith.constant 0 : i32
      %dma_wait3A_99 = tpu.memref_slice %arg4[%dma_wait3A_97, %dma_wait3A_98] : memref<10240x128xf32, #tpu.memory_space<hbm>> -> memref<10240x128xf32, #tpu.memory_space<hbm>>
      tpu.wait_indirect_dma semaphore(%arg13 : memref<!tpu.dma_semaphore, #tpu.memory_space<semaphore_mem>>) src(%dma_wait3A_99 : memref<10240x128xf32, #tpu.memory_space<hbm>>) dst(%arg10 : memref<128x128xf32, #tpu.memory_space<vmem>>)
      %dma_start3A_100 = arith.constant 1 : i32
      %dma_start3A_101 = arith.constant 0 : i32
      %dma_start3A_102 = tpu.memref_slice %arg8[%dma_start3A_100, %dma_start3A_101] : memref<8x128xi32, #tpu.memory_space<vmem>> -> memref<1x128xi32, #tpu.memory_space<vmem>>
      %dma_start3A_103 = tpu.memref_squeeze %dma_start3A_102 : memref<1x128xi32, #tpu.memory_space<vmem>> -> memref<128xi32, #tpu.memory_space<vmem>>
      %dma_start3A_104 = arith.constant 0 : i32
      %dma_start3A_105 = arith.constant 0 : i32
      %dma_start3A_106 = tpu.memref_slice %arg11[%dma_start3A_104, %dma_start3A_105] : memref<10240x128xf32, #tpu.memory_space<vmem_shared>> -> memref<10240x128xf32, #tpu.memory_space<vmem_shared>>
      tpu.enqueue_indirect_dma source(%arg10 : memref<128x128xf32, #tpu.memory_space<vmem>>) target(%dma_start3A_106 : memref<10240x128xf32, #tpu.memory_space<vmem_shared>>) offsets(%dma_start3A_103 : memref<128xi32, #tpu.memory_space<vmem>>) semaphore(%arg15 : memref<!tpu.dma_semaphore, #tpu.memory_space<semaphore_mem>>) {add = true}
      %dma_wait3A_107 = arith.constant 1 : i32
      %dma_wait3A_108 = arith.constant 0 : i32
      %dma_wait3A_109 = tpu.memref_slice %arg8[%dma_wait3A_107, %dma_wait3A_108] : memref<8x128xi32, #tpu.memory_space<vmem>> -> memref<1x128xi32, #tpu.memory_space<vmem>>
      %dma_wait3A_110 = tpu.memref_squeeze %dma_wait3A_109 : memref<1x128xi32, #tpu.memory_space<vmem>> -> memref<128xi32, #tpu.memory_space<vmem>>
      %dma_wait3A_111 = arith.constant 0 : i32
      %dma_wait3A_112 = arith.constant 0 : i32
      %dma_wait3A_113 = tpu.memref_slice %arg11[%dma_wait3A_111, %dma_wait3A_112] : memref<10240x128xf32, #tpu.memory_space<vmem_shared>> -> memref<10240x128xf32, #tpu.memory_space<vmem_shared>>
      tpu.wait_indirect_dma semaphore(%arg15 : memref<!tpu.dma_semaphore, #tpu.memory_space<semaphore_mem>>) src(%arg10 : memref<128x128xf32, #tpu.memory_space<vmem>>) dst(%dma_wait3A_113 : memref<10240x128xf32, #tpu.memory_space<vmem_shared>>)
      %dma_start3A_114 = arith.constant 3 : i32
      %dma_start3A_115 = arith.constant 0 : i32
      %dma_start3A_116 = tpu.memref_slice %arg7[%dma_start3A_114, %dma_start3A_115] : memref<8x128xi32, #tpu.memory_space<vmem>> -> memref<1x128xi32, #tpu.memory_space<vmem>>
      %dma_start3A_117 = tpu.memref_squeeze %dma_start3A_116 : memref<1x128xi32, #tpu.memory_space<vmem>> -> memref<128xi32, #tpu.memory_space<vmem>>
      %dma_start3A_118 = arith.constant 0 : i32
      %dma_start3A_119 = arith.constant 0 : i32
      %dma_start3A_120 = tpu.memref_slice %arg4[%dma_start3A_118, %dma_start3A_119] : memref<10240x128xf32, #tpu.memory_space<hbm>> -> memref<10240x128xf32, #tpu.memory_space<hbm>>
      tpu.enqueue_indirect_dma source(%dma_start3A_120 : memref<10240x128xf32, #tpu.memory_space<hbm>>) target(%arg10 : memref<128x128xf32, #tpu.memory_space<vmem>>) offsets(%dma_start3A_117 : memref<128xi32, #tpu.memory_space<vmem>>) semaphore(%arg13 : memref<!tpu.dma_semaphore, #tpu.memory_space<semaphore_mem>>)
      %dma_wait3A_121 = arith.constant 2 : i32
      %dma_wait3A_122 = arith.constant 0 : i32
      %dma_wait3A_123 = tpu.memref_slice %arg7[%dma_wait3A_121, %dma_wait3A_122] : memref<8x128xi32, #tpu.memory_space<vmem>> -> memref<1x128xi32, #tpu.memory_space<vmem>>
      %dma_wait3A_124 = tpu.memref_squeeze %dma_wait3A_123 : memref<1x128xi32, #tpu.memory_space<vmem>> -> memref<128xi32, #tpu.memory_space<vmem>>
      %dma_wait3A_125 = arith.constant 0 : i32
      %dma_wait3A_126 = arith.constant 0 : i32
      %dma_wait3A_127 = tpu.memref_slice %arg4[%dma_wait3A_125, %dma_wait3A_126] : memref<10240x128xf32, #tpu.memory_space<hbm>> -> memref<10240x128xf32, #tpu.memory_space<hbm>>
      tpu.wait_indirect_dma semaphore(%arg12 : memref<!tpu.dma_semaphore, #tpu.memory_space<semaphore_mem>>) src(%dma_wait3A_127 : memref<10240x128xf32, #tpu.memory_space<hbm>>) dst(%arg9 : memref<128x128xf32, #tpu.memory_space<vmem>>)
      %dma_start3A_128 = arith.constant 2 : i32
      %dma_start3A_129 = arith.constant 0 : i32
      %dma_start3A_130 = tpu.memref_slice %arg8[%dma_start3A_128, %dma_start3A_129] : memref<8x128xi32, #tpu.memory_space<vmem>> -> memref<1x128xi32, #tpu.memory_space<vmem>>
      %dma_start3A_131 = tpu.memref_squeeze %dma_start3A_130 : memref<1x128xi32, #tpu.memory_space<vmem>> -> memref<128xi32, #tpu.memory_space<vmem>>
      %dma_start3A_132 = arith.constant 0 : i32
      %dma_start3A_133 = arith.constant 0 : i32
      %dma_start3A_134 = tpu.memref_slice %arg11[%dma_start3A_132, %dma_start3A_133] : memref<10240x128xf32, #tpu.memory_space<vmem_shared>> -> memref<10240x128xf32, #tpu.memory_space<vmem_shared>>
      tpu.enqueue_indirect_dma source(%arg9 : memref<128x128xf32, #tpu.memory_space<vmem>>) target(%dma_start3A_134 : memref<10240x128xf32, #tpu.memory_space<vmem_shared>>) offsets(%dma_start3A_131 : memref<128xi32, #tpu.memory_space<vmem>>) semaphore(%arg14 : memref<!tpu.dma_semaphore, #tpu.memory_space<semaphore_mem>>) {add = true}
      %dma_wait3A_135 = arith.constant 2 : i32
      %dma_wait3A_136 = arith.constant 0 : i32
      %dma_wait3A_137 = tpu.memref_slice %arg8[%dma_wait3A_135, %dma_wait3A_136] : memref<8x128xi32, #tpu.memory_space<vmem>> -> memref<1x128xi32, #tpu.memory_space<vmem>>
      %dma_wait3A_138 = tpu.memref_squeeze %dma_wait3A_137 : memref<1x128xi32, #tpu.memory_space<vmem>> -> memref<128xi32, #tpu.memory_space<vmem>>
      %dma_wait3A_139 = arith.constant 0 : i32
      %dma_wait3A_140 = arith.constant 0 : i32
      %dma_wait3A_141 = tpu.memref_slice %arg11[%dma_wait3A_139, %dma_wait3A_140] : memref<10240x128xf32, #tpu.memory_space<vmem_shared>> -> memref<10240x128xf32, #tpu.memory_space<vmem_shared>>
      tpu.wait_indirect_dma semaphore(%arg14 : memref<!tpu.dma_semaphore, #tpu.memory_space<semaphore_mem>>) src(%arg9 : memref<128x128xf32, #tpu.memory_space<vmem>>) dst(%dma_wait3A_141 : memref<10240x128xf32, #tpu.memory_space<vmem_shared>>)
      %dma_start3A_142 = arith.constant 4 : i32
      %dma_start3A_143 = arith.constant 0 : i32
      %dma_start3A_144 = tpu.memref_slice %arg7[%dma_start3A_142, %dma_start3A_143] : memref<8x128xi32, #tpu.memory_space<vmem>> -> memref<1x128xi32, #tpu.memory_space<vmem>>
      %dma_start3A_145 = tpu.memref_squeeze %dma_start3A_144 : memref<1x128xi32, #tpu.memory_space<vmem>> -> memref<128xi32, #tpu.memory_space<vmem>>
      %dma_start3A_146 = arith.constant 0 : i32
      %dma_start3A_147 = arith.constant 0 : i32
      %dma_start3A_148 = tpu.memref_slice %arg4[%dma_start3A_146, %dma_start3A_147] : memref<10240x128xf32, #tpu.memory_space<hbm>> -> memref<10240x128xf32, #tpu.memory_space<hbm>>
      tpu.enqueue_indirect_dma source(%dma_start3A_148 : memref<10240x128xf32, #tpu.memory_space<hbm>>) target(%arg9 : memref<128x128xf32, #tpu.memory_space<vmem>>) offsets(%dma_start3A_145 : memref<128xi32, #tpu.memory_space<vmem>>) semaphore(%arg12 : memref<!tpu.dma_semaphore, #tpu.memory_space<semaphore_mem>>)
      %dma_wait3A_149 = arith.constant 3 : i32
      %dma_wait3A_150 = arith.constant 0 : i32
      %dma_wait3A_151 = tpu.memref_slice %arg7[%dma_wait3A_149, %dma_wait3A_150] : memref<8x128xi32, #tpu.memory_space<vmem>> -> memref<1x128xi32, #tpu.memory_space<vmem>>
      %dma_wait3A_152 = tpu.memref_squeeze %dma_wait3A_151 : memref<1x128xi32, #tpu.memory_space<vmem>> -> memref<128xi32, #tpu.memory_space<vmem>>
      %dma_wait3A_153 = arith.constant 0 : i32
      %dma_wait3A_154 = arith.constant 0 : i32
      %dma_wait3A_155 = tpu.memref_slice %arg4[%dma_wait3A_153, %dma_wait3A_154] : memref<10240x128xf32, #tpu.memory_space<hbm>> -> memref<10240x128xf32, #tpu.memory_space<hbm>>
      tpu.wait_indirect_dma semaphore(%arg13 : memref<!tpu.dma_semaphore, #tpu.memory_space<semaphore_mem>>) src(%dma_wait3A_155 : memref<10240x128xf32, #tpu.memory_space<hbm>>) dst(%arg10 : memref<128x128xf32, #tpu.memory_space<vmem>>)
      %dma_start3A_156 = arith.constant 3 : i32
      %dma_start3A_157 = arith.constant 0 : i32
      %dma_start3A_158 = tpu.memref_slice %arg8[%dma_start3A_156, %dma_start3A_157] : memref<8x128xi32, #tpu.memory_space<vmem>> -> memref<1x128xi32, #tpu.memory_space<vmem>>
      %dma_start3A_159 = tpu.memref_squeeze %dma_start3A_158 : memref<1x128xi32, #tpu.memory_space<vmem>> -> memref<128xi32, #tpu.memory_space<vmem>>
      %dma_start3A_160 = arith.constant 0 : i32
      %dma_start3A_161 = arith.constant 0 : i32
      %dma_start3A_162 = tpu.memref_slice %arg11[%dma_start3A_160, %dma_start3A_161] : memref<10240x128xf32, #tpu.memory_space<vmem_shared>> -> memref<10240x128xf32, #tpu.memory_space<vmem_shared>>
      tpu.enqueue_indirect_dma source(%arg10 : memref<128x128xf32, #tpu.memory_space<vmem>>) target(%dma_start3A_162 : memref<10240x128xf32, #tpu.memory_space<vmem_shared>>) offsets(%dma_start3A_159 : memref<128xi32, #tpu.memory_space<vmem>>) semaphore(%arg15 : memref<!tpu.dma_semaphore, #tpu.memory_space<semaphore_mem>>) {add = true}
      %dma_wait3A_163 = arith.constant 3 : i32
      %dma_wait3A_164 = arith.constant 0 : i32
      %dma_wait3A_165 = tpu.memref_slice %arg8[%dma_wait3A_163, %dma_wait3A_164] : memref<8x128xi32, #tpu.memory_space<vmem>> -> memref<1x128xi32, #tpu.memory_space<vmem>>
      %dma_wait3A_166 = tpu.memref_squeeze %dma_wait3A_165 : memref<1x128xi32, #tpu.memory_space<vmem>> -> memref<128xi32, #tpu.memory_space<vmem>>
      %dma_wait3A_167 = arith.constant 0 : i32
      %dma_wait3A_168 = arith.constant 0 : i32
      %dma_wait3A_169 = tpu.memref_slice %arg11[%dma_wait3A_167, %dma_wait3A_168] : memref<10240x128xf32, #tpu.memory_space<vmem_shared>> -> memref<10240x128xf32, #tpu.memory_space<vmem_shared>>
      tpu.wait_indirect_dma semaphore(%arg15 : memref<!tpu.dma_semaphore, #tpu.memory_space<semaphore_mem>>) src(%arg10 : memref<128x128xf32, #tpu.memory_space<vmem>>) dst(%dma_wait3A_169 : memref<10240x128xf32, #tpu.memory_space<vmem_shared>>)
      %dma_start3A_170 = arith.constant 5 : i32
      %dma_start3A_171 = arith.constant 0 : i32
      %dma_start3A_172 = tpu.memref_slice %arg7[%dma_start3A_170, %dma_start3A_171] : memref<8x128xi32, #tpu.memory_space<vmem>> -> memref<1x128xi32, #tpu.memory_space<vmem>>
      %dma_start3A_173 = tpu.memref_squeeze %dma_start3A_172 : memref<1x128xi32, #tpu.memory_space<vmem>> -> memref<128xi32, #tpu.memory_space<vmem>>
      %dma_start3A_174 = arith.constant 0 : i32
      %dma_start3A_175 = arith.constant 0 : i32
      %dma_start3A_176 = tpu.memref_slice %arg4[%dma_start3A_174, %dma_start3A_175] : memref<10240x128xf32, #tpu.memory_space<hbm>> -> memref<10240x128xf32, #tpu.memory_space<hbm>>
      tpu.enqueue_indirect_dma source(%dma_start3A_176 : memref<10240x128xf32, #tpu.memory_space<hbm>>) target(%arg10 : memref<128x128xf32, #tpu.memory_space<vmem>>) offsets(%dma_start3A_173 : memref<128xi32, #tpu.memory_space<vmem>>) semaphore(%arg13 : memref<!tpu.dma_semaphore, #tpu.memory_space<semaphore_mem>>)
      %dma_wait3A_177 = arith.constant 4 : i32
      %dma_wait3A_178 = arith.constant 0 : i32
      %dma_wait3A_179 = tpu.memref_slice %arg7[%dma_wait3A_177, %dma_wait3A_178] : memref<8x128xi32, #tpu.memory_space<vmem>> -> memref<1x128xi32, #tpu.memory_space<vmem>>
      %dma_wait3A_180 = tpu.memref_squeeze %dma_wait3A_179 : memref<1x128xi32, #tpu.memory_space<vmem>> -> memref<128xi32, #tpu.memory_space<vmem>>
      %dma_wait3A_181 = arith.constant 0 : i32
      %dma_wait3A_182 = arith.constant 0 : i32
      %dma_wait3A_183 = tpu.memref_slice %arg4[%dma_wait3A_181, %dma_wait3A_182] : memref<10240x128xf32, #tpu.memory_space<hbm>> -> memref<10240x128xf32, #tpu.memory_space<hbm>>
      tpu.wait_indirect_dma semaphore(%arg12 : memref<!tpu.dma_semaphore, #tpu.memory_space<semaphore_mem>>) src(%dma_wait3A_183 : memref<10240x128xf32, #tpu.memory_space<hbm>>) dst(%arg9 : memref<128x128xf32, #tpu.memory_space<vmem>>)
      %dma_start3A_184 = arith.constant 4 : i32
      %dma_start3A_185 = arith.constant 0 : i32
      %dma_start3A_186 = tpu.memref_slice %arg8[%dma_start3A_184, %dma_start3A_185] : memref<8x128xi32, #tpu.memory_space<vmem>> -> memref<1x128xi32, #tpu.memory_space<vmem>>
      %dma_start3A_187 = tpu.memref_squeeze %dma_start3A_186 : memref<1x128xi32, #tpu.memory_space<vmem>> -> memref<128xi32, #tpu.memory_space<vmem>>
      %dma_start3A_188 = arith.constant 0 : i32
      %dma_start3A_189 = arith.constant 0 : i32
      %dma_start3A_190 = tpu.memref_slice %arg11[%dma_start3A_188, %dma_start3A_189] : memref<10240x128xf32, #tpu.memory_space<vmem_shared>> -> memref<10240x128xf32, #tpu.memory_space<vmem_shared>>
      tpu.enqueue_indirect_dma source(%arg9 : memref<128x128xf32, #tpu.memory_space<vmem>>) target(%dma_start3A_190 : memref<10240x128xf32, #tpu.memory_space<vmem_shared>>) offsets(%dma_start3A_187 : memref<128xi32, #tpu.memory_space<vmem>>) semaphore(%arg14 : memref<!tpu.dma_semaphore, #tpu.memory_space<semaphore_mem>>) {add = true}
      %dma_wait3A_191 = arith.constant 4 : i32
      %dma_wait3A_192 = arith.constant 0 : i32
      %dma_wait3A_193 = tpu.memref_slice %arg8[%dma_wait3A_191, %dma_wait3A_192] : memref<8x128xi32, #tpu.memory_space<vmem>> -> memref<1x128xi32, #tpu.memory_space<vmem>>
      %dma_wait3A_194 = tpu.memref_squeeze %dma_wait3A_193 : memref<1x128xi32, #tpu.memory_space<vmem>> -> memref<128xi32, #tpu.memory_space<vmem>>
      %dma_wait3A_195 = arith.constant 0 : i32
      %dma_wait3A_196 = arith.constant 0 : i32
      %dma_wait3A_197 = tpu.memref_slice %arg11[%dma_wait3A_195, %dma_wait3A_196] : memref<10240x128xf32, #tpu.memory_space<vmem_shared>> -> memref<10240x128xf32, #tpu.memory_space<vmem_shared>>
      tpu.wait_indirect_dma semaphore(%arg14 : memref<!tpu.dma_semaphore, #tpu.memory_space<semaphore_mem>>) src(%arg9 : memref<128x128xf32, #tpu.memory_space<vmem>>) dst(%dma_wait3A_197 : memref<10240x128xf32, #tpu.memory_space<vmem_shared>>)
      %dma_start3A_198 = arith.constant 6 : i32
      %dma_start3A_199 = arith.constant 0 : i32
      %dma_start3A_200 = tpu.memref_slice %arg7[%dma_start3A_198, %dma_start3A_199] : memref<8x128xi32, #tpu.memory_space<vmem>> -> memref<1x128xi32, #tpu.memory_space<vmem>>
      %dma_start3A_201 = tpu.memref_squeeze %dma_start3A_200 : memref<1x128xi32, #tpu.memory_space<vmem>> -> memref<128xi32, #tpu.memory_space<vmem>>
      %dma_start3A_202 = arith.constant 0 : i32
      %dma_start3A_203 = arith.constant 0 : i32
      %dma_start3A_204 = tpu.memref_slice %arg4[%dma_start3A_202, %dma_start3A_203] : memref<10240x128xf32, #tpu.memory_space<hbm>> -> memref<10240x128xf32, #tpu.memory_space<hbm>>
      tpu.enqueue_indirect_dma source(%dma_start3A_204 : memref<10240x128xf32, #tpu.memory_space<hbm>>) target(%arg9 : memref<128x128xf32, #tpu.memory_space<vmem>>) offsets(%dma_start3A_201 : memref<128xi32, #tpu.memory_space<vmem>>) semaphore(%arg12 : memref<!tpu.dma_semaphore, #tpu.memory_space<semaphore_mem>>)
      %dma_wait3A_205 = arith.constant 5 : i32
      %dma_wait3A_206 = arith.constant 0 : i32
      %dma_wait3A_207 = tpu.memref_slice %arg7[%dma_wait3A_205, %dma_wait3A_206] : memref<8x128xi32, #tpu.memory_space<vmem>> -> memref<1x128xi32, #tpu.memory_space<vmem>>
      %dma_wait3A_208 = tpu.memref_squeeze %dma_wait3A_207 : memref<1x128xi32, #tpu.memory_space<vmem>> -> memref<128xi32, #tpu.memory_space<vmem>>
      %dma_wait3A_209 = arith.constant 0 : i32
      %dma_wait3A_210 = arith.constant 0 : i32
      %dma_wait3A_211 = tpu.memref_slice %arg4[%dma_wait3A_209, %dma_wait3A_210] : memref<10240x128xf32, #tpu.memory_space<hbm>> -> memref<10240x128xf32, #tpu.memory_space<hbm>>
      tpu.wait_indirect_dma semaphore(%arg13 : memref<!tpu.dma_semaphore, #tpu.memory_space<semaphore_mem>>) src(%dma_wait3A_211 : memref<10240x128xf32, #tpu.memory_space<hbm>>) dst(%arg10 : memref<128x128xf32, #tpu.memory_space<vmem>>)
      %dma_start3A_212 = arith.constant 5 : i32
      %dma_start3A_213 = arith.constant 0 : i32
      %dma_start3A_214 = tpu.memref_slice %arg8[%dma_start3A_212, %dma_start3A_213] : memref<8x128xi32, #tpu.memory_space<vmem>> -> memref<1x128xi32, #tpu.memory_space<vmem>>
      %dma_start3A_215 = tpu.memref_squeeze %dma_start3A_214 : memref<1x128xi32, #tpu.memory_space<vmem>> -> memref<128xi32, #tpu.memory_space<vmem>>
      %dma_start3A_216 = arith.constant 0 : i32
      %dma_start3A_217 = arith.constant 0 : i32
      %dma_start3A_218 = tpu.memref_slice %arg11[%dma_start3A_216, %dma_start3A_217] : memref<10240x128xf32, #tpu.memory_space<vmem_shared>> -> memref<10240x128xf32, #tpu.memory_space<vmem_shared>>
      tpu.enqueue_indirect_dma source(%arg10 : memref<128x128xf32, #tpu.memory_space<vmem>>) target(%dma_start3A_218 : memref<10240x128xf32, #tpu.memory_space<vmem_shared>>) offsets(%dma_start3A_215 : memref<128xi32, #tpu.memory_space<vmem>>) semaphore(%arg15 : memref<!tpu.dma_semaphore, #tpu.memory_space<semaphore_mem>>) {add = true}
      %dma_wait3A_219 = arith.constant 5 : i32
      %dma_wait3A_220 = arith.constant 0 : i32
      %dma_wait3A_221 = tpu.memref_slice %arg8[%dma_wait3A_219, %dma_wait3A_220] : memref<8x128xi32, #tpu.memory_space<vmem>> -> memref<1x128xi32, #tpu.memory_space<vmem>>
      %dma_wait3A_222 = tpu.memref_squeeze %dma_wait3A_221 : memref<1x128xi32, #tpu.memory_space<vmem>> -> memref<128xi32, #tpu.memory_space<vmem>>
      %dma_wait3A_223 = arith.constant 0 : i32
      %dma_wait3A_224 = arith.constant 0 : i32
      %dma_wait3A_225 = tpu.memref_slice %arg11[%dma_wait3A_223, %dma_wait3A_224] : memref<10240x128xf32, #tpu.memory_space<vmem_shared>> -> memref<10240x128xf32, #tpu.memory_space<vmem_shared>>
      tpu.wait_indirect_dma semaphore(%arg15 : memref<!tpu.dma_semaphore, #tpu.memory_space<semaphore_mem>>) src(%arg10 : memref<128x128xf32, #tpu.memory_space<vmem>>) dst(%dma_wait3A_225 : memref<10240x128xf32, #tpu.memory_space<vmem_shared>>)
      %dma_start3A_226 = arith.constant 7 : i32
      %dma_start3A_227 = arith.constant 0 : i32
      %dma_start3A_228 = tpu.memref_slice %arg7[%dma_start3A_226, %dma_start3A_227] : memref<8x128xi32, #tpu.memory_space<vmem>> -> memref<1x128xi32, #tpu.memory_space<vmem>>
      %dma_start3A_229 = tpu.memref_squeeze %dma_start3A_228 : memref<1x128xi32, #tpu.memory_space<vmem>> -> memref<128xi32, #tpu.memory_space<vmem>>
      %dma_start3A_230 = arith.constant 0 : i32
      %dma_start3A_231 = arith.constant 0 : i32
      %dma_start3A_232 = tpu.memref_slice %arg4[%dma_start3A_230, %dma_start3A_231] : memref<10240x128xf32, #tpu.memory_space<hbm>> -> memref<10240x128xf32, #tpu.memory_space<hbm>>
      tpu.enqueue_indirect_dma source(%dma_start3A_232 : memref<10240x128xf32, #tpu.memory_space<hbm>>) target(%arg10 : memref<128x128xf32, #tpu.memory_space<vmem>>) offsets(%dma_start3A_229 : memref<128xi32, #tpu.memory_space<vmem>>) semaphore(%arg13 : memref<!tpu.dma_semaphore, #tpu.memory_space<semaphore_mem>>)
      %dma_wait3A_233 = arith.constant 6 : i32
      %dma_wait3A_234 = arith.constant 0 : i32
      %dma_wait3A_235 = tpu.memref_slice %arg7[%dma_wait3A_233, %dma_wait3A_234] : memref<8x128xi32, #tpu.memory_space<vmem>> -> memref<1x128xi32, #tpu.memory_space<vmem>>
      %dma_wait3A_236 = tpu.memref_squeeze %dma_wait3A_235 : memref<1x128xi32, #tpu.memory_space<vmem>> -> memref<128xi32, #tpu.memory_space<vmem>>
      %dma_wait3A_237 = arith.constant 0 : i32
      %dma_wait3A_238 = arith.constant 0 : i32
      %dma_wait3A_239 = tpu.memref_slice %arg4[%dma_wait3A_237, %dma_wait3A_238] : memref<10240x128xf32, #tpu.memory_space<hbm>> -> memref<10240x128xf32, #tpu.memory_space<hbm>>
      tpu.wait_indirect_dma semaphore(%arg12 : memref<!tpu.dma_semaphore, #tpu.memory_space<semaphore_mem>>) src(%dma_wait3A_239 : memref<10240x128xf32, #tpu.memory_space<hbm>>) dst(%arg9 : memref<128x128xf32, #tpu.memory_space<vmem>>)
      %dma_start3A_240 = arith.constant 6 : i32
      %dma_start3A_241 = arith.constant 0 : i32
      %dma_start3A_242 = tpu.memref_slice %arg8[%dma_start3A_240, %dma_start3A_241] : memref<8x128xi32, #tpu.memory_space<vmem>> -> memref<1x128xi32, #tpu.memory_space<vmem>>
      %dma_start3A_243 = tpu.memref_squeeze %dma_start3A_242 : memref<1x128xi32, #tpu.memory_space<vmem>> -> memref<128xi32, #tpu.memory_space<vmem>>
      %dma_start3A_244 = arith.constant 0 : i32
      %dma_start3A_245 = arith.constant 0 : i32
      %dma_start3A_246 = tpu.memref_slice %arg11[%dma_start3A_244, %dma_start3A_245] : memref<10240x128xf32, #tpu.memory_space<vmem_shared>> -> memref<10240x128xf32, #tpu.memory_space<vmem_shared>>
      tpu.enqueue_indirect_dma source(%arg9 : memref<128x128xf32, #tpu.memory_space<vmem>>) target(%dma_start3A_246 : memref<10240x128xf32, #tpu.memory_space<vmem_shared>>) offsets(%dma_start3A_243 : memref<128xi32, #tpu.memory_space<vmem>>) semaphore(%arg14 : memref<!tpu.dma_semaphore, #tpu.memory_space<semaphore_mem>>) {add = true}
      %dma_wait3A_247 = arith.constant 7 : i32
      %dma_wait3A_248 = arith.constant 0 : i32
      %dma_wait3A_249 = tpu.memref_slice %arg7[%dma_wait3A_247, %dma_wait3A_248] : memref<8x128xi32, #tpu.memory_space<vmem>> -> memref<1x128xi32, #tpu.memory_space<vmem>>
      %dma_wait3A_250 = tpu.memref_squeeze %dma_wait3A_249 : memref<1x128xi32, #tpu.memory_space<vmem>> -> memref<128xi32, #tpu.memory_space<vmem>>
      %dma_wait3A_251 = arith.constant 0 : i32
      %dma_wait3A_252 = arith.constant 0 : i32
      %dma_wait3A_253 = tpu.memref_slice %arg4[%dma_wait3A_251, %dma_wait3A_252] : memref<10240x128xf32, #tpu.memory_space<hbm>> -> memref<10240x128xf32, #tpu.memory_space<hbm>>
      tpu.wait_indirect_dma semaphore(%arg13 : memref<!tpu.dma_semaphore, #tpu.memory_space<semaphore_mem>>) src(%dma_wait3A_253 : memref<10240x128xf32, #tpu.memory_space<hbm>>) dst(%arg10 : memref<128x128xf32, #tpu.memory_space<vmem>>)
      %dma_start3A_254 = arith.constant 7 : i32
      %dma_start3A_255 = arith.constant 0 : i32
      %dma_start3A_256 = tpu.memref_slice %arg8[%dma_start3A_254, %dma_start3A_255] : memref<8x128xi32, #tpu.memory_space<vmem>> -> memref<1x128xi32, #tpu.memory_space<vmem>>
      %dma_start3A_257 = tpu.memref_squeeze %dma_start3A_256 : memref<1x128xi32, #tpu.memory_space<vmem>> -> memref<128xi32, #tpu.memory_space<vmem>>
      %dma_start3A_258 = arith.constant 0 : i32
      %dma_start3A_259 = arith.constant 0 : i32
      %dma_start3A_260 = tpu.memref_slice %arg11[%dma_start3A_258, %dma_start3A_259] : memref<10240x128xf32, #tpu.memory_space<vmem_shared>> -> memref<10240x128xf32, #tpu.memory_space<vmem_shared>>
      tpu.enqueue_indirect_dma source(%arg10 : memref<128x128xf32, #tpu.memory_space<vmem>>) target(%dma_start3A_260 : memref<10240x128xf32, #tpu.memory_space<vmem_shared>>) offsets(%dma_start3A_257 : memref<128xi32, #tpu.memory_space<vmem>>) semaphore(%arg15 : memref<!tpu.dma_semaphore, #tpu.memory_space<semaphore_mem>>) {add = true}
      %dma_wait3A_261 = arith.constant 6 : i32
      %dma_wait3A_262 = arith.constant 0 : i32
      %dma_wait3A_263 = tpu.memref_slice %arg8[%dma_wait3A_261, %dma_wait3A_262] : memref<8x128xi32, #tpu.memory_space<vmem>> -> memref<1x128xi32, #tpu.memory_space<vmem>>
      %dma_wait3A_264 = tpu.memref_squeeze %dma_wait3A_263 : memref<1x128xi32, #tpu.memory_space<vmem>> -> memref<128xi32, #tpu.memory_space<vmem>>
      %dma_wait3A_265 = arith.constant 0 : i32
      %dma_wait3A_266 = arith.constant 0 : i32
      %dma_wait3A_267 = tpu.memref_slice %arg11[%dma_wait3A_265, %dma_wait3A_266] : memref<10240x128xf32, #tpu.memory_space<vmem_shared>> -> memref<10240x128xf32, #tpu.memory_space<vmem_shared>>
      tpu.wait_indirect_dma semaphore(%arg14 : memref<!tpu.dma_semaphore, #tpu.memory_space<semaphore_mem>>) src(%arg9 : memref<128x128xf32, #tpu.memory_space<vmem>>) dst(%dma_wait3A_267 : memref<10240x128xf32, #tpu.memory_space<vmem_shared>>)
      %dma_wait3A_268 = arith.constant 7 : i32
      %dma_wait3A_269 = arith.constant 0 : i32
      %dma_wait3A_270 = tpu.memref_slice %arg8[%dma_wait3A_268, %dma_wait3A_269] : memref<8x128xi32, #tpu.memory_space<vmem>> -> memref<1x128xi32, #tpu.memory_space<vmem>>
      %dma_wait3A_271 = tpu.memref_squeeze %dma_wait3A_270 : memref<1x128xi32, #tpu.memory_space<vmem>> -> memref<128xi32, #tpu.memory_space<vmem>>
      %dma_wait3A_272 = arith.constant 0 : i32
      %dma_wait3A_273 = arith.constant 0 : i32
      %dma_wait3A_274 = tpu.memref_slice %arg11[%dma_wait3A_272, %dma_wait3A_273] : memref<10240x128xf32, #tpu.memory_space<vmem_shared>> -> memref<10240x128xf32, #tpu.memory_space<vmem_shared>>
      tpu.wait_indirect_dma semaphore(%arg15 : memref<!tpu.dma_semaphore, #tpu.memory_space<semaphore_mem>>) src(%arg10 : memref<128x128xf32, #tpu.memory_space<vmem>>) dst(%dma_wait3A_274 : memref<10240x128xf32, #tpu.memory_space<vmem_shared>>)
    }
    %scan3A_27 = arith.constant 10 : i32
    %barrier3A_28 = arith.constant 0 : index
    tpu.barrier barrier_id(%barrier3A_28)
    %mul3A_29 = arith.constant 640 : i32
    %mul3A_30 = arith.muli %arg1, %mul3A_29 : i32
    %add3A_31 = arith.constant 0 : i32
    %add3A_32 = arith.addi %mul3A_30, %add3A_31 : i32
    "tpu.region"() ({
      %run_scoped3A = tpu.sem_alloc : memref<!tpu.dma_semaphore, #tpu.memory_space<semaphore_mem>>
      %dma_start3A = arith.constant 0 : i32
      %dma_start3A_49 = tpu.memref_slice %arg11[%add3A_32, %dma_start3A] : memref<10240x128xf32, #tpu.memory_space<vmem_shared>> -> memref<128x128xf32, #tpu.memory_space<vmem_shared>>
      %dma_start3A_50 = arith.constant 0 : i32
      %dma_start3A_51 = tpu.memref_slice %arg11[%add3A_32, %dma_start3A_50] : memref<10240x128xf32, #tpu.memory_space<vmem_shared>> -> memref<128x128xf32, #tpu.memory_space<vmem_shared>>
      tpu.enqueue_dma source(%dma_start3A_51 : memref<128x128xf32, #tpu.memory_space<vmem_shared>>) target(%arg9 : memref<128x128xf32, #tpu.memory_space<vmem>>) target_semaphore(%run_scoped3A : memref<!tpu.dma_semaphore, #tpu.memory_space<semaphore_mem>>)
      %dma_wait3A = arith.constant 0 : i32
      %dma_wait3A_52 = tpu.memref_slice %arg11[%add3A_32, %dma_wait3A] : memref<10240x128xf32, #tpu.memory_space<vmem_shared>> -> memref<128x128xf32, #tpu.memory_space<vmem_shared>>
      %dma_wait3A_53 = arith.constant 0 : i32
      %dma_wait3A_54 = tpu.memref_slice %arg11[%add3A_32, %dma_wait3A_53] : memref<10240x128xf32, #tpu.memory_space<vmem_shared>> -> memref<128x128xf32, #tpu.memory_space<vmem_shared>>
      tpu.wait_dma2 semaphore(%run_scoped3A : memref<!tpu.dma_semaphore, #tpu.memory_space<semaphore_mem>>) src(%dma_wait3A_54 : memref<128x128xf32, #tpu.memory_space<vmem_shared>>) dst(%arg9 : memref<128x128xf32, #tpu.memory_space<vmem>>)
      tpu.yield
    }) : () -> ()
    "tpu.region"() ({
      %run_scoped3A = tpu.sem_alloc : memref<!tpu.dma_semaphore, #tpu.memory_space<semaphore_mem>>
      %dma_start3A = arith.constant 0 : i32
      %dma_start3A_49 = tpu.memref_slice %arg6[%arg0, %add3A_32, %dma_start3A] : memref<2x10240x128xf32, #tpu.memory_space<hbm>> -> memref<1x128x128xf32, #tpu.memory_space<hbm>>
      %dma_start3A_50 = tpu.memref_squeeze %dma_start3A_49 : memref<1x128x128xf32, #tpu.memory_space<hbm>> -> memref<128x128xf32, #tpu.memory_space<hbm>>
      %dma_start3A_51 = arith.constant 0 : i32
      %dma_start3A_52 = tpu.memref_slice %arg6[%arg0, %add3A_32, %dma_start3A_51] : memref<2x10240x128xf32, #tpu.memory_space<hbm>> -> memref<1x128x128xf32, #tpu.memory_space<hbm>>
      %dma_start3A_53 = tpu.memref_squeeze %dma_start3A_52 : memref<1x128x128xf32, #tpu.memory_space<hbm>> -> memref<128x128xf32, #tpu.memory_space<hbm>>
      tpu.enqueue_dma source(%arg9 : memref<128x128xf32, #tpu.memory_space<vmem>>) target(%dma_start3A_53 : memref<128x128xf32, #tpu.memory_space<hbm>>) target_semaphore(%run_scoped3A : memref<!tpu.dma_semaphore, #tpu.memory_space<semaphore_mem>>)
      %dma_wait3A = arith.constant 0 : i32
      %dma_wait3A_54 = tpu.memref_slice %arg6[%arg0, %add3A_32, %dma_wait3A] : memref<2x10240x128xf32, #tpu.memory_space<hbm>> -> memref<1x128x128xf32, #tpu.memory_space<hbm>>
      %dma_wait3A_55 = tpu.memref_squeeze %dma_wait3A_54 : memref<1x128x128xf32, #tpu.memory_space<hbm>> -> memref<128x128xf32, #tpu.memory_space<hbm>>
      %dma_wait3A_56 = arith.constant 0 : i32
      %dma_wait3A_57 = tpu.memref_slice %arg6[%arg0, %add3A_32, %dma_wait3A_56] : memref<2x10240x128xf32, #tpu.memory_space<hbm>> -> memref<1x128x128xf32, #tpu.memory_space<hbm>>
      %dma_wait3A_58 = tpu.memref_squeeze %dma_wait3A_57 : memref<1x128x128xf32, #tpu.memory_space<hbm>> -> memref<128x128xf32, #tpu.memory_space<hbm>>
      tpu.wait_dma2 semaphore(%run_scoped3A : memref<!tpu.dma_semaphore, #tpu.memory_space<semaphore_mem>>) src(%arg9 : memref<128x128xf32, #tpu.memory_space<vmem>>) dst(%dma_wait3A_58 : memref<128x128xf32, #tpu.memory_space<hbm>>)
      tpu.yield
    }) : () -> ()
    %mul3A_33 = arith.constant 640 : i32
    %mul3A_34 = arith.muli %arg1, %mul3A_33 : i32
    %add3A_35 = arith.constant 128 : i32
    %add3A_36 = arith.addi %mul3A_34, %add3A_35 : i32
    "tpu.region"() ({
      %run_scoped3A = tpu.sem_alloc : memref<!tpu.dma_semaphore, #tpu.memory_space<semaphore_mem>>
      %dma_start3A = arith.constant 0 : i32
      %dma_start3A_49 = tpu.memref_slice %arg11[%add3A_36, %dma_start3A] : memref<10240x128xf32, #tpu.memory_space<vmem_shared>> -> memref<128x128xf32, #tpu.memory_space<vmem_shared>>
      %dma_start3A_50 = arith.constant 0 : i32
      %dma_start3A_51 = tpu.memref_slice %arg11[%add3A_36, %dma_start3A_50] : memref<10240x128xf32, #tpu.memory_space<vmem_shared>> -> memref<128x128xf32, #tpu.memory_space<vmem_shared>>
      tpu.enqueue_dma source(%dma_start3A_51 : memref<128x128xf32, #tpu.memory_space<vmem_shared>>) target(%arg9 : memref<128x128xf32, #tpu.memory_space<vmem>>) target_semaphore(%run_scoped3A : memref<!tpu.dma_semaphore, #tpu.memory_space<semaphore_mem>>)
      %dma_wait3A = arith.constant 0 : i32
      %dma_wait3A_52 = tpu.memref_slice %arg11[%add3A_36, %dma_wait3A] : memref<10240x128xf32, #tpu.memory_space<vmem_shared>> -> memref<128x128xf32, #tpu.memory_space<vmem_shared>>
      %dma_wait3A_53 = arith.constant 0 : i32
      %dma_wait3A_54 = tpu.memref_slice %arg11[%add3A_36, %dma_wait3A_53] : memref<10240x128xf32, #tpu.memory_space<vmem_shared>> -> memref<128x128xf32, #tpu.memory_space<vmem_shared>>
      tpu.wait_dma2 semaphore(%run_scoped3A : memref<!tpu.dma_semaphore, #tpu.memory_space<semaphore_mem>>) src(%dma_wait3A_54 : memref<128x128xf32, #tpu.memory_space<vmem_shared>>) dst(%arg9 : memref<128x128xf32, #tpu.memory_space<vmem>>)
      tpu.yield
    }) : () -> ()
    "tpu.region"() ({
      %run_scoped3A = tpu.sem_alloc : memref<!tpu.dma_semaphore, #tpu.memory_space<semaphore_mem>>
      %dma_start3A = arith.constant 0 : i32
      %dma_start3A_49 = tpu.memref_slice %arg6[%arg0, %add3A_36, %dma_start3A] : memref<2x10240x128xf32, #tpu.memory_space<hbm>> -> memref<1x128x128xf32, #tpu.memory_space<hbm>>
      %dma_start3A_50 = tpu.memref_squeeze %dma_start3A_49 : memref<1x128x128xf32, #tpu.memory_space<hbm>> -> memref<128x128xf32, #tpu.memory_space<hbm>>
      %dma_start3A_51 = arith.constant 0 : i32
      %dma_start3A_52 = tpu.memref_slice %arg6[%arg0, %add3A_36, %dma_start3A_51] : memref<2x10240x128xf32, #tpu.memory_space<hbm>> -> memref<1x128x128xf32, #tpu.memory_space<hbm>>
      %dma_start3A_53 = tpu.memref_squeeze %dma_start3A_52 : memref<1x128x128xf32, #tpu.memory_space<hbm>> -> memref<128x128xf32, #tpu.memory_space<hbm>>
      tpu.enqueue_dma source(%arg9 : memref<128x128xf32, #tpu.memory_space<vmem>>) target(%dma_start3A_53 : memref<128x128xf32, #tpu.memory_space<hbm>>) target_semaphore(%run_scoped3A : memref<!tpu.dma_semaphore, #tpu.memory_space<semaphore_mem>>)
      %dma_wait3A = arith.constant 0 : i32
      %dma_wait3A_54 = tpu.memref_slice %arg6[%arg0, %add3A_36, %dma_wait3A] : memref<2x10240x128xf32, #tpu.memory_space<hbm>> -> memref<1x128x128xf32, #tpu.memory_space<hbm>>
      %dma_wait3A_55 = tpu.memref_squeeze %dma_wait3A_54 : memref<1x128x128xf32, #tpu.memory_space<hbm>> -> memref<128x128xf32, #tpu.memory_space<hbm>>
      %dma_wait3A_56 = arith.constant 0 : i32
      %dma_wait3A_57 = tpu.memref_slice %arg6[%arg0, %add3A_36, %dma_wait3A_56] : memref<2x10240x128xf32, #tpu.memory_space<hbm>> -> memref<1x128x128xf32, #tpu.memory_space<hbm>>
      %dma_wait3A_58 = tpu.memref_squeeze %dma_wait3A_57 : memref<1x128x128xf32, #tpu.memory_space<hbm>> -> memref<128x128xf32, #tpu.memory_space<hbm>>
      tpu.wait_dma2 semaphore(%run_scoped3A : memref<!tpu.dma_semaphore, #tpu.memory_space<semaphore_mem>>) src(%arg9 : memref<128x128xf32, #tpu.memory_space<vmem>>) dst(%dma_wait3A_58 : memref<128x128xf32, #tpu.memory_space<hbm>>)
      tpu.yield
    }) : () -> ()
    %mul3A_37 = arith.constant 640 : i32
    %mul3A_38 = arith.muli %arg1, %mul3A_37 : i32
    %add3A_39 = arith.constant 256 : i32
    %add3A_40 = arith.addi %mul3A_38, %add3A_39 : i32
    "tpu.region"() ({
      %run_scoped3A = tpu.sem_alloc : memref<!tpu.dma_semaphore, #tpu.memory_space<semaphore_mem>>
      %dma_start3A = arith.constant 0 : i32
      %dma_start3A_49 = tpu.memref_slice %arg11[%add3A_40, %dma_start3A] : memref<10240x128xf32, #tpu.memory_space<vmem_shared>> -> memref<128x128xf32, #tpu.memory_space<vmem_shared>>
      %dma_start3A_50 = arith.constant 0 : i32
      %dma_start3A_51 = tpu.memref_slice %arg11[%add3A_40, %dma_start3A_50] : memref<10240x128xf32, #tpu.memory_space<vmem_shared>> -> memref<128x128xf32, #tpu.memory_space<vmem_shared>>
      tpu.enqueue_dma source(%dma_start3A_51 : memref<128x128xf32, #tpu.memory_space<vmem_shared>>) target(%arg9 : memref<128x128xf32, #tpu.memory_space<vmem>>) target_semaphore(%run_scoped3A : memref<!tpu.dma_semaphore, #tpu.memory_space<semaphore_mem>>)
      %dma_wait3A = arith.constant 0 : i32
      %dma_wait3A_52 = tpu.memref_slice %arg11[%add3A_40, %dma_wait3A] : memref<10240x128xf32, #tpu.memory_space<vmem_shared>> -> memref<128x128xf32, #tpu.memory_space<vmem_shared>>
      %dma_wait3A_53 = arith.constant 0 : i32
      %dma_wait3A_54 = tpu.memref_slice %arg11[%add3A_40, %dma_wait3A_53] : memref<10240x128xf32, #tpu.memory_space<vmem_shared>> -> memref<128x128xf32, #tpu.memory_space<vmem_shared>>
      tpu.wait_dma2 semaphore(%run_scoped3A : memref<!tpu.dma_semaphore, #tpu.memory_space<semaphore_mem>>) src(%dma_wait3A_54 : memref<128x128xf32, #tpu.memory_space<vmem_shared>>) dst(%arg9 : memref<128x128xf32, #tpu.memory_space<vmem>>)
      tpu.yield
    }) : () -> ()
    "tpu.region"() ({
      %run_scoped3A = tpu.sem_alloc : memref<!tpu.dma_semaphore, #tpu.memory_space<semaphore_mem>>
      %dma_start3A = arith.constant 0 : i32
      %dma_start3A_49 = tpu.memref_slice %arg6[%arg0, %add3A_40, %dma_start3A] : memref<2x10240x128xf32, #tpu.memory_space<hbm>> -> memref<1x128x128xf32, #tpu.memory_space<hbm>>
      %dma_start3A_50 = tpu.memref_squeeze %dma_start3A_49 : memref<1x128x128xf32, #tpu.memory_space<hbm>> -> memref<128x128xf32, #tpu.memory_space<hbm>>
      %dma_start3A_51 = arith.constant 0 : i32
      %dma_start3A_52 = tpu.memref_slice %arg6[%arg0, %add3A_40, %dma_start3A_51] : memref<2x10240x128xf32, #tpu.memory_space<hbm>> -> memref<1x128x128xf32, #tpu.memory_space<hbm>>
      %dma_start3A_53 = tpu.memref_squeeze %dma_start3A_52 : memref<1x128x128xf32, #tpu.memory_space<hbm>> -> memref<128x128xf32, #tpu.memory_space<hbm>>
      tpu.enqueue_dma source(%arg9 : memref<128x128xf32, #tpu.memory_space<vmem>>) target(%dma_start3A_53 : memref<128x128xf32, #tpu.memory_space<hbm>>) target_semaphore(%run_scoped3A : memref<!tpu.dma_semaphore, #tpu.memory_space<semaphore_mem>>)
      %dma_wait3A = arith.constant 0 : i32
      %dma_wait3A_54 = tpu.memref_slice %arg6[%arg0, %add3A_40, %dma_wait3A] : memref<2x10240x128xf32, #tpu.memory_space<hbm>> -> memref<1x128x128xf32, #tpu.memory_space<hbm>>
      %dma_wait3A_55 = tpu.memref_squeeze %dma_wait3A_54 : memref<1x128x128xf32, #tpu.memory_space<hbm>> -> memref<128x128xf32, #tpu.memory_space<hbm>>
      %dma_wait3A_56 = arith.constant 0 : i32
      %dma_wait3A_57 = tpu.memref_slice %arg6[%arg0, %add3A_40, %dma_wait3A_56] : memref<2x10240x128xf32, #tpu.memory_space<hbm>> -> memref<1x128x128xf32, #tpu.memory_space<hbm>>
      %dma_wait3A_58 = tpu.memref_squeeze %dma_wait3A_57 : memref<1x128x128xf32, #tpu.memory_space<hbm>> -> memref<128x128xf32, #tpu.memory_space<hbm>>
      tpu.wait_dma2 semaphore(%run_scoped3A : memref<!tpu.dma_semaphore, #tpu.memory_space<semaphore_mem>>) src(%arg9 : memref<128x128xf32, #tpu.memory_space<vmem>>) dst(%dma_wait3A_58 : memref<128x128xf32, #tpu.memory_space<hbm>>)
      tpu.yield
    }) : () -> ()
    %mul3A_41 = arith.constant 640 : i32
    %mul3A_42 = arith.muli %arg1, %mul3A_41 : i32
    %add3A_43 = arith.constant 384 : i32
    %add3A_44 = arith.addi %mul3A_42, %add3A_43 : i32
    "tpu.region"() ({
      %run_scoped3A = tpu.sem_alloc : memref<!tpu.dma_semaphore, #tpu.memory_space<semaphore_mem>>
      %dma_start3A = arith.constant 0 : i32
      %dma_start3A_49 = tpu.memref_slice %arg11[%add3A_44, %dma_start3A] : memref<10240x128xf32, #tpu.memory_space<vmem_shared>> -> memref<128x128xf32, #tpu.memory_space<vmem_shared>>
      %dma_start3A_50 = arith.constant 0 : i32
      %dma_start3A_51 = tpu.memref_slice %arg11[%add3A_44, %dma_start3A_50] : memref<10240x128xf32, #tpu.memory_space<vmem_shared>> -> memref<128x128xf32, #tpu.memory_space<vmem_shared>>
      tpu.enqueue_dma source(%dma_start3A_51 : memref<128x128xf32, #tpu.memory_space<vmem_shared>>) target(%arg9 : memref<128x128xf32, #tpu.memory_space<vmem>>) target_semaphore(%run_scoped3A : memref<!tpu.dma_semaphore, #tpu.memory_space<semaphore_mem>>)
      %dma_wait3A = arith.constant 0 : i32
      %dma_wait3A_52 = tpu.memref_slice %arg11[%add3A_44, %dma_wait3A] : memref<10240x128xf32, #tpu.memory_space<vmem_shared>> -> memref<128x128xf32, #tpu.memory_space<vmem_shared>>
      %dma_wait3A_53 = arith.constant 0 : i32
      %dma_wait3A_54 = tpu.memref_slice %arg11[%add3A_44, %dma_wait3A_53] : memref<10240x128xf32, #tpu.memory_space<vmem_shared>> -> memref<128x128xf32, #tpu.memory_space<vmem_shared>>
      tpu.wait_dma2 semaphore(%run_scoped3A : memref<!tpu.dma_semaphore, #tpu.memory_space<semaphore_mem>>) src(%dma_wait3A_54 : memref<128x128xf32, #tpu.memory_space<vmem_shared>>) dst(%arg9 : memref<128x128xf32, #tpu.memory_space<vmem>>)
      tpu.yield
    }) : () -> ()
    "tpu.region"() ({
      %run_scoped3A = tpu.sem_alloc : memref<!tpu.dma_semaphore, #tpu.memory_space<semaphore_mem>>
      %dma_start3A = arith.constant 0 : i32
      %dma_start3A_49 = tpu.memref_slice %arg6[%arg0, %add3A_44, %dma_start3A] : memref<2x10240x128xf32, #tpu.memory_space<hbm>> -> memref<1x128x128xf32, #tpu.memory_space<hbm>>
      %dma_start3A_50 = tpu.memref_squeeze %dma_start3A_49 : memref<1x128x128xf32, #tpu.memory_space<hbm>> -> memref<128x128xf32, #tpu.memory_space<hbm>>
      %dma_start3A_51 = arith.constant 0 : i32
      %dma_start3A_52 = tpu.memref_slice %arg6[%arg0, %add3A_44, %dma_start3A_51] : memref<2x10240x128xf32, #tpu.memory_space<hbm>> -> memref<1x128x128xf32, #tpu.memory_space<hbm>>
      %dma_start3A_53 = tpu.memref_squeeze %dma_start3A_52 : memref<1x128x128xf32, #tpu.memory_space<hbm>> -> memref<128x128xf32, #tpu.memory_space<hbm>>
      tpu.enqueue_dma source(%arg9 : memref<128x128xf32, #tpu.memory_space<vmem>>) target(%dma_start3A_53 : memref<128x128xf32, #tpu.memory_space<hbm>>) target_semaphore(%run_scoped3A : memref<!tpu.dma_semaphore, #tpu.memory_space<semaphore_mem>>)
      %dma_wait3A = arith.constant 0 : i32
      %dma_wait3A_54 = tpu.memref_slice %arg6[%arg0, %add3A_44, %dma_wait3A] : memref<2x10240x128xf32, #tpu.memory_space<hbm>> -> memref<1x128x128xf32, #tpu.memory_space<hbm>>
      %dma_wait3A_55 = tpu.memref_squeeze %dma_wait3A_54 : memref<1x128x128xf32, #tpu.memory_space<hbm>> -> memref<128x128xf32, #tpu.memory_space<hbm>>
      %dma_wait3A_56 = arith.constant 0 : i32
      %dma_wait3A_57 = tpu.memref_slice %arg6[%arg0, %add3A_44, %dma_wait3A_56] : memref<2x10240x128xf32, #tpu.memory_space<hbm>> -> memref<1x128x128xf32, #tpu.memory_space<hbm>>
      %dma_wait3A_58 = tpu.memref_squeeze %dma_wait3A_57 : memref<1x128x128xf32, #tpu.memory_space<hbm>> -> memref<128x128xf32, #tpu.memory_space<hbm>>
      tpu.wait_dma2 semaphore(%run_scoped3A : memref<!tpu.dma_semaphore, #tpu.memory_space<semaphore_mem>>) src(%arg9 : memref<128x128xf32, #tpu.memory_space<vmem>>) dst(%dma_wait3A_58 : memref<128x128xf32, #tpu.memory_space<hbm>>)
      tpu.yield
    }) : () -> ()
    %mul3A_45 = arith.constant 640 : i32
    %mul3A_46 = arith.muli %arg1, %mul3A_45 : i32
    %add3A_47 = arith.constant 512 : i32
    %add3A_48 = arith.addi %mul3A_46, %add3A_47 : i32
    "tpu.region"() ({
      %run_scoped3A = tpu.sem_alloc : memref<!tpu.dma_semaphore, #tpu.memory_space<semaphore_mem>>
      %dma_start3A = arith.constant 0 : i32
      %dma_start3A_49 = tpu.memref_slice %arg11[%add3A_48, %dma_start3A] : memref<10240x128xf32, #tpu.memory_space<vmem_shared>> -> memref<128x128xf32, #tpu.memory_space<vmem_shared>>
      %dma_start3A_50 = arith.constant 0 : i32
      %dma_start3A_51 = tpu.memref_slice %arg11[%add3A_48, %dma_start3A_50] : memref<10240x128xf32, #tpu.memory_space<vmem_shared>> -> memref<128x128xf32, #tpu.memory_space<vmem_shared>>
      tpu.enqueue_dma source(%dma_start3A_51 : memref<128x128xf32, #tpu.memory_space<vmem_shared>>) target(%arg9 : memref<128x128xf32, #tpu.memory_space<vmem>>) target_semaphore(%run_scoped3A : memref<!tpu.dma_semaphore, #tpu.memory_space<semaphore_mem>>)
      %dma_wait3A = arith.constant 0 : i32
      %dma_wait3A_52 = tpu.memref_slice %arg11[%add3A_48, %dma_wait3A] : memref<10240x128xf32, #tpu.memory_space<vmem_shared>> -> memref<128x128xf32, #tpu.memory_space<vmem_shared>>
      %dma_wait3A_53 = arith.constant 0 : i32
      %dma_wait3A_54 = tpu.memref_slice %arg11[%add3A_48, %dma_wait3A_53] : memref<10240x128xf32, #tpu.memory_space<vmem_shared>> -> memref<128x128xf32, #tpu.memory_space<vmem_shared>>
      tpu.wait_dma2 semaphore(%run_scoped3A : memref<!tpu.dma_semaphore, #tpu.memory_space<semaphore_mem>>) src(%dma_wait3A_54 : memref<128x128xf32, #tpu.memory_space<vmem_shared>>) dst(%arg9 : memref<128x128xf32, #tpu.memory_space<vmem>>)
      tpu.yield
    }) : () -> ()
    "tpu.region"() ({
      %run_scoped3A = tpu.sem_alloc : memref<!tpu.dma_semaphore, #tpu.memory_space<semaphore_mem>>
      %dma_start3A = arith.constant 0 : i32
      %dma_start3A_49 = tpu.memref_slice %arg6[%arg0, %add3A_48, %dma_start3A] : memref<2x10240x128xf32, #tpu.memory_space<hbm>> -> memref<1x128x128xf32, #tpu.memory_space<hbm>>
      %dma_start3A_50 = tpu.memref_squeeze %dma_start3A_49 : memref<1x128x128xf32, #tpu.memory_space<hbm>> -> memref<128x128xf32, #tpu.memory_space<hbm>>
      %dma_start3A_51 = arith.constant 0 : i32
      %dma_start3A_52 = tpu.memref_slice %arg6[%arg0, %add3A_48, %dma_start3A_51] : memref<2x10240x128xf32, #tpu.memory_space<hbm>> -> memref<1x128x128xf32, #tpu.memory_space<hbm>>
      %dma_start3A_53 = tpu.memref_squeeze %dma_start3A_52 : memref<1x128x128xf32, #tpu.memory_space<hbm>> -> memref<128x128xf32, #tpu.memory_space<hbm>>
      tpu.enqueue_dma source(%arg9 : memref<128x128xf32, #tpu.memory_space<vmem>>) target(%dma_start3A_53 : memref<128x128xf32, #tpu.memory_space<hbm>>) target_semaphore(%run_scoped3A : memref<!tpu.dma_semaphore, #tpu.memory_space<semaphore_mem>>)
      %dma_wait3A = arith.constant 0 : i32
      %dma_wait3A_54 = tpu.memref_slice %arg6[%arg0, %add3A_48, %dma_wait3A] : memref<2x10240x128xf32, #tpu.memory_space<hbm>> -> memref<1x128x128xf32, #tpu.memory_space<hbm>>
      %dma_wait3A_55 = tpu.memref_squeeze %dma_wait3A_54 : memref<1x128x128xf32, #tpu.memory_space<hbm>> -> memref<128x128xf32, #tpu.memory_space<hbm>>
      %dma_wait3A_56 = arith.constant 0 : i32
      %dma_wait3A_57 = tpu.memref_slice %arg6[%arg0, %add3A_48, %dma_wait3A_56] : memref<2x10240x128xf32, #tpu.memory_space<hbm>> -> memref<1x128x128xf32, #tpu.memory_space<hbm>>
      %dma_wait3A_58 = tpu.memref_squeeze %dma_wait3A_57 : memref<1x128x128xf32, #tpu.memory_space<hbm>> -> memref<128x128xf32, #tpu.memory_space<hbm>>
      tpu.wait_dma2 semaphore(%run_scoped3A : memref<!tpu.dma_semaphore, #tpu.memory_space<semaphore_mem>>) src(%arg9 : memref<128x128xf32, #tpu.memory_space<vmem>>) dst(%dma_wait3A_58 : memref<128x128xf32, #tpu.memory_space<hbm>>)
      tpu.yield
    }) : () -> ()
    return
  }
}

#map = affine_map<(d0, d1) -> (0, 0)>
#map1 = affine_map<(d0, d1) -> (0, 0, 0)>
module attributes {stable_mosaic.version = 14 : i64} {
  func.func @agg(%arg0: i32, %arg1: i32, %arg2: memref<2560x128xi32, #tpu.memory_space<hbm>>, %arg3: memref<2560x128xi32, #tpu.memory_space<hbm>>, %arg4: memref<10240x128xf32, #tpu.memory_space<hbm>>, %arg5: memref<128x128xf32, #tpu.memory_space<hbm>>, %arg6: memref<2x10240x128xf32, #tpu.memory_space<hbm>>, %arg7: memref<8x128xi32, #tpu.memory_space<vmem>>, %arg8: memref<8x128xi32, #tpu.memory_space<vmem>>, %arg9: memref<128x128xf32, #tpu.memory_space<vmem>>, %arg10: memref<128x128xf32, #tpu.memory_space<vmem>>, %arg11: memref<10240x128xf32, #tpu.memory_space<vmem_shared>>, %arg12: memref<!tpu.dma_semaphore, #tpu.memory_space<semaphore_mem>>, %arg13: memref<!tpu.dma_semaphore, #tpu.memory_space<semaphore_mem>>, %arg14: memref<!tpu.dma_semaphore, #tpu.memory_space<semaphore_mem>>, %arg15: memref<!tpu.dma_semaphore, #tpu.memory_space<semaphore_mem>>) attributes {dimension_semantics = [#tpu.dimension_semantics<core_parallel>, #tpu.dimension_semantics<subcore_parallel>], iteration_bounds = array<i64: 2, 16>, scalar_prefetch = 0 : i64, scratch_operands = 9 : i64, tpu.core_type = #tpu.core_type<sc_vector_subcore>, window_params = [{transform_indices = #map}, {transform_indices = #map}, {transform_indices = #map}, {transform_indices = #map}, {transform_indices = #map1}]} {
    %mul3A = arith.constant 2 : i32
    %mul3A_0 = arith.muli %arg1, %mul3A : i32
    %add3A = arith.addi %mul3A_0, %arg0 : i32
    %mul3A_1 = arith.constant 80 : i32
    %mul3A_2 = arith.muli %add3A, %mul3A_1 : i32
    "tpu.region"() ({
      %run_scoped3A = tpu.sem_alloc : memref<!tpu.dma_semaphore, #tpu.memory_space<semaphore_mem>>
      tpu.enqueue_dma source(%arg5 : memref<128x128xf32, #tpu.memory_space<hbm>>) target(%arg9 : memref<128x128xf32, #tpu.memory_space<vmem>>) target_semaphore(%run_scoped3A : memref<!tpu.dma_semaphore, #tpu.memory_space<semaphore_mem>>)
      tpu.wait_dma2 semaphore(%run_scoped3A : memref<!tpu.dma_semaphore, #tpu.memory_space<semaphore_mem>>) src(%arg5 : memref<128x128xf32, #tpu.memory_space<hbm>>) dst(%arg9 : memref<128x128xf32, #tpu.memory_space<vmem>>)
      tpu.yield
    }) : () -> ()
    %mul3A_3 = arith.constant 640 : i32
    %mul3A_4 = arith.muli %arg1, %mul3A_3 : i32
    %add3A_5 = arith.constant 0 : i32
    %add3A_6 = arith.addi %mul3A_4, %add3A_5 : i32
    "tpu.region"() ({
      %run_scoped3A = tpu.sem_alloc : memref<!tpu.dma_semaphore, #tpu.memory_space<semaphore_mem>>
      %dma_start3A = arith.constant 0 : i32
      %dma_start3A_49 = tpu.memref_slice %arg11[%add3A_6, %dma_start3A] : memref<10240x128xf32, #tpu.memory_space<vmem_shared>> -> memref<128x128xf32, #tpu.memory_space<vmem_shared>>
      %dma_start3A_50 = arith.constant 0 : i32
      %dma_start3A_51 = tpu.memref_slice %arg11[%add3A_6, %dma_start3A_50] : memref<10240x128xf32, #tpu.memory_space<vmem_shared>> -> memref<128x128xf32, #tpu.memory_space<vmem_shared>>
      tpu.enqueue_dma source(%arg9 : memref<128x128xf32, #tpu.memory_space<vmem>>) target(%dma_start3A_51 : memref<128x128xf32, #tpu.memory_space<vmem_shared>>) target_semaphore(%run_scoped3A : memref<!tpu.dma_semaphore, #tpu.memory_space<semaphore_mem>>)
      %dma_wait3A = arith.constant 0 : i32
      %dma_wait3A_52 = tpu.memref_slice %arg11[%add3A_6, %dma_wait3A] : memref<10240x128xf32, #tpu.memory_space<vmem_shared>> -> memref<128x128xf32, #tpu.memory_space<vmem_shared>>
      %dma_wait3A_53 = arith.constant 0 : i32
      %dma_wait3A_54 = tpu.memref_slice %arg11[%add3A_6, %dma_wait3A_53] : memref<10240x128xf32, #tpu.memory_space<vmem_shared>> -> memref<128x128xf32, #tpu.memory_space<vmem_shared>>
      tpu.wait_dma2 semaphore(%run_scoped3A : memref<!tpu.dma_semaphore, #tpu.memory_space<semaphore_mem>>) src(%arg9 : memref<128x128xf32, #tpu.memory_space<vmem>>) dst(%dma_wait3A_54 : memref<128x128xf32, #tpu.memory_space<vmem_shared>>)
      tpu.yield
    }) : () -> ()
    %mul3A_7 = arith.constant 640 : i32
    %mul3A_8 = arith.muli %arg1, %mul3A_7 : i32
    %add3A_9 = arith.constant 128 : i32
    %add3A_10 = arith.addi %mul3A_8, %add3A_9 : i32
    "tpu.region"() ({
      %run_scoped3A = tpu.sem_alloc : memref<!tpu.dma_semaphore, #tpu.memory_space<semaphore_mem>>
      %dma_start3A = arith.constant 0 : i32
      %dma_start3A_49 = tpu.memref_slice %arg11[%add3A_10, %dma_start3A] : memref<10240x128xf32, #tpu.memory_space<vmem_shared>> -> memref<128x128xf32, #tpu.memory_space<vmem_shared>>
      %dma_start3A_50 = arith.constant 0 : i32
      %dma_start3A_51 = tpu.memref_slice %arg11[%add3A_10, %dma_start3A_50] : memref<10240x128xf32, #tpu.memory_space<vmem_shared>> -> memref<128x128xf32, #tpu.memory_space<vmem_shared>>
      tpu.enqueue_dma source(%arg9 : memref<128x128xf32, #tpu.memory_space<vmem>>) target(%dma_start3A_51 : memref<128x128xf32, #tpu.memory_space<vmem_shared>>) target_semaphore(%run_scoped3A : memref<!tpu.dma_semaphore, #tpu.memory_space<semaphore_mem>>)
      %dma_wait3A = arith.constant 0 : i32
      %dma_wait3A_52 = tpu.memref_slice %arg11[%add3A_10, %dma_wait3A] : memref<10240x128xf32, #tpu.memory_space<vmem_shared>> -> memref<128x128xf32, #tpu.memory_space<vmem_shared>>
      %dma_wait3A_53 = arith.constant 0 : i32
      %dma_wait3A_54 = tpu.memref_slice %arg11[%add3A_10, %dma_wait3A_53] : memref<10240x128xf32, #tpu.memory_space<vmem_shared>> -> memref<128x128xf32, #tpu.memory_space<vmem_shared>>
      tpu.wait_dma2 semaphore(%run_scoped3A : memref<!tpu.dma_semaphore, #tpu.memory_space<semaphore_mem>>) src(%arg9 : memref<128x128xf32, #tpu.memory_space<vmem>>) dst(%dma_wait3A_54 : memref<128x128xf32, #tpu.memory_space<vmem_shared>>)
      tpu.yield
    }) : () -> ()
    %mul3A_11 = arith.constant 640 : i32
    %mul3A_12 = arith.muli %arg1, %mul3A_11 : i32
    %add3A_13 = arith.constant 256 : i32
    %add3A_14 = arith.addi %mul3A_12, %add3A_13 : i32
    "tpu.region"() ({
      %run_scoped3A = tpu.sem_alloc : memref<!tpu.dma_semaphore, #tpu.memory_space<semaphore_mem>>
      %dma_start3A = arith.constant 0 : i32
      %dma_start3A_49 = tpu.memref_slice %arg11[%add3A_14, %dma_start3A] : memref<10240x128xf32, #tpu.memory_space<vmem_shared>> -> memref<128x128xf32, #tpu.memory_space<vmem_shared>>
      %dma_start3A_50 = arith.constant 0 : i32
      %dma_start3A_51 = tpu.memref_slice %arg11[%add3A_14, %dma_start3A_50] : memref<10240x128xf32, #tpu.memory_space<vmem_shared>> -> memref<128x128xf32, #tpu.memory_space<vmem_shared>>
      tpu.enqueue_dma source(%arg9 : memref<128x128xf32, #tpu.memory_space<vmem>>) target(%dma_start3A_51 : memref<128x128xf32, #tpu.memory_space<vmem_shared>>) target_semaphore(%run_scoped3A : memref<!tpu.dma_semaphore, #tpu.memory_space<semaphore_mem>>)
      %dma_wait3A = arith.constant 0 : i32
      %dma_wait3A_52 = tpu.memref_slice %arg11[%add3A_14, %dma_wait3A] : memref<10240x128xf32, #tpu.memory_space<vmem_shared>> -> memref<128x128xf32, #tpu.memory_space<vmem_shared>>
      %dma_wait3A_53 = arith.constant 0 : i32
      %dma_wait3A_54 = tpu.memref_slice %arg11[%add3A_14, %dma_wait3A_53] : memref<10240x128xf32, #tpu.memory_space<vmem_shared>> -> memref<128x128xf32, #tpu.memory_space<vmem_shared>>
      tpu.wait_dma2 semaphore(%run_scoped3A : memref<!tpu.dma_semaphore, #tpu.memory_space<semaphore_mem>>) src(%arg9 : memref<128x128xf32, #tpu.memory_space<vmem>>) dst(%dma_wait3A_54 : memref<128x128xf32, #tpu.memory_space<vmem_shared>>)
      tpu.yield
    }) : () -> ()
    %mul3A_15 = arith.constant 640 : i32
    %mul3A_16 = arith.muli %arg1, %mul3A_15 : i32
    %add3A_17 = arith.constant 384 : i32
    %add3A_18 = arith.addi %mul3A_16, %add3A_17 : i32
    "tpu.region"() ({
      %run_scoped3A = tpu.sem_alloc : memref<!tpu.dma_semaphore, #tpu.memory_space<semaphore_mem>>
      %dma_start3A = arith.constant 0 : i32
      %dma_start3A_49 = tpu.memref_slice %arg11[%add3A_18, %dma_start3A] : memref<10240x128xf32, #tpu.memory_space<vmem_shared>> -> memref<128x128xf32, #tpu.memory_space<vmem_shared>>
      %dma_start3A_50 = arith.constant 0 : i32
      %dma_start3A_51 = tpu.memref_slice %arg11[%add3A_18, %dma_start3A_50] : memref<10240x128xf32, #tpu.memory_space<vmem_shared>> -> memref<128x128xf32, #tpu.memory_space<vmem_shared>>
      tpu.enqueue_dma source(%arg9 : memref<128x128xf32, #tpu.memory_space<vmem>>) target(%dma_start3A_51 : memref<128x128xf32, #tpu.memory_space<vmem_shared>>) target_semaphore(%run_scoped3A : memref<!tpu.dma_semaphore, #tpu.memory_space<semaphore_mem>>)
      %dma_wait3A = arith.constant 0 : i32
      %dma_wait3A_52 = tpu.memref_slice %arg11[%add3A_18, %dma_wait3A] : memref<10240x128xf32, #tpu.memory_space<vmem_shared>> -> memref<128x128xf32, #tpu.memory_space<vmem_shared>>
      %dma_wait3A_53 = arith.constant 0 : i32
      %dma_wait3A_54 = tpu.memref_slice %arg11[%add3A_18, %dma_wait3A_53] : memref<10240x128xf32, #tpu.memory_space<vmem_shared>> -> memref<128x128xf32, #tpu.memory_space<vmem_shared>>
      tpu.wait_dma2 semaphore(%run_scoped3A : memref<!tpu.dma_semaphore, #tpu.memory_space<semaphore_mem>>) src(%arg9 : memref<128x128xf32, #tpu.memory_space<vmem>>) dst(%dma_wait3A_54 : memref<128x128xf32, #tpu.memory_space<vmem_shared>>)
      tpu.yield
    }) : () -> ()
    %mul3A_19 = arith.constant 640 : i32
    %mul3A_20 = arith.muli %arg1, %mul3A_19 : i32
    %add3A_21 = arith.constant 512 : i32
    %add3A_22 = arith.addi %mul3A_20, %add3A_21 : i32
    "tpu.region"() ({
      %run_scoped3A = tpu.sem_alloc : memref<!tpu.dma_semaphore, #tpu.memory_space<semaphore_mem>>
      %dma_start3A = arith.constant 0 : i32
      %dma_start3A_49 = tpu.memref_slice %arg11[%add3A_22, %dma_start3A] : memref<10240x128xf32, #tpu.memory_space<vmem_shared>> -> memref<128x128xf32, #tpu.memory_space<vmem_shared>>
      %dma_start3A_50 = arith.constant 0 : i32
      %dma_start3A_51 = tpu.memref_slice %arg11[%add3A_22, %dma_start3A_50] : memref<10240x128xf32, #tpu.memory_space<vmem_shared>> -> memref<128x128xf32, #tpu.memory_space<vmem_shared>>
      tpu.enqueue_dma source(%arg9 : memref<128x128xf32, #tpu.memory_space<vmem>>) target(%dma_start3A_51 : memref<128x128xf32, #tpu.memory_space<vmem_shared>>) target_semaphore(%run_scoped3A : memref<!tpu.dma_semaphore, #tpu.memory_space<semaphore_mem>>)
      %dma_wait3A = arith.constant 0 : i32
      %dma_wait3A_52 = tpu.memref_slice %arg11[%add3A_22, %dma_wait3A] : memref<10240x128xf32, #tpu.memory_space<vmem_shared>> -> memref<128x128xf32, #tpu.memory_space<vmem_shared>>
      %dma_wait3A_53 = arith.constant 0 : i32
      %dma_wait3A_54 = tpu.memref_slice %arg11[%add3A_22, %dma_wait3A_53] : memref<10240x128xf32, #tpu.memory_space<vmem_shared>> -> memref<128x128xf32, #tpu.memory_space<vmem_shared>>
      tpu.wait_dma2 semaphore(%run_scoped3A : memref<!tpu.dma_semaphore, #tpu.memory_space<semaphore_mem>>) src(%arg9 : memref<128x128xf32, #tpu.memory_space<vmem>>) dst(%dma_wait3A_54 : memref<128x128xf32, #tpu.memory_space<vmem_shared>>)
      tpu.yield
    }) : () -> ()
    %barrier3A = arith.constant 0 : index
    tpu.barrier barrier_id(%barrier3A)
    %scan3A = arith.constant 0 : i32
    %scan3A_23 = arith.constant 0 : i32
    %scan3A_24 = arith.constant 10 : i32
    %scan3A_25 = arith.addi %scan3A_23, %scan3A_24 : i32
    %scan3A_26 = arith.constant 1 : i32
    scf.for %scan3A_49 = %scan3A_23 to %scan3A_25 step %scan3A_26  : i32 {
      %mul3A_50 = arith.constant 8 : i32
      %mul3A_51 = arith.muli %scan3A_49, %mul3A_50 : i32
      %add3A_52 = arith.addi %mul3A_2, %mul3A_51 : i32
      "tpu.region"() ({
        %run_scoped3A = tpu.sem_alloc : memref<!tpu.dma_semaphore, #tpu.memory_space<semaphore_mem>>
        %dma_start3A_275 = arith.constant 0 : i32
        %dma_start3A_276 = tpu.memref_slice %arg2[%add3A_52, %dma_start3A_275] : memref<2560x128xi32, #tpu.memory_space<hbm>> -> memref<8x128xi32, #tpu.memory_space<hbm>>
        %dma_start3A_277 = arith.constant 0 : i32
        %dma_start3A_278 = tpu.memref_slice %arg2[%add3A_52, %dma_start3A_277] : memref<2560x128xi32, #tpu.memory_space<hbm>> -> memref<8x128xi32, #tpu.memory_space<hbm>>
        tpu.enqueue_dma source(%dma_start3A_278 : memref<8x128xi32, #tpu.memory_space<hbm>>) target(%arg7 : memref<8x128xi32, #tpu.memory_space<vmem>>) target_semaphore(%run_scoped3A : memref<!tpu.dma_semaphore, #tpu.memory_space<semaphore_mem>>)
        %dma_wait3A_279 = arith.constant 0 : i32
        %dma_wait3A_280 = tpu.memref_slice %arg2[%add3A_52, %dma_wait3A_279] : memref<2560x128xi32, #tpu.memory_space<hbm>> -> memref<8x128xi32, #tpu.memory_space<hbm>>
        %dma_wait3A_281 = arith.constant 0 : i32
        %dma_wait3A_282 = tpu.memref_slice %arg2[%add3A_52, %dma_wait3A_281] : memref<2560x128xi32, #tpu.memory_space<hbm>> -> memref<8x128xi32, #tpu.memory_space<hbm>>
        tpu.wait_dma2 semaphore(%run_scoped3A : memref<!tpu.dma_semaphore, #tpu.memory_space<semaphore_mem>>) src(%dma_wait3A_282 : memref<8x128xi32, #tpu.memory_space<hbm>>) dst(%arg7 : memref<8x128xi32, #tpu.memory_space<vmem>>)
        tpu.yield
      }) : () -> ()
      "tpu.region"() ({
        %run_scoped3A = tpu.sem_alloc : memref<!tpu.dma_semaphore, #tpu.memory_space<semaphore_mem>>
        %dma_start3A_275 = arith.constant 0 : i32
        %dma_start3A_276 = tpu.memref_slice %arg3[%add3A_52, %dma_start3A_275] : memref<2560x128xi32, #tpu.memory_space<hbm>> -> memref<8x128xi32, #tpu.memory_space<hbm>>
        %dma_start3A_277 = arith.constant 0 : i32
        %dma_start3A_278 = tpu.memref_slice %arg3[%add3A_52, %dma_start3A_277] : memref<2560x128xi32, #tpu.memory_space<hbm>> -> memref<8x128xi32, #tpu.memory_space<hbm>>
        tpu.enqueue_dma source(%dma_start3A_278 : memref<8x128xi32, #tpu.memory_space<hbm>>) target(%arg8 : memref<8x128xi32, #tpu.memory_space<vmem>>) target_semaphore(%run_scoped3A : memref<!tpu.dma_semaphore, #tpu.memory_space<semaphore_mem>>)
        %dma_wait3A_279 = arith.constant 0 : i32
        %dma_wait3A_280 = tpu.memref_slice %arg3[%add3A_52, %dma_wait3A_279] : memref<2560x128xi32, #tpu.memory_space<hbm>> -> memref<8x128xi32, #tpu.memory_space<hbm>>
        %dma_wait3A_281 = arith.constant 0 : i32
        %dma_wait3A_282 = tpu.memref_slice %arg3[%add3A_52, %dma_wait3A_281] : memref<2560x128xi32, #tpu.memory_space<hbm>> -> memref<8x128xi32, #tpu.memory_space<hbm>>
        tpu.wait_dma2 semaphore(%run_scoped3A : memref<!tpu.dma_semaphore, #tpu.memory_space<semaphore_mem>>) src(%dma_wait3A_282 : memref<8x128xi32, #tpu.memory_space<hbm>>) dst(%arg8 : memref<8x128xi32, #tpu.memory_space<vmem>>)
        tpu.yield
      }) : () -> ()
      %dma_start3A = arith.constant 0 : i32
      %dma_start3A_53 = arith.constant 0 : i32
      %dma_start3A_54 = tpu.memref_slice %arg7[%dma_start3A, %dma_start3A_53] : memref<8x128xi32, #tpu.memory_space<vmem>> -> memref<1x128xi32, #tpu.memory_space<vmem>>
      %dma_start3A_55 = tpu.memref_squeeze %dma_start3A_54 : memref<1x128xi32, #tpu.memory_space<vmem>> -> memref<128xi32, #tpu.memory_space<vmem>>
      %dma_start3A_56 = arith.constant 0 : i32
      %dma_start3A_57 = arith.constant 0 : i32
      %dma_start3A_58 = tpu.memref_slice %arg4[%dma_start3A_56, %dma_start3A_57] : memref<10240x128xf32, #tpu.memory_space<hbm>> -> memref<10240x128xf32, #tpu.memory_space<hbm>>
      tpu.enqueue_indirect_dma source(%dma_start3A_58 : memref<10240x128xf32, #tpu.memory_space<hbm>>) target(%arg9 : memref<128x128xf32, #tpu.memory_space<vmem>>) offsets(%dma_start3A_55 : memref<128xi32, #tpu.memory_space<vmem>>) semaphore(%arg12 : memref<!tpu.dma_semaphore, #tpu.memory_space<semaphore_mem>>)
      %dma_start3A_59 = arith.constant 1 : i32
      %dma_start3A_60 = arith.constant 0 : i32
      %dma_start3A_61 = tpu.memref_slice %arg7[%dma_start3A_59, %dma_start3A_60] : memref<8x128xi32, #tpu.memory_space<vmem>> -> memref<1x128xi32, #tpu.memory_space<vmem>>
      %dma_start3A_62 = tpu.memref_squeeze %dma_start3A_61 : memref<1x128xi32, #tpu.memory_space<vmem>> -> memref<128xi32, #tpu.memory_space<vmem>>
      %dma_start3A_63 = arith.constant 0 : i32
      %dma_start3A_64 = arith.constant 0 : i32
      %dma_start3A_65 = tpu.memref_slice %arg4[%dma_start3A_63, %dma_start3A_64] : memref<10240x128xf32, #tpu.memory_space<hbm>> -> memref<10240x128xf32, #tpu.memory_space<hbm>>
      tpu.enqueue_indirect_dma source(%dma_start3A_65 : memref<10240x128xf32, #tpu.memory_space<hbm>>) target(%arg10 : memref<128x128xf32, #tpu.memory_space<vmem>>) offsets(%dma_start3A_62 : memref<128xi32, #tpu.memory_space<vmem>>) semaphore(%arg13 : memref<!tpu.dma_semaphore, #tpu.memory_space<semaphore_mem>>)
      %dma_wait3A = arith.constant 0 : i32
      %dma_wait3A_66 = arith.constant 0 : i32
      %dma_wait3A_67 = tpu.memref_slice %arg7[%dma_wait3A, %dma_wait3A_66] : memref<8x128xi32, #tpu.memory_space<vmem>> -> memref<1x128xi32, #tpu.memory_space<vmem>>
      %dma_wait3A_68 = tpu.memref_squeeze %dma_wait3A_67 : memref<1x128xi32, #tpu.memory_space<vmem>> -> memref<128xi32, #tpu.memory_space<vmem>>
      %dma_wait3A_69 = arith.constant 0 : i32
      %dma_wait3A_70 = arith.constant 0 : i32
      %dma_wait3A_71 = tpu.memref_slice %arg4[%dma_wait3A_69, %dma_wait3A_70] : memref<10240x128xf32, #tpu.memory_space<hbm>> -> memref<10240x128xf32, #tpu.memory_space<hbm>>
      tpu.wait_indirect_dma semaphore(%arg12 : memref<!tpu.dma_semaphore, #tpu.memory_space<semaphore_mem>>) src(%dma_wait3A_71 : memref<10240x128xf32, #tpu.memory_space<hbm>>) dst(%arg9 : memref<128x128xf32, #tpu.memory_space<vmem>>)
      %dma_start3A_72 = arith.constant 0 : i32
      %dma_start3A_73 = arith.constant 0 : i32
      %dma_start3A_74 = tpu.memref_slice %arg8[%dma_start3A_72, %dma_start3A_73] : memref<8x128xi32, #tpu.memory_space<vmem>> -> memref<1x128xi32, #tpu.memory_space<vmem>>
      %dma_start3A_75 = tpu.memref_squeeze %dma_start3A_74 : memref<1x128xi32, #tpu.memory_space<vmem>> -> memref<128xi32, #tpu.memory_space<vmem>>
      %dma_start3A_76 = arith.constant 0 : i32
      %dma_start3A_77 = arith.constant 0 : i32
      %dma_start3A_78 = tpu.memref_slice %arg11[%dma_start3A_76, %dma_start3A_77] : memref<10240x128xf32, #tpu.memory_space<vmem_shared>> -> memref<10240x128xf32, #tpu.memory_space<vmem_shared>>
      tpu.enqueue_indirect_dma source(%arg9 : memref<128x128xf32, #tpu.memory_space<vmem>>) target(%dma_start3A_78 : memref<10240x128xf32, #tpu.memory_space<vmem_shared>>) offsets(%dma_start3A_75 : memref<128xi32, #tpu.memory_space<vmem>>) semaphore(%arg14 : memref<!tpu.dma_semaphore, #tpu.memory_space<semaphore_mem>>) {add = true}
      %dma_wait3A_79 = arith.constant 0 : i32
      %dma_wait3A_80 = arith.constant 0 : i32
      %dma_wait3A_81 = tpu.memref_slice %arg8[%dma_wait3A_79, %dma_wait3A_80] : memref<8x128xi32, #tpu.memory_space<vmem>> -> memref<1x128xi32, #tpu.memory_space<vmem>>
      %dma_wait3A_82 = tpu.memref_squeeze %dma_wait3A_81 : memref<1x128xi32, #tpu.memory_space<vmem>> -> memref<128xi32, #tpu.memory_space<vmem>>
      %dma_wait3A_83 = arith.constant 0 : i32
      %dma_wait3A_84 = arith.constant 0 : i32
      %dma_wait3A_85 = tpu.memref_slice %arg11[%dma_wait3A_83, %dma_wait3A_84] : memref<10240x128xf32, #tpu.memory_space<vmem_shared>> -> memref<10240x128xf32, #tpu.memory_space<vmem_shared>>
      tpu.wait_indirect_dma semaphore(%arg14 : memref<!tpu.dma_semaphore, #tpu.memory_space<semaphore_mem>>) src(%arg9 : memref<128x128xf32, #tpu.memory_space<vmem>>) dst(%dma_wait3A_85 : memref<10240x128xf32, #tpu.memory_space<vmem_shared>>)
      %dma_start3A_86 = arith.constant 2 : i32
      %dma_start3A_87 = arith.constant 0 : i32
      %dma_start3A_88 = tpu.memref_slice %arg7[%dma_start3A_86, %dma_start3A_87] : memref<8x128xi32, #tpu.memory_space<vmem>> -> memref<1x128xi32, #tpu.memory_space<vmem>>
      %dma_start3A_89 = tpu.memref_squeeze %dma_start3A_88 : memref<1x128xi32, #tpu.memory_space<vmem>> -> memref<128xi32, #tpu.memory_space<vmem>>
      %dma_start3A_90 = arith.constant 0 : i32
      %dma_start3A_91 = arith.constant 0 : i32
      %dma_start3A_92 = tpu.memref_slice %arg4[%dma_start3A_90, %dma_start3A_91] : memref<10240x128xf32, #tpu.memory_space<hbm>> -> memref<10240x128xf32, #tpu.memory_space<hbm>>
      tpu.enqueue_indirect_dma source(%dma_start3A_92 : memref<10240x128xf32, #tpu.memory_space<hbm>>) target(%arg9 : memref<128x128xf32, #tpu.memory_space<vmem>>) offsets(%dma_start3A_89 : memref<128xi32, #tpu.memory_space<vmem>>) semaphore(%arg12 : memref<!tpu.dma_semaphore, #tpu.memory_space<semaphore_mem>>)
      %dma_wait3A_93 = arith.constant 1 : i32
      %dma_wait3A_94 = arith.constant 0 : i32
      %dma_wait3A_95 = tpu.memref_slice %arg7[%dma_wait3A_93, %dma_wait3A_94] : memref<8x128xi32, #tpu.memory_space<vmem>> -> memref<1x128xi32, #tpu.memory_space<vmem>>
      %dma_wait3A_96 = tpu.memref_squeeze %dma_wait3A_95 : memref<1x128xi32, #tpu.memory_space<vmem>> -> memref<128xi32, #tpu.memory_space<vmem>>
      %dma_wait3A_97 = arith.constant 0 : i32
      %dma_wait3A_98 = arith.constant 0 : i32
      %dma_wait3A_99 = tpu.memref_slice %arg4[%dma_wait3A_97, %dma_wait3A_98] : memref<10240x128xf32, #tpu.memory_space<hbm>> -> memref<10240x128xf32, #tpu.memory_space<hbm>>
      tpu.wait_indirect_dma semaphore(%arg13 : memref<!tpu.dma_semaphore, #tpu.memory_space<semaphore_mem>>) src(%dma_wait3A_99 : memref<10240x128xf32, #tpu.memory_space<hbm>>) dst(%arg10 : memref<128x128xf32, #tpu.memory_space<vmem>>)
      %dma_start3A_100 = arith.constant 1 : i32
      %dma_start3A_101 = arith.constant 0 : i32
      %dma_start3A_102 = tpu.memref_slice %arg8[%dma_start3A_100, %dma_start3A_101] : memref<8x128xi32, #tpu.memory_space<vmem>> -> memref<1x128xi32, #tpu.memory_space<vmem>>
      %dma_start3A_103 = tpu.memref_squeeze %dma_start3A_102 : memref<1x128xi32, #tpu.memory_space<vmem>> -> memref<128xi32, #tpu.memory_space<vmem>>
      %dma_start3A_104 = arith.constant 0 : i32
      %dma_start3A_105 = arith.constant 0 : i32
      %dma_start3A_106 = tpu.memref_slice %arg11[%dma_start3A_104, %dma_start3A_105] : memref<10240x128xf32, #tpu.memory_space<vmem_shared>> -> memref<10240x128xf32, #tpu.memory_space<vmem_shared>>
      tpu.enqueue_indirect_dma source(%arg10 : memref<128x128xf32, #tpu.memory_space<vmem>>) target(%dma_start3A_106 : memref<10240x128xf32, #tpu.memory_space<vmem_shared>>) offsets(%dma_start3A_103 : memref<128xi32, #tpu.memory_space<vmem>>) semaphore(%arg15 : memref<!tpu.dma_semaphore, #tpu.memory_space<semaphore_mem>>) {add = true}
      %dma_wait3A_107 = arith.constant 1 : i32
      %dma_wait3A_108 = arith.constant 0 : i32
      %dma_wait3A_109 = tpu.memref_slice %arg8[%dma_wait3A_107, %dma_wait3A_108] : memref<8x128xi32, #tpu.memory_space<vmem>> -> memref<1x128xi32, #tpu.memory_space<vmem>>
      %dma_wait3A_110 = tpu.memref_squeeze %dma_wait3A_109 : memref<1x128xi32, #tpu.memory_space<vmem>> -> memref<128xi32, #tpu.memory_space<vmem>>
      %dma_wait3A_111 = arith.constant 0 : i32
      %dma_wait3A_112 = arith.constant 0 : i32
      %dma_wait3A_113 = tpu.memref_slice %arg11[%dma_wait3A_111, %dma_wait3A_112] : memref<10240x128xf32, #tpu.memory_space<vmem_shared>> -> memref<10240x128xf32, #tpu.memory_space<vmem_shared>>
      tpu.wait_indirect_dma semaphore(%arg15 : memref<!tpu.dma_semaphore, #tpu.memory_space<semaphore_mem>>) src(%arg10 : memref<128x128xf32, #tpu.memory_space<vmem>>) dst(%dma_wait3A_113 : memref<10240x128xf32, #tpu.memory_space<vmem_shared>>)
      %dma_start3A_114 = arith.constant 3 : i32
      %dma_start3A_115 = arith.constant 0 : i32
      %dma_start3A_116 = tpu.memref_slice %arg7[%dma_start3A_114, %dma_start3A_115] : memref<8x128xi32, #tpu.memory_space<vmem>> -> memref<1x128xi32, #tpu.memory_space<vmem>>
      %dma_start3A_117 = tpu.memref_squeeze %dma_start3A_116 : memref<1x128xi32, #tpu.memory_space<vmem>> -> memref<128xi32, #tpu.memory_space<vmem>>
      %dma_start3A_118 = arith.constant 0 : i32
      %dma_start3A_119 = arith.constant 0 : i32
      %dma_start3A_120 = tpu.memref_slice %arg4[%dma_start3A_118, %dma_start3A_119] : memref<10240x128xf32, #tpu.memory_space<hbm>> -> memref<10240x128xf32, #tpu.memory_space<hbm>>
      tpu.enqueue_indirect_dma source(%dma_start3A_120 : memref<10240x128xf32, #tpu.memory_space<hbm>>) target(%arg10 : memref<128x128xf32, #tpu.memory_space<vmem>>) offsets(%dma_start3A_117 : memref<128xi32, #tpu.memory_space<vmem>>) semaphore(%arg13 : memref<!tpu.dma_semaphore, #tpu.memory_space<semaphore_mem>>)
      %dma_wait3A_121 = arith.constant 2 : i32
      %dma_wait3A_122 = arith.constant 0 : i32
      %dma_wait3A_123 = tpu.memref_slice %arg7[%dma_wait3A_121, %dma_wait3A_122] : memref<8x128xi32, #tpu.memory_space<vmem>> -> memref<1x128xi32, #tpu.memory_space<vmem>>
      %dma_wait3A_124 = tpu.memref_squeeze %dma_wait3A_123 : memref<1x128xi32, #tpu.memory_space<vmem>> -> memref<128xi32, #tpu.memory_space<vmem>>
      %dma_wait3A_125 = arith.constant 0 : i32
      %dma_wait3A_126 = arith.constant 0 : i32
      %dma_wait3A_127 = tpu.memref_slice %arg4[%dma_wait3A_125, %dma_wait3A_126] : memref<10240x128xf32, #tpu.memory_space<hbm>> -> memref<10240x128xf32, #tpu.memory_space<hbm>>
      tpu.wait_indirect_dma semaphore(%arg12 : memref<!tpu.dma_semaphore, #tpu.memory_space<semaphore_mem>>) src(%dma_wait3A_127 : memref<10240x128xf32, #tpu.memory_space<hbm>>) dst(%arg9 : memref<128x128xf32, #tpu.memory_space<vmem>>)
      %dma_start3A_128 = arith.constant 2 : i32
      %dma_start3A_129 = arith.constant 0 : i32
      %dma_start3A_130 = tpu.memref_slice %arg8[%dma_start3A_128, %dma_start3A_129] : memref<8x128xi32, #tpu.memory_space<vmem>> -> memref<1x128xi32, #tpu.memory_space<vmem>>
      %dma_start3A_131 = tpu.memref_squeeze %dma_start3A_130 : memref<1x128xi32, #tpu.memory_space<vmem>> -> memref<128xi32, #tpu.memory_space<vmem>>
      %dma_start3A_132 = arith.constant 0 : i32
      %dma_start3A_133 = arith.constant 0 : i32
      %dma_start3A_134 = tpu.memref_slice %arg11[%dma_start3A_132, %dma_start3A_133] : memref<10240x128xf32, #tpu.memory_space<vmem_shared>> -> memref<10240x128xf32, #tpu.memory_space<vmem_shared>>
      tpu.enqueue_indirect_dma source(%arg9 : memref<128x128xf32, #tpu.memory_space<vmem>>) target(%dma_start3A_134 : memref<10240x128xf32, #tpu.memory_space<vmem_shared>>) offsets(%dma_start3A_131 : memref<128xi32, #tpu.memory_space<vmem>>) semaphore(%arg14 : memref<!tpu.dma_semaphore, #tpu.memory_space<semaphore_mem>>) {add = true}
      %dma_wait3A_135 = arith.constant 2 : i32
      %dma_wait3A_136 = arith.constant 0 : i32
      %dma_wait3A_137 = tpu.memref_slice %arg8[%dma_wait3A_135, %dma_wait3A_136] : memref<8x128xi32, #tpu.memory_space<vmem>> -> memref<1x128xi32, #tpu.memory_space<vmem>>
      %dma_wait3A_138 = tpu.memref_squeeze %dma_wait3A_137 : memref<1x128xi32, #tpu.memory_space<vmem>> -> memref<128xi32, #tpu.memory_space<vmem>>
      %dma_wait3A_139 = arith.constant 0 : i32
      %dma_wait3A_140 = arith.constant 0 : i32
      %dma_wait3A_141 = tpu.memref_slice %arg11[%dma_wait3A_139, %dma_wait3A_140] : memref<10240x128xf32, #tpu.memory_space<vmem_shared>> -> memref<10240x128xf32, #tpu.memory_space<vmem_shared>>
      tpu.wait_indirect_dma semaphore(%arg14 : memref<!tpu.dma_semaphore, #tpu.memory_space<semaphore_mem>>) src(%arg9 : memref<128x128xf32, #tpu.memory_space<vmem>>) dst(%dma_wait3A_141 : memref<10240x128xf32, #tpu.memory_space<vmem_shared>>)
      %dma_start3A_142 = arith.constant 4 : i32
      %dma_start3A_143 = arith.constant 0 : i32
      %dma_start3A_144 = tpu.memref_slice %arg7[%dma_start3A_142, %dma_start3A_143] : memref<8x128xi32, #tpu.memory_space<vmem>> -> memref<1x128xi32, #tpu.memory_space<vmem>>
      %dma_start3A_145 = tpu.memref_squeeze %dma_start3A_144 : memref<1x128xi32, #tpu.memory_space<vmem>> -> memref<128xi32, #tpu.memory_space<vmem>>
      %dma_start3A_146 = arith.constant 0 : i32
      %dma_start3A_147 = arith.constant 0 : i32
      %dma_start3A_148 = tpu.memref_slice %arg4[%dma_start3A_146, %dma_start3A_147] : memref<10240x128xf32, #tpu.memory_space<hbm>> -> memref<10240x128xf32, #tpu.memory_space<hbm>>
      tpu.enqueue_indirect_dma source(%dma_start3A_148 : memref<10240x128xf32, #tpu.memory_space<hbm>>) target(%arg9 : memref<128x128xf32, #tpu.memory_space<vmem>>) offsets(%dma_start3A_145 : memref<128xi32, #tpu.memory_space<vmem>>) semaphore(%arg12 : memref<!tpu.dma_semaphore, #tpu.memory_space<semaphore_mem>>)
      %dma_wait3A_149 = arith.constant 3 : i32
      %dma_wait3A_150 = arith.constant 0 : i32
      %dma_wait3A_151 = tpu.memref_slice %arg7[%dma_wait3A_149, %dma_wait3A_150] : memref<8x128xi32, #tpu.memory_space<vmem>> -> memref<1x128xi32, #tpu.memory_space<vmem>>
      %dma_wait3A_152 = tpu.memref_squeeze %dma_wait3A_151 : memref<1x128xi32, #tpu.memory_space<vmem>> -> memref<128xi32, #tpu.memory_space<vmem>>
      %dma_wait3A_153 = arith.constant 0 : i32
      %dma_wait3A_154 = arith.constant 0 : i32
      %dma_wait3A_155 = tpu.memref_slice %arg4[%dma_wait3A_153, %dma_wait3A_154] : memref<10240x128xf32, #tpu.memory_space<hbm>> -> memref<10240x128xf32, #tpu.memory_space<hbm>>
      tpu.wait_indirect_dma semaphore(%arg13 : memref<!tpu.dma_semaphore, #tpu.memory_space<semaphore_mem>>) src(%dma_wait3A_155 : memref<10240x128xf32, #tpu.memory_space<hbm>>) dst(%arg10 : memref<128x128xf32, #tpu.memory_space<vmem>>)
      %dma_start3A_156 = arith.constant 3 : i32
      %dma_start3A_157 = arith.constant 0 : i32
      %dma_start3A_158 = tpu.memref_slice %arg8[%dma_start3A_156, %dma_start3A_157] : memref<8x128xi32, #tpu.memory_space<vmem>> -> memref<1x128xi32, #tpu.memory_space<vmem>>
      %dma_start3A_159 = tpu.memref_squeeze %dma_start3A_158 : memref<1x128xi32, #tpu.memory_space<vmem>> -> memref<128xi32, #tpu.memory_space<vmem>>
      %dma_start3A_160 = arith.constant 0 : i32
      %dma_start3A_161 = arith.constant 0 : i32
      %dma_start3A_162 = tpu.memref_slice %arg11[%dma_start3A_160, %dma_start3A_161] : memref<10240x128xf32, #tpu.memory_space<vmem_shared>> -> memref<10240x128xf32, #tpu.memory_space<vmem_shared>>
      tpu.enqueue_indirect_dma source(%arg10 : memref<128x128xf32, #tpu.memory_space<vmem>>) target(%dma_start3A_162 : memref<10240x128xf32, #tpu.memory_space<vmem_shared>>) offsets(%dma_start3A_159 : memref<128xi32, #tpu.memory_space<vmem>>) semaphore(%arg15 : memref<!tpu.dma_semaphore, #tpu.memory_space<semaphore_mem>>) {add = true}
      %dma_wait3A_163 = arith.constant 3 : i32
      %dma_wait3A_164 = arith.constant 0 : i32
      %dma_wait3A_165 = tpu.memref_slice %arg8[%dma_wait3A_163, %dma_wait3A_164] : memref<8x128xi32, #tpu.memory_space<vmem>> -> memref<1x128xi32, #tpu.memory_space<vmem>>
      %dma_wait3A_166 = tpu.memref_squeeze %dma_wait3A_165 : memref<1x128xi32, #tpu.memory_space<vmem>> -> memref<128xi32, #tpu.memory_space<vmem>>
      %dma_wait3A_167 = arith.constant 0 : i32
      %dma_wait3A_168 = arith.constant 0 : i32
      %dma_wait3A_169 = tpu.memref_slice %arg11[%dma_wait3A_167, %dma_wait3A_168] : memref<10240x128xf32, #tpu.memory_space<vmem_shared>> -> memref<10240x128xf32, #tpu.memory_space<vmem_shared>>
      tpu.wait_indirect_dma semaphore(%arg15 : memref<!tpu.dma_semaphore, #tpu.memory_space<semaphore_mem>>) src(%arg10 : memref<128x128xf32, #tpu.memory_space<vmem>>) dst(%dma_wait3A_169 : memref<10240x128xf32, #tpu.memory_space<vmem_shared>>)
      %dma_start3A_170 = arith.constant 5 : i32
      %dma_start3A_171 = arith.constant 0 : i32
      %dma_start3A_172 = tpu.memref_slice %arg7[%dma_start3A_170, %dma_start3A_171] : memref<8x128xi32, #tpu.memory_space<vmem>> -> memref<1x128xi32, #tpu.memory_space<vmem>>
      %dma_start3A_173 = tpu.memref_squeeze %dma_start3A_172 : memref<1x128xi32, #tpu.memory_space<vmem>> -> memref<128xi32, #tpu.memory_space<vmem>>
      %dma_start3A_174 = arith.constant 0 : i32
      %dma_start3A_175 = arith.constant 0 : i32
      %dma_start3A_176 = tpu.memref_slice %arg4[%dma_start3A_174, %dma_start3A_175] : memref<10240x128xf32, #tpu.memory_space<hbm>> -> memref<10240x128xf32, #tpu.memory_space<hbm>>
      tpu.enqueue_indirect_dma source(%dma_start3A_176 : memref<10240x128xf32, #tpu.memory_space<hbm>>) target(%arg10 : memref<128x128xf32, #tpu.memory_space<vmem>>) offsets(%dma_start3A_173 : memref<128xi32, #tpu.memory_space<vmem>>) semaphore(%arg13 : memref<!tpu.dma_semaphore, #tpu.memory_space<semaphore_mem>>)
      %dma_wait3A_177 = arith.constant 4 : i32
      %dma_wait3A_178 = arith.constant 0 : i32
      %dma_wait3A_179 = tpu.memref_slice %arg7[%dma_wait3A_177, %dma_wait3A_178] : memref<8x128xi32, #tpu.memory_space<vmem>> -> memref<1x128xi32, #tpu.memory_space<vmem>>
      %dma_wait3A_180 = tpu.memref_squeeze %dma_wait3A_179 : memref<1x128xi32, #tpu.memory_space<vmem>> -> memref<128xi32, #tpu.memory_space<vmem>>
      %dma_wait3A_181 = arith.constant 0 : i32
      %dma_wait3A_182 = arith.constant 0 : i32
      %dma_wait3A_183 = tpu.memref_slice %arg4[%dma_wait3A_181, %dma_wait3A_182] : memref<10240x128xf32, #tpu.memory_space<hbm>> -> memref<10240x128xf32, #tpu.memory_space<hbm>>
      tpu.wait_indirect_dma semaphore(%arg12 : memref<!tpu.dma_semaphore, #tpu.memory_space<semaphore_mem>>) src(%dma_wait3A_183 : memref<10240x128xf32, #tpu.memory_space<hbm>>) dst(%arg9 : memref<128x128xf32, #tpu.memory_space<vmem>>)
      %dma_start3A_184 = arith.constant 4 : i32
      %dma_start3A_185 = arith.constant 0 : i32
      %dma_start3A_186 = tpu.memref_slice %arg8[%dma_start3A_184, %dma_start3A_185] : memref<8x128xi32, #tpu.memory_space<vmem>> -> memref<1x128xi32, #tpu.memory_space<vmem>>
      %dma_start3A_187 = tpu.memref_squeeze %dma_start3A_186 : memref<1x128xi32, #tpu.memory_space<vmem>> -> memref<128xi32, #tpu.memory_space<vmem>>
      %dma_start3A_188 = arith.constant 0 : i32
      %dma_start3A_189 = arith.constant 0 : i32
      %dma_start3A_190 = tpu.memref_slice %arg11[%dma_start3A_188, %dma_start3A_189] : memref<10240x128xf32, #tpu.memory_space<vmem_shared>> -> memref<10240x128xf32, #tpu.memory_space<vmem_shared>>
      tpu.enqueue_indirect_dma source(%arg9 : memref<128x128xf32, #tpu.memory_space<vmem>>) target(%dma_start3A_190 : memref<10240x128xf32, #tpu.memory_space<vmem_shared>>) offsets(%dma_start3A_187 : memref<128xi32, #tpu.memory_space<vmem>>) semaphore(%arg14 : memref<!tpu.dma_semaphore, #tpu.memory_space<semaphore_mem>>) {add = true}
      %dma_wait3A_191 = arith.constant 4 : i32
      %dma_wait3A_192 = arith.constant 0 : i32
      %dma_wait3A_193 = tpu.memref_slice %arg8[%dma_wait3A_191, %dma_wait3A_192] : memref<8x128xi32, #tpu.memory_space<vmem>> -> memref<1x128xi32, #tpu.memory_space<vmem>>
      %dma_wait3A_194 = tpu.memref_squeeze %dma_wait3A_193 : memref<1x128xi32, #tpu.memory_space<vmem>> -> memref<128xi32, #tpu.memory_space<vmem>>
      %dma_wait3A_195 = arith.constant 0 : i32
      %dma_wait3A_196 = arith.constant 0 : i32
      %dma_wait3A_197 = tpu.memref_slice %arg11[%dma_wait3A_195, %dma_wait3A_196] : memref<10240x128xf32, #tpu.memory_space<vmem_shared>> -> memref<10240x128xf32, #tpu.memory_space<vmem_shared>>
      tpu.wait_indirect_dma semaphore(%arg14 : memref<!tpu.dma_semaphore, #tpu.memory_space<semaphore_mem>>) src(%arg9 : memref<128x128xf32, #tpu.memory_space<vmem>>) dst(%dma_wait3A_197 : memref<10240x128xf32, #tpu.memory_space<vmem_shared>>)
      %dma_start3A_198 = arith.constant 6 : i32
      %dma_start3A_199 = arith.constant 0 : i32
      %dma_start3A_200 = tpu.memref_slice %arg7[%dma_start3A_198, %dma_start3A_199] : memref<8x128xi32, #tpu.memory_space<vmem>> -> memref<1x128xi32, #tpu.memory_space<vmem>>
      %dma_start3A_201 = tpu.memref_squeeze %dma_start3A_200 : memref<1x128xi32, #tpu.memory_space<vmem>> -> memref<128xi32, #tpu.memory_space<vmem>>
      %dma_start3A_202 = arith.constant 0 : i32
      %dma_start3A_203 = arith.constant 0 : i32
      %dma_start3A_204 = tpu.memref_slice %arg4[%dma_start3A_202, %dma_start3A_203] : memref<10240x128xf32, #tpu.memory_space<hbm>> -> memref<10240x128xf32, #tpu.memory_space<hbm>>
      tpu.enqueue_indirect_dma source(%dma_start3A_204 : memref<10240x128xf32, #tpu.memory_space<hbm>>) target(%arg9 : memref<128x128xf32, #tpu.memory_space<vmem>>) offsets(%dma_start3A_201 : memref<128xi32, #tpu.memory_space<vmem>>) semaphore(%arg12 : memref<!tpu.dma_semaphore, #tpu.memory_space<semaphore_mem>>)
      %dma_wait3A_205 = arith.constant 5 : i32
      %dma_wait3A_206 = arith.constant 0 : i32
      %dma_wait3A_207 = tpu.memref_slice %arg7[%dma_wait3A_205, %dma_wait3A_206] : memref<8x128xi32, #tpu.memory_space<vmem>> -> memref<1x128xi32, #tpu.memory_space<vmem>>
      %dma_wait3A_208 = tpu.memref_squeeze %dma_wait3A_207 : memref<1x128xi32, #tpu.memory_space<vmem>> -> memref<128xi32, #tpu.memory_space<vmem>>
      %dma_wait3A_209 = arith.constant 0 : i32
      %dma_wait3A_210 = arith.constant 0 : i32
      %dma_wait3A_211 = tpu.memref_slice %arg4[%dma_wait3A_209, %dma_wait3A_210] : memref<10240x128xf32, #tpu.memory_space<hbm>> -> memref<10240x128xf32, #tpu.memory_space<hbm>>
      tpu.wait_indirect_dma semaphore(%arg13 : memref<!tpu.dma_semaphore, #tpu.memory_space<semaphore_mem>>) src(%dma_wait3A_211 : memref<10240x128xf32, #tpu.memory_space<hbm>>) dst(%arg10 : memref<128x128xf32, #tpu.memory_space<vmem>>)
      %dma_start3A_212 = arith.constant 5 : i32
      %dma_start3A_213 = arith.constant 0 : i32
      %dma_start3A_214 = tpu.memref_slice %arg8[%dma_start3A_212, %dma_start3A_213] : memref<8x128xi32, #tpu.memory_space<vmem>> -> memref<1x128xi32, #tpu.memory_space<vmem>>
      %dma_start3A_215 = tpu.memref_squeeze %dma_start3A_214 : memref<1x128xi32, #tpu.memory_space<vmem>> -> memref<128xi32, #tpu.memory_space<vmem>>
      %dma_start3A_216 = arith.constant 0 : i32
      %dma_start3A_217 = arith.constant 0 : i32
      %dma_start3A_218 = tpu.memref_slice %arg11[%dma_start3A_216, %dma_start3A_217] : memref<10240x128xf32, #tpu.memory_space<vmem_shared>> -> memref<10240x128xf32, #tpu.memory_space<vmem_shared>>
      tpu.enqueue_indirect_dma source(%arg10 : memref<128x128xf32, #tpu.memory_space<vmem>>) target(%dma_start3A_218 : memref<10240x128xf32, #tpu.memory_space<vmem_shared>>) offsets(%dma_start3A_215 : memref<128xi32, #tpu.memory_space<vmem>>) semaphore(%arg15 : memref<!tpu.dma_semaphore, #tpu.memory_space<semaphore_mem>>) {add = true}
      %dma_wait3A_219 = arith.constant 5 : i32
      %dma_wait3A_220 = arith.constant 0 : i32
      %dma_wait3A_221 = tpu.memref_slice %arg8[%dma_wait3A_219, %dma_wait3A_220] : memref<8x128xi32, #tpu.memory_space<vmem>> -> memref<1x128xi32, #tpu.memory_space<vmem>>
      %dma_wait3A_222 = tpu.memref_squeeze %dma_wait3A_221 : memref<1x128xi32, #tpu.memory_space<vmem>> -> memref<128xi32, #tpu.memory_space<vmem>>
      %dma_wait3A_223 = arith.constant 0 : i32
      %dma_wait3A_224 = arith.constant 0 : i32
      %dma_wait3A_225 = tpu.memref_slice %arg11[%dma_wait3A_223, %dma_wait3A_224] : memref<10240x128xf32, #tpu.memory_space<vmem_shared>> -> memref<10240x128xf32, #tpu.memory_space<vmem_shared>>
      tpu.wait_indirect_dma semaphore(%arg15 : memref<!tpu.dma_semaphore, #tpu.memory_space<semaphore_mem>>) src(%arg10 : memref<128x128xf32, #tpu.memory_space<vmem>>) dst(%dma_wait3A_225 : memref<10240x128xf32, #tpu.memory_space<vmem_shared>>)
      %dma_start3A_226 = arith.constant 7 : i32
      %dma_start3A_227 = arith.constant 0 : i32
      %dma_start3A_228 = tpu.memref_slice %arg7[%dma_start3A_226, %dma_start3A_227] : memref<8x128xi32, #tpu.memory_space<vmem>> -> memref<1x128xi32, #tpu.memory_space<vmem>>
      %dma_start3A_229 = tpu.memref_squeeze %dma_start3A_228 : memref<1x128xi32, #tpu.memory_space<vmem>> -> memref<128xi32, #tpu.memory_space<vmem>>
      %dma_start3A_230 = arith.constant 0 : i32
      %dma_start3A_231 = arith.constant 0 : i32
      %dma_start3A_232 = tpu.memref_slice %arg4[%dma_start3A_230, %dma_start3A_231] : memref<10240x128xf32, #tpu.memory_space<hbm>> -> memref<10240x128xf32, #tpu.memory_space<hbm>>
      tpu.enqueue_indirect_dma source(%dma_start3A_232 : memref<10240x128xf32, #tpu.memory_space<hbm>>) target(%arg10 : memref<128x128xf32, #tpu.memory_space<vmem>>) offsets(%dma_start3A_229 : memref<128xi32, #tpu.memory_space<vmem>>) semaphore(%arg13 : memref<!tpu.dma_semaphore, #tpu.memory_space<semaphore_mem>>)
      %dma_wait3A_233 = arith.constant 6 : i32
      %dma_wait3A_234 = arith.constant 0 : i32
      %dma_wait3A_235 = tpu.memref_slice %arg7[%dma_wait3A_233, %dma_wait3A_234] : memref<8x128xi32, #tpu.memory_space<vmem>> -> memref<1x128xi32, #tpu.memory_space<vmem>>
      %dma_wait3A_236 = tpu.memref_squeeze %dma_wait3A_235 : memref<1x128xi32, #tpu.memory_space<vmem>> -> memref<128xi32, #tpu.memory_space<vmem>>
      %dma_wait3A_237 = arith.constant 0 : i32
      %dma_wait3A_238 = arith.constant 0 : i32
      %dma_wait3A_239 = tpu.memref_slice %arg4[%dma_wait3A_237, %dma_wait3A_238] : memref<10240x128xf32, #tpu.memory_space<hbm>> -> memref<10240x128xf32, #tpu.memory_space<hbm>>
      tpu.wait_indirect_dma semaphore(%arg12 : memref<!tpu.dma_semaphore, #tpu.memory_space<semaphore_mem>>) src(%dma_wait3A_239 : memref<10240x128xf32, #tpu.memory_space<hbm>>) dst(%arg9 : memref<128x128xf32, #tpu.memory_space<vmem>>)
      %dma_start3A_240 = arith.constant 6 : i32
      %dma_start3A_241 = arith.constant 0 : i32
      %dma_start3A_242 = tpu.memref_slice %arg8[%dma_start3A_240, %dma_start3A_241] : memref<8x128xi32, #tpu.memory_space<vmem>> -> memref<1x128xi32, #tpu.memory_space<vmem>>
      %dma_start3A_243 = tpu.memref_squeeze %dma_start3A_242 : memref<1x128xi32, #tpu.memory_space<vmem>> -> memref<128xi32, #tpu.memory_space<vmem>>
      %dma_start3A_244 = arith.constant 0 : i32
      %dma_start3A_245 = arith.constant 0 : i32
      %dma_start3A_246 = tpu.memref_slice %arg11[%dma_start3A_244, %dma_start3A_245] : memref<10240x128xf32, #tpu.memory_space<vmem_shared>> -> memref<10240x128xf32, #tpu.memory_space<vmem_shared>>
      tpu.enqueue_indirect_dma source(%arg9 : memref<128x128xf32, #tpu.memory_space<vmem>>) target(%dma_start3A_246 : memref<10240x128xf32, #tpu.memory_space<vmem_shared>>) offsets(%dma_start3A_243 : memref<128xi32, #tpu.memory_space<vmem>>) semaphore(%arg14 : memref<!tpu.dma_semaphore, #tpu.memory_space<semaphore_mem>>) {add = true}
      %dma_wait3A_247 = arith.constant 7 : i32
      %dma_wait3A_248 = arith.constant 0 : i32
      %dma_wait3A_249 = tpu.memref_slice %arg7[%dma_wait3A_247, %dma_wait3A_248] : memref<8x128xi32, #tpu.memory_space<vmem>> -> memref<1x128xi32, #tpu.memory_space<vmem>>
      %dma_wait3A_250 = tpu.memref_squeeze %dma_wait3A_249 : memref<1x128xi32, #tpu.memory_space<vmem>> -> memref<128xi32, #tpu.memory_space<vmem>>
      %dma_wait3A_251 = arith.constant 0 : i32
      %dma_wait3A_252 = arith.constant 0 : i32
      %dma_wait3A_253 = tpu.memref_slice %arg4[%dma_wait3A_251, %dma_wait3A_252] : memref<10240x128xf32, #tpu.memory_space<hbm>> -> memref<10240x128xf32, #tpu.memory_space<hbm>>
      tpu.wait_indirect_dma semaphore(%arg13 : memref<!tpu.dma_semaphore, #tpu.memory_space<semaphore_mem>>) src(%dma_wait3A_253 : memref<10240x128xf32, #tpu.memory_space<hbm>>) dst(%arg10 : memref<128x128xf32, #tpu.memory_space<vmem>>)
      %dma_start3A_254 = arith.constant 7 : i32
      %dma_start3A_255 = arith.constant 0 : i32
      %dma_start3A_256 = tpu.memref_slice %arg8[%dma_start3A_254, %dma_start3A_255] : memref<8x128xi32, #tpu.memory_space<vmem>> -> memref<1x128xi32, #tpu.memory_space<vmem>>
      %dma_start3A_257 = tpu.memref_squeeze %dma_start3A_256 : memref<1x128xi32, #tpu.memory_space<vmem>> -> memref<128xi32, #tpu.memory_space<vmem>>
      %dma_start3A_258 = arith.constant 0 : i32
      %dma_start3A_259 = arith.constant 0 : i32
      %dma_start3A_260 = tpu.memref_slice %arg11[%dma_start3A_258, %dma_start3A_259] : memref<10240x128xf32, #tpu.memory_space<vmem_shared>> -> memref<10240x128xf32, #tpu.memory_space<vmem_shared>>
      tpu.enqueue_indirect_dma source(%arg10 : memref<128x128xf32, #tpu.memory_space<vmem>>) target(%dma_start3A_260 : memref<10240x128xf32, #tpu.memory_space<vmem_shared>>) offsets(%dma_start3A_257 : memref<128xi32, #tpu.memory_space<vmem>>) semaphore(%arg15 : memref<!tpu.dma_semaphore, #tpu.memory_space<semaphore_mem>>) {add = true}
      %dma_wait3A_261 = arith.constant 6 : i32
      %dma_wait3A_262 = arith.constant 0 : i32
      %dma_wait3A_263 = tpu.memref_slice %arg8[%dma_wait3A_261, %dma_wait3A_262] : memref<8x128xi32, #tpu.memory_space<vmem>> -> memref<1x128xi32, #tpu.memory_space<vmem>>
      %dma_wait3A_264 = tpu.memref_squeeze %dma_wait3A_263 : memref<1x128xi32, #tpu.memory_space<vmem>> -> memref<128xi32, #tpu.memory_space<vmem>>
      %dma_wait3A_265 = arith.constant 0 : i32
      %dma_wait3A_266 = arith.constant 0 : i32
      %dma_wait3A_267 = tpu.memref_slice %arg11[%dma_wait3A_265, %dma_wait3A_266] : memref<10240x128xf32, #tpu.memory_space<vmem_shared>> -> memref<10240x128xf32, #tpu.memory_space<vmem_shared>>
      tpu.wait_indirect_dma semaphore(%arg14 : memref<!tpu.dma_semaphore, #tpu.memory_space<semaphore_mem>>) src(%arg9 : memref<128x128xf32, #tpu.memory_space<vmem>>) dst(%dma_wait3A_267 : memref<10240x128xf32, #tpu.memory_space<vmem_shared>>)
      %dma_wait3A_268 = arith.constant 7 : i32
      %dma_wait3A_269 = arith.constant 0 : i32
      %dma_wait3A_270 = tpu.memref_slice %arg8[%dma_wait3A_268, %dma_wait3A_269] : memref<8x128xi32, #tpu.memory_space<vmem>> -> memref<1x128xi32, #tpu.memory_space<vmem>>
      %dma_wait3A_271 = tpu.memref_squeeze %dma_wait3A_270 : memref<1x128xi32, #tpu.memory_space<vmem>> -> memref<128xi32, #tpu.memory_space<vmem>>
      %dma_wait3A_272 = arith.constant 0 : i32
      %dma_wait3A_273 = arith.constant 0 : i32
      %dma_wait3A_274 = tpu.memref_slice %arg11[%dma_wait3A_272, %dma_wait3A_273] : memref<10240x128xf32, #tpu.memory_space<vmem_shared>> -> memref<10240x128xf32, #tpu.memory_space<vmem_shared>>
      tpu.wait_indirect_dma semaphore(%arg15 : memref<!tpu.dma_semaphore, #tpu.memory_space<semaphore_mem>>) src(%arg10 : memref<128x128xf32, #tpu.memory_space<vmem>>) dst(%dma_wait3A_274 : memref<10240x128xf32, #tpu.memory_space<vmem_shared>>)
    }
    %scan3A_27 = arith.constant 10 : i32
    %barrier3A_28 = arith.constant 0 : index
    tpu.barrier barrier_id(%barrier3A_28)
    %mul3A_29 = arith.constant 640 : i32
    %mul3A_30 = arith.muli %arg1, %mul3A_29 : i32
    %add3A_31 = arith.constant 0 : i32
    %add3A_32 = arith.addi %mul3A_30, %add3A_31 : i32
    "tpu.region"() ({
      %run_scoped3A = tpu.sem_alloc : memref<!tpu.dma_semaphore, #tpu.memory_space<semaphore_mem>>
      %dma_start3A = arith.constant 0 : i32
      %dma_start3A_49 = tpu.memref_slice %arg11[%add3A_32, %dma_start3A] : memref<10240x128xf32, #tpu.memory_space<vmem_shared>> -> memref<128x128xf32, #tpu.memory_space<vmem_shared>>
      %dma_start3A_50 = arith.constant 0 : i32
      %dma_start3A_51 = tpu.memref_slice %arg11[%add3A_32, %dma_start3A_50] : memref<10240x128xf32, #tpu.memory_space<vmem_shared>> -> memref<128x128xf32, #tpu.memory_space<vmem_shared>>
      tpu.enqueue_dma source(%dma_start3A_51 : memref<128x128xf32, #tpu.memory_space<vmem_shared>>) target(%arg9 : memref<128x128xf32, #tpu.memory_space<vmem>>) target_semaphore(%run_scoped3A : memref<!tpu.dma_semaphore, #tpu.memory_space<semaphore_mem>>)
      %dma_wait3A = arith.constant 0 : i32
      %dma_wait3A_52 = tpu.memref_slice %arg11[%add3A_32, %dma_wait3A] : memref<10240x128xf32, #tpu.memory_space<vmem_shared>> -> memref<128x128xf32, #tpu.memory_space<vmem_shared>>
      %dma_wait3A_53 = arith.constant 0 : i32
      %dma_wait3A_54 = tpu.memref_slice %arg11[%add3A_32, %dma_wait3A_53] : memref<10240x128xf32, #tpu.memory_space<vmem_shared>> -> memref<128x128xf32, #tpu.memory_space<vmem_shared>>
      tpu.wait_dma2 semaphore(%run_scoped3A : memref<!tpu.dma_semaphore, #tpu.memory_space<semaphore_mem>>) src(%dma_wait3A_54 : memref<128x128xf32, #tpu.memory_space<vmem_shared>>) dst(%arg9 : memref<128x128xf32, #tpu.memory_space<vmem>>)
      tpu.yield
    }) : () -> ()
    "tpu.region"() ({
      %run_scoped3A = tpu.sem_alloc : memref<!tpu.dma_semaphore, #tpu.memory_space<semaphore_mem>>
      %dma_start3A = arith.constant 0 : i32
      %dma_start3A_49 = tpu.memref_slice %arg6[%arg0, %add3A_32, %dma_start3A] : memref<2x10240x128xf32, #tpu.memory_space<hbm>> -> memref<1x128x128xf32, #tpu.memory_space<hbm>>
      %dma_start3A_50 = tpu.memref_squeeze %dma_start3A_49 : memref<1x128x128xf32, #tpu.memory_space<hbm>> -> memref<128x128xf32, #tpu.memory_space<hbm>>
      %dma_start3A_51 = arith.constant 0 : i32
      %dma_start3A_52 = tpu.memref_slice %arg6[%arg0, %add3A_32, %dma_start3A_51] : memref<2x10240x128xf32, #tpu.memory_space<hbm>> -> memref<1x128x128xf32, #tpu.memory_space<hbm>>
      %dma_start3A_53 = tpu.memref_squeeze %dma_start3A_52 : memref<1x128x128xf32, #tpu.memory_space<hbm>> -> memref<128x128xf32, #tpu.memory_space<hbm>>
      tpu.enqueue_dma source(%arg9 : memref<128x128xf32, #tpu.memory_space<vmem>>) target(%dma_start3A_53 : memref<128x128xf32, #tpu.memory_space<hbm>>) target_semaphore(%run_scoped3A : memref<!tpu.dma_semaphore, #tpu.memory_space<semaphore_mem>>)
      %dma_wait3A = arith.constant 0 : i32
      %dma_wait3A_54 = tpu.memref_slice %arg6[%arg0, %add3A_32, %dma_wait3A] : memref<2x10240x128xf32, #tpu.memory_space<hbm>> -> memref<1x128x128xf32, #tpu.memory_space<hbm>>
      %dma_wait3A_55 = tpu.memref_squeeze %dma_wait3A_54 : memref<1x128x128xf32, #tpu.memory_space<hbm>> -> memref<128x128xf32, #tpu.memory_space<hbm>>
      %dma_wait3A_56 = arith.constant 0 : i32
      %dma_wait3A_57 = tpu.memref_slice %arg6[%arg0, %add3A_32, %dma_wait3A_56] : memref<2x10240x128xf32, #tpu.memory_space<hbm>> -> memref<1x128x128xf32, #tpu.memory_space<hbm>>
      %dma_wait3A_58 = tpu.memref_squeeze %dma_wait3A_57 : memref<1x128x128xf32, #tpu.memory_space<hbm>> -> memref<128x128xf32, #tpu.memory_space<hbm>>
      tpu.wait_dma2 semaphore(%run_scoped3A : memref<!tpu.dma_semaphore, #tpu.memory_space<semaphore_mem>>) src(%arg9 : memref<128x128xf32, #tpu.memory_space<vmem>>) dst(%dma_wait3A_58 : memref<128x128xf32, #tpu.memory_space<hbm>>)
      tpu.yield
    }) : () -> ()
    %mul3A_33 = arith.constant 640 : i32
    %mul3A_34 = arith.muli %arg1, %mul3A_33 : i32
    %add3A_35 = arith.constant 128 : i32
    %add3A_36 = arith.addi %mul3A_34, %add3A_35 : i32
    "tpu.region"() ({
      %run_scoped3A = tpu.sem_alloc : memref<!tpu.dma_semaphore, #tpu.memory_space<semaphore_mem>>
      %dma_start3A = arith.constant 0 : i32
      %dma_start3A_49 = tpu.memref_slice %arg11[%add3A_36, %dma_start3A] : memref<10240x128xf32, #tpu.memory_space<vmem_shared>> -> memref<128x128xf32, #tpu.memory_space<vmem_shared>>
      %dma_start3A_50 = arith.constant 0 : i32
      %dma_start3A_51 = tpu.memref_slice %arg11[%add3A_36, %dma_start3A_50] : memref<10240x128xf32, #tpu.memory_space<vmem_shared>> -> memref<128x128xf32, #tpu.memory_space<vmem_shared>>
      tpu.enqueue_dma source(%dma_start3A_51 : memref<128x128xf32, #tpu.memory_space<vmem_shared>>) target(%arg9 : memref<128x128xf32, #tpu.memory_space<vmem>>) target_semaphore(%run_scoped3A : memref<!tpu.dma_semaphore, #tpu.memory_space<semaphore_mem>>)
      %dma_wait3A = arith.constant 0 : i32
      %dma_wait3A_52 = tpu.memref_slice %arg11[%add3A_36, %dma_wait3A] : memref<10240x128xf32, #tpu.memory_space<vmem_shared>> -> memref<128x128xf32, #tpu.memory_space<vmem_shared>>
      %dma_wait3A_53 = arith.constant 0 : i32
      %dma_wait3A_54 = tpu.memref_slice %arg11[%add3A_36, %dma_wait3A_53] : memref<10240x128xf32, #tpu.memory_space<vmem_shared>> -> memref<128x128xf32, #tpu.memory_space<vmem_shared>>
      tpu.wait_dma2 semaphore(%run_scoped3A : memref<!tpu.dma_semaphore, #tpu.memory_space<semaphore_mem>>) src(%dma_wait3A_54 : memref<128x128xf32, #tpu.memory_space<vmem_shared>>) dst(%arg9 : memref<128x128xf32, #tpu.memory_space<vmem>>)
      tpu.yield
    }) : () -> ()
    "tpu.region"() ({
      %run_scoped3A = tpu.sem_alloc : memref<!tpu.dma_semaphore, #tpu.memory_space<semaphore_mem>>
      %dma_start3A = arith.constant 0 : i32
      %dma_start3A_49 = tpu.memref_slice %arg6[%arg0, %add3A_36, %dma_start3A] : memref<2x10240x128xf32, #tpu.memory_space<hbm>> -> memref<1x128x128xf32, #tpu.memory_space<hbm>>
      %dma_start3A_50 = tpu.memref_squeeze %dma_start3A_49 : memref<1x128x128xf32, #tpu.memory_space<hbm>> -> memref<128x128xf32, #tpu.memory_space<hbm>>
      %dma_start3A_51 = arith.constant 0 : i32
      %dma_start3A_52 = tpu.memref_slice %arg6[%arg0, %add3A_36, %dma_start3A_51] : memref<2x10240x128xf32, #tpu.memory_space<hbm>> -> memref<1x128x128xf32, #tpu.memory_space<hbm>>
      %dma_start3A_53 = tpu.memref_squeeze %dma_start3A_52 : memref<1x128x128xf32, #tpu.memory_space<hbm>> -> memref<128x128xf32, #tpu.memory_space<hbm>>
      tpu.enqueue_dma source(%arg9 : memref<128x128xf32, #tpu.memory_space<vmem>>) target(%dma_start3A_53 : memref<128x128xf32, #tpu.memory_space<hbm>>) target_semaphore(%run_scoped3A : memref<!tpu.dma_semaphore, #tpu.memory_space<semaphore_mem>>)
      %dma_wait3A = arith.constant 0 : i32
      %dma_wait3A_54 = tpu.memref_slice %arg6[%arg0, %add3A_36, %dma_wait3A] : memref<2x10240x128xf32, #tpu.memory_space<hbm>> -> memref<1x128x128xf32, #tpu.memory_space<hbm>>
      %dma_wait3A_55 = tpu.memref_squeeze %dma_wait3A_54 : memref<1x128x128xf32, #tpu.memory_space<hbm>> -> memref<128x128xf32, #tpu.memory_space<hbm>>
      %dma_wait3A_56 = arith.constant 0 : i32
      %dma_wait3A_57 = tpu.memref_slice %arg6[%arg0, %add3A_36, %dma_wait3A_56] : memref<2x10240x128xf32, #tpu.memory_space<hbm>> -> memref<1x128x128xf32, #tpu.memory_space<hbm>>
      %dma_wait3A_58 = tpu.memref_squeeze %dma_wait3A_57 : memref<1x128x128xf32, #tpu.memory_space<hbm>> -> memref<128x128xf32, #tpu.memory_space<hbm>>
      tpu.wait_dma2 semaphore(%run_scoped3A : memref<!tpu.dma_semaphore, #tpu.memory_space<semaphore_mem>>) src(%arg9 : memref<128x128xf32, #tpu.memory_space<vmem>>) dst(%dma_wait3A_58 : memref<128x128xf32, #tpu.memory_space<hbm>>)
      tpu.yield
    }) : () -> ()
    %mul3A_37 = arith.constant 640 : i32
    %mul3A_38 = arith.muli %arg1, %mul3A_37 : i32
    %add3A_39 = arith.constant 256 : i32
    %add3A_40 = arith.addi %mul3A_38, %add3A_39 : i32
    "tpu.region"() ({
      %run_scoped3A = tpu.sem_alloc : memref<!tpu.dma_semaphore, #tpu.memory_space<semaphore_mem>>
      %dma_start3A = arith.constant 0 : i32
      %dma_start3A_49 = tpu.memref_slice %arg11[%add3A_40, %dma_start3A] : memref<10240x128xf32, #tpu.memory_space<vmem_shared>> -> memref<128x128xf32, #tpu.memory_space<vmem_shared>>
      %dma_start3A_50 = arith.constant 0 : i32
      %dma_start3A_51 = tpu.memref_slice %arg11[%add3A_40, %dma_start3A_50] : memref<10240x128xf32, #tpu.memory_space<vmem_shared>> -> memref<128x128xf32, #tpu.memory_space<vmem_shared>>
      tpu.enqueue_dma source(%dma_start3A_51 : memref<128x128xf32, #tpu.memory_space<vmem_shared>>) target(%arg9 : memref<128x128xf32, #tpu.memory_space<vmem>>) target_semaphore(%run_scoped3A : memref<!tpu.dma_semaphore, #tpu.memory_space<semaphore_mem>>)
      %dma_wait3A = arith.constant 0 : i32
      %dma_wait3A_52 = tpu.memref_slice %arg11[%add3A_40, %dma_wait3A] : memref<10240x128xf32, #tpu.memory_space<vmem_shared>> -> memref<128x128xf32, #tpu.memory_space<vmem_shared>>
      %dma_wait3A_53 = arith.constant 0 : i32
      %dma_wait3A_54 = tpu.memref_slice %arg11[%add3A_40, %dma_wait3A_53] : memref<10240x128xf32, #tpu.memory_space<vmem_shared>> -> memref<128x128xf32, #tpu.memory_space<vmem_shared>>
      tpu.wait_dma2 semaphore(%run_scoped3A : memref<!tpu.dma_semaphore, #tpu.memory_space<semaphore_mem>>) src(%dma_wait3A_54 : memref<128x128xf32, #tpu.memory_space<vmem_shared>>) dst(%arg9 : memref<128x128xf32, #tpu.memory_space<vmem>>)
      tpu.yield
    }) : () -> ()
    "tpu.region"() ({
      %run_scoped3A = tpu.sem_alloc : memref<!tpu.dma_semaphore, #tpu.memory_space<semaphore_mem>>
      %dma_start3A = arith.constant 0 : i32
      %dma_start3A_49 = tpu.memref_slice %arg6[%arg0, %add3A_40, %dma_start3A] : memref<2x10240x128xf32, #tpu.memory_space<hbm>> -> memref<1x128x128xf32, #tpu.memory_space<hbm>>
      %dma_start3A_50 = tpu.memref_squeeze %dma_start3A_49 : memref<1x128x128xf32, #tpu.memory_space<hbm>> -> memref<128x128xf32, #tpu.memory_space<hbm>>
      %dma_start3A_51 = arith.constant 0 : i32
      %dma_start3A_52 = tpu.memref_slice %arg6[%arg0, %add3A_40, %dma_start3A_51] : memref<2x10240x128xf32, #tpu.memory_space<hbm>> -> memref<1x128x128xf32, #tpu.memory_space<hbm>>
      %dma_start3A_53 = tpu.memref_squeeze %dma_start3A_52 : memref<1x128x128xf32, #tpu.memory_space<hbm>> -> memref<128x128xf32, #tpu.memory_space<hbm>>
      tpu.enqueue_dma source(%arg9 : memref<128x128xf32, #tpu.memory_space<vmem>>) target(%dma_start3A_53 : memref<128x128xf32, #tpu.memory_space<hbm>>) target_semaphore(%run_scoped3A : memref<!tpu.dma_semaphore, #tpu.memory_space<semaphore_mem>>)
      %dma_wait3A = arith.constant 0 : i32
      %dma_wait3A_54 = tpu.memref_slice %arg6[%arg0, %add3A_40, %dma_wait3A] : memref<2x10240x128xf32, #tpu.memory_space<hbm>> -> memref<1x128x128xf32, #tpu.memory_space<hbm>>
      %dma_wait3A_55 = tpu.memref_squeeze %dma_wait3A_54 : memref<1x128x128xf32, #tpu.memory_space<hbm>> -> memref<128x128xf32, #tpu.memory_space<hbm>>
      %dma_wait3A_56 = arith.constant 0 : i32
      %dma_wait3A_57 = tpu.memref_slice %arg6[%arg0, %add3A_40, %dma_wait3A_56] : memref<2x10240x128xf32, #tpu.memory_space<hbm>> -> memref<1x128x128xf32, #tpu.memory_space<hbm>>
      %dma_wait3A_58 = tpu.memref_squeeze %dma_wait3A_57 : memref<1x128x128xf32, #tpu.memory_space<hbm>> -> memref<128x128xf32, #tpu.memory_space<hbm>>
      tpu.wait_dma2 semaphore(%run_scoped3A : memref<!tpu.dma_semaphore, #tpu.memory_space<semaphore_mem>>) src(%arg9 : memref<128x128xf32, #tpu.memory_space<vmem>>) dst(%dma_wait3A_58 : memref<128x128xf32, #tpu.memory_space<hbm>>)
      tpu.yield
    }) : () -> ()
    %mul3A_41 = arith.constant 640 : i32
    %mul3A_42 = arith.muli %arg1, %mul3A_41 : i32
    %add3A_43 = arith.constant 384 : i32
    %add3A_44 = arith.addi %mul3A_42, %add3A_43 : i32
    "tpu.region"() ({
      %run_scoped3A = tpu.sem_alloc : memref<!tpu.dma_semaphore, #tpu.memory_space<semaphore_mem>>
      %dma_start3A = arith.constant 0 : i32
      %dma_start3A_49 = tpu.memref_slice %arg11[%add3A_44, %dma_start3A] : memref<10240x128xf32, #tpu.memory_space<vmem_shared>> -> memref<128x128xf32, #tpu.memory_space<vmem_shared>>
      %dma_start3A_50 = arith.constant 0 : i32
      %dma_start3A_51 = tpu.memref_slice %arg11[%add3A_44, %dma_start3A_50] : memref<10240x128xf32, #tpu.memory_space<vmem_shared>> -> memref<128x128xf32, #tpu.memory_space<vmem_shared>>
      tpu.enqueue_dma source(%dma_start3A_51 : memref<128x128xf32, #tpu.memory_space<vmem_shared>>) target(%arg9 : memref<128x128xf32, #tpu.memory_space<vmem>>) target_semaphore(%run_scoped3A : memref<!tpu.dma_semaphore, #tpu.memory_space<semaphore_mem>>)
      %dma_wait3A = arith.constant 0 : i32
      %dma_wait3A_52 = tpu.memref_slice %arg11[%add3A_44, %dma_wait3A] : memref<10240x128xf32, #tpu.memory_space<vmem_shared>> -> memref<128x128xf32, #tpu.memory_space<vmem_shared>>
      %dma_wait3A_53 = arith.constant 0 : i32
      %dma_wait3A_54 = tpu.memref_slice %arg11[%add3A_44, %dma_wait3A_53] : memref<10240x128xf32, #tpu.memory_space<vmem_shared>> -> memref<128x128xf32, #tpu.memory_space<vmem_shared>>
      tpu.wait_dma2 semaphore(%run_scoped3A : memref<!tpu.dma_semaphore, #tpu.memory_space<semaphore_mem>>) src(%dma_wait3A_54 : memref<128x128xf32, #tpu.memory_space<vmem_shared>>) dst(%arg9 : memref<128x128xf32, #tpu.memory_space<vmem>>)
      tpu.yield
    }) : () -> ()
    "tpu.region"() ({
      %run_scoped3A = tpu.sem_alloc : memref<!tpu.dma_semaphore, #tpu.memory_space<semaphore_mem>>
      %dma_start3A = arith.constant 0 : i32
      %dma_start3A_49 = tpu.memref_slice %arg6[%arg0, %add3A_44, %dma_start3A] : memref<2x10240x128xf32, #tpu.memory_space<hbm>> -> memref<1x128x128xf32, #tpu.memory_space<hbm>>
      %dma_start3A_50 = tpu.memref_squeeze %dma_start3A_49 : memref<1x128x128xf32, #tpu.memory_space<hbm>> -> memref<128x128xf32, #tpu.memory_space<hbm>>
      %dma_start3A_51 = arith.constant 0 : i32
      %dma_start3A_52 = tpu.memref_slice %arg6[%arg0, %add3A_44, %dma_start3A_51] : memref<2x10240x128xf32, #tpu.memory_space<hbm>> -> memref<1x128x128xf32, #tpu.memory_space<hbm>>
      %dma_start3A_53 = tpu.memref_squeeze %dma_start3A_52 : memref<1x128x128xf32, #tpu.memory_space<hbm>> -> memref<128x128xf32, #tpu.memory_space<hbm>>
      tpu.enqueue_dma source(%arg9 : memref<128x128xf32, #tpu.memory_space<vmem>>) target(%dma_start3A_53 : memref<128x128xf32, #tpu.memory_space<hbm>>) target_semaphore(%run_scoped3A : memref<!tpu.dma_semaphore, #tpu.memory_space<semaphore_mem>>)
      %dma_wait3A = arith.constant 0 : i32
      %dma_wait3A_54 = tpu.memref_slice %arg6[%arg0, %add3A_44, %dma_wait3A] : memref<2x10240x128xf32, #tpu.memory_space<hbm>> -> memref<1x128x128xf32, #tpu.memory_space<hbm>>
      %dma_wait3A_55 = tpu.memref_squeeze %dma_wait3A_54 : memref<1x128x128xf32, #tpu.memory_space<hbm>> -> memref<128x128xf32, #tpu.memory_space<hbm>>
      %dma_wait3A_56 = arith.constant 0 : i32
      %dma_wait3A_57 = tpu.memref_slice %arg6[%arg0, %add3A_44, %dma_wait3A_56] : memref<2x10240x128xf32, #tpu.memory_space<hbm>> -> memref<1x128x128xf32, #tpu.memory_space<hbm>>
      %dma_wait3A_58 = tpu.memref_squeeze %dma_wait3A_57 : memref<1x128x128xf32, #tpu.memory_space<hbm>> -> memref<128x128xf32, #tpu.memory_space<hbm>>
      tpu.wait_dma2 semaphore(%run_scoped3A : memref<!tpu.dma_semaphore, #tpu.memory_space<semaphore_mem>>) src(%arg9 : memref<128x128xf32, #tpu.memory_space<vmem>>) dst(%dma_wait3A_58 : memref<128x128xf32, #tpu.memory_space<hbm>>)
      tpu.yield
    }) : () -> ()
    %mul3A_45 = arith.constant 640 : i32
    %mul3A_46 = arith.muli %arg1, %mul3A_45 : i32
    %add3A_47 = arith.constant 512 : i32
    %add3A_48 = arith.addi %mul3A_46, %add3A_47 : i32
    "tpu.region"() ({
      %run_scoped3A = tpu.sem_alloc : memref<!tpu.dma_semaphore, #tpu.memory_space<semaphore_mem>>
      %dma_start3A = arith.constant 0 : i32
      %dma_start3A_49 = tpu.memref_slice %arg11[%add3A_48, %dma_start3A] : memref<10240x128xf32, #tpu.memory_space<vmem_shared>> -> memref<128x128xf32, #tpu.memory_space<vmem_shared>>
      %dma_start3A_50 = arith.constant 0 : i32
      %dma_start3A_51 = tpu.memref_slice %arg11[%add3A_48, %dma_start3A_50] : memref<10240x128xf32, #tpu.memory_space<vmem_shared>> -> memref<128x128xf32, #tpu.memory_space<vmem_shared>>
      tpu.enqueue_dma source(%dma_start3A_51 : memref<128x128xf32, #tpu.memory_space<vmem_shared>>) target(%arg9 : memref<128x128xf32, #tpu.memory_space<vmem>>) target_semaphore(%run_scoped3A : memref<!tpu.dma_semaphore, #tpu.memory_space<semaphore_mem>>)
      %dma_wait3A = arith.constant 0 : i32
      %dma_wait3A_52 = tpu.memref_slice %arg11[%add3A_48, %dma_wait3A] : memref<10240x128xf32, #tpu.memory_space<vmem_shared>> -> memref<128x128xf32, #tpu.memory_space<vmem_shared>>
      %dma_wait3A_53 = arith.constant 0 : i32
      %dma_wait3A_54 = tpu.memref_slice %arg11[%add3A_48, %dma_wait3A_53] : memref<10240x128xf32, #tpu.memory_space<vmem_shared>> -> memref<128x128xf32, #tpu.memory_space<vmem_shared>>
      tpu.wait_dma2 semaphore(%run_scoped3A : memref<!tpu.dma_semaphore, #tpu.memory_space<semaphore_mem>>) src(%dma_wait3A_54 : memref<128x128xf32, #tpu.memory_space<vmem_shared>>) dst(%arg9 : memref<128x128xf32, #tpu.memory_space<vmem>>)
      tpu.yield
    }) : () -> ()
    "tpu.region"() ({
      %run_scoped3A = tpu.sem_alloc : memref<!tpu.dma_semaphore, #tpu.memory_space<semaphore_mem>>
      %dma_start3A = arith.constant 0 : i32
      %dma_start3A_49 = tpu.memref_slice %arg6[%arg0, %add3A_48, %dma_start3A] : memref<2x10240x128xf32, #tpu.memory_space<hbm>> -> memref<1x128x128xf32, #tpu.memory_space<hbm>>
      %dma_start3A_50 = tpu.memref_squeeze %dma_start3A_49 : memref<1x128x128xf32, #tpu.memory_space<hbm>> -> memref<128x128xf32, #tpu.memory_space<hbm>>
      %dma_start3A_51 = arith.constant 0 : i32
      %dma_start3A_52 = tpu.memref_slice %arg6[%arg0, %add3A_48, %dma_start3A_51] : memref<2x10240x128xf32, #tpu.memory_space<hbm>> -> memref<1x128x128xf32, #tpu.memory_space<hbm>>
      %dma_start3A_53 = tpu.memref_squeeze %dma_start3A_52 : memref<1x128x128xf32, #tpu.memory_space<hbm>> -> memref<128x128xf32, #tpu.memory_space<hbm>>
      tpu.enqueue_dma source(%arg9 : memref<128x128xf32, #tpu.memory_space<vmem>>) target(%dma_start3A_53 : memref<128x128xf32, #tpu.memory_space<hbm>>) target_semaphore(%run_scoped3A : memref<!tpu.dma_semaphore, #tpu.memory_space<semaphore_mem>>)
      %dma_wait3A = arith.constant 0 : i32
      %dma_wait3A_54 = tpu.memref_slice %arg6[%arg0, %add3A_48, %dma_wait3A] : memref<2x10240x128xf32, #tpu.memory_space<hbm>> -> memref<1x128x128xf32, #tpu.memory_space<hbm>>
      %dma_wait3A_55 = tpu.memref_squeeze %dma_wait3A_54 : memref<1x128x128xf32, #tpu.memory_space<hbm>> -> memref<128x128xf32, #tpu.memory_space<hbm>>
      %dma_wait3A_56 = arith.constant 0 : i32
      %dma_wait3A_57 = tpu.memref_slice %arg6[%arg0, %add3A_48, %dma_wait3A_56] : memref<2x10240x128xf32, #tpu.memory_space<hbm>> -> memref<1x128x128xf32, #tpu.memory_space<hbm>>
      %dma_wait3A_58 = tpu.memref_squeeze %dma_wait3A_57 : memref<1x128x128xf32, #tpu.memory_space<hbm>> -> memref<128x128xf32, #tpu.memory_space<hbm>>
      tpu.wait_dma2 semaphore(%run_scoped3A : memref<!tpu.dma_semaphore, #tpu.memory_space<semaphore_mem>>) src(%arg9 : memref<128x128xf32, #tpu.memory_space<vmem>>) dst(%dma_wait3A_58 : memref<128x128xf32, #tpu.memory_space<hbm>>)
      tpu.yield
    }) : () -> ()
    return
  }
}

#map = affine_map<(d0, d1) -> (0, 0)>
#map1 = affine_map<(d0, d1) -> (0, 0, 0)>
module attributes {stable_mosaic.version = 14 : i64} {
  func.func @agg(%arg0: i32, %arg1: i32, %arg2: memref<2560x128xi32, #tpu.memory_space<hbm>>, %arg3: memref<2560x128xi32, #tpu.memory_space<hbm>>, %arg4: memref<10240x128xf32, #tpu.memory_space<hbm>>, %arg5: memref<128x128xf32, #tpu.memory_space<hbm>>, %arg6: memref<2x10240x128xf32, #tpu.memory_space<hbm>>, %arg7: memref<8x128xi32, #tpu.memory_space<vmem>>, %arg8: memref<8x128xi32, #tpu.memory_space<vmem>>, %arg9: memref<128x128xf32, #tpu.memory_space<vmem>>, %arg10: memref<128x128xf32, #tpu.memory_space<vmem>>, %arg11: memref<10240x128xf32, #tpu.memory_space<vmem_shared>>, %arg12: memref<!tpu.dma_semaphore, #tpu.memory_space<semaphore_mem>>, %arg13: memref<!tpu.dma_semaphore, #tpu.memory_space<semaphore_mem>>, %arg14: memref<!tpu.dma_semaphore, #tpu.memory_space<semaphore_mem>>, %arg15: memref<!tpu.dma_semaphore, #tpu.memory_space<semaphore_mem>>) attributes {dimension_semantics = [#tpu.dimension_semantics<core_parallel>, #tpu.dimension_semantics<subcore_parallel>], iteration_bounds = array<i64: 2, 16>, scalar_prefetch = 0 : i64, scratch_operands = 9 : i64, tpu.core_type = #tpu.core_type<sc_vector_subcore>, window_params = [{transform_indices = #map}, {transform_indices = #map}, {transform_indices = #map}, {transform_indices = #map}, {transform_indices = #map1}]} {
    %mul3A = arith.constant 2 : i32
    %mul3A_0 = arith.muli %arg1, %mul3A : i32
    %add3A = arith.addi %mul3A_0, %arg0 : i32
    %mul3A_1 = arith.constant 80 : i32
    %mul3A_2 = arith.muli %add3A, %mul3A_1 : i32
    "tpu.region"() ({
      %run_scoped3A = tpu.sem_alloc : memref<!tpu.dma_semaphore, #tpu.memory_space<semaphore_mem>>
      tpu.enqueue_dma source(%arg5 : memref<128x128xf32, #tpu.memory_space<hbm>>) target(%arg9 : memref<128x128xf32, #tpu.memory_space<vmem>>) target_semaphore(%run_scoped3A : memref<!tpu.dma_semaphore, #tpu.memory_space<semaphore_mem>>)
      tpu.wait_dma2 semaphore(%run_scoped3A : memref<!tpu.dma_semaphore, #tpu.memory_space<semaphore_mem>>) src(%arg5 : memref<128x128xf32, #tpu.memory_space<hbm>>) dst(%arg9 : memref<128x128xf32, #tpu.memory_space<vmem>>)
      tpu.yield
    }) : () -> ()
    %mul3A_3 = arith.constant 640 : i32
    %mul3A_4 = arith.muli %arg1, %mul3A_3 : i32
    %add3A_5 = arith.constant 0 : i32
    %add3A_6 = arith.addi %mul3A_4, %add3A_5 : i32
    "tpu.region"() ({
      %run_scoped3A = tpu.sem_alloc : memref<!tpu.dma_semaphore, #tpu.memory_space<semaphore_mem>>
      %dma_start3A = arith.constant 0 : i32
      %dma_start3A_49 = tpu.memref_slice %arg11[%add3A_6, %dma_start3A] : memref<10240x128xf32, #tpu.memory_space<vmem_shared>> -> memref<128x128xf32, #tpu.memory_space<vmem_shared>>
      %dma_start3A_50 = arith.constant 0 : i32
      %dma_start3A_51 = tpu.memref_slice %arg11[%add3A_6, %dma_start3A_50] : memref<10240x128xf32, #tpu.memory_space<vmem_shared>> -> memref<128x128xf32, #tpu.memory_space<vmem_shared>>
      tpu.enqueue_dma source(%arg9 : memref<128x128xf32, #tpu.memory_space<vmem>>) target(%dma_start3A_51 : memref<128x128xf32, #tpu.memory_space<vmem_shared>>) target_semaphore(%run_scoped3A : memref<!tpu.dma_semaphore, #tpu.memory_space<semaphore_mem>>)
      %dma_wait3A = arith.constant 0 : i32
      %dma_wait3A_52 = tpu.memref_slice %arg11[%add3A_6, %dma_wait3A] : memref<10240x128xf32, #tpu.memory_space<vmem_shared>> -> memref<128x128xf32, #tpu.memory_space<vmem_shared>>
      %dma_wait3A_53 = arith.constant 0 : i32
      %dma_wait3A_54 = tpu.memref_slice %arg11[%add3A_6, %dma_wait3A_53] : memref<10240x128xf32, #tpu.memory_space<vmem_shared>> -> memref<128x128xf32, #tpu.memory_space<vmem_shared>>
      tpu.wait_dma2 semaphore(%run_scoped3A : memref<!tpu.dma_semaphore, #tpu.memory_space<semaphore_mem>>) src(%arg9 : memref<128x128xf32, #tpu.memory_space<vmem>>) dst(%dma_wait3A_54 : memref<128x128xf32, #tpu.memory_space<vmem_shared>>)
      tpu.yield
    }) : () -> ()
    %mul3A_7 = arith.constant 640 : i32
    %mul3A_8 = arith.muli %arg1, %mul3A_7 : i32
    %add3A_9 = arith.constant 128 : i32
    %add3A_10 = arith.addi %mul3A_8, %add3A_9 : i32
    "tpu.region"() ({
      %run_scoped3A = tpu.sem_alloc : memref<!tpu.dma_semaphore, #tpu.memory_space<semaphore_mem>>
      %dma_start3A = arith.constant 0 : i32
      %dma_start3A_49 = tpu.memref_slice %arg11[%add3A_10, %dma_start3A] : memref<10240x128xf32, #tpu.memory_space<vmem_shared>> -> memref<128x128xf32, #tpu.memory_space<vmem_shared>>
      %dma_start3A_50 = arith.constant 0 : i32
      %dma_start3A_51 = tpu.memref_slice %arg11[%add3A_10, %dma_start3A_50] : memref<10240x128xf32, #tpu.memory_space<vmem_shared>> -> memref<128x128xf32, #tpu.memory_space<vmem_shared>>
      tpu.enqueue_dma source(%arg9 : memref<128x128xf32, #tpu.memory_space<vmem>>) target(%dma_start3A_51 : memref<128x128xf32, #tpu.memory_space<vmem_shared>>) target_semaphore(%run_scoped3A : memref<!tpu.dma_semaphore, #tpu.memory_space<semaphore_mem>>)
      %dma_wait3A = arith.constant 0 : i32
      %dma_wait3A_52 = tpu.memref_slice %arg11[%add3A_10, %dma_wait3A] : memref<10240x128xf32, #tpu.memory_space<vmem_shared>> -> memref<128x128xf32, #tpu.memory_space<vmem_shared>>
      %dma_wait3A_53 = arith.constant 0 : i32
      %dma_wait3A_54 = tpu.memref_slice %arg11[%add3A_10, %dma_wait3A_53] : memref<10240x128xf32, #tpu.memory_space<vmem_shared>> -> memref<128x128xf32, #tpu.memory_space<vmem_shared>>
      tpu.wait_dma2 semaphore(%run_scoped3A : memref<!tpu.dma_semaphore, #tpu.memory_space<semaphore_mem>>) src(%arg9 : memref<128x128xf32, #tpu.memory_space<vmem>>) dst(%dma_wait3A_54 : memref<128x128xf32, #tpu.memory_space<vmem_shared>>)
      tpu.yield
    }) : () -> ()
    %mul3A_11 = arith.constant 640 : i32
    %mul3A_12 = arith.muli %arg1, %mul3A_11 : i32
    %add3A_13 = arith.constant 256 : i32
    %add3A_14 = arith.addi %mul3A_12, %add3A_13 : i32
    "tpu.region"() ({
      %run_scoped3A = tpu.sem_alloc : memref<!tpu.dma_semaphore, #tpu.memory_space<semaphore_mem>>
      %dma_start3A = arith.constant 0 : i32
      %dma_start3A_49 = tpu.memref_slice %arg11[%add3A_14, %dma_start3A] : memref<10240x128xf32, #tpu.memory_space<vmem_shared>> -> memref<128x128xf32, #tpu.memory_space<vmem_shared>>
      %dma_start3A_50 = arith.constant 0 : i32
      %dma_start3A_51 = tpu.memref_slice %arg11[%add3A_14, %dma_start3A_50] : memref<10240x128xf32, #tpu.memory_space<vmem_shared>> -> memref<128x128xf32, #tpu.memory_space<vmem_shared>>
      tpu.enqueue_dma source(%arg9 : memref<128x128xf32, #tpu.memory_space<vmem>>) target(%dma_start3A_51 : memref<128x128xf32, #tpu.memory_space<vmem_shared>>) target_semaphore(%run_scoped3A : memref<!tpu.dma_semaphore, #tpu.memory_space<semaphore_mem>>)
      %dma_wait3A = arith.constant 0 : i32
      %dma_wait3A_52 = tpu.memref_slice %arg11[%add3A_14, %dma_wait3A] : memref<10240x128xf32, #tpu.memory_space<vmem_shared>> -> memref<128x128xf32, #tpu.memory_space<vmem_shared>>
      %dma_wait3A_53 = arith.constant 0 : i32
      %dma_wait3A_54 = tpu.memref_slice %arg11[%add3A_14, %dma_wait3A_53] : memref<10240x128xf32, #tpu.memory_space<vmem_shared>> -> memref<128x128xf32, #tpu.memory_space<vmem_shared>>
      tpu.wait_dma2 semaphore(%run_scoped3A : memref<!tpu.dma_semaphore, #tpu.memory_space<semaphore_mem>>) src(%arg9 : memref<128x128xf32, #tpu.memory_space<vmem>>) dst(%dma_wait3A_54 : memref<128x128xf32, #tpu.memory_space<vmem_shared>>)
      tpu.yield
    }) : () -> ()
    %mul3A_15 = arith.constant 640 : i32
    %mul3A_16 = arith.muli %arg1, %mul3A_15 : i32
    %add3A_17 = arith.constant 384 : i32
    %add3A_18 = arith.addi %mul3A_16, %add3A_17 : i32
    "tpu.region"() ({
      %run_scoped3A = tpu.sem_alloc : memref<!tpu.dma_semaphore, #tpu.memory_space<semaphore_mem>>
      %dma_start3A = arith.constant 0 : i32
      %dma_start3A_49 = tpu.memref_slice %arg11[%add3A_18, %dma_start3A] : memref<10240x128xf32, #tpu.memory_space<vmem_shared>> -> memref<128x128xf32, #tpu.memory_space<vmem_shared>>
      %dma_start3A_50 = arith.constant 0 : i32
      %dma_start3A_51 = tpu.memref_slice %arg11[%add3A_18, %dma_start3A_50] : memref<10240x128xf32, #tpu.memory_space<vmem_shared>> -> memref<128x128xf32, #tpu.memory_space<vmem_shared>>
      tpu.enqueue_dma source(%arg9 : memref<128x128xf32, #tpu.memory_space<vmem>>) target(%dma_start3A_51 : memref<128x128xf32, #tpu.memory_space<vmem_shared>>) target_semaphore(%run_scoped3A : memref<!tpu.dma_semaphore, #tpu.memory_space<semaphore_mem>>)
      %dma_wait3A = arith.constant 0 : i32
      %dma_wait3A_52 = tpu.memref_slice %arg11[%add3A_18, %dma_wait3A] : memref<10240x128xf32, #tpu.memory_space<vmem_shared>> -> memref<128x128xf32, #tpu.memory_space<vmem_shared>>
      %dma_wait3A_53 = arith.constant 0 : i32
      %dma_wait3A_54 = tpu.memref_slice %arg11[%add3A_18, %dma_wait3A_53] : memref<10240x128xf32, #tpu.memory_space<vmem_shared>> -> memref<128x128xf32, #tpu.memory_space<vmem_shared>>
      tpu.wait_dma2 semaphore(%run_scoped3A : memref<!tpu.dma_semaphore, #tpu.memory_space<semaphore_mem>>) src(%arg9 : memref<128x128xf32, #tpu.memory_space<vmem>>) dst(%dma_wait3A_54 : memref<128x128xf32, #tpu.memory_space<vmem_shared>>)
      tpu.yield
    }) : () -> ()
    %mul3A_19 = arith.constant 640 : i32
    %mul3A_20 = arith.muli %arg1, %mul3A_19 : i32
    %add3A_21 = arith.constant 512 : i32
    %add3A_22 = arith.addi %mul3A_20, %add3A_21 : i32
    "tpu.region"() ({
      %run_scoped3A = tpu.sem_alloc : memref<!tpu.dma_semaphore, #tpu.memory_space<semaphore_mem>>
      %dma_start3A = arith.constant 0 : i32
      %dma_start3A_49 = tpu.memref_slice %arg11[%add3A_22, %dma_start3A] : memref<10240x128xf32, #tpu.memory_space<vmem_shared>> -> memref<128x128xf32, #tpu.memory_space<vmem_shared>>
      %dma_start3A_50 = arith.constant 0 : i32
      %dma_start3A_51 = tpu.memref_slice %arg11[%add3A_22, %dma_start3A_50] : memref<10240x128xf32, #tpu.memory_space<vmem_shared>> -> memref<128x128xf32, #tpu.memory_space<vmem_shared>>
      tpu.enqueue_dma source(%arg9 : memref<128x128xf32, #tpu.memory_space<vmem>>) target(%dma_start3A_51 : memref<128x128xf32, #tpu.memory_space<vmem_shared>>) target_semaphore(%run_scoped3A : memref<!tpu.dma_semaphore, #tpu.memory_space<semaphore_mem>>)
      %dma_wait3A = arith.constant 0 : i32
      %dma_wait3A_52 = tpu.memref_slice %arg11[%add3A_22, %dma_wait3A] : memref<10240x128xf32, #tpu.memory_space<vmem_shared>> -> memref<128x128xf32, #tpu.memory_space<vmem_shared>>
      %dma_wait3A_53 = arith.constant 0 : i32
      %dma_wait3A_54 = tpu.memref_slice %arg11[%add3A_22, %dma_wait3A_53] : memref<10240x128xf32, #tpu.memory_space<vmem_shared>> -> memref<128x128xf32, #tpu.memory_space<vmem_shared>>
      tpu.wait_dma2 semaphore(%run_scoped3A : memref<!tpu.dma_semaphore, #tpu.memory_space<semaphore_mem>>) src(%arg9 : memref<128x128xf32, #tpu.memory_space<vmem>>) dst(%dma_wait3A_54 : memref<128x128xf32, #tpu.memory_space<vmem_shared>>)
      tpu.yield
    }) : () -> ()
    %barrier3A = arith.constant 0 : index
    tpu.barrier barrier_id(%barrier3A)
    %scan3A = arith.constant 0 : i32
    %scan3A_23 = arith.constant 0 : i32
    %scan3A_24 = arith.constant 10 : i32
    %scan3A_25 = arith.addi %scan3A_23, %scan3A_24 : i32
    %scan3A_26 = arith.constant 1 : i32
    scf.for %scan3A_49 = %scan3A_23 to %scan3A_25 step %scan3A_26  : i32 {
      %mul3A_50 = arith.constant 8 : i32
      %mul3A_51 = arith.muli %scan3A_49, %mul3A_50 : i32
      %add3A_52 = arith.addi %mul3A_2, %mul3A_51 : i32
      "tpu.region"() ({
        %run_scoped3A = tpu.sem_alloc : memref<!tpu.dma_semaphore, #tpu.memory_space<semaphore_mem>>
        %dma_start3A_275 = arith.constant 0 : i32
        %dma_start3A_276 = tpu.memref_slice %arg2[%add3A_52, %dma_start3A_275] : memref<2560x128xi32, #tpu.memory_space<hbm>> -> memref<8x128xi32, #tpu.memory_space<hbm>>
        %dma_start3A_277 = arith.constant 0 : i32
        %dma_start3A_278 = tpu.memref_slice %arg2[%add3A_52, %dma_start3A_277] : memref<2560x128xi32, #tpu.memory_space<hbm>> -> memref<8x128xi32, #tpu.memory_space<hbm>>
        tpu.enqueue_dma source(%dma_start3A_278 : memref<8x128xi32, #tpu.memory_space<hbm>>) target(%arg7 : memref<8x128xi32, #tpu.memory_space<vmem>>) target_semaphore(%run_scoped3A : memref<!tpu.dma_semaphore, #tpu.memory_space<semaphore_mem>>)
        %dma_wait3A_279 = arith.constant 0 : i32
        %dma_wait3A_280 = tpu.memref_slice %arg2[%add3A_52, %dma_wait3A_279] : memref<2560x128xi32, #tpu.memory_space<hbm>> -> memref<8x128xi32, #tpu.memory_space<hbm>>
        %dma_wait3A_281 = arith.constant 0 : i32
        %dma_wait3A_282 = tpu.memref_slice %arg2[%add3A_52, %dma_wait3A_281] : memref<2560x128xi32, #tpu.memory_space<hbm>> -> memref<8x128xi32, #tpu.memory_space<hbm>>
        tpu.wait_dma2 semaphore(%run_scoped3A : memref<!tpu.dma_semaphore, #tpu.memory_space<semaphore_mem>>) src(%dma_wait3A_282 : memref<8x128xi32, #tpu.memory_space<hbm>>) dst(%arg7 : memref<8x128xi32, #tpu.memory_space<vmem>>)
        tpu.yield
      }) : () -> ()
      "tpu.region"() ({
        %run_scoped3A = tpu.sem_alloc : memref<!tpu.dma_semaphore, #tpu.memory_space<semaphore_mem>>
        %dma_start3A_275 = arith.constant 0 : i32
        %dma_start3A_276 = tpu.memref_slice %arg3[%add3A_52, %dma_start3A_275] : memref<2560x128xi32, #tpu.memory_space<hbm>> -> memref<8x128xi32, #tpu.memory_space<hbm>>
        %dma_start3A_277 = arith.constant 0 : i32
        %dma_start3A_278 = tpu.memref_slice %arg3[%add3A_52, %dma_start3A_277] : memref<2560x128xi32, #tpu.memory_space<hbm>> -> memref<8x128xi32, #tpu.memory_space<hbm>>
        tpu.enqueue_dma source(%dma_start3A_278 : memref<8x128xi32, #tpu.memory_space<hbm>>) target(%arg8 : memref<8x128xi32, #tpu.memory_space<vmem>>) target_semaphore(%run_scoped3A : memref<!tpu.dma_semaphore, #tpu.memory_space<semaphore_mem>>)
        %dma_wait3A_279 = arith.constant 0 : i32
        %dma_wait3A_280 = tpu.memref_slice %arg3[%add3A_52, %dma_wait3A_279] : memref<2560x128xi32, #tpu.memory_space<hbm>> -> memref<8x128xi32, #tpu.memory_space<hbm>>
        %dma_wait3A_281 = arith.constant 0 : i32
        %dma_wait3A_282 = tpu.memref_slice %arg3[%add3A_52, %dma_wait3A_281] : memref<2560x128xi32, #tpu.memory_space<hbm>> -> memref<8x128xi32, #tpu.memory_space<hbm>>
        tpu.wait_dma2 semaphore(%run_scoped3A : memref<!tpu.dma_semaphore, #tpu.memory_space<semaphore_mem>>) src(%dma_wait3A_282 : memref<8x128xi32, #tpu.memory_space<hbm>>) dst(%arg8 : memref<8x128xi32, #tpu.memory_space<vmem>>)
        tpu.yield
      }) : () -> ()
      %dma_start3A = arith.constant 0 : i32
      %dma_start3A_53 = arith.constant 0 : i32
      %dma_start3A_54 = tpu.memref_slice %arg7[%dma_start3A, %dma_start3A_53] : memref<8x128xi32, #tpu.memory_space<vmem>> -> memref<1x128xi32, #tpu.memory_space<vmem>>
      %dma_start3A_55 = tpu.memref_squeeze %dma_start3A_54 : memref<1x128xi32, #tpu.memory_space<vmem>> -> memref<128xi32, #tpu.memory_space<vmem>>
      %dma_start3A_56 = arith.constant 0 : i32
      %dma_start3A_57 = arith.constant 0 : i32
      %dma_start3A_58 = tpu.memref_slice %arg4[%dma_start3A_56, %dma_start3A_57] : memref<10240x128xf32, #tpu.memory_space<hbm>> -> memref<10240x128xf32, #tpu.memory_space<hbm>>
      tpu.enqueue_indirect_dma source(%dma_start3A_58 : memref<10240x128xf32, #tpu.memory_space<hbm>>) target(%arg9 : memref<128x128xf32, #tpu.memory_space<vmem>>) offsets(%dma_start3A_55 : memref<128xi32, #tpu.memory_space<vmem>>) semaphore(%arg12 : memref<!tpu.dma_semaphore, #tpu.memory_space<semaphore_mem>>)
      %dma_start3A_59 = arith.constant 1 : i32
      %dma_start3A_60 = arith.constant 0 : i32
      %dma_start3A_61 = tpu.memref_slice %arg7[%dma_start3A_59, %dma_start3A_60] : memref<8x128xi32, #tpu.memory_space<vmem>> -> memref<1x128xi32, #tpu.memory_space<vmem>>
      %dma_start3A_62 = tpu.memref_squeeze %dma_start3A_61 : memref<1x128xi32, #tpu.memory_space<vmem>> -> memref<128xi32, #tpu.memory_space<vmem>>
      %dma_start3A_63 = arith.constant 0 : i32
      %dma_start3A_64 = arith.constant 0 : i32
      %dma_start3A_65 = tpu.memref_slice %arg4[%dma_start3A_63, %dma_start3A_64] : memref<10240x128xf32, #tpu.memory_space<hbm>> -> memref<10240x128xf32, #tpu.memory_space<hbm>>
      tpu.enqueue_indirect_dma source(%dma_start3A_65 : memref<10240x128xf32, #tpu.memory_space<hbm>>) target(%arg10 : memref<128x128xf32, #tpu.memory_space<vmem>>) offsets(%dma_start3A_62 : memref<128xi32, #tpu.memory_space<vmem>>) semaphore(%arg13 : memref<!tpu.dma_semaphore, #tpu.memory_space<semaphore_mem>>)
      %dma_wait3A = arith.constant 0 : i32
      %dma_wait3A_66 = arith.constant 0 : i32
      %dma_wait3A_67 = tpu.memref_slice %arg7[%dma_wait3A, %dma_wait3A_66] : memref<8x128xi32, #tpu.memory_space<vmem>> -> memref<1x128xi32, #tpu.memory_space<vmem>>
      %dma_wait3A_68 = tpu.memref_squeeze %dma_wait3A_67 : memref<1x128xi32, #tpu.memory_space<vmem>> -> memref<128xi32, #tpu.memory_space<vmem>>
      %dma_wait3A_69 = arith.constant 0 : i32
      %dma_wait3A_70 = arith.constant 0 : i32
      %dma_wait3A_71 = tpu.memref_slice %arg4[%dma_wait3A_69, %dma_wait3A_70] : memref<10240x128xf32, #tpu.memory_space<hbm>> -> memref<10240x128xf32, #tpu.memory_space<hbm>>
      tpu.wait_indirect_dma semaphore(%arg12 : memref<!tpu.dma_semaphore, #tpu.memory_space<semaphore_mem>>) src(%dma_wait3A_71 : memref<10240x128xf32, #tpu.memory_space<hbm>>) dst(%arg9 : memref<128x128xf32, #tpu.memory_space<vmem>>)
      %dma_start3A_72 = arith.constant 0 : i32
      %dma_start3A_73 = arith.constant 0 : i32
      %dma_start3A_74 = tpu.memref_slice %arg8[%dma_start3A_72, %dma_start3A_73] : memref<8x128xi32, #tpu.memory_space<vmem>> -> memref<1x128xi32, #tpu.memory_space<vmem>>
      %dma_start3A_75 = tpu.memref_squeeze %dma_start3A_74 : memref<1x128xi32, #tpu.memory_space<vmem>> -> memref<128xi32, #tpu.memory_space<vmem>>
      %dma_start3A_76 = arith.constant 0 : i32
      %dma_start3A_77 = arith.constant 0 : i32
      %dma_start3A_78 = tpu.memref_slice %arg11[%dma_start3A_76, %dma_start3A_77] : memref<10240x128xf32, #tpu.memory_space<vmem_shared>> -> memref<10240x128xf32, #tpu.memory_space<vmem_shared>>
      tpu.enqueue_indirect_dma source(%arg9 : memref<128x128xf32, #tpu.memory_space<vmem>>) target(%dma_start3A_78 : memref<10240x128xf32, #tpu.memory_space<vmem_shared>>) offsets(%dma_start3A_75 : memref<128xi32, #tpu.memory_space<vmem>>) semaphore(%arg14 : memref<!tpu.dma_semaphore, #tpu.memory_space<semaphore_mem>>) {add = true}
      %dma_wait3A_79 = arith.constant 0 : i32
      %dma_wait3A_80 = arith.constant 0 : i32
      %dma_wait3A_81 = tpu.memref_slice %arg8[%dma_wait3A_79, %dma_wait3A_80] : memref<8x128xi32, #tpu.memory_space<vmem>> -> memref<1x128xi32, #tpu.memory_space<vmem>>
      %dma_wait3A_82 = tpu.memref_squeeze %dma_wait3A_81 : memref<1x128xi32, #tpu.memory_space<vmem>> -> memref<128xi32, #tpu.memory_space<vmem>>
      %dma_wait3A_83 = arith.constant 0 : i32
      %dma_wait3A_84 = arith.constant 0 : i32
      %dma_wait3A_85 = tpu.memref_slice %arg11[%dma_wait3A_83, %dma_wait3A_84] : memref<10240x128xf32, #tpu.memory_space<vmem_shared>> -> memref<10240x128xf32, #tpu.memory_space<vmem_shared>>
      tpu.wait_indirect_dma semaphore(%arg14 : memref<!tpu.dma_semaphore, #tpu.memory_space<semaphore_mem>>) src(%arg9 : memref<128x128xf32, #tpu.memory_space<vmem>>) dst(%dma_wait3A_85 : memref<10240x128xf32, #tpu.memory_space<vmem_shared>>)
      %dma_start3A_86 = arith.constant 2 : i32
      %dma_start3A_87 = arith.constant 0 : i32
      %dma_start3A_88 = tpu.memref_slice %arg7[%dma_start3A_86, %dma_start3A_87] : memref<8x128xi32, #tpu.memory_space<vmem>> -> memref<1x128xi32, #tpu.memory_space<vmem>>
      %dma_start3A_89 = tpu.memref_squeeze %dma_start3A_88 : memref<1x128xi32, #tpu.memory_space<vmem>> -> memref<128xi32, #tpu.memory_space<vmem>>
      %dma_start3A_90 = arith.constant 0 : i32
      %dma_start3A_91 = arith.constant 0 : i32
      %dma_start3A_92 = tpu.memref_slice %arg4[%dma_start3A_90, %dma_start3A_91] : memref<10240x128xf32, #tpu.memory_space<hbm>> -> memref<10240x128xf32, #tpu.memory_space<hbm>>
      tpu.enqueue_indirect_dma source(%dma_start3A_92 : memref<10240x128xf32, #tpu.memory_space<hbm>>) target(%arg9 : memref<128x128xf32, #tpu.memory_space<vmem>>) offsets(%dma_start3A_89 : memref<128xi32, #tpu.memory_space<vmem>>) semaphore(%arg12 : memref<!tpu.dma_semaphore, #tpu.memory_space<semaphore_mem>>)
      %dma_wait3A_93 = arith.constant 1 : i32
      %dma_wait3A_94 = arith.constant 0 : i32
      %dma_wait3A_95 = tpu.memref_slice %arg7[%dma_wait3A_93, %dma_wait3A_94] : memref<8x128xi32, #tpu.memory_space<vmem>> -> memref<1x128xi32, #tpu.memory_space<vmem>>
      %dma_wait3A_96 = tpu.memref_squeeze %dma_wait3A_95 : memref<1x128xi32, #tpu.memory_space<vmem>> -> memref<128xi32, #tpu.memory_space<vmem>>
      %dma_wait3A_97 = arith.constant 0 : i32
      %dma_wait3A_98 = arith.constant 0 : i32
      %dma_wait3A_99 = tpu.memref_slice %arg4[%dma_wait3A_97, %dma_wait3A_98] : memref<10240x128xf32, #tpu.memory_space<hbm>> -> memref<10240x128xf32, #tpu.memory_space<hbm>>
      tpu.wait_indirect_dma semaphore(%arg13 : memref<!tpu.dma_semaphore, #tpu.memory_space<semaphore_mem>>) src(%dma_wait3A_99 : memref<10240x128xf32, #tpu.memory_space<hbm>>) dst(%arg10 : memref<128x128xf32, #tpu.memory_space<vmem>>)
      %dma_start3A_100 = arith.constant 1 : i32
      %dma_start3A_101 = arith.constant 0 : i32
      %dma_start3A_102 = tpu.memref_slice %arg8[%dma_start3A_100, %dma_start3A_101] : memref<8x128xi32, #tpu.memory_space<vmem>> -> memref<1x128xi32, #tpu.memory_space<vmem>>
      %dma_start3A_103 = tpu.memref_squeeze %dma_start3A_102 : memref<1x128xi32, #tpu.memory_space<vmem>> -> memref<128xi32, #tpu.memory_space<vmem>>
      %dma_start3A_104 = arith.constant 0 : i32
      %dma_start3A_105 = arith.constant 0 : i32
      %dma_start3A_106 = tpu.memref_slice %arg11[%dma_start3A_104, %dma_start3A_105] : memref<10240x128xf32, #tpu.memory_space<vmem_shared>> -> memref<10240x128xf32, #tpu.memory_space<vmem_shared>>
      tpu.enqueue_indirect_dma source(%arg10 : memref<128x128xf32, #tpu.memory_space<vmem>>) target(%dma_start3A_106 : memref<10240x128xf32, #tpu.memory_space<vmem_shared>>) offsets(%dma_start3A_103 : memref<128xi32, #tpu.memory_space<vmem>>) semaphore(%arg15 : memref<!tpu.dma_semaphore, #tpu.memory_space<semaphore_mem>>) {add = true}
      %dma_wait3A_107 = arith.constant 1 : i32
      %dma_wait3A_108 = arith.constant 0 : i32
      %dma_wait3A_109 = tpu.memref_slice %arg8[%dma_wait3A_107, %dma_wait3A_108] : memref<8x128xi32, #tpu.memory_space<vmem>> -> memref<1x128xi32, #tpu.memory_space<vmem>>
      %dma_wait3A_110 = tpu.memref_squeeze %dma_wait3A_109 : memref<1x128xi32, #tpu.memory_space<vmem>> -> memref<128xi32, #tpu.memory_space<vmem>>
      %dma_wait3A_111 = arith.constant 0 : i32
      %dma_wait3A_112 = arith.constant 0 : i32
      %dma_wait3A_113 = tpu.memref_slice %arg11[%dma_wait3A_111, %dma_wait3A_112] : memref<10240x128xf32, #tpu.memory_space<vmem_shared>> -> memref<10240x128xf32, #tpu.memory_space<vmem_shared>>
      tpu.wait_indirect_dma semaphore(%arg15 : memref<!tpu.dma_semaphore, #tpu.memory_space<semaphore_mem>>) src(%arg10 : memref<128x128xf32, #tpu.memory_space<vmem>>) dst(%dma_wait3A_113 : memref<10240x128xf32, #tpu.memory_space<vmem_shared>>)
      %dma_start3A_114 = arith.constant 3 : i32
      %dma_start3A_115 = arith.constant 0 : i32
      %dma_start3A_116 = tpu.memref_slice %arg7[%dma_start3A_114, %dma_start3A_115] : memref<8x128xi32, #tpu.memory_space<vmem>> -> memref<1x128xi32, #tpu.memory_space<vmem>>
      %dma_start3A_117 = tpu.memref_squeeze %dma_start3A_116 : memref<1x128xi32, #tpu.memory_space<vmem>> -> memref<128xi32, #tpu.memory_space<vmem>>
      %dma_start3A_118 = arith.constant 0 : i32
      %dma_start3A_119 = arith.constant 0 : i32
      %dma_start3A_120 = tpu.memref_slice %arg4[%dma_start3A_118, %dma_start3A_119] : memref<10240x128xf32, #tpu.memory_space<hbm>> -> memref<10240x128xf32, #tpu.memory_space<hbm>>
      tpu.enqueue_indirect_dma source(%dma_start3A_120 : memref<10240x128xf32, #tpu.memory_space<hbm>>) target(%arg10 : memref<128x128xf32, #tpu.memory_space<vmem>>) offsets(%dma_start3A_117 : memref<128xi32, #tpu.memory_space<vmem>>) semaphore(%arg13 : memref<!tpu.dma_semaphore, #tpu.memory_space<semaphore_mem>>)
      %dma_wait3A_121 = arith.constant 2 : i32
      %dma_wait3A_122 = arith.constant 0 : i32
      %dma_wait3A_123 = tpu.memref_slice %arg7[%dma_wait3A_121, %dma_wait3A_122] : memref<8x128xi32, #tpu.memory_space<vmem>> -> memref<1x128xi32, #tpu.memory_space<vmem>>
      %dma_wait3A_124 = tpu.memref_squeeze %dma_wait3A_123 : memref<1x128xi32, #tpu.memory_space<vmem>> -> memref<128xi32, #tpu.memory_space<vmem>>
      %dma_wait3A_125 = arith.constant 0 : i32
      %dma_wait3A_126 = arith.constant 0 : i32
      %dma_wait3A_127 = tpu.memref_slice %arg4[%dma_wait3A_125, %dma_wait3A_126] : memref<10240x128xf32, #tpu.memory_space<hbm>> -> memref<10240x128xf32, #tpu.memory_space<hbm>>
      tpu.wait_indirect_dma semaphore(%arg12 : memref<!tpu.dma_semaphore, #tpu.memory_space<semaphore_mem>>) src(%dma_wait3A_127 : memref<10240x128xf32, #tpu.memory_space<hbm>>) dst(%arg9 : memref<128x128xf32, #tpu.memory_space<vmem>>)
      %dma_start3A_128 = arith.constant 2 : i32
      %dma_start3A_129 = arith.constant 0 : i32
      %dma_start3A_130 = tpu.memref_slice %arg8[%dma_start3A_128, %dma_start3A_129] : memref<8x128xi32, #tpu.memory_space<vmem>> -> memref<1x128xi32, #tpu.memory_space<vmem>>
      %dma_start3A_131 = tpu.memref_squeeze %dma_start3A_130 : memref<1x128xi32, #tpu.memory_space<vmem>> -> memref<128xi32, #tpu.memory_space<vmem>>
      %dma_start3A_132 = arith.constant 0 : i32
      %dma_start3A_133 = arith.constant 0 : i32
      %dma_start3A_134 = tpu.memref_slice %arg11[%dma_start3A_132, %dma_start3A_133] : memref<10240x128xf32, #tpu.memory_space<vmem_shared>> -> memref<10240x128xf32, #tpu.memory_space<vmem_shared>>
      tpu.enqueue_indirect_dma source(%arg9 : memref<128x128xf32, #tpu.memory_space<vmem>>) target(%dma_start3A_134 : memref<10240x128xf32, #tpu.memory_space<vmem_shared>>) offsets(%dma_start3A_131 : memref<128xi32, #tpu.memory_space<vmem>>) semaphore(%arg14 : memref<!tpu.dma_semaphore, #tpu.memory_space<semaphore_mem>>) {add = true}
      %dma_wait3A_135 = arith.constant 2 : i32
      %dma_wait3A_136 = arith.constant 0 : i32
      %dma_wait3A_137 = tpu.memref_slice %arg8[%dma_wait3A_135, %dma_wait3A_136] : memref<8x128xi32, #tpu.memory_space<vmem>> -> memref<1x128xi32, #tpu.memory_space<vmem>>
      %dma_wait3A_138 = tpu.memref_squeeze %dma_wait3A_137 : memref<1x128xi32, #tpu.memory_space<vmem>> -> memref<128xi32, #tpu.memory_space<vmem>>
      %dma_wait3A_139 = arith.constant 0 : i32
      %dma_wait3A_140 = arith.constant 0 : i32
      %dma_wait3A_141 = tpu.memref_slice %arg11[%dma_wait3A_139, %dma_wait3A_140] : memref<10240x128xf32, #tpu.memory_space<vmem_shared>> -> memref<10240x128xf32, #tpu.memory_space<vmem_shared>>
      tpu.wait_indirect_dma semaphore(%arg14 : memref<!tpu.dma_semaphore, #tpu.memory_space<semaphore_mem>>) src(%arg9 : memref<128x128xf32, #tpu.memory_space<vmem>>) dst(%dma_wait3A_141 : memref<10240x128xf32, #tpu.memory_space<vmem_shared>>)
      %dma_start3A_142 = arith.constant 4 : i32
      %dma_start3A_143 = arith.constant 0 : i32
      %dma_start3A_144 = tpu.memref_slice %arg7[%dma_start3A_142, %dma_start3A_143] : memref<8x128xi32, #tpu.memory_space<vmem>> -> memref<1x128xi32, #tpu.memory_space<vmem>>
      %dma_start3A_145 = tpu.memref_squeeze %dma_start3A_144 : memref<1x128xi32, #tpu.memory_space<vmem>> -> memref<128xi32, #tpu.memory_space<vmem>>
      %dma_start3A_146 = arith.constant 0 : i32
      %dma_start3A_147 = arith.constant 0 : i32
      %dma_start3A_148 = tpu.memref_slice %arg4[%dma_start3A_146, %dma_start3A_147] : memref<10240x128xf32, #tpu.memory_space<hbm>> -> memref<10240x128xf32, #tpu.memory_space<hbm>>
      tpu.enqueue_indirect_dma source(%dma_start3A_148 : memref<10240x128xf32, #tpu.memory_space<hbm>>) target(%arg9 : memref<128x128xf32, #tpu.memory_space<vmem>>) offsets(%dma_start3A_145 : memref<128xi32, #tpu.memory_space<vmem>>) semaphore(%arg12 : memref<!tpu.dma_semaphore, #tpu.memory_space<semaphore_mem>>)
      %dma_wait3A_149 = arith.constant 3 : i32
      %dma_wait3A_150 = arith.constant 0 : i32
      %dma_wait3A_151 = tpu.memref_slice %arg7[%dma_wait3A_149, %dma_wait3A_150] : memref<8x128xi32, #tpu.memory_space<vmem>> -> memref<1x128xi32, #tpu.memory_space<vmem>>
      %dma_wait3A_152 = tpu.memref_squeeze %dma_wait3A_151 : memref<1x128xi32, #tpu.memory_space<vmem>> -> memref<128xi32, #tpu.memory_space<vmem>>
      %dma_wait3A_153 = arith.constant 0 : i32
      %dma_wait3A_154 = arith.constant 0 : i32
      %dma_wait3A_155 = tpu.memref_slice %arg4[%dma_wait3A_153, %dma_wait3A_154] : memref<10240x128xf32, #tpu.memory_space<hbm>> -> memref<10240x128xf32, #tpu.memory_space<hbm>>
      tpu.wait_indirect_dma semaphore(%arg13 : memref<!tpu.dma_semaphore, #tpu.memory_space<semaphore_mem>>) src(%dma_wait3A_155 : memref<10240x128xf32, #tpu.memory_space<hbm>>) dst(%arg10 : memref<128x128xf32, #tpu.memory_space<vmem>>)
      %dma_start3A_156 = arith.constant 3 : i32
      %dma_start3A_157 = arith.constant 0 : i32
      %dma_start3A_158 = tpu.memref_slice %arg8[%dma_start3A_156, %dma_start3A_157] : memref<8x128xi32, #tpu.memory_space<vmem>> -> memref<1x128xi32, #tpu.memory_space<vmem>>
      %dma_start3A_159 = tpu.memref_squeeze %dma_start3A_158 : memref<1x128xi32, #tpu.memory_space<vmem>> -> memref<128xi32, #tpu.memory_space<vmem>>
      %dma_start3A_160 = arith.constant 0 : i32
      %dma_start3A_161 = arith.constant 0 : i32
      %dma_start3A_162 = tpu.memref_slice %arg11[%dma_start3A_160, %dma_start3A_161] : memref<10240x128xf32, #tpu.memory_space<vmem_shared>> -> memref<10240x128xf32, #tpu.memory_space<vmem_shared>>
      tpu.enqueue_indirect_dma source(%arg10 : memref<128x128xf32, #tpu.memory_space<vmem>>) target(%dma_start3A_162 : memref<10240x128xf32, #tpu.memory_space<vmem_shared>>) offsets(%dma_start3A_159 : memref<128xi32, #tpu.memory_space<vmem>>) semaphore(%arg15 : memref<!tpu.dma_semaphore, #tpu.memory_space<semaphore_mem>>) {add = true}
      %dma_wait3A_163 = arith.constant 3 : i32
      %dma_wait3A_164 = arith.constant 0 : i32
      %dma_wait3A_165 = tpu.memref_slice %arg8[%dma_wait3A_163, %dma_wait3A_164] : memref<8x128xi32, #tpu.memory_space<vmem>> -> memref<1x128xi32, #tpu.memory_space<vmem>>
      %dma_wait3A_166 = tpu.memref_squeeze %dma_wait3A_165 : memref<1x128xi32, #tpu.memory_space<vmem>> -> memref<128xi32, #tpu.memory_space<vmem>>
      %dma_wait3A_167 = arith.constant 0 : i32
      %dma_wait3A_168 = arith.constant 0 : i32
      %dma_wait3A_169 = tpu.memref_slice %arg11[%dma_wait3A_167, %dma_wait3A_168] : memref<10240x128xf32, #tpu.memory_space<vmem_shared>> -> memref<10240x128xf32, #tpu.memory_space<vmem_shared>>
      tpu.wait_indirect_dma semaphore(%arg15 : memref<!tpu.dma_semaphore, #tpu.memory_space<semaphore_mem>>) src(%arg10 : memref<128x128xf32, #tpu.memory_space<vmem>>) dst(%dma_wait3A_169 : memref<10240x128xf32, #tpu.memory_space<vmem_shared>>)
      %dma_start3A_170 = arith.constant 5 : i32
      %dma_start3A_171 = arith.constant 0 : i32
      %dma_start3A_172 = tpu.memref_slice %arg7[%dma_start3A_170, %dma_start3A_171] : memref<8x128xi32, #tpu.memory_space<vmem>> -> memref<1x128xi32, #tpu.memory_space<vmem>>
      %dma_start3A_173 = tpu.memref_squeeze %dma_start3A_172 : memref<1x128xi32, #tpu.memory_space<vmem>> -> memref<128xi32, #tpu.memory_space<vmem>>
      %dma_start3A_174 = arith.constant 0 : i32
      %dma_start3A_175 = arith.constant 0 : i32
      %dma_start3A_176 = tpu.memref_slice %arg4[%dma_start3A_174, %dma_start3A_175] : memref<10240x128xf32, #tpu.memory_space<hbm>> -> memref<10240x128xf32, #tpu.memory_space<hbm>>
      tpu.enqueue_indirect_dma source(%dma_start3A_176 : memref<10240x128xf32, #tpu.memory_space<hbm>>) target(%arg10 : memref<128x128xf32, #tpu.memory_space<vmem>>) offsets(%dma_start3A_173 : memref<128xi32, #tpu.memory_space<vmem>>) semaphore(%arg13 : memref<!tpu.dma_semaphore, #tpu.memory_space<semaphore_mem>>)
      %dma_wait3A_177 = arith.constant 4 : i32
      %dma_wait3A_178 = arith.constant 0 : i32
      %dma_wait3A_179 = tpu.memref_slice %arg7[%dma_wait3A_177, %dma_wait3A_178] : memref<8x128xi32, #tpu.memory_space<vmem>> -> memref<1x128xi32, #tpu.memory_space<vmem>>
      %dma_wait3A_180 = tpu.memref_squeeze %dma_wait3A_179 : memref<1x128xi32, #tpu.memory_space<vmem>> -> memref<128xi32, #tpu.memory_space<vmem>>
      %dma_wait3A_181 = arith.constant 0 : i32
      %dma_wait3A_182 = arith.constant 0 : i32
      %dma_wait3A_183 = tpu.memref_slice %arg4[%dma_wait3A_181, %dma_wait3A_182] : memref<10240x128xf32, #tpu.memory_space<hbm>> -> memref<10240x128xf32, #tpu.memory_space<hbm>>
      tpu.wait_indirect_dma semaphore(%arg12 : memref<!tpu.dma_semaphore, #tpu.memory_space<semaphore_mem>>) src(%dma_wait3A_183 : memref<10240x128xf32, #tpu.memory_space<hbm>>) dst(%arg9 : memref<128x128xf32, #tpu.memory_space<vmem>>)
      %dma_start3A_184 = arith.constant 4 : i32
      %dma_start3A_185 = arith.constant 0 : i32
      %dma_start3A_186 = tpu.memref_slice %arg8[%dma_start3A_184, %dma_start3A_185] : memref<8x128xi32, #tpu.memory_space<vmem>> -> memref<1x128xi32, #tpu.memory_space<vmem>>
      %dma_start3A_187 = tpu.memref_squeeze %dma_start3A_186 : memref<1x128xi32, #tpu.memory_space<vmem>> -> memref<128xi32, #tpu.memory_space<vmem>>
      %dma_start3A_188 = arith.constant 0 : i32
      %dma_start3A_189 = arith.constant 0 : i32
      %dma_start3A_190 = tpu.memref_slice %arg11[%dma_start3A_188, %dma_start3A_189] : memref<10240x128xf32, #tpu.memory_space<vmem_shared>> -> memref<10240x128xf32, #tpu.memory_space<vmem_shared>>
      tpu.enqueue_indirect_dma source(%arg9 : memref<128x128xf32, #tpu.memory_space<vmem>>) target(%dma_start3A_190 : memref<10240x128xf32, #tpu.memory_space<vmem_shared>>) offsets(%dma_start3A_187 : memref<128xi32, #tpu.memory_space<vmem>>) semaphore(%arg14 : memref<!tpu.dma_semaphore, #tpu.memory_space<semaphore_mem>>) {add = true}
      %dma_wait3A_191 = arith.constant 4 : i32
      %dma_wait3A_192 = arith.constant 0 : i32
      %dma_wait3A_193 = tpu.memref_slice %arg8[%dma_wait3A_191, %dma_wait3A_192] : memref<8x128xi32, #tpu.memory_space<vmem>> -> memref<1x128xi32, #tpu.memory_space<vmem>>
      %dma_wait3A_194 = tpu.memref_squeeze %dma_wait3A_193 : memref<1x128xi32, #tpu.memory_space<vmem>> -> memref<128xi32, #tpu.memory_space<vmem>>
      %dma_wait3A_195 = arith.constant 0 : i32
      %dma_wait3A_196 = arith.constant 0 : i32
      %dma_wait3A_197 = tpu.memref_slice %arg11[%dma_wait3A_195, %dma_wait3A_196] : memref<10240x128xf32, #tpu.memory_space<vmem_shared>> -> memref<10240x128xf32, #tpu.memory_space<vmem_shared>>
      tpu.wait_indirect_dma semaphore(%arg14 : memref<!tpu.dma_semaphore, #tpu.memory_space<semaphore_mem>>) src(%arg9 : memref<128x128xf32, #tpu.memory_space<vmem>>) dst(%dma_wait3A_197 : memref<10240x128xf32, #tpu.memory_space<vmem_shared>>)
      %dma_start3A_198 = arith.constant 6 : i32
      %dma_start3A_199 = arith.constant 0 : i32
      %dma_start3A_200 = tpu.memref_slice %arg7[%dma_start3A_198, %dma_start3A_199] : memref<8x128xi32, #tpu.memory_space<vmem>> -> memref<1x128xi32, #tpu.memory_space<vmem>>
      %dma_start3A_201 = tpu.memref_squeeze %dma_start3A_200 : memref<1x128xi32, #tpu.memory_space<vmem>> -> memref<128xi32, #tpu.memory_space<vmem>>
      %dma_start3A_202 = arith.constant 0 : i32
      %dma_start3A_203 = arith.constant 0 : i32
      %dma_start3A_204 = tpu.memref_slice %arg4[%dma_start3A_202, %dma_start3A_203] : memref<10240x128xf32, #tpu.memory_space<hbm>> -> memref<10240x128xf32, #tpu.memory_space<hbm>>
      tpu.enqueue_indirect_dma source(%dma_start3A_204 : memref<10240x128xf32, #tpu.memory_space<hbm>>) target(%arg9 : memref<128x128xf32, #tpu.memory_space<vmem>>) offsets(%dma_start3A_201 : memref<128xi32, #tpu.memory_space<vmem>>) semaphore(%arg12 : memref<!tpu.dma_semaphore, #tpu.memory_space<semaphore_mem>>)
      %dma_wait3A_205 = arith.constant 5 : i32
      %dma_wait3A_206 = arith.constant 0 : i32
      %dma_wait3A_207 = tpu.memref_slice %arg7[%dma_wait3A_205, %dma_wait3A_206] : memref<8x128xi32, #tpu.memory_space<vmem>> -> memref<1x128xi32, #tpu.memory_space<vmem>>
      %dma_wait3A_208 = tpu.memref_squeeze %dma_wait3A_207 : memref<1x128xi32, #tpu.memory_space<vmem>> -> memref<128xi32, #tpu.memory_space<vmem>>
      %dma_wait3A_209 = arith.constant 0 : i32
      %dma_wait3A_210 = arith.constant 0 : i32
      %dma_wait3A_211 = tpu.memref_slice %arg4[%dma_wait3A_209, %dma_wait3A_210] : memref<10240x128xf32, #tpu.memory_space<hbm>> -> memref<10240x128xf32, #tpu.memory_space<hbm>>
      tpu.wait_indirect_dma semaphore(%arg13 : memref<!tpu.dma_semaphore, #tpu.memory_space<semaphore_mem>>) src(%dma_wait3A_211 : memref<10240x128xf32, #tpu.memory_space<hbm>>) dst(%arg10 : memref<128x128xf32, #tpu.memory_space<vmem>>)
      %dma_start3A_212 = arith.constant 5 : i32
      %dma_start3A_213 = arith.constant 0 : i32
      %dma_start3A_214 = tpu.memref_slice %arg8[%dma_start3A_212, %dma_start3A_213] : memref<8x128xi32, #tpu.memory_space<vmem>> -> memref<1x128xi32, #tpu.memory_space<vmem>>
      %dma_start3A_215 = tpu.memref_squeeze %dma_start3A_214 : memref<1x128xi32, #tpu.memory_space<vmem>> -> memref<128xi32, #tpu.memory_space<vmem>>
      %dma_start3A_216 = arith.constant 0 : i32
      %dma_start3A_217 = arith.constant 0 : i32
      %dma_start3A_218 = tpu.memref_slice %arg11[%dma_start3A_216, %dma_start3A_217] : memref<10240x128xf32, #tpu.memory_space<vmem_shared>> -> memref<10240x128xf32, #tpu.memory_space<vmem_shared>>
      tpu.enqueue_indirect_dma source(%arg10 : memref<128x128xf32, #tpu.memory_space<vmem>>) target(%dma_start3A_218 : memref<10240x128xf32, #tpu.memory_space<vmem_shared>>) offsets(%dma_start3A_215 : memref<128xi32, #tpu.memory_space<vmem>>) semaphore(%arg15 : memref<!tpu.dma_semaphore, #tpu.memory_space<semaphore_mem>>) {add = true}
      %dma_wait3A_219 = arith.constant 5 : i32
      %dma_wait3A_220 = arith.constant 0 : i32
      %dma_wait3A_221 = tpu.memref_slice %arg8[%dma_wait3A_219, %dma_wait3A_220] : memref<8x128xi32, #tpu.memory_space<vmem>> -> memref<1x128xi32, #tpu.memory_space<vmem>>
      %dma_wait3A_222 = tpu.memref_squeeze %dma_wait3A_221 : memref<1x128xi32, #tpu.memory_space<vmem>> -> memref<128xi32, #tpu.memory_space<vmem>>
      %dma_wait3A_223 = arith.constant 0 : i32
      %dma_wait3A_224 = arith.constant 0 : i32
      %dma_wait3A_225 = tpu.memref_slice %arg11[%dma_wait3A_223, %dma_wait3A_224] : memref<10240x128xf32, #tpu.memory_space<vmem_shared>> -> memref<10240x128xf32, #tpu.memory_space<vmem_shared>>
      tpu.wait_indirect_dma semaphore(%arg15 : memref<!tpu.dma_semaphore, #tpu.memory_space<semaphore_mem>>) src(%arg10 : memref<128x128xf32, #tpu.memory_space<vmem>>) dst(%dma_wait3A_225 : memref<10240x128xf32, #tpu.memory_space<vmem_shared>>)
      %dma_start3A_226 = arith.constant 7 : i32
      %dma_start3A_227 = arith.constant 0 : i32
      %dma_start3A_228 = tpu.memref_slice %arg7[%dma_start3A_226, %dma_start3A_227] : memref<8x128xi32, #tpu.memory_space<vmem>> -> memref<1x128xi32, #tpu.memory_space<vmem>>
      %dma_start3A_229 = tpu.memref_squeeze %dma_start3A_228 : memref<1x128xi32, #tpu.memory_space<vmem>> -> memref<128xi32, #tpu.memory_space<vmem>>
      %dma_start3A_230 = arith.constant 0 : i32
      %dma_start3A_231 = arith.constant 0 : i32
      %dma_start3A_232 = tpu.memref_slice %arg4[%dma_start3A_230, %dma_start3A_231] : memref<10240x128xf32, #tpu.memory_space<hbm>> -> memref<10240x128xf32, #tpu.memory_space<hbm>>
      tpu.enqueue_indirect_dma source(%dma_start3A_232 : memref<10240x128xf32, #tpu.memory_space<hbm>>) target(%arg10 : memref<128x128xf32, #tpu.memory_space<vmem>>) offsets(%dma_start3A_229 : memref<128xi32, #tpu.memory_space<vmem>>) semaphore(%arg13 : memref<!tpu.dma_semaphore, #tpu.memory_space<semaphore_mem>>)
      %dma_wait3A_233 = arith.constant 6 : i32
      %dma_wait3A_234 = arith.constant 0 : i32
      %dma_wait3A_235 = tpu.memref_slice %arg7[%dma_wait3A_233, %dma_wait3A_234] : memref<8x128xi32, #tpu.memory_space<vmem>> -> memref<1x128xi32, #tpu.memory_space<vmem>>
      %dma_wait3A_236 = tpu.memref_squeeze %dma_wait3A_235 : memref<1x128xi32, #tpu.memory_space<vmem>> -> memref<128xi32, #tpu.memory_space<vmem>>
      %dma_wait3A_237 = arith.constant 0 : i32
      %dma_wait3A_238 = arith.constant 0 : i32
      %dma_wait3A_239 = tpu.memref_slice %arg4[%dma_wait3A_237, %dma_wait3A_238] : memref<10240x128xf32, #tpu.memory_space<hbm>> -> memref<10240x128xf32, #tpu.memory_space<hbm>>
      tpu.wait_indirect_dma semaphore(%arg12 : memref<!tpu.dma_semaphore, #tpu.memory_space<semaphore_mem>>) src(%dma_wait3A_239 : memref<10240x128xf32, #tpu.memory_space<hbm>>) dst(%arg9 : memref<128x128xf32, #tpu.memory_space<vmem>>)
      %dma_start3A_240 = arith.constant 6 : i32
      %dma_start3A_241 = arith.constant 0 : i32
      %dma_start3A_242 = tpu.memref_slice %arg8[%dma_start3A_240, %dma_start3A_241] : memref<8x128xi32, #tpu.memory_space<vmem>> -> memref<1x128xi32, #tpu.memory_space<vmem>>
      %dma_start3A_243 = tpu.memref_squeeze %dma_start3A_242 : memref<1x128xi32, #tpu.memory_space<vmem>> -> memref<128xi32, #tpu.memory_space<vmem>>
      %dma_start3A_244 = arith.constant 0 : i32
      %dma_start3A_245 = arith.constant 0 : i32
      %dma_start3A_246 = tpu.memref_slice %arg11[%dma_start3A_244, %dma_start3A_245] : memref<10240x128xf32, #tpu.memory_space<vmem_shared>> -> memref<10240x128xf32, #tpu.memory_space<vmem_shared>>
      tpu.enqueue_indirect_dma source(%arg9 : memref<128x128xf32, #tpu.memory_space<vmem>>) target(%dma_start3A_246 : memref<10240x128xf32, #tpu.memory_space<vmem_shared>>) offsets(%dma_start3A_243 : memref<128xi32, #tpu.memory_space<vmem>>) semaphore(%arg14 : memref<!tpu.dma_semaphore, #tpu.memory_space<semaphore_mem>>) {add = true}
      %dma_wait3A_247 = arith.constant 7 : i32
      %dma_wait3A_248 = arith.constant 0 : i32
      %dma_wait3A_249 = tpu.memref_slice %arg7[%dma_wait3A_247, %dma_wait3A_248] : memref<8x128xi32, #tpu.memory_space<vmem>> -> memref<1x128xi32, #tpu.memory_space<vmem>>
      %dma_wait3A_250 = tpu.memref_squeeze %dma_wait3A_249 : memref<1x128xi32, #tpu.memory_space<vmem>> -> memref<128xi32, #tpu.memory_space<vmem>>
      %dma_wait3A_251 = arith.constant 0 : i32
      %dma_wait3A_252 = arith.constant 0 : i32
      %dma_wait3A_253 = tpu.memref_slice %arg4[%dma_wait3A_251, %dma_wait3A_252] : memref<10240x128xf32, #tpu.memory_space<hbm>> -> memref<10240x128xf32, #tpu.memory_space<hbm>>
      tpu.wait_indirect_dma semaphore(%arg13 : memref<!tpu.dma_semaphore, #tpu.memory_space<semaphore_mem>>) src(%dma_wait3A_253 : memref<10240x128xf32, #tpu.memory_space<hbm>>) dst(%arg10 : memref<128x128xf32, #tpu.memory_space<vmem>>)
      %dma_start3A_254 = arith.constant 7 : i32
      %dma_start3A_255 = arith.constant 0 : i32
      %dma_start3A_256 = tpu.memref_slice %arg8[%dma_start3A_254, %dma_start3A_255] : memref<8x128xi32, #tpu.memory_space<vmem>> -> memref<1x128xi32, #tpu.memory_space<vmem>>
      %dma_start3A_257 = tpu.memref_squeeze %dma_start3A_256 : memref<1x128xi32, #tpu.memory_space<vmem>> -> memref<128xi32, #tpu.memory_space<vmem>>
      %dma_start3A_258 = arith.constant 0 : i32
      %dma_start3A_259 = arith.constant 0 : i32
      %dma_start3A_260 = tpu.memref_slice %arg11[%dma_start3A_258, %dma_start3A_259] : memref<10240x128xf32, #tpu.memory_space<vmem_shared>> -> memref<10240x128xf32, #tpu.memory_space<vmem_shared>>
      tpu.enqueue_indirect_dma source(%arg10 : memref<128x128xf32, #tpu.memory_space<vmem>>) target(%dma_start3A_260 : memref<10240x128xf32, #tpu.memory_space<vmem_shared>>) offsets(%dma_start3A_257 : memref<128xi32, #tpu.memory_space<vmem>>) semaphore(%arg15 : memref<!tpu.dma_semaphore, #tpu.memory_space<semaphore_mem>>) {add = true}
      %dma_wait3A_261 = arith.constant 6 : i32
      %dma_wait3A_262 = arith.constant 0 : i32
      %dma_wait3A_263 = tpu.memref_slice %arg8[%dma_wait3A_261, %dma_wait3A_262] : memref<8x128xi32, #tpu.memory_space<vmem>> -> memref<1x128xi32, #tpu.memory_space<vmem>>
      %dma_wait3A_264 = tpu.memref_squeeze %dma_wait3A_263 : memref<1x128xi32, #tpu.memory_space<vmem>> -> memref<128xi32, #tpu.memory_space<vmem>>
      %dma_wait3A_265 = arith.constant 0 : i32
      %dma_wait3A_266 = arith.constant 0 : i32
      %dma_wait3A_267 = tpu.memref_slice %arg11[%dma_wait3A_265, %dma_wait3A_266] : memref<10240x128xf32, #tpu.memory_space<vmem_shared>> -> memref<10240x128xf32, #tpu.memory_space<vmem_shared>>
      tpu.wait_indirect_dma semaphore(%arg14 : memref<!tpu.dma_semaphore, #tpu.memory_space<semaphore_mem>>) src(%arg9 : memref<128x128xf32, #tpu.memory_space<vmem>>) dst(%dma_wait3A_267 : memref<10240x128xf32, #tpu.memory_space<vmem_shared>>)
      %dma_wait3A_268 = arith.constant 7 : i32
      %dma_wait3A_269 = arith.constant 0 : i32
      %dma_wait3A_270 = tpu.memref_slice %arg8[%dma_wait3A_268, %dma_wait3A_269] : memref<8x128xi32, #tpu.memory_space<vmem>> -> memref<1x128xi32, #tpu.memory_space<vmem>>
      %dma_wait3A_271 = tpu.memref_squeeze %dma_wait3A_270 : memref<1x128xi32, #tpu.memory_space<vmem>> -> memref<128xi32, #tpu.memory_space<vmem>>
      %dma_wait3A_272 = arith.constant 0 : i32
      %dma_wait3A_273 = arith.constant 0 : i32
      %dma_wait3A_274 = tpu.memref_slice %arg11[%dma_wait3A_272, %dma_wait3A_273] : memref<10240x128xf32, #tpu.memory_space<vmem_shared>> -> memref<10240x128xf32, #tpu.memory_space<vmem_shared>>
      tpu.wait_indirect_dma semaphore(%arg15 : memref<!tpu.dma_semaphore, #tpu.memory_space<semaphore_mem>>) src(%arg10 : memref<128x128xf32, #tpu.memory_space<vmem>>) dst(%dma_wait3A_274 : memref<10240x128xf32, #tpu.memory_space<vmem_shared>>)
    }
    %scan3A_27 = arith.constant 10 : i32
    %barrier3A_28 = arith.constant 0 : index
    tpu.barrier barrier_id(%barrier3A_28)
    %mul3A_29 = arith.constant 640 : i32
    %mul3A_30 = arith.muli %arg1, %mul3A_29 : i32
    %add3A_31 = arith.constant 0 : i32
    %add3A_32 = arith.addi %mul3A_30, %add3A_31 : i32
    "tpu.region"() ({
      %run_scoped3A = tpu.sem_alloc : memref<!tpu.dma_semaphore, #tpu.memory_space<semaphore_mem>>
      %dma_start3A = arith.constant 0 : i32
      %dma_start3A_49 = tpu.memref_slice %arg11[%add3A_32, %dma_start3A] : memref<10240x128xf32, #tpu.memory_space<vmem_shared>> -> memref<128x128xf32, #tpu.memory_space<vmem_shared>>
      %dma_start3A_50 = arith.constant 0 : i32
      %dma_start3A_51 = tpu.memref_slice %arg11[%add3A_32, %dma_start3A_50] : memref<10240x128xf32, #tpu.memory_space<vmem_shared>> -> memref<128x128xf32, #tpu.memory_space<vmem_shared>>
      tpu.enqueue_dma source(%dma_start3A_51 : memref<128x128xf32, #tpu.memory_space<vmem_shared>>) target(%arg9 : memref<128x128xf32, #tpu.memory_space<vmem>>) target_semaphore(%run_scoped3A : memref<!tpu.dma_semaphore, #tpu.memory_space<semaphore_mem>>)
      %dma_wait3A = arith.constant 0 : i32
      %dma_wait3A_52 = tpu.memref_slice %arg11[%add3A_32, %dma_wait3A] : memref<10240x128xf32, #tpu.memory_space<vmem_shared>> -> memref<128x128xf32, #tpu.memory_space<vmem_shared>>
      %dma_wait3A_53 = arith.constant 0 : i32
      %dma_wait3A_54 = tpu.memref_slice %arg11[%add3A_32, %dma_wait3A_53] : memref<10240x128xf32, #tpu.memory_space<vmem_shared>> -> memref<128x128xf32, #tpu.memory_space<vmem_shared>>
      tpu.wait_dma2 semaphore(%run_scoped3A : memref<!tpu.dma_semaphore, #tpu.memory_space<semaphore_mem>>) src(%dma_wait3A_54 : memref<128x128xf32, #tpu.memory_space<vmem_shared>>) dst(%arg9 : memref<128x128xf32, #tpu.memory_space<vmem>>)
      tpu.yield
    }) : () -> ()
    "tpu.region"() ({
      %run_scoped3A = tpu.sem_alloc : memref<!tpu.dma_semaphore, #tpu.memory_space<semaphore_mem>>
      %dma_start3A = arith.constant 0 : i32
      %dma_start3A_49 = tpu.memref_slice %arg6[%arg0, %add3A_32, %dma_start3A] : memref<2x10240x128xf32, #tpu.memory_space<hbm>> -> memref<1x128x128xf32, #tpu.memory_space<hbm>>
      %dma_start3A_50 = tpu.memref_squeeze %dma_start3A_49 : memref<1x128x128xf32, #tpu.memory_space<hbm>> -> memref<128x128xf32, #tpu.memory_space<hbm>>
      %dma_start3A_51 = arith.constant 0 : i32
      %dma_start3A_52 = tpu.memref_slice %arg6[%arg0, %add3A_32, %dma_start3A_51] : memref<2x10240x128xf32, #tpu.memory_space<hbm>> -> memref<1x128x128xf32, #tpu.memory_space<hbm>>
      %dma_start3A_53 = tpu.memref_squeeze %dma_start3A_52 : memref<1x128x128xf32, #tpu.memory_space<hbm>> -> memref<128x128xf32, #tpu.memory_space<hbm>>
      tpu.enqueue_dma source(%arg9 : memref<128x128xf32, #tpu.memory_space<vmem>>) target(%dma_start3A_53 : memref<128x128xf32, #tpu.memory_space<hbm>>) target_semaphore(%run_scoped3A : memref<!tpu.dma_semaphore, #tpu.memory_space<semaphore_mem>>)
      %dma_wait3A = arith.constant 0 : i32
      %dma_wait3A_54 = tpu.memref_slice %arg6[%arg0, %add3A_32, %dma_wait3A] : memref<2x10240x128xf32, #tpu.memory_space<hbm>> -> memref<1x128x128xf32, #tpu.memory_space<hbm>>
      %dma_wait3A_55 = tpu.memref_squeeze %dma_wait3A_54 : memref<1x128x128xf32, #tpu.memory_space<hbm>> -> memref<128x128xf32, #tpu.memory_space<hbm>>
      %dma_wait3A_56 = arith.constant 0 : i32
      %dma_wait3A_57 = tpu.memref_slice %arg6[%arg0, %add3A_32, %dma_wait3A_56] : memref<2x10240x128xf32, #tpu.memory_space<hbm>> -> memref<1x128x128xf32, #tpu.memory_space<hbm>>
      %dma_wait3A_58 = tpu.memref_squeeze %dma_wait3A_57 : memref<1x128x128xf32, #tpu.memory_space<hbm>> -> memref<128x128xf32, #tpu.memory_space<hbm>>
      tpu.wait_dma2 semaphore(%run_scoped3A : memref<!tpu.dma_semaphore, #tpu.memory_space<semaphore_mem>>) src(%arg9 : memref<128x128xf32, #tpu.memory_space<vmem>>) dst(%dma_wait3A_58 : memref<128x128xf32, #tpu.memory_space<hbm>>)
      tpu.yield
    }) : () -> ()
    %mul3A_33 = arith.constant 640 : i32
    %mul3A_34 = arith.muli %arg1, %mul3A_33 : i32
    %add3A_35 = arith.constant 128 : i32
    %add3A_36 = arith.addi %mul3A_34, %add3A_35 : i32
    "tpu.region"() ({
      %run_scoped3A = tpu.sem_alloc : memref<!tpu.dma_semaphore, #tpu.memory_space<semaphore_mem>>
      %dma_start3A = arith.constant 0 : i32
      %dma_start3A_49 = tpu.memref_slice %arg11[%add3A_36, %dma_start3A] : memref<10240x128xf32, #tpu.memory_space<vmem_shared>> -> memref<128x128xf32, #tpu.memory_space<vmem_shared>>
      %dma_start3A_50 = arith.constant 0 : i32
      %dma_start3A_51 = tpu.memref_slice %arg11[%add3A_36, %dma_start3A_50] : memref<10240x128xf32, #tpu.memory_space<vmem_shared>> -> memref<128x128xf32, #tpu.memory_space<vmem_shared>>
      tpu.enqueue_dma source(%dma_start3A_51 : memref<128x128xf32, #tpu.memory_space<vmem_shared>>) target(%arg9 : memref<128x128xf32, #tpu.memory_space<vmem>>) target_semaphore(%run_scoped3A : memref<!tpu.dma_semaphore, #tpu.memory_space<semaphore_mem>>)
      %dma_wait3A = arith.constant 0 : i32
      %dma_wait3A_52 = tpu.memref_slice %arg11[%add3A_36, %dma_wait3A] : memref<10240x128xf32, #tpu.memory_space<vmem_shared>> -> memref<128x128xf32, #tpu.memory_space<vmem_shared>>
      %dma_wait3A_53 = arith.constant 0 : i32
      %dma_wait3A_54 = tpu.memref_slice %arg11[%add3A_36, %dma_wait3A_53] : memref<10240x128xf32, #tpu.memory_space<vmem_shared>> -> memref<128x128xf32, #tpu.memory_space<vmem_shared>>
      tpu.wait_dma2 semaphore(%run_scoped3A : memref<!tpu.dma_semaphore, #tpu.memory_space<semaphore_mem>>) src(%dma_wait3A_54 : memref<128x128xf32, #tpu.memory_space<vmem_shared>>) dst(%arg9 : memref<128x128xf32, #tpu.memory_space<vmem>>)
      tpu.yield
    }) : () -> ()
    "tpu.region"() ({
      %run_scoped3A = tpu.sem_alloc : memref<!tpu.dma_semaphore, #tpu.memory_space<semaphore_mem>>
      %dma_start3A = arith.constant 0 : i32
      %dma_start3A_49 = tpu.memref_slice %arg6[%arg0, %add3A_36, %dma_start3A] : memref<2x10240x128xf32, #tpu.memory_space<hbm>> -> memref<1x128x128xf32, #tpu.memory_space<hbm>>
      %dma_start3A_50 = tpu.memref_squeeze %dma_start3A_49 : memref<1x128x128xf32, #tpu.memory_space<hbm>> -> memref<128x128xf32, #tpu.memory_space<hbm>>
      %dma_start3A_51 = arith.constant 0 : i32
      %dma_start3A_52 = tpu.memref_slice %arg6[%arg0, %add3A_36, %dma_start3A_51] : memref<2x10240x128xf32, #tpu.memory_space<hbm>> -> memref<1x128x128xf32, #tpu.memory_space<hbm>>
      %dma_start3A_53 = tpu.memref_squeeze %dma_start3A_52 : memref<1x128x128xf32, #tpu.memory_space<hbm>> -> memref<128x128xf32, #tpu.memory_space<hbm>>
      tpu.enqueue_dma source(%arg9 : memref<128x128xf32, #tpu.memory_space<vmem>>) target(%dma_start3A_53 : memref<128x128xf32, #tpu.memory_space<hbm>>) target_semaphore(%run_scoped3A : memref<!tpu.dma_semaphore, #tpu.memory_space<semaphore_mem>>)
      %dma_wait3A = arith.constant 0 : i32
      %dma_wait3A_54 = tpu.memref_slice %arg6[%arg0, %add3A_36, %dma_wait3A] : memref<2x10240x128xf32, #tpu.memory_space<hbm>> -> memref<1x128x128xf32, #tpu.memory_space<hbm>>
      %dma_wait3A_55 = tpu.memref_squeeze %dma_wait3A_54 : memref<1x128x128xf32, #tpu.memory_space<hbm>> -> memref<128x128xf32, #tpu.memory_space<hbm>>
      %dma_wait3A_56 = arith.constant 0 : i32
      %dma_wait3A_57 = tpu.memref_slice %arg6[%arg0, %add3A_36, %dma_wait3A_56] : memref<2x10240x128xf32, #tpu.memory_space<hbm>> -> memref<1x128x128xf32, #tpu.memory_space<hbm>>
      %dma_wait3A_58 = tpu.memref_squeeze %dma_wait3A_57 : memref<1x128x128xf32, #tpu.memory_space<hbm>> -> memref<128x128xf32, #tpu.memory_space<hbm>>
      tpu.wait_dma2 semaphore(%run_scoped3A : memref<!tpu.dma_semaphore, #tpu.memory_space<semaphore_mem>>) src(%arg9 : memref<128x128xf32, #tpu.memory_space<vmem>>) dst(%dma_wait3A_58 : memref<128x128xf32, #tpu.memory_space<hbm>>)
      tpu.yield
    }) : () -> ()
    %mul3A_37 = arith.constant 640 : i32
    %mul3A_38 = arith.muli %arg1, %mul3A_37 : i32
    %add3A_39 = arith.constant 256 : i32
    %add3A_40 = arith.addi %mul3A_38, %add3A_39 : i32
    "tpu.region"() ({
      %run_scoped3A = tpu.sem_alloc : memref<!tpu.dma_semaphore, #tpu.memory_space<semaphore_mem>>
      %dma_start3A = arith.constant 0 : i32
      %dma_start3A_49 = tpu.memref_slice %arg11[%add3A_40, %dma_start3A] : memref<10240x128xf32, #tpu.memory_space<vmem_shared>> -> memref<128x128xf32, #tpu.memory_space<vmem_shared>>
      %dma_start3A_50 = arith.constant 0 : i32
      %dma_start3A_51 = tpu.memref_slice %arg11[%add3A_40, %dma_start3A_50] : memref<10240x128xf32, #tpu.memory_space<vmem_shared>> -> memref<128x128xf32, #tpu.memory_space<vmem_shared>>
      tpu.enqueue_dma source(%dma_start3A_51 : memref<128x128xf32, #tpu.memory_space<vmem_shared>>) target(%arg9 : memref<128x128xf32, #tpu.memory_space<vmem>>) target_semaphore(%run_scoped3A : memref<!tpu.dma_semaphore, #tpu.memory_space<semaphore_mem>>)
      %dma_wait3A = arith.constant 0 : i32
      %dma_wait3A_52 = tpu.memref_slice %arg11[%add3A_40, %dma_wait3A] : memref<10240x128xf32, #tpu.memory_space<vmem_shared>> -> memref<128x128xf32, #tpu.memory_space<vmem_shared>>
      %dma_wait3A_53 = arith.constant 0 : i32
      %dma_wait3A_54 = tpu.memref_slice %arg11[%add3A_40, %dma_wait3A_53] : memref<10240x128xf32, #tpu.memory_space<vmem_shared>> -> memref<128x128xf32, #tpu.memory_space<vmem_shared>>
      tpu.wait_dma2 semaphore(%run_scoped3A : memref<!tpu.dma_semaphore, #tpu.memory_space<semaphore_mem>>) src(%dma_wait3A_54 : memref<128x128xf32, #tpu.memory_space<vmem_shared>>) dst(%arg9 : memref<128x128xf32, #tpu.memory_space<vmem>>)
      tpu.yield
    }) : () -> ()
    "tpu.region"() ({
      %run_scoped3A = tpu.sem_alloc : memref<!tpu.dma_semaphore, #tpu.memory_space<semaphore_mem>>
      %dma_start3A = arith.constant 0 : i32
      %dma_start3A_49 = tpu.memref_slice %arg6[%arg0, %add3A_40, %dma_start3A] : memref<2x10240x128xf32, #tpu.memory_space<hbm>> -> memref<1x128x128xf32, #tpu.memory_space<hbm>>
      %dma_start3A_50 = tpu.memref_squeeze %dma_start3A_49 : memref<1x128x128xf32, #tpu.memory_space<hbm>> -> memref<128x128xf32, #tpu.memory_space<hbm>>
      %dma_start3A_51 = arith.constant 0 : i32
      %dma_start3A_52 = tpu.memref_slice %arg6[%arg0, %add3A_40, %dma_start3A_51] : memref<2x10240x128xf32, #tpu.memory_space<hbm>> -> memref<1x128x128xf32, #tpu.memory_space<hbm>>
      %dma_start3A_53 = tpu.memref_squeeze %dma_start3A_52 : memref<1x128x128xf32, #tpu.memory_space<hbm>> -> memref<128x128xf32, #tpu.memory_space<hbm>>
      tpu.enqueue_dma source(%arg9 : memref<128x128xf32, #tpu.memory_space<vmem>>) target(%dma_start3A_53 : memref<128x128xf32, #tpu.memory_space<hbm>>) target_semaphore(%run_scoped3A : memref<!tpu.dma_semaphore, #tpu.memory_space<semaphore_mem>>)
      %dma_wait3A = arith.constant 0 : i32
      %dma_wait3A_54 = tpu.memref_slice %arg6[%arg0, %add3A_40, %dma_wait3A] : memref<2x10240x128xf32, #tpu.memory_space<hbm>> -> memref<1x128x128xf32, #tpu.memory_space<hbm>>
      %dma_wait3A_55 = tpu.memref_squeeze %dma_wait3A_54 : memref<1x128x128xf32, #tpu.memory_space<hbm>> -> memref<128x128xf32, #tpu.memory_space<hbm>>
      %dma_wait3A_56 = arith.constant 0 : i32
      %dma_wait3A_57 = tpu.memref_slice %arg6[%arg0, %add3A_40, %dma_wait3A_56] : memref<2x10240x128xf32, #tpu.memory_space<hbm>> -> memref<1x128x128xf32, #tpu.memory_space<hbm>>
      %dma_wait3A_58 = tpu.memref_squeeze %dma_wait3A_57 : memref<1x128x128xf32, #tpu.memory_space<hbm>> -> memref<128x128xf32, #tpu.memory_space<hbm>>
      tpu.wait_dma2 semaphore(%run_scoped3A : memref<!tpu.dma_semaphore, #tpu.memory_space<semaphore_mem>>) src(%arg9 : memref<128x128xf32, #tpu.memory_space<vmem>>) dst(%dma_wait3A_58 : memref<128x128xf32, #tpu.memory_space<hbm>>)
      tpu.yield
    }) : () -> ()
    %mul3A_41 = arith.constant 640 : i32
    %mul3A_42 = arith.muli %arg1, %mul3A_41 : i32
    %add3A_43 = arith.constant 384 : i32
    %add3A_44 = arith.addi %mul3A_42, %add3A_43 : i32
    "tpu.region"() ({
      %run_scoped3A = tpu.sem_alloc : memref<!tpu.dma_semaphore, #tpu.memory_space<semaphore_mem>>
      %dma_start3A = arith.constant 0 : i32
      %dma_start3A_49 = tpu.memref_slice %arg11[%add3A_44, %dma_start3A] : memref<10240x128xf32, #tpu.memory_space<vmem_shared>> -> memref<128x128xf32, #tpu.memory_space<vmem_shared>>
      %dma_start3A_50 = arith.constant 0 : i32
      %dma_start3A_51 = tpu.memref_slice %arg11[%add3A_44, %dma_start3A_50] : memref<10240x128xf32, #tpu.memory_space<vmem_shared>> -> memref<128x128xf32, #tpu.memory_space<vmem_shared>>
      tpu.enqueue_dma source(%dma_start3A_51 : memref<128x128xf32, #tpu.memory_space<vmem_shared>>) target(%arg9 : memref<128x128xf32, #tpu.memory_space<vmem>>) target_semaphore(%run_scoped3A : memref<!tpu.dma_semaphore, #tpu.memory_space<semaphore_mem>>)
      %dma_wait3A = arith.constant 0 : i32
      %dma_wait3A_52 = tpu.memref_slice %arg11[%add3A_44, %dma_wait3A] : memref<10240x128xf32, #tpu.memory_space<vmem_shared>> -> memref<128x128xf32, #tpu.memory_space<vmem_shared>>
      %dma_wait3A_53 = arith.constant 0 : i32
      %dma_wait3A_54 = tpu.memref_slice %arg11[%add3A_44, %dma_wait3A_53] : memref<10240x128xf32, #tpu.memory_space<vmem_shared>> -> memref<128x128xf32, #tpu.memory_space<vmem_shared>>
      tpu.wait_dma2 semaphore(%run_scoped3A : memref<!tpu.dma_semaphore, #tpu.memory_space<semaphore_mem>>) src(%dma_wait3A_54 : memref<128x128xf32, #tpu.memory_space<vmem_shared>>) dst(%arg9 : memref<128x128xf32, #tpu.memory_space<vmem>>)
      tpu.yield
    }) : () -> ()
    "tpu.region"() ({
      %run_scoped3A = tpu.sem_alloc : memref<!tpu.dma_semaphore, #tpu.memory_space<semaphore_mem>>
      %dma_start3A = arith.constant 0 : i32
      %dma_start3A_49 = tpu.memref_slice %arg6[%arg0, %add3A_44, %dma_start3A] : memref<2x10240x128xf32, #tpu.memory_space<hbm>> -> memref<1x128x128xf32, #tpu.memory_space<hbm>>
      %dma_start3A_50 = tpu.memref_squeeze %dma_start3A_49 : memref<1x128x128xf32, #tpu.memory_space<hbm>> -> memref<128x128xf32, #tpu.memory_space<hbm>>
      %dma_start3A_51 = arith.constant 0 : i32
      %dma_start3A_52 = tpu.memref_slice %arg6[%arg0, %add3A_44, %dma_start3A_51] : memref<2x10240x128xf32, #tpu.memory_space<hbm>> -> memref<1x128x128xf32, #tpu.memory_space<hbm>>
      %dma_start3A_53 = tpu.memref_squeeze %dma_start3A_52 : memref<1x128x128xf32, #tpu.memory_space<hbm>> -> memref<128x128xf32, #tpu.memory_space<hbm>>
      tpu.enqueue_dma source(%arg9 : memref<128x128xf32, #tpu.memory_space<vmem>>) target(%dma_start3A_53 : memref<128x128xf32, #tpu.memory_space<hbm>>) target_semaphore(%run_scoped3A : memref<!tpu.dma_semaphore, #tpu.memory_space<semaphore_mem>>)
      %dma_wait3A = arith.constant 0 : i32
      %dma_wait3A_54 = tpu.memref_slice %arg6[%arg0, %add3A_44, %dma_wait3A] : memref<2x10240x128xf32, #tpu.memory_space<hbm>> -> memref<1x128x128xf32, #tpu.memory_space<hbm>>
      %dma_wait3A_55 = tpu.memref_squeeze %dma_wait3A_54 : memref<1x128x128xf32, #tpu.memory_space<hbm>> -> memref<128x128xf32, #tpu.memory_space<hbm>>
      %dma_wait3A_56 = arith.constant 0 : i32
      %dma_wait3A_57 = tpu.memref_slice %arg6[%arg0, %add3A_44, %dma_wait3A_56] : memref<2x10240x128xf32, #tpu.memory_space<hbm>> -> memref<1x128x128xf32, #tpu.memory_space<hbm>>
      %dma_wait3A_58 = tpu.memref_squeeze %dma_wait3A_57 : memref<1x128x128xf32, #tpu.memory_space<hbm>> -> memref<128x128xf32, #tpu.memory_space<hbm>>
      tpu.wait_dma2 semaphore(%run_scoped3A : memref<!tpu.dma_semaphore, #tpu.memory_space<semaphore_mem>>) src(%arg9 : memref<128x128xf32, #tpu.memory_space<vmem>>) dst(%dma_wait3A_58 : memref<128x128xf32, #tpu.memory_space<hbm>>)
      tpu.yield
    }) : () -> ()
    %mul3A_45 = arith.constant 640 : i32
    %mul3A_46 = arith.muli %arg1, %mul3A_45 : i32
    %add3A_47 = arith.constant 512 : i32
    %add3A_48 = arith.addi %mul3A_46, %add3A_47 : i32
    "tpu.region"() ({
      %run_scoped3A = tpu.sem_alloc : memref<!tpu.dma_semaphore, #tpu.memory_space<semaphore_mem>>
      %dma_start3A = arith.constant 0 : i32
      %dma_start3A_49 = tpu.memref_slice %arg11[%add3A_48, %dma_start3A] : memref<10240x128xf32, #tpu.memory_space<vmem_shared>> -> memref<128x128xf32, #tpu.memory_space<vmem_shared>>
      %dma_start3A_50 = arith.constant 0 : i32
      %dma_start3A_51 = tpu.memref_slice %arg11[%add3A_48, %dma_start3A_50] : memref<10240x128xf32, #tpu.memory_space<vmem_shared>> -> memref<128x128xf32, #tpu.memory_space<vmem_shared>>
      tpu.enqueue_dma source(%dma_start3A_51 : memref<128x128xf32, #tpu.memory_space<vmem_shared>>) target(%arg9 : memref<128x128xf32, #tpu.memory_space<vmem>>) target_semaphore(%run_scoped3A : memref<!tpu.dma_semaphore, #tpu.memory_space<semaphore_mem>>)
      %dma_wait3A = arith.constant 0 : i32
      %dma_wait3A_52 = tpu.memref_slice %arg11[%add3A_48, %dma_wait3A] : memref<10240x128xf32, #tpu.memory_space<vmem_shared>> -> memref<128x128xf32, #tpu.memory_space<vmem_shared>>
      %dma_wait3A_53 = arith.constant 0 : i32
      %dma_wait3A_54 = tpu.memref_slice %arg11[%add3A_48, %dma_wait3A_53] : memref<10240x128xf32, #tpu.memory_space<vmem_shared>> -> memref<128x128xf32, #tpu.memory_space<vmem_shared>>
      tpu.wait_dma2 semaphore(%run_scoped3A : memref<!tpu.dma_semaphore, #tpu.memory_space<semaphore_mem>>) src(%dma_wait3A_54 : memref<128x128xf32, #tpu.memory_space<vmem_shared>>) dst(%arg9 : memref<128x128xf32, #tpu.memory_space<vmem>>)
      tpu.yield
    }) : () -> ()
    "tpu.region"() ({
      %run_scoped3A = tpu.sem_alloc : memref<!tpu.dma_semaphore, #tpu.memory_space<semaphore_mem>>
      %dma_start3A = arith.constant 0 : i32
      %dma_start3A_49 = tpu.memref_slice %arg6[%arg0, %add3A_48, %dma_start3A] : memref<2x10240x128xf32, #tpu.memory_space<hbm>> -> memref<1x128x128xf32, #tpu.memory_space<hbm>>
      %dma_start3A_50 = tpu.memref_squeeze %dma_start3A_49 : memref<1x128x128xf32, #tpu.memory_space<hbm>> -> memref<128x128xf32, #tpu.memory_space<hbm>>
      %dma_start3A_51 = arith.constant 0 : i32
      %dma_start3A_52 = tpu.memref_slice %arg6[%arg0, %add3A_48, %dma_start3A_51] : memref<2x10240x128xf32, #tpu.memory_space<hbm>> -> memref<1x128x128xf32, #tpu.memory_space<hbm>>
      %dma_start3A_53 = tpu.memref_squeeze %dma_start3A_52 : memref<1x128x128xf32, #tpu.memory_space<hbm>> -> memref<128x128xf32, #tpu.memory_space<hbm>>
      tpu.enqueue_dma source(%arg9 : memref<128x128xf32, #tpu.memory_space<vmem>>) target(%dma_start3A_53 : memref<128x128xf32, #tpu.memory_space<hbm>>) target_semaphore(%run_scoped3A : memref<!tpu.dma_semaphore, #tpu.memory_space<semaphore_mem>>)
      %dma_wait3A = arith.constant 0 : i32
      %dma_wait3A_54 = tpu.memref_slice %arg6[%arg0, %add3A_48, %dma_wait3A] : memref<2x10240x128xf32, #tpu.memory_space<hbm>> -> memref<1x128x128xf32, #tpu.memory_space<hbm>>
      %dma_wait3A_55 = tpu.memref_squeeze %dma_wait3A_54 : memref<1x128x128xf32, #tpu.memory_space<hbm>> -> memref<128x128xf32, #tpu.memory_space<hbm>>
      %dma_wait3A_56 = arith.constant 0 : i32
      %dma_wait3A_57 = tpu.memref_slice %arg6[%arg0, %add3A_48, %dma_wait3A_56] : memref<2x10240x128xf32, #tpu.memory_space<hbm>> -> memref<1x128x128xf32, #tpu.memory_space<hbm>>
      %dma_wait3A_58 = tpu.memref_squeeze %dma_wait3A_57 : memref<1x128x128xf32, #tpu.memory_space<hbm>> -> memref<128x128xf32, #tpu.memory_space<hbm>>
      tpu.wait_dma2 semaphore(%run_scoped3A : memref<!tpu.dma_semaphore, #tpu.memory_space<semaphore_mem>>) src(%arg9 : memref<128x128xf32, #tpu.memory_space<vmem>>) dst(%dma_wait3A_58 : memref<128x128xf32, #tpu.memory_space<hbm>>)
      tpu.yield
    }) : () -> ()
    return
  }
}

module attributes {stable_mosaic.version = 14 : i64} {
  func.func @_mm_body(%arg0: i32, %arg1: memref<1024x128xf32, #tpu.memory_space<vmem>>, %arg2: memref<128x128xf32, #tpu.memory_space<vmem>>, %arg3: memref<1024x128xf32, #tpu.memory_space<vmem>>) attributes {dimension_semantics = [#tpu.dimension_semantics<arbitrary>], iteration_bounds = array<i64: 10>, scalar_prefetch = 0 : i64, scratch_operands = 0 : i64, tpu.core_type = #tpu.core_type<tc>, window_params = [{transform_indices = @transform_0, window_bounds = array<i64: 1024, 128>}, {pipeline_mode = #tpu.pipeline_mode<synchronous>, transform_indices = @transform_1, window_bounds = array<i64: 128, 128>}, {transform_indices = @transform_2, window_bounds = array<i64: 1024, 128>}]} {
    %get3A = arith.constant 0 : index
    %get3A_0 = arith.constant 0 : index
    %get3A_1 = vector.load %arg1[%get3A, %get3A_0] : memref<1024x128xf32, #tpu.memory_space<vmem>>, vector<1024x128xf32>
    %get3A_2 = arith.constant 0 : index
    %get3A_3 = arith.constant 0 : index
    %get3A_4 = vector.load %arg2[%get3A_2, %get3A_3] : memref<128x128xf32, #tpu.memory_space<vmem>>, vector<128x128xf32>
    %dot_general3A = arith.constant dense<0.000000e+00> : vector<1024x128xf32>
    %dot_general3A_5 = tpu.matmul %get3A_1, %get3A_4, %dot_general3A {dimension_numbers = #tpu.dot_dimension_numbers<[1], [0], [0], [1], [0, 0, 1, 1], [], []>, transpose_lhs_hint = false} : vector<1024x128xf32>, vector<128x128xf32>, vector<1024x128xf32> -> vector<1024x128xf32>
    %swap3A = arith.constant 0 : index
    %swap3A_6 = arith.constant 0 : index
    %swap3A_7 = vector.load %arg3[%swap3A, %swap3A_6] : memref<1024x128xf32, #tpu.memory_space<vmem>>, vector<1024x128xf32>
    tpu.vector_store %arg3[%swap3A, %swap3A_6], %dot_general3A_5 {strides = array<i32>} : memref<1024x128xf32, #tpu.memory_space<vmem>>, vector<1024x128xf32>,
    return
  }
  func.func @transform_0(%arg0: i32) -> (i32, i32) {
    %c0_i32 = arith.constant 0 : i32
    %c0_i32_0 = arith.constant 0 : i32
    return %arg0, %c0_i32 : i32, i32
  }
  func.func @transform_1(%arg0: i32) -> (i32, i32) {
    %c0_i32 = arith.constant 0 : i32
    %c0_i32_0 = arith.constant 0 : i32
    %c0_i32_1 = arith.constant 0 : i32
    return %c0_i32, %c0_i32_0 : i32, i32
  }
  func.func @transform_2(%arg0: i32) -> (i32, i32) {
    %c0_i32 = arith.constant 0 : i32
    %c0_i32_0 = arith.constant 0 : i32
    return %arg0, %c0_i32 : i32, i32
  }
}

module attributes {stable_mosaic.version = 14 : i64} {
  func.func @_scale_body(%arg0: i32, %arg1: memref<2x1024x128xf32, #tpu.memory_space<vmem>>, %arg2: memref<1024x128xf32, #tpu.memory_space<vmem>>, %arg3: memref<1024x128xf32, #tpu.memory_space<vmem>>, %arg4: memref<1024x1xf32, #tpu.memory_space<vmem>>) attributes {dimension_semantics = [#tpu.dimension_semantics<arbitrary>], iteration_bounds = array<i64: 10>, scalar_prefetch = 0 : i64, scratch_operands = 0 : i64, tpu.core_type = #tpu.core_type<tc>, window_params = [{transform_indices = @transform_0, window_bounds = array<i64: 2, 1024, 128>}, {transform_indices = @transform_1, window_bounds = array<i64: 1024, 128>}, {transform_indices = @transform_2, window_bounds = array<i64: 1024, 128>}, {transform_indices = @transform_3, window_bounds = array<i64: 1024, 1>}]} {
    %get3A = arith.constant 0 : index
    %get3A_0 = arith.constant 0 : index
    %get3A_1 = arith.constant 0 : index
    %get3A_2 = vector.load %arg1[%get3A, %get3A_0, %get3A_1] : memref<2x1024x128xf32, #tpu.memory_space<vmem>>, vector<1x1024x1xf32>
    %get3A_3 = vector.shape_cast %get3A_2 : vector<1x1024x1xf32> to vector<1024x1xf32>
    %get3A_4 = arith.constant 1 : index
    %get3A_5 = arith.constant 0 : index
    %get3A_6 = arith.constant 0 : index
    %get3A_7 = vector.load %arg1[%get3A_4, %get3A_5, %get3A_6] : memref<2x1024x128xf32, #tpu.memory_space<vmem>>, vector<1x1024x1xf32>
    %get3A_8 = vector.shape_cast %get3A_7 : vector<1x1024x1xf32> to vector<1024x1xf32>
    %add3A = arith.addf %get3A_3, %get3A_8 : vector<1024x1xf32>
    %add3A_9 = arith.constant 1.000000e+00 : f32
    %add3A_10 = vector.broadcast %add3A_9 : f32 to vector<1024x1xf32>
    %add3A_11 = arith.addf %add3A, %add3A_10 : vector<1024x1xf32>
    %mul3A = arith.constant 1024 : i32
    %mul3A_12 = arith.muli %arg0, %mul3A : i32
    %iota3A = tpu.iota {dimensions = array<i32: 0>} : vector<1024x1xi32>
    %add3A_13 = vector.broadcast %mul3A_12 : i32 to vector<1024x1xi32>
    %add3A_14 = arith.addi %add3A_13, %iota3A : vector<1024x1xi32>
    %lt3A = arith.constant 10000 : i32
    %lt3A_15 = vector.broadcast %lt3A : i32 to vector<1024x1xi32>
    %lt3A_16 = arith.cmpi slt, %add3A_14, %lt3A_15 : vector<1024x1xi32>
    %rsqrt3A = math.rsqrt %add3A_11 : vector<1024x1xf32>
    %jit3A = arith.constant 0.000000e+00 : f32
    %broadcast_in_dim3A = vector.broadcast %jit3A : f32 to vector<1024x1xf32>
    %select_n3A = arith.select %lt3A_16, %rsqrt3A, %broadcast_in_dim3A : vector<1024x1xi1>, vector<1024x1xf32>
    %swap3A = arith.constant 0 : index
    %swap3A_17 = arith.constant 0 : index
    %swap3A_18 = vector.load %arg4[%swap3A, %swap3A_17] : memref<1024x1xf32, #tpu.memory_space<vmem>>, vector<1024x1xf32>
    tpu.vector_store %arg4[%swap3A, %swap3A_17], %select_n3A {strides = array<i32>} : memref<1024x1xf32, #tpu.memory_space<vmem>>, vector<1024x1xf32>,
    %get3A_19 = arith.constant 0 : index
    %get3A_20 = arith.constant 0 : index
    %get3A_21 = vector.load %arg2[%get3A_19, %get3A_20] : memref<1024x128xf32, #tpu.memory_space<vmem>>, vector<1024x128xf32>
    %mul3A_22 = vector.broadcast %select_n3A : vector<1024x1xf32> to vector<1024x128xf32>
    %mul3A_23 = arith.mulf %get3A_21, %mul3A_22 : vector<1024x128xf32>
    %swap3A_24 = arith.constant 0 : index
    %swap3A_25 = arith.constant 0 : index
    %swap3A_26 = vector.load %arg3[%swap3A_24, %swap3A_25] : memref<1024x128xf32, #tpu.memory_space<vmem>>, vector<1024x128xf32>
    tpu.vector_store %arg3[%swap3A_24, %swap3A_25], %mul3A_23 {strides = array<i32>} : memref<1024x128xf32, #tpu.memory_space<vmem>>, vector<1024x128xf32>,
    return
  }
  func.func @transform_0(%arg0: i32) -> (i32, i32, i32) {
    %c0_i32 = arith.constant 0 : i32
    %c0_i32_0 = arith.constant 0 : i32
    %c0_i32_1 = arith.constant 0 : i32
    return %c0_i32, %arg0, %c0_i32_0 : i32, i32, i32
  }
  func.func @transform_1(%arg0: i32) -> (i32, i32) {
    %c0_i32 = arith.constant 0 : i32
    %c0_i32_0 = arith.constant 0 : i32
    return %arg0, %c0_i32 : i32, i32
  }
  func.func @transform_2(%arg0: i32) -> (i32, i32) {
    %c0_i32 = arith.constant 0 : i32
    %c0_i32_0 = arith.constant 0 : i32
    return %arg0, %c0_i32 : i32, i32
  }
  func.func @transform_3(%arg0: i32) -> (i32, i32) {
    %c0_i32 = arith.constant 0 : i32
    %c0_i32_0 = arith.constant 0 : i32
    return %arg0, %c0_i32 : i32, i32
  }
}

module attributes {stable_mosaic.version = 14 : i64} {
  func.func @_post_body(%arg0: i32, %arg1: memref<2x1024x128xf32, #tpu.memory_space<vmem>>, %arg2: memref<1024x128xf32, #tpu.memory_space<vmem>>, %arg3: memref<1x128xf32, #tpu.memory_space<vmem>>, %arg4: memref<1024x1xf32, #tpu.memory_space<vmem>>, %arg5: memref<1024x128xf32, #tpu.memory_space<vmem>>, %arg6: memref<8x128xf32, #tpu.memory_space<vmem>>, %arg7: memref<8x128xf32, #tpu.memory_space<vmem>>) attributes {dimension_semantics = [#tpu.dimension_semantics<arbitrary>], iteration_bounds = array<i64: 10>, scalar_prefetch = 0 : i64, scratch_operands = 0 : i64, tpu.core_type = #tpu.core_type<tc>, window_params = [{transform_indices = @transform_0, window_bounds = array<i64: 2, 1024, 128>}, {transform_indices = @transform_1, window_bounds = array<i64: 1024, 128>}, {pipeline_mode = #tpu.pipeline_mode<synchronous>, transform_indices = @transform_2, window_bounds = array<i64: 1, 128>}, {transform_indices = @transform_3, window_bounds = array<i64: 1024, 1>}, {transform_indices = @transform_4, window_bounds = array<i64: 1024, 128>}, {pipeline_mode = #tpu.pipeline_mode<synchronous>, transform_indices = @transform_5, window_bounds = array<i64: 8, 128>}, {pipeline_mode = #tpu.pipeline_mode<synchronous>, transform_indices = @transform_6, window_bounds = array<i64: 8, 128>}]} {
    %get3A = arith.constant 0 : index
    %get3A_0 = arith.constant 0 : index
    %get3A_1 = arith.constant 0 : index
    %get3A_2 = vector.load %arg1[%get3A, %get3A_0, %get3A_1] : memref<2x1024x128xf32, #tpu.memory_space<vmem>>, vector<1x1024x128xf32>
    %get3A_3 = vector.shape_cast %get3A_2 : vector<1x1024x128xf32> to vector<1024x128xf32>
    %get3A_4 = arith.constant 1 : index
    %get3A_5 = arith.constant 0 : index
    %get3A_6 = arith.constant 0 : index
    %get3A_7 = vector.load %arg1[%get3A_4, %get3A_5, %get3A_6] : memref<2x1024x128xf32, #tpu.memory_space<vmem>>, vector<1x1024x128xf32>
    %get3A_8 = vector.shape_cast %get3A_7 : vector<1x1024x128xf32> to vector<1024x128xf32>
    %add3A = arith.addf %get3A_3, %get3A_8 : vector<1024x128xf32>
    %get3A_9 = arith.constant 0 : index
    %get3A_10 = arith.constant 0 : index
    %get3A_11 = vector.load %arg2[%get3A_9, %get3A_10] : memref<1024x128xf32, #tpu.memory_space<vmem>>, vector<1024x128xf32>
    %add3A_12 = arith.addf %add3A, %get3A_11 : vector<1024x128xf32>
    %get3A_13 = arith.constant 0 : index
    %get3A_14 = arith.constant 0 : index
    %get3A_15 = vector.load %arg4[%get3A_13, %get3A_14] : memref<1024x1xf32, #tpu.memory_space<vmem>>, vector<1024x1xf32>
    %mul3A = vector.broadcast %get3A_15 : vector<1024x1xf32> to vector<1024x128xf32>
    %mul3A_16 = arith.mulf %add3A_12, %mul3A : vector<1024x128xf32>
    %get3A_17 = arith.constant 0 : index
    %get3A_18 = arith.constant 0 : index
    %get3A_19 = vector.load %arg3[%get3A_17, %get3A_18] : memref<1x128xf32, #tpu.memory_space<vmem>>, vector<1x128xf32>
    %add3A_20 = vector.broadcast %get3A_19 : vector<1x128xf32> to vector<1024x128xf32>
    %add3A_21 = arith.addf %mul3A_16, %add3A_20 : vector<1024x128xf32>
    %swap3A = arith.constant 0 : index
    %swap3A_22 = arith.constant 0 : index
    %swap3A_23 = vector.load %arg5[%swap3A, %swap3A_22] : memref<1024x128xf32, #tpu.memory_space<vmem>>, vector<1024x128xf32>
    tpu.vector_store %arg5[%swap3A, %swap3A_22], %add3A_21 {strides = array<i32>} : memref<1024x128xf32, #tpu.memory_space<vmem>>, vector<1024x128xf32>,
    %mul3A_24 = arith.constant 1024 : i32
    %mul3A_25 = arith.muli %arg0, %mul3A_24 : i32
    %iota3A = tpu.iota {dimensions = array<i32: 0>} : vector<1024x1xi32>
    %add3A_26 = vector.broadcast %mul3A_25 : i32 to vector<1024x1xi32>
    %add3A_27 = arith.addi %add3A_26, %iota3A : vector<1024x1xi32>
    %lt3A = arith.constant 10000 : i32
    %lt3A_28 = vector.broadcast %lt3A : i32 to vector<1024x1xi32>
    %lt3A_29 = arith.cmpi slt, %add3A_27, %lt3A_28 : vector<1024x1xi32>
    %jit3A = arith.constant 0.000000e+00 : f32
    %broadcast_in_dim3A = vector.shape_cast %lt3A_29 : vector<1024x1xi1> to vector<1024x1xi1>
    %broadcast_in_dim3A_30 = vector.broadcast %broadcast_in_dim3A : vector<1024x1xi1> to vector<1024x128xi1>
    %broadcast_in_dim3A_31 = vector.broadcast %jit3A : f32 to vector<1024x128xf32>
    %select_n3A = arith.select %broadcast_in_dim3A_30, %add3A_21, %broadcast_in_dim3A_31 : vector<1024x128xi1>, vector<1024x128xf32>
    %eq3A = arith.constant 0 : i32
    %eq3A_32 = arith.cmpi eq, %arg0, %eq3A : i32
    %convert_element_type3A = arith.extui %eq3A_32 : i1 to i32
    %cond3A = arith.constant 0 : i32
    %cond3A_33 = arith.cmpi ne, %convert_element_type3A, %cond3A : i32
    scf.if %cond3A_33 {
      %broadcast_in_dim3A_54 = arith.constant 0.000000e+00 : f32
      %broadcast_in_dim3A_55 = vector.broadcast %broadcast_in_dim3A_54 : f32 to vector<8x128xf32>
      %swap3A_56 = arith.constant 0 : index
      %swap3A_57 = arith.constant 0 : index
      %swap3A_58 = vector.load %arg6[%swap3A_56, %swap3A_57] : memref<8x128xf32, #tpu.memory_space<vmem>>, vector<8x128xf32>
      tpu.vector_store %arg6[%swap3A_56, %swap3A_57], %broadcast_in_dim3A_55 {strides = array<i32>} : memref<8x128xf32, #tpu.memory_space<vmem>>, vector<8x128xf32>,
      %broadcast_in_dim3A_59 = arith.constant 0.000000e+00 : f32
      %broadcast_in_dim3A_60 = vector.broadcast %broadcast_in_dim3A_59 : f32 to vector<8x128xf32>
      %swap3A_61 = arith.constant 0 : index
      %swap3A_62 = arith.constant 0 : index
      %swap3A_63 = vector.load %arg7[%swap3A_61, %swap3A_62] : memref<8x128xf32, #tpu.memory_space<vmem>>, vector<8x128xf32>
      tpu.vector_store %arg7[%swap3A_61, %swap3A_62], %broadcast_in_dim3A_60 {strides = array<i32>} : memref<8x128xf32, #tpu.memory_space<vmem>>, vector<8x128xf32>,
    } else {
    }
    %get3A_34 = arith.constant 0 : index
    %get3A_35 = arith.constant 0 : index
    %get3A_36 = vector.load %arg6[%get3A_34, %get3A_35] : memref<8x128xf32, #tpu.memory_space<vmem>>, vector<1x128xf32>
    %reduce_sum3A = arith.constant dense<0.000000e+00> : vector<128xf32>
    %reduce_sum3A_37 = vector.multi_reduction <add>, %select_n3A, %reduce_sum3A [0] : vector<1024x128xf32> to vector<128xf32>
    %broadcast_in_dim3A_38 = vector.shape_cast %reduce_sum3A_37 : vector<128xf32> to vector<1x128xf32>
    %add3A_39 = arith.addf %get3A_36, %broadcast_in_dim3A_38 : vector<1x128xf32>
    %swap3A_40 = arith.constant 0 : index
    %swap3A_41 = arith.constant 0 : index
    %swap3A_42 = vector.load %arg6[%swap3A_40, %swap3A_41] : memref<8x128xf32, #tpu.memory_space<vmem>>, vector<1x128xf32>
    tpu.vector_store %arg6[%swap3A_40, %swap3A_41], %add3A_39 {strides = array<i32>} : memref<8x128xf32, #tpu.memory_space<vmem>>, vector<1x128xf32>,
    %get3A_43 = arith.constant 0 : index
    %get3A_44 = arith.constant 0 : index
    %get3A_45 = vector.load %arg7[%get3A_43, %get3A_44] : memref<8x128xf32, #tpu.memory_space<vmem>>, vector<1x128xf32>
    %mul3A_46 = arith.mulf %select_n3A, %select_n3A : vector<1024x128xf32>
    %reduce_sum3A_47 = arith.constant dense<0.000000e+00> : vector<128xf32>
    %reduce_sum3A_48 = vector.multi_reduction <add>, %mul3A_46, %reduce_sum3A_47 [0] : vector<1024x128xf32> to vector<128xf32>
    %broadcast_in_dim3A_49 = vector.shape_cast %reduce_sum3A_48 : vector<128xf32> to vector<1x128xf32>
    %add3A_50 = arith.addf %get3A_45, %broadcast_in_dim3A_49 : vector<1x128xf32>
    %swap3A_51 = arith.constant 0 : index
    %swap3A_52 = arith.constant 0 : index
    %swap3A_53 = vector.load %arg7[%swap3A_51, %swap3A_52] : memref<8x128xf32, #tpu.memory_space<vmem>>, vector<1x128xf32>
    tpu.vector_store %arg7[%swap3A_51, %swap3A_52], %add3A_50 {strides = array<i32>} : memref<8x128xf32, #tpu.memory_space<vmem>>, vector<1x128xf32>,
    return
  }
  func.func @transform_0(%arg0: i32) -> (i32, i32, i32) {
    %c0_i32 = arith.constant 0 : i32
    %c0_i32_0 = arith.constant 0 : i32
    %c0_i32_1 = arith.constant 0 : i32
    return %c0_i32, %arg0, %c0_i32_0 : i32, i32, i32
  }
  func.func @transform_1(%arg0: i32) -> (i32, i32) {
    %c0_i32 = arith.constant 0 : i32
    %c0_i32_0 = arith.constant 0 : i32
    return %arg0, %c0_i32 : i32, i32
  }
  func.func @transform_2(%arg0: i32) -> (i32, i32) {
    %c0_i32 = arith.constant 0 : i32
    %c0_i32_0 = arith.constant 0 : i32
    %c0_i32_1 = arith.constant 0 : i32
    return %c0_i32, %c0_i32_0 : i32, i32
  }
  func.func @transform_3(%arg0: i32) -> (i32, i32) {
    %c0_i32 = arith.constant 0 : i32
    %c0_i32_0 = arith.constant 0 : i32
    return %arg0, %c0_i32 : i32, i32
  }
  func.func @transform_4(%arg0: i32) -> (i32, i32) {
    %c0_i32 = arith.constant 0 : i32
    %c0_i32_0 = arith.constant 0 : i32
    return %arg0, %c0_i32 : i32, i32
  }
  func.func @transform_5(%arg0: i32) -> (i32, i32) {
    %c0_i32 = arith.constant 0 : i32
    %c0_i32_0 = arith.constant 0 : i32
    %c0_i32_1 = arith.constant 0 : i32
    return %c0_i32, %c0_i32_0 : i32, i32
  }
  func.func @transform_6(%arg0: i32) -> (i32, i32) {
    %c0_i32 = arith.constant 0 : i32
    %c0_i32_0 = arith.constant 0 : i32
    %c0_i32_1 = arith.constant 0 : i32
    return %c0_i32, %c0_i32_0 : i32, i32
  }
}

module attributes {stable_mosaic.version = 14 : i64} {
  func.func @_mid_body(%arg0: i32, %arg1: memref<1024x128xf32, #tpu.memory_space<vmem>>, %arg2: memref<8x128xf32, #tpu.memory_space<vmem>>, %arg3: memref<8x128xf32, #tpu.memory_space<vmem>>, %arg4: memref<1x128xf32, #tpu.memory_space<vmem>>, %arg5: memref<1x128xf32, #tpu.memory_space<vmem>>, %arg6: memref<128x128xf32, #tpu.memory_space<vmem>>, %arg7: memref<1024x1xf32, #tpu.memory_space<vmem>>, %arg8: memref<1024x128xf32, #tpu.memory_space<vmem>>) attributes {dimension_semantics = [#tpu.dimension_semantics<arbitrary>], iteration_bounds = array<i64: 10>, scalar_prefetch = 0 : i64, scratch_operands = 0 : i64, tpu.core_type = #tpu.core_type<tc>, window_params = [{transform_indices = @transform_0, window_bounds = array<i64: 1024, 128>}, {pipeline_mode = #tpu.pipeline_mode<synchronous>, transform_indices = @transform_1, window_bounds = array<i64: 8, 128>}, {pipeline_mode = #tpu.pipeline_mode<synchronous>, transform_indices = @transform_2, window_bounds = array<i64: 8, 128>}, {pipeline_mode = #tpu.pipeline_mode<synchronous>, transform_indices = @transform_3, window_bounds = array<i64: 1, 128>}, {pipeline_mode = #tpu.pipeline_mode<synchronous>, transform_indices = @transform_4, window_bounds = array<i64: 1, 128>}, {pipeline_mode = #tpu.pipeline_mode<synchronous>, transform_indices = @transform_5, window_bounds = array<i64: 128, 128>}, {transform_indices = @transform_6, window_bounds = array<i64: 1024, 1>}, {transform_indices = @transform_7, window_bounds = array<i64: 1024, 128>}]} {
    %get3A = arith.constant 0 : index
    %get3A_0 = arith.constant 0 : index
    %get3A_1 = vector.load %arg1[%get3A, %get3A_0] : memref<1024x128xf32, #tpu.memory_space<vmem>>, vector<1024x128xf32>
    %get3A_2 = arith.constant 0 : index
    %get3A_3 = arith.constant 0 : index
    %get3A_4 = vector.load %arg2[%get3A_2, %get3A_3] : memref<8x128xf32, #tpu.memory_space<vmem>>, vector<1x128xf32>
    %mul3A = arith.constant 9.99999974E-5 : f32
    %mul3A_5 = vector.broadcast %mul3A : f32 to vector<1x128xf32>
    %mul3A_6 = arith.mulf %get3A_4, %mul3A_5 : vector<1x128xf32>
    %get3A_7 = arith.constant 0 : index
    %get3A_8 = arith.constant 0 : index
    %get3A_9 = vector.load %arg3[%get3A_7, %get3A_8] : memref<8x128xf32, #tpu.memory_space<vmem>>, vector<1x128xf32>
    %mul3A_10 = arith.constant 9.99999974E-5 : f32
    %mul3A_11 = vector.broadcast %mul3A_10 : f32 to vector<1x128xf32>
    %mul3A_12 = arith.mulf %get3A_9, %mul3A_11 : vector<1x128xf32>
    %mul3A_13 = arith.mulf %mul3A_6, %mul3A_6 : vector<1x128xf32>
    %sub3A = arith.subf %mul3A_12, %mul3A_13 : vector<1x128xf32>
    %add3A = arith.constant 9.99999974E-6 : f32
    %add3A_14 = vector.broadcast %add3A : f32 to vector<1x128xf32>
    %add3A_15 = arith.addf %sub3A, %add3A_14 : vector<1x128xf32>
    %rsqrt3A = math.rsqrt %add3A_15 : vector<1x128xf32>
    %get3A_16 = arith.constant 0 : index
    %get3A_17 = arith.constant 0 : index
    %get3A_18 = vector.load %arg4[%get3A_16, %get3A_17] : memref<1x128xf32, #tpu.memory_space<vmem>>, vector<1x128xf32>
    %mul3A_19 = arith.mulf %rsqrt3A, %get3A_18 : vector<1x128xf32>
    %sub3A_20 = vector.broadcast %mul3A_6 : vector<1x128xf32> to vector<1024x128xf32>
    %sub3A_21 = arith.subf %get3A_1, %sub3A_20 : vector<1024x128xf32>
    %mul3A_22 = vector.broadcast %mul3A_19 : vector<1x128xf32> to vector<1024x128xf32>
    %mul3A_23 = arith.mulf %sub3A_21, %mul3A_22 : vector<1024x128xf32>
    %get3A_24 = arith.constant 0 : index
    %get3A_25 = arith.constant 0 : index
    %get3A_26 = vector.load %arg5[%get3A_24, %get3A_25] : memref<1x128xf32, #tpu.memory_space<vmem>>, vector<1x128xf32>
    %add3A_27 = vector.broadcast %get3A_26 : vector<1x128xf32> to vector<1024x128xf32>
    %add3A_28 = arith.addf %mul3A_23, %add3A_27 : vector<1024x128xf32>
    %max3A = arith.constant 0.000000e+00 : f32
    %max3A_29 = vector.broadcast %max3A : f32 to vector<1024x128xf32>
    %max3A_30 = arith.maximumf %add3A_28, %max3A_29 : vector<1024x128xf32>
    %get3A_31 = arith.constant 0 : index
    %get3A_32 = arith.constant 0 : index
    %get3A_33 = vector.load %arg6[%get3A_31, %get3A_32] : memref<128x128xf32, #tpu.memory_space<vmem>>, vector<128x128xf32>
    %dot_general3A = arith.constant dense<0.000000e+00> : vector<1024x128xf32>
    %dot_general3A_34 = tpu.matmul %max3A_30, %get3A_33, %dot_general3A {dimension_numbers = #tpu.dot_dimension_numbers<[1], [0], [0], [1], [0, 0, 1, 1], [], []>, transpose_lhs_hint = false} : vector<1024x128xf32>, vector<128x128xf32>, vector<1024x128xf32> -> vector<1024x128xf32>
    %get3A_35 = arith.constant 0 : index
    %get3A_36 = arith.constant 0 : index
    %get3A_37 = vector.load %arg7[%get3A_35, %get3A_36] : memref<1024x1xf32, #tpu.memory_space<vmem>>, vector<1024x1xf32>
    %mul3A_38 = vector.broadcast %get3A_37 : vector<1024x1xf32> to vector<1024x128xf32>
    %mul3A_39 = arith.mulf %dot_general3A_34, %mul3A_38 : vector<1024x128xf32>
    %swap3A = arith.constant 0 : index
    %swap3A_40 = arith.constant 0 : index
    %swap3A_41 = vector.load %arg8[%swap3A, %swap3A_40] : memref<1024x128xf32, #tpu.memory_space<vmem>>, vector<1024x128xf32>
    tpu.vector_store %arg8[%swap3A, %swap3A_40], %mul3A_39 {strides = array<i32>} : memref<1024x128xf32, #tpu.memory_space<vmem>>, vector<1024x128xf32>,
    return
  }
  func.func @transform_0(%arg0: i32) -> (i32, i32) {
    %c0_i32 = arith.constant 0 : i32
    %c0_i32_0 = arith.constant 0 : i32
    return %arg0, %c0_i32 : i32, i32
  }
  func.func @transform_1(%arg0: i32) -> (i32, i32) {
    %c0_i32 = arith.constant 0 : i32
    %c0_i32_0 = arith.constant 0 : i32
    %c0_i32_1 = arith.constant 0 : i32
    return %c0_i32, %c0_i32_0 : i32, i32
  }
  func.func @transform_2(%arg0: i32) -> (i32, i32) {
    %c0_i32 = arith.constant 0 : i32
    %c0_i32_0 = arith.constant 0 : i32
    %c0_i32_1 = arith.constant 0 : i32
    return %c0_i32, %c0_i32_0 : i32, i32
  }
  func.func @transform_3(%arg0: i32) -> (i32, i32) {
    %c0_i32 = arith.constant 0 : i32
    %c0_i32_0 = arith.constant 0 : i32
    %c0_i32_1 = arith.constant 0 : i32
    return %c0_i32, %c0_i32_0 : i32, i32
  }
  func.func @transform_4(%arg0: i32) -> (i32, i32) {
    %c0_i32 = arith.constant 0 : i32
    %c0_i32_0 = arith.constant 0 : i32
    %c0_i32_1 = arith.constant 0 : i32
    return %c0_i32, %c0_i32_0 : i32, i32
  }
  func.func @transform_5(%arg0: i32) -> (i32, i32) {
    %c0_i32 = arith.constant 0 : i32
    %c0_i32_0 = arith.constant 0 : i32
    %c0_i32_1 = arith.constant 0 : i32
    return %c0_i32, %c0_i32_0 : i32, i32
  }
  func.func @transform_6(%arg0: i32) -> (i32, i32) {
    %c0_i32 = arith.constant 0 : i32
    %c0_i32_0 = arith.constant 0 : i32
    return %arg0, %c0_i32 : i32, i32
  }
  func.func @transform_7(%arg0: i32) -> (i32, i32) {
    %c0_i32 = arith.constant 0 : i32
    %c0_i32_0 = arith.constant 0 : i32
    return %arg0, %c0_i32 : i32, i32
  }
}

module attributes {stable_mosaic.version = 14 : i64} {
  func.func @_heads_body(%arg0: memref<64x128xf32, #tpu.memory_space<vmem>>, %arg1: memref<64x128xf32, #tpu.memory_space<vmem>>, %arg2: memref<128x10xf32, #tpu.memory_space<vmem>>, %arg3: memref<1x10xf32, #tpu.memory_space<vmem>>, %arg4: memref<128x64xf32, #tpu.memory_space<vmem>>, %arg5: memref<1x64xf32, #tpu.memory_space<vmem>>, %arg6: memref<64x2xf32, #tpu.memory_space<vmem>>, %arg7: memref<1x2xf32, #tpu.memory_space<vmem>>, %arg8: memref<64x10xf32, #tpu.memory_space<vmem>>, %arg9: memref<64x2xf32, #tpu.memory_space<vmem>>, %arg10: memref<64x128xf32, #tpu.memory_space<vmem>>) attributes {dimension_semantics = [], scalar_prefetch = 0 : i64, scratch_operands = 0 : i64, tpu.core_type = #tpu.core_type<tc>} {
    %get3A = arith.constant 0 : index
    %get3A_0 = arith.constant 0 : index
    %get3A_1 = vector.load %arg1[%get3A, %get3A_0] : memref<64x128xf32, #tpu.memory_space<vmem>>, vector<64x128xf32>
    %max3A = arith.constant 1.000000e+00 : f32
    %max3A_2 = vector.broadcast %max3A : f32 to vector<64x128xf32>
    %max3A_3 = arith.maximumf %get3A_1, %max3A_2 : vector<64x128xf32>
    %get3A_4 = arith.constant 0 : index
    %get3A_5 = arith.constant 0 : index
    %get3A_6 = vector.load %arg0[%get3A_4, %get3A_5] : memref<64x128xf32, #tpu.memory_space<vmem>>, vector<64x128xf32>
    %div3A = arith.divf %get3A_6, %max3A_3 : vector<64x128xf32>
    %swap3A = arith.constant 0 : index
    %swap3A_7 = arith.constant 0 : index
    %swap3A_8 = vector.load %arg10[%swap3A, %swap3A_7] : memref<64x128xf32, #tpu.memory_space<vmem>>, vector<64x128xf32>
    tpu.vector_store %arg10[%swap3A, %swap3A_7], %div3A {strides = array<i32>} : memref<64x128xf32, #tpu.memory_space<vmem>>, vector<64x128xf32>,
    %get3A_9 = arith.constant 0 : index
    %get3A_10 = arith.constant 0 : index
    %get3A_11 = vector.load %arg2[%get3A_9, %get3A_10] : memref<128x10xf32, #tpu.memory_space<vmem>>, vector<128x10xf32>
    %dot_general3A = arith.constant dense<0.000000e+00> : vector<64x10xf32>
    %dot_general3A_12 = tpu.matmul %div3A, %get3A_11, %dot_general3A {dimension_numbers = #tpu.dot_dimension_numbers<[1], [0], [0], [1], [0, 0, 1, 1], [], []>, transpose_lhs_hint = false} : vector<64x128xf32>, vector<128x10xf32>, vector<64x10xf32> -> vector<64x10xf32>
    %get3A_13 = arith.constant 0 : index
    %get3A_14 = arith.constant 0 : index
    %get3A_15 = vector.load %arg3[%get3A_13, %get3A_14] : memref<1x10xf32, #tpu.memory_space<vmem>>, vector<1x10xf32>
    %add3A = vector.broadcast %get3A_15 : vector<1x10xf32> to vector<64x10xf32>
    %add3A_16 = arith.addf %dot_general3A_12, %add3A : vector<64x10xf32>
    %swap3A_17 = arith.constant 0 : index
    %swap3A_18 = arith.constant 0 : index
    %swap3A_19 = vector.load %arg8[%swap3A_17, %swap3A_18] : memref<64x10xf32, #tpu.memory_space<vmem>>, vector<64x10xf32>
    tpu.vector_store %arg8[%swap3A_17, %swap3A_18], %add3A_16 {strides = array<i32>} : memref<64x10xf32, #tpu.memory_space<vmem>>, vector<64x10xf32>,
    %get3A_20 = arith.constant 0 : index
    %get3A_21 = arith.constant 0 : index
    %get3A_22 = vector.load %arg4[%get3A_20, %get3A_21] : memref<128x64xf32, #tpu.memory_space<vmem>>, vector<128x64xf32>
    %dot_general3A_23 = arith.constant dense<0.000000e+00> : vector<64x64xf32>
    %dot_general3A_24 = tpu.matmul %div3A, %get3A_22, %dot_general3A_23 {dimension_numbers = #tpu.dot_dimension_numbers<[1], [0], [0], [1], [0, 0, 1, 1], [], []>, transpose_lhs_hint = false} : vector<64x128xf32>, vector<128x64xf32>, vector<64x64xf32> -> vector<64x64xf32>
    %get3A_25 = arith.constant 0 : index
    %get3A_26 = arith.constant 0 : index
    %get3A_27 = vector.load %arg5[%get3A_25, %get3A_26] : memref<1x64xf32, #tpu.memory_space<vmem>>, vector<1x64xf32>
    %add3A_28 = vector.broadcast %get3A_27 : vector<1x64xf32> to vector<64x64xf32>
    %add3A_29 = arith.addf %dot_general3A_24, %add3A_28 : vector<64x64xf32>
    %max3A_30 = arith.constant 0.000000e+00 : f32
    %max3A_31 = vector.broadcast %max3A_30 : f32 to vector<64x64xf32>
    %max3A_32 = arith.maximumf %add3A_29, %max3A_31 : vector<64x64xf32>
    %get3A_33 = arith.constant 0 : index
    %get3A_34 = arith.constant 0 : index
    %get3A_35 = vector.load %arg6[%get3A_33, %get3A_34] : memref<64x2xf32, #tpu.memory_space<vmem>>, vector<64x2xf32>
    %dot_general3A_36 = arith.constant dense<0.000000e+00> : vector<64x2xf32>
    %dot_general3A_37 = tpu.matmul %max3A_32, %get3A_35, %dot_general3A_36 {dimension_numbers = #tpu.dot_dimension_numbers<[1], [0], [0], [1], [0, 0, 1, 1], [], []>, transpose_lhs_hint = false} : vector<64x64xf32>, vector<64x2xf32>, vector<64x2xf32> -> vector<64x2xf32>
    %get3A_38 = arith.constant 0 : index
    %get3A_39 = arith.constant 0 : index
    %get3A_40 = vector.load %arg7[%get3A_38, %get3A_39] : memref<1x2xf32, #tpu.memory_space<vmem>>, vector<1x2xf32>
    %add3A_41 = vector.broadcast %get3A_40 : vector<1x2xf32> to vector<64x2xf32>
    %add3A_42 = arith.addf %dot_general3A_37, %add3A_41 : vector<64x2xf32>
    %swap3A_43 = arith.constant 0 : index
    %swap3A_44 = arith.constant 0 : index
    %swap3A_45 = vector.load %arg9[%swap3A_43, %swap3A_44] : memref<64x2xf32, #tpu.memory_space<vmem>>, vector<64x2xf32>
    tpu.vector_store %arg9[%swap3A_43, %swap3A_44], %add3A_42 {strides = array<i32>} : memref<64x2xf32, #tpu.memory_space<vmem>>, vector<64x2xf32>,
    return
  }
}

module attributes {stable_mosaic.version = 14 : i64} {
  func.func @_pool_body(%arg0: i32, %arg1: memref<1024x128xf32, #tpu.memory_space<vmem>>, %arg2: memref<8x128xf32, #tpu.memory_space<vmem>>, %arg3: memref<8x128xf32, #tpu.memory_space<vmem>>, %arg4: memref<1x128xf32, #tpu.memory_space<vmem>>, %arg5: memref<1x128xf32, #tpu.memory_space<vmem>>, %arg6: memref<1x8x128xi32, #tpu.memory_space<vmem>>, %arg7: memref<64x128xf32, #tpu.memory_space<vmem>>, %arg8: memref<64x128xf32, #tpu.memory_space<vmem>>) attributes {dimension_semantics = [#tpu.dimension_semantics<arbitrary>], iteration_bounds = array<i64: 10>, scalar_prefetch = 0 : i64, scratch_operands = 0 : i64, tpu.core_type = #tpu.core_type<tc>, window_params = [{transform_indices = @transform_0, window_bounds = array<i64: 1024, 128>}, {pipeline_mode = #tpu.pipeline_mode<synchronous>, transform_indices = @transform_1, window_bounds = array<i64: 8, 128>}, {pipeline_mode = #tpu.pipeline_mode<synchronous>, transform_indices = @transform_2, window_bounds = array<i64: 8, 128>}, {pipeline_mode = #tpu.pipeline_mode<synchronous>, transform_indices = @transform_3, window_bounds = array<i64: 1, 128>}, {pipeline_mode = #tpu.pipeline_mode<synchronous>, transform_indices = @transform_4, window_bounds = array<i64: 1, 128>}, {transform_indices = @transform_5, window_bounds = array<i64: 1, 8, 128>}, {pipeline_mode = #tpu.pipeline_mode<synchronous>, transform_indices = @transform_6, window_bounds = array<i64: 64, 128>}, {pipeline_mode = #tpu.pipeline_mode<synchronous>, transform_indices = @transform_7, window_bounds = array<i64: 64, 128>}]} {
    %get3A = arith.constant 0 : index
    %get3A_0 = arith.constant 0 : index
    %get3A_1 = vector.load %arg1[%get3A, %get3A_0] : memref<1024x128xf32, #tpu.memory_space<vmem>>, vector<1024x128xf32>
    %get3A_2 = arith.constant 0 : index
    %get3A_3 = arith.constant 0 : index
    %get3A_4 = vector.load %arg2[%get3A_2, %get3A_3] : memref<8x128xf32, #tpu.memory_space<vmem>>, vector<1x128xf32>
    %mul3A = arith.constant 9.99999974E-5 : f32
    %mul3A_5 = vector.broadcast %mul3A : f32 to vector<1x128xf32>
    %mul3A_6 = arith.mulf %get3A_4, %mul3A_5 : vector<1x128xf32>
    %get3A_7 = arith.constant 0 : index
    %get3A_8 = arith.constant 0 : index
    %get3A_9 = vector.load %arg3[%get3A_7, %get3A_8] : memref<8x128xf32, #tpu.memory_space<vmem>>, vector<1x128xf32>
    %mul3A_10 = arith.constant 9.99999974E-5 : f32
    %mul3A_11 = vector.broadcast %mul3A_10 : f32 to vector<1x128xf32>
    %mul3A_12 = arith.mulf %get3A_9, %mul3A_11 : vector<1x128xf32>
    %mul3A_13 = arith.mulf %mul3A_6, %mul3A_6 : vector<1x128xf32>
    %sub3A = arith.subf %mul3A_12, %mul3A_13 : vector<1x128xf32>
    %add3A = arith.constant 9.99999974E-6 : f32
    %add3A_14 = vector.broadcast %add3A : f32 to vector<1x128xf32>
    %add3A_15 = arith.addf %sub3A, %add3A_14 : vector<1x128xf32>
    %rsqrt3A = math.rsqrt %add3A_15 : vector<1x128xf32>
    %get3A_16 = arith.constant 0 : index
    %get3A_17 = arith.constant 0 : index
    %get3A_18 = vector.load %arg4[%get3A_16, %get3A_17] : memref<1x128xf32, #tpu.memory_space<vmem>>, vector<1x128xf32>
    %mul3A_19 = arith.mulf %rsqrt3A, %get3A_18 : vector<1x128xf32>
    %sub3A_20 = vector.broadcast %mul3A_6 : vector<1x128xf32> to vector<1024x128xf32>
    %sub3A_21 = arith.subf %get3A_1, %sub3A_20 : vector<1024x128xf32>
    %mul3A_22 = vector.broadcast %mul3A_19 : vector<1x128xf32> to vector<1024x128xf32>
    %mul3A_23 = arith.mulf %sub3A_21, %mul3A_22 : vector<1024x128xf32>
    %get3A_24 = arith.constant 0 : index
    %get3A_25 = arith.constant 0 : index
    %get3A_26 = vector.load %arg5[%get3A_24, %get3A_25] : memref<1x128xf32, #tpu.memory_space<vmem>>, vector<1x128xf32>
    %add3A_27 = vector.broadcast %get3A_26 : vector<1x128xf32> to vector<1024x128xf32>
    %add3A_28 = arith.addf %mul3A_23, %add3A_27 : vector<1024x128xf32>
    %max3A = arith.constant 0.000000e+00 : f32
    %max3A_29 = vector.broadcast %max3A : f32 to vector<1024x128xf32>
    %max3A_30 = arith.maximumf %add3A_28, %max3A_29 : vector<1024x128xf32>
    %eq3A = arith.constant 0 : i32
    %eq3A_31 = arith.cmpi eq, %arg0, %eq3A : i32
    %convert_element_type3A = arith.extui %eq3A_31 : i1 to i32
    %cond3A = arith.constant 0 : i32
    %cond3A_32 = arith.cmpi ne, %convert_element_type3A, %cond3A : i32
    scf.if %cond3A_32 {
      %broadcast_in_dim3A_192 = arith.constant 0.000000e+00 : f32
      %broadcast_in_dim3A_193 = vector.broadcast %broadcast_in_dim3A_192 : f32 to vector<64x128xf32>
      %swap3A_194 = arith.constant 0 : index
      %swap3A_195 = arith.constant 0 : index
      %swap3A_196 = vector.load %arg7[%swap3A_194, %swap3A_195] : memref<64x128xf32, #tpu.memory_space<vmem>>, vector<64x128xf32>
      tpu.vector_store %arg7[%swap3A_194, %swap3A_195], %broadcast_in_dim3A_193 {strides = array<i32>} : memref<64x128xf32, #tpu.memory_space<vmem>>, vector<64x128xf32>,
      %broadcast_in_dim3A_197 = arith.constant 0.000000e+00 : f32
      %broadcast_in_dim3A_198 = vector.broadcast %broadcast_in_dim3A_197 : f32 to vector<64x128xf32>
      %swap3A_199 = arith.constant 0 : index
      %swap3A_200 = arith.constant 0 : index
      %swap3A_201 = vector.load %arg8[%swap3A_199, %swap3A_200] : memref<64x128xf32, #tpu.memory_space<vmem>>, vector<64x128xf32>
      tpu.vector_store %arg8[%swap3A_199, %swap3A_200], %broadcast_in_dim3A_198 {strides = array<i32>} : memref<64x128xf32, #tpu.memory_space<vmem>>, vector<64x128xf32>,
    } else {
    }
    %iota3A = tpu.iota {dimensions = array<i32: 0>} : vector<64x128xi32>
    %get3A_33 = arith.constant 0 : index
    %get3A_34 = arith.constant 0 : index
    %get3A_35 = vector.load %arg7[%get3A_33, %get3A_34] : memref<64x128xf32, #tpu.memory_space<vmem>>, vector<64x128xf32>
    %get3A_36 = arith.constant 0 : index
    %get3A_37 = arith.constant 0 : index
    %get3A_38 = vector.load %arg8[%get3A_36, %get3A_37] : memref<64x128xf32, #tpu.memory_space<vmem>>, vector<64x128xf32>
    %get3A_39 = arith.constant 0 : index
    %get3A_40 = arith.constant 0 : index
    %get3A_41 = arith.constant 0 : index
    %get3A_42 = vector.load %arg6[%get3A_39, %get3A_40, %get3A_41] : memref<1x8x128xi32, #tpu.memory_space<vmem>>, vector<1x1x128xi32>
    %get3A_43 = vector.shape_cast %get3A_42 : vector<1x1x128xi32> to vector<1x128xi32>
    %eq3A_44 = vector.broadcast %get3A_43 : vector<1x128xi32> to vector<64x128xi32>
    %eq3A_45 = arith.cmpi eq, %iota3A, %eq3A_44 : vector<64x128xi32>
    %convert_element_type3A_46 = arith.extui %eq3A_45 : vector<64x128xi1> to vector<64x128xi32>
    %convert_element_type3A_47 = arith.sitofp %convert_element_type3A_46 : vector<64x128xi32> to vector<64x128xf32>
    %slice3A = vector.extract_strided_slice %max3A_30 {offsets = [0, 0], sizes = [128, 128], strides = [1, 1]} : vector<1024x128xf32> to vector<128x128xf32>
    %dot_general3A = arith.constant dense<0.000000e+00> : vector<64x128xf32>
    %dot_general3A_48 = tpu.matmul %convert_element_type3A_47, %slice3A, %dot_general3A {dimension_numbers = #tpu.dot_dimension_numbers<[1], [0], [0], [1], [0, 0, 1, 1], [], []>, transpose_lhs_hint = false} : vector<64x128xf32>, vector<128x128xf32>, vector<64x128xf32> -> vector<64x128xf32>
    %add3A_49 = arith.addf %get3A_35, %dot_general3A_48 : vector<64x128xf32>
    %reduce_sum3A = arith.constant dense<0.000000e+00> : vector<64xf32>
    %reduce_sum3A_50 = vector.multi_reduction <add>, %convert_element_type3A_47, %reduce_sum3A [1] : vector<64x128xf32> to vector<64xf32>
    %broadcast_in_dim3A = vector.shape_cast %reduce_sum3A_50 : vector<64xf32> to vector<64x1xf32>
    %broadcast_in_dim3A_51 = vector.shape_cast %broadcast_in_dim3A : vector<64x1xf32> to vector<64x1xf32>
    %broadcast_in_dim3A_52 = vector.broadcast %broadcast_in_dim3A_51 : vector<64x1xf32> to vector<64x128xf32>
    %add3A_53 = arith.addf %get3A_38, %broadcast_in_dim3A_52 : vector<64x128xf32>
    %get3A_54 = arith.constant 0 : index
    %get3A_55 = arith.constant 1 : index
    %get3A_56 = arith.constant 0 : index
    %get3A_57 = vector.load %arg6[%get3A_54, %get3A_55, %get3A_56] : memref<1x8x128xi32, #tpu.memory_space<vmem>>, vector<1x1x128xi32>
    %get3A_58 = vector.shape_cast %get3A_57 : vector<1x1x128xi32> to vector<1x128xi32>
    %eq3A_59 = vector.broadcast %get3A_58 : vector<1x128xi32> to vector<64x128xi32>
    %eq3A_60 = arith.cmpi eq, %iota3A, %eq3A_59 : vector<64x128xi32>
    %convert_element_type3A_61 = arith.extui %eq3A_60 : vector<64x128xi1> to vector<64x128xi32>
    %convert_element_type3A_62 = arith.sitofp %convert_element_type3A_61 : vector<64x128xi32> to vector<64x128xf32>
    %slice3A_63 = vector.extract_strided_slice %max3A_30 {offsets = [128, 0], sizes = [128, 128], strides = [1, 1]} : vector<1024x128xf32> to vector<128x128xf32>
    %dot_general3A_64 = arith.constant dense<0.000000e+00> : vector<64x128xf32>
    %dot_general3A_65 = tpu.matmul %convert_element_type3A_62, %slice3A_63, %dot_general3A_64 {dimension_numbers = #tpu.dot_dimension_numbers<[1], [0], [0], [1], [0, 0, 1, 1], [], []>, transpose_lhs_hint = false} : vector<64x128xf32>, vector<128x128xf32>, vector<64x128xf32> -> vector<64x128xf32>
    %add3A_66 = arith.addf %add3A_49, %dot_general3A_65 : vector<64x128xf32>
    %reduce_sum3A_67 = arith.constant dense<0.000000e+00> : vector<64xf32>
    %reduce_sum3A_68 = vector.multi_reduction <add>, %convert_element_type3A_62, %reduce_sum3A_67 [1] : vector<64x128xf32> to vector<64xf32>
    %broadcast_in_dim3A_69 = vector.shape_cast %reduce_sum3A_68 : vector<64xf32> to vector<64x1xf32>
    %broadcast_in_dim3A_70 = vector.shape_cast %broadcast_in_dim3A_69 : vector<64x1xf32> to vector<64x1xf32>
    %broadcast_in_dim3A_71 = vector.broadcast %broadcast_in_dim3A_70 : vector<64x1xf32> to vector<64x128xf32>
    %add3A_72 = arith.addf %add3A_53, %broadcast_in_dim3A_71 : vector<64x128xf32>
    %get3A_73 = arith.constant 0 : index
    %get3A_74 = arith.constant 2 : index
    %get3A_75 = arith.constant 0 : index
    %get3A_76 = vector.load %arg6[%get3A_73, %get3A_74, %get3A_75] : memref<1x8x128xi32, #tpu.memory_space<vmem>>, vector<1x1x128xi32>
    %get3A_77 = vector.shape_cast %get3A_76 : vector<1x1x128xi32> to vector<1x128xi32>
    %eq3A_78 = vector.broadcast %get3A_77 : vector<1x128xi32> to vector<64x128xi32>
    %eq3A_79 = arith.cmpi eq, %iota3A, %eq3A_78 : vector<64x128xi32>
    %convert_element_type3A_80 = arith.extui %eq3A_79 : vector<64x128xi1> to vector<64x128xi32>
    %convert_element_type3A_81 = arith.sitofp %convert_element_type3A_80 : vector<64x128xi32> to vector<64x128xf32>
    %slice3A_82 = vector.extract_strided_slice %max3A_30 {offsets = [256, 0], sizes = [128, 128], strides = [1, 1]} : vector<1024x128xf32> to vector<128x128xf32>
    %dot_general3A_83 = arith.constant dense<0.000000e+00> : vector<64x128xf32>
    %dot_general3A_84 = tpu.matmul %convert_element_type3A_81, %slice3A_82, %dot_general3A_83 {dimension_numbers = #tpu.dot_dimension_numbers<[1], [0], [0], [1], [0, 0, 1, 1], [], []>, transpose_lhs_hint = false} : vector<64x128xf32>, vector<128x128xf32>, vector<64x128xf32> -> vector<64x128xf32>
    %add3A_85 = arith.addf %add3A_66, %dot_general3A_84 : vector<64x128xf32>
    %reduce_sum3A_86 = arith.constant dense<0.000000e+00> : vector<64xf32>
    %reduce_sum3A_87 = vector.multi_reduction <add>, %convert_element_type3A_81, %reduce_sum3A_86 [1] : vector<64x128xf32> to vector<64xf32>
    %broadcast_in_dim3A_88 = vector.shape_cast %reduce_sum3A_87 : vector<64xf32> to vector<64x1xf32>
    %broadcast_in_dim3A_89 = vector.shape_cast %broadcast_in_dim3A_88 : vector<64x1xf32> to vector<64x1xf32>
    %broadcast_in_dim3A_90 = vector.broadcast %broadcast_in_dim3A_89 : vector<64x1xf32> to vector<64x128xf32>
    %add3A_91 = arith.addf %add3A_72, %broadcast_in_dim3A_90 : vector<64x128xf32>
    %get3A_92 = arith.constant 0 : index
    %get3A_93 = arith.constant 3 : index
    %get3A_94 = arith.constant 0 : index
    %get3A_95 = vector.load %arg6[%get3A_92, %get3A_93, %get3A_94] : memref<1x8x128xi32, #tpu.memory_space<vmem>>, vector<1x1x128xi32>
    %get3A_96 = vector.shape_cast %get3A_95 : vector<1x1x128xi32> to vector<1x128xi32>
    %eq3A_97 = vector.broadcast %get3A_96 : vector<1x128xi32> to vector<64x128xi32>
    %eq3A_98 = arith.cmpi eq, %iota3A, %eq3A_97 : vector<64x128xi32>
    %convert_element_type3A_99 = arith.extui %eq3A_98 : vector<64x128xi1> to vector<64x128xi32>
    %convert_element_type3A_100 = arith.sitofp %convert_element_type3A_99 : vector<64x128xi32> to vector<64x128xf32>
    %slice3A_101 = vector.extract_strided_slice %max3A_30 {offsets = [384, 0], sizes = [128, 128], strides = [1, 1]} : vector<1024x128xf32> to vector<128x128xf32>
    %dot_general3A_102 = arith.constant dense<0.000000e+00> : vector<64x128xf32>
    %dot_general3A_103 = tpu.matmul %convert_element_type3A_100, %slice3A_101, %dot_general3A_102 {dimension_numbers = #tpu.dot_dimension_numbers<[1], [0], [0], [1], [0, 0, 1, 1], [], []>, transpose_lhs_hint = false} : vector<64x128xf32>, vector<128x128xf32>, vector<64x128xf32> -> vector<64x128xf32>
    %add3A_104 = arith.addf %add3A_85, %dot_general3A_103 : vector<64x128xf32>
    %reduce_sum3A_105 = arith.constant dense<0.000000e+00> : vector<64xf32>
    %reduce_sum3A_106 = vector.multi_reduction <add>, %convert_element_type3A_100, %reduce_sum3A_105 [1] : vector<64x128xf32> to vector<64xf32>
    %broadcast_in_dim3A_107 = vector.shape_cast %reduce_sum3A_106 : vector<64xf32> to vector<64x1xf32>
    %broadcast_in_dim3A_108 = vector.shape_cast %broadcast_in_dim3A_107 : vector<64x1xf32> to vector<64x1xf32>
    %broadcast_in_dim3A_109 = vector.broadcast %broadcast_in_dim3A_108 : vector<64x1xf32> to vector<64x128xf32>
    %add3A_110 = arith.addf %add3A_91, %broadcast_in_dim3A_109 : vector<64x128xf32>
    %get3A_111 = arith.constant 0 : index
    %get3A_112 = arith.constant 4 : index
    %get3A_113 = arith.constant 0 : index
    %get3A_114 = vector.load %arg6[%get3A_111, %get3A_112, %get3A_113] : memref<1x8x128xi32, #tpu.memory_space<vmem>>, vector<1x1x128xi32>
    %get3A_115 = vector.shape_cast %get3A_114 : vector<1x1x128xi32> to vector<1x128xi32>
    %eq3A_116 = vector.broadcast %get3A_115 : vector<1x128xi32> to vector<64x128xi32>
    %eq3A_117 = arith.cmpi eq, %iota3A, %eq3A_116 : vector<64x128xi32>
    %convert_element_type3A_118 = arith.extui %eq3A_117 : vector<64x128xi1> to vector<64x128xi32>
    %convert_element_type3A_119 = arith.sitofp %convert_element_type3A_118 : vector<64x128xi32> to vector<64x128xf32>
    %slice3A_120 = vector.extract_strided_slice %max3A_30 {offsets = [512, 0], sizes = [128, 128], strides = [1, 1]} : vector<1024x128xf32> to vector<128x128xf32>
    %dot_general3A_121 = arith.constant dense<0.000000e+00> : vector<64x128xf32>
    %dot_general3A_122 = tpu.matmul %convert_element_type3A_119, %slice3A_120, %dot_general3A_121 {dimension_numbers = #tpu.dot_dimension_numbers<[1], [0], [0], [1], [0, 0, 1, 1], [], []>, transpose_lhs_hint = false} : vector<64x128xf32>, vector<128x128xf32>, vector<64x128xf32> -> vector<64x128xf32>
    %add3A_123 = arith.addf %add3A_104, %dot_general3A_122 : vector<64x128xf32>
    %reduce_sum3A_124 = arith.constant dense<0.000000e+00> : vector<64xf32>
    %reduce_sum3A_125 = vector.multi_reduction <add>, %convert_element_type3A_119, %reduce_sum3A_124 [1] : vector<64x128xf32> to vector<64xf32>
    %broadcast_in_dim3A_126 = vector.shape_cast %reduce_sum3A_125 : vector<64xf32> to vector<64x1xf32>
    %broadcast_in_dim3A_127 = vector.shape_cast %broadcast_in_dim3A_126 : vector<64x1xf32> to vector<64x1xf32>
    %broadcast_in_dim3A_128 = vector.broadcast %broadcast_in_dim3A_127 : vector<64x1xf32> to vector<64x128xf32>
    %add3A_129 = arith.addf %add3A_110, %broadcast_in_dim3A_128 : vector<64x128xf32>
    %get3A_130 = arith.constant 0 : index
    %get3A_131 = arith.constant 5 : index
    %get3A_132 = arith.constant 0 : index
    %get3A_133 = vector.load %arg6[%get3A_130, %get3A_131, %get3A_132] : memref<1x8x128xi32, #tpu.memory_space<vmem>>, vector<1x1x128xi32>
    %get3A_134 = vector.shape_cast %get3A_133 : vector<1x1x128xi32> to vector<1x128xi32>
    %eq3A_135 = vector.broadcast %get3A_134 : vector<1x128xi32> to vector<64x128xi32>
    %eq3A_136 = arith.cmpi eq, %iota3A, %eq3A_135 : vector<64x128xi32>
    %convert_element_type3A_137 = arith.extui %eq3A_136 : vector<64x128xi1> to vector<64x128xi32>
    %convert_element_type3A_138 = arith.sitofp %convert_element_type3A_137 : vector<64x128xi32> to vector<64x128xf32>
    %slice3A_139 = vector.extract_strided_slice %max3A_30 {offsets = [640, 0], sizes = [128, 128], strides = [1, 1]} : vector<1024x128xf32> to vector<128x128xf32>
    %dot_general3A_140 = arith.constant dense<0.000000e+00> : vector<64x128xf32>
    %dot_general3A_141 = tpu.matmul %convert_element_type3A_138, %slice3A_139, %dot_general3A_140 {dimension_numbers = #tpu.dot_dimension_numbers<[1], [0], [0], [1], [0, 0, 1, 1], [], []>, transpose_lhs_hint = false} : vector<64x128xf32>, vector<128x128xf32>, vector<64x128xf32> -> vector<64x128xf32>
    %add3A_142 = arith.addf %add3A_123, %dot_general3A_141 : vector<64x128xf32>
    %reduce_sum3A_143 = arith.constant dense<0.000000e+00> : vector<64xf32>
    %reduce_sum3A_144 = vector.multi_reduction <add>, %convert_element_type3A_138, %reduce_sum3A_143 [1] : vector<64x128xf32> to vector<64xf32>
    %broadcast_in_dim3A_145 = vector.shape_cast %reduce_sum3A_144 : vector<64xf32> to vector<64x1xf32>
    %broadcast_in_dim3A_146 = vector.shape_cast %broadcast_in_dim3A_145 : vector<64x1xf32> to vector<64x1xf32>
    %broadcast_in_dim3A_147 = vector.broadcast %broadcast_in_dim3A_146 : vector<64x1xf32> to vector<64x128xf32>
    %add3A_148 = arith.addf %add3A_129, %broadcast_in_dim3A_147 : vector<64x128xf32>
    %get3A_149 = arith.constant 0 : index
    %get3A_150 = arith.constant 6 : index
    %get3A_151 = arith.constant 0 : index
    %get3A_152 = vector.load %arg6[%get3A_149, %get3A_150, %get3A_151] : memref<1x8x128xi32, #tpu.memory_space<vmem>>, vector<1x1x128xi32>
    %get3A_153 = vector.shape_cast %get3A_152 : vector<1x1x128xi32> to vector<1x128xi32>
    %eq3A_154 = vector.broadcast %get3A_153 : vector<1x128xi32> to vector<64x128xi32>
    %eq3A_155 = arith.cmpi eq, %iota3A, %eq3A_154 : vector<64x128xi32>
    %convert_element_type3A_156 = arith.extui %eq3A_155 : vector<64x128xi1> to vector<64x128xi32>
    %convert_element_type3A_157 = arith.sitofp %convert_element_type3A_156 : vector<64x128xi32> to vector<64x128xf32>
    %slice3A_158 = vector.extract_strided_slice %max3A_30 {offsets = [768, 0], sizes = [128, 128], strides = [1, 1]} : vector<1024x128xf32> to vector<128x128xf32>
    %dot_general3A_159 = arith.constant dense<0.000000e+00> : vector<64x128xf32>
    %dot_general3A_160 = tpu.matmul %convert_element_type3A_157, %slice3A_158, %dot_general3A_159 {dimension_numbers = #tpu.dot_dimension_numbers<[1], [0], [0], [1], [0, 0, 1, 1], [], []>, transpose_lhs_hint = false} : vector<64x128xf32>, vector<128x128xf32>, vector<64x128xf32> -> vector<64x128xf32>
    %add3A_161 = arith.addf %add3A_142, %dot_general3A_160 : vector<64x128xf32>
    %reduce_sum3A_162 = arith.constant dense<0.000000e+00> : vector<64xf32>
    %reduce_sum3A_163 = vector.multi_reduction <add>, %convert_element_type3A_157, %reduce_sum3A_162 [1] : vector<64x128xf32> to vector<64xf32>
    %broadcast_in_dim3A_164 = vector.shape_cast %reduce_sum3A_163 : vector<64xf32> to vector<64x1xf32>
    %broadcast_in_dim3A_165 = vector.shape_cast %broadcast_in_dim3A_164 : vector<64x1xf32> to vector<64x1xf32>
    %broadcast_in_dim3A_166 = vector.broadcast %broadcast_in_dim3A_165 : vector<64x1xf32> to vector<64x128xf32>
    %add3A_167 = arith.addf %add3A_148, %broadcast_in_dim3A_166 : vector<64x128xf32>
    %get3A_168 = arith.constant 0 : index
    %get3A_169 = arith.constant 7 : index
    %get3A_170 = arith.constant 0 : index
    %get3A_171 = vector.load %arg6[%get3A_168, %get3A_169, %get3A_170] : memref<1x8x128xi32, #tpu.memory_space<vmem>>, vector<1x1x128xi32>
    %get3A_172 = vector.shape_cast %get3A_171 : vector<1x1x128xi32> to vector<1x128xi32>
    %eq3A_173 = vector.broadcast %get3A_172 : vector<1x128xi32> to vector<64x128xi32>
    %eq3A_174 = arith.cmpi eq, %iota3A, %eq3A_173 : vector<64x128xi32>
    %convert_element_type3A_175 = arith.extui %eq3A_174 : vector<64x128xi1> to vector<64x128xi32>
    %convert_element_type3A_176 = arith.sitofp %convert_element_type3A_175 : vector<64x128xi32> to vector<64x128xf32>
    %slice3A_177 = vector.extract_strided_slice %max3A_30 {offsets = [896, 0], sizes = [128, 128], strides = [1, 1]} : vector<1024x128xf32> to vector<128x128xf32>
    %dot_general3A_178 = arith.constant dense<0.000000e+00> : vector<64x128xf32>
    %dot_general3A_179 = tpu.matmul %convert_element_type3A_176, %slice3A_177, %dot_general3A_178 {dimension_numbers = #tpu.dot_dimension_numbers<[1], [0], [0], [1], [0, 0, 1, 1], [], []>, transpose_lhs_hint = false} : vector<64x128xf32>, vector<128x128xf32>, vector<64x128xf32> -> vector<64x128xf32>
    %add3A_180 = arith.addf %add3A_161, %dot_general3A_179 : vector<64x128xf32>
    %reduce_sum3A_181 = arith.constant dense<0.000000e+00> : vector<64xf32>
    %reduce_sum3A_182 = vector.multi_reduction <add>, %convert_element_type3A_176, %reduce_sum3A_181 [1] : vector<64x128xf32> to vector<64xf32>
    %broadcast_in_dim3A_183 = vector.shape_cast %reduce_sum3A_182 : vector<64xf32> to vector<64x1xf32>
    %broadcast_in_dim3A_184 = vector.shape_cast %broadcast_in_dim3A_183 : vector<64x1xf32> to vector<64x1xf32>
    %broadcast_in_dim3A_185 = vector.broadcast %broadcast_in_dim3A_184 : vector<64x1xf32> to vector<64x128xf32>
    %add3A_186 = arith.addf %add3A_167, %broadcast_in_dim3A_185 : vector<64x128xf32>
    %swap3A = arith.constant 0 : index
    %swap3A_187 = arith.constant 0 : index
    %swap3A_188 = vector.load %arg7[%swap3A, %swap3A_187] : memref<64x128xf32, #tpu.memory_space<vmem>>, vector<64x128xf32>
    tpu.vector_store %arg7[%swap3A, %swap3A_187], %add3A_180 {strides = array<i32>} : memref<64x128xf32, #tpu.memory_space<vmem>>, vector<64x128xf32>,
    %swap3A_189 = arith.constant 0 : index
    %swap3A_190 = arith.constant 0 : index
    %swap3A_191 = vector.load %arg8[%swap3A_189, %swap3A_190] : memref<64x128xf32, #tpu.memory_space<vmem>>, vector<64x128xf32>
    tpu.vector_store %arg8[%swap3A_189, %swap3A_190], %add3A_186 {strides = array<i32>} : memref<64x128xf32, #tpu.memory_space<vmem>>, vector<64x128xf32>,
    return
  }
  func.func @transform_0(%arg0: i32) -> (i32, i32) {
    %c0_i32 = arith.constant 0 : i32
    %c0_i32_0 = arith.constant 0 : i32
    return %arg0, %c0_i32 : i32, i32
  }
  func.func @transform_1(%arg0: i32) -> (i32, i32) {
    %c0_i32 = arith.constant 0 : i32
    %c0_i32_0 = arith.constant 0 : i32
    %c0_i32_1 = arith.constant 0 : i32
    return %c0_i32, %c0_i32_0 : i32, i32
  }
  func.func @transform_2(%arg0: i32) -> (i32, i32) {
    %c0_i32 = arith.constant 0 : i32
    %c0_i32_0 = arith.constant 0 : i32
    %c0_i32_1 = arith.constant 0 : i32
    return %c0_i32, %c0_i32_0 : i32, i32
  }
  func.func @transform_3(%arg0: i32) -> (i32, i32) {
    %c0_i32 = arith.constant 0 : i32
    %c0_i32_0 = arith.constant 0 : i32
    %c0_i32_1 = arith.constant 0 : i32
    return %c0_i32, %c0_i32_0 : i32, i32
  }
  func.func @transform_4(%arg0: i32) -> (i32, i32) {
    %c0_i32 = arith.constant 0 : i32
    %c0_i32_0 = arith.constant 0 : i32
    %c0_i32_1 = arith.constant 0 : i32
    return %c0_i32, %c0_i32_0 : i32, i32
  }
  func.func @transform_5(%arg0: i32) -> (i32, i32, i32) {
    %c0_i32 = arith.constant 0 : i32
    %c0_i32_0 = arith.constant 0 : i32
    %c0_i32_1 = arith.constant 0 : i32
    return %arg0, %c0_i32, %c0_i32_0 : i32, i32, i32
  }
  func.func @transform_6(%arg0: i32) -> (i32, i32) {
    %c0_i32 = arith.constant 0 : i32
    %c0_i32_0 = arith.constant 0 : i32
    %c0_i32_1 = arith.constant 0 : i32
    return %c0_i32, %c0_i32_0 : i32, i32
  }
  func.func @transform_7(%arg0: i32) -> (i32, i32) {
    %c0_i32 = arith.constant 0 : i32
    %c0_i32_0 = arith.constant 0 : i32
    %c0_i32_1 = arith.constant 0 : i32
    return %c0_i32, %c0_i32_0 : i32, i32
  }
}

</mosaic_0001>

<sc_bundles>
// kernel: kernel.15.cloned.1.call-start
scs
__scs_entry_jumppad:
0x0: {  	(pc) =	sbr.rel $0x88, $3  }
0x1: {  	(tag) =	ssettag $0x0;
	lr =	simm.s32 $0x1  }
0x2: {  	[smem:$0x3F8C] =	sst lr;
	_ =	strace $0xD0000000  }
0x3: {  	_ = 	snop  }
0x4: {  	_ = 	snop  }
0x5: {  	_ = 	snop  }
0x6: {  	_ = 	snop  }
0x7: {  	_ = 	snop  }
__scs_overlays_trampoline_lowered:
0x8: {  	[smem:$0x3F9B] =	sst s0  }
0x9: {  	[smem:$0x3F9C] =	sst s1  }
0xa: {  	[smem:$0x3F9D] =	sst s2  }
0xb: {  	[smem:$0x3F9E] =	sst s3  }
0xc: {  	[smem:$0x3F9F] =	sst s4  }
0xd: {  	[smem:$0x3FA0] =	sst s5  }
0xe: {  	[smem:$0x3FA1] =	sst s6  }
0xf: {  	[smem:$0x3FA2] =	sst s7  }
0x10: {  	[smem:$0x3FA3] =	sst s8  }
0x11: {  	[smem:$0x3FA4] =	sst s9;
	s0 =	simm.s32 @!p0 $0x0  }
0x12: {  	s1 =	sld [smem:$0x3F8A];
	s0 =	simm.s32 @p0 $0x1  }
0x13: {  	[smem:$0x3FA5] =	sst s0;
	s0 =	simm.s32 @!p1 $0x0  }
0x14: {  	s2 =	sld [smem:$0x3F89];
	s0 =	simm.s32 @p1 $0x1  }
0x15: {  	[smem:$0x3FA6] =	sst s0;
	s0 =	simm.s32 @!p2 $0x0  }
0x16: {  	s3 =	sld [smem:$0x3FDB];
	s0 =	simm.s32 @p2 $0x1  }
0x17: {  	s4 =	simm.s32 $0x1BF5;
	[smem:$0x3FA8] =	sst s0  }
0x18: {  	s0 =	sld [smem:$0x3F8B];
	_ =	swait.ge [sflag:s4], $0x0  }
0x19: {  	s7 =	sld [smem:$0x3F8C]  }
0x1a: {  	s8 =	sadd.s32 $0xFFFFE003, lr  }
0x1b: {  	s9 =	sadd.s32 $0xFFFFFEF7, lr;
	s5 =	simm.s32 $0xFFFFFFFF;
	p2 =	slt.u32 s8, $0xFFFFF086  }
0x1c: {  	p1 =	slt.u32 s9, $0xF7A;
	s5 =	simm.s32 @!p2 $0x0  }
0x1d: {  	s5 =	simm.s32 @p1 $0x1;
	p0 =	seq.s32 s7, s2  }
0x1e: {  	s7 =	smul.u32 @!p0 $0xF7A, s2;
	p2 =	seq.s32 @!p0 s5, $0x0  }
0x1f: {  	s9 =	smul.u32 $0xF7A, s1;
	s8 =	simm.s32 @!p0 $0x1BF5;
	p2 =	por !p2, p0  }
0x20: {  	[sflag:s8] =	ssyncset.s32 @!p0 $0xFFFFF086;
	s6 =	sadd.s32 @!p0 s3, s7;
	s7 =	simm.s32 @!p0 $0x108  }
0x21: {  	s3 =	sadd.s32 s3, s9;
	s6 =	sadd.s32 @!p0 $0x88, s6;
	s7 =	simm.s32 @p2 $0x1082  }
0x22: {  	[simem:s7], [sflag:s8] =	dma.local @!p0 [hbm:s6], $0xF7A  }
0x23: {  	s9 =	sor.u32 $0xD0000000, s2;
	s6 =	simm.s32 $0x108;
	_ =	swait.ge @!p0 [sflag:s8], $0x0  }
0x24: {  	s3 =	sadd.s32 $0x88, s3;
	s6 =	simm.s32 @!p1 $0x1082;
	[sflag:s4] =	ssyncset.s32 $0xFFFFF086  }
0x25: {  	[simem:s6], [sflag:s4] =	dma.local [hbm:s3], $0xF7A  }
0x26: {  	[smem:$0x3F8C] =	sst s1;
	(tag) =	ssettag s2;
	_ =	strace s9  }
0x27: {  	s1 =	sld [smem:$0x3F9C]  }
0x28: {  	s2 =	sld [smem:$0x3F9D]  }
0x29: {  	s4 =	sld [smem:$0x3F9F]  }
0x2a: {  	p0 =	seq.s32 s5, $0x0;
	s5 =	sld [smem:$0x3FA0]  }
0x2b: {  	s6 =	sld [smem:$0x3FA1]  }
0x2c: {  	s7 =	sld [smem:$0x3FA2]  }
0x2d: {  	s3 =	simm.s32 $0x108;
	s8 =	sld [smem:$0x3FA3]  }
0x2e: {  	s3 =	simm.s32 @!p0 $0x1082;
	s9 =	sld [smem:$0x3FA4]  }
0x2f: {  	lr =	sadd.s32 s0, s3;
	s0 =	sld [smem:$0x3F9B]  }
0x30: {  	s3 =	sld [smem:$0x3F9E]  }
0x31: {  	[smem:$0x3FA7] =	sst s10  }
0x32: {  	s10 =	sld [smem:$0x3FA5];
	_ =	sdelay $0x3  }
0x33: {  	p0 =	seq.s32 s10, $0x1;
	s10 =	sld [smem:$0x3FA7];
	_ =	sdelay $0x3  }
0x34: {  	[smem:$0x3FA7] =	sst s10  }
0x35: {  	s10 =	sld [smem:$0x3FA6];
	_ =	sdelay $0x3  }
0x36: {  	p1 =	seq.s32 s10, $0x1;
	s10 =	sld [smem:$0x3FA7];
	_ =	sdelay $0x3  }
0x37: {  	[smem:$0x3FA7] =	sst s10  }
0x38: {  	s10 =	sld [smem:$0x3FA8]  }
0x39: {  	_ = 	snop;
	(pc) =	sbr.ind lr, $3  }
0x3a: {  	_ = 	snop  }
0x3b: {  	_ = 	snop  }
0x3c: {  	p2 =	seq.s32 s10, $0x1;
	s10 =	sld [smem:$0x3FA7]  }
0x3d: {  	_ =	shalt  }
0x3e: {  	_ =	shalt  }
0x3f: {  	_ =	shalt  }
0x40: {  	_ =	shalt  }
0x41: {  	_ =	shalt  }
0x42: {  	_ =	shalt  }
0x43: {  	_ =	shalt  }
0x44: {  	_ =	shalt  }
0x45: {  	_ =	shalt  }
0x46: {  	_ =	shalt  }
0x47: {  	_ =	shalt  }
0x48: {  	_ =	shalt  }
0x49: {  	_ =	shalt  }
0x4a: {  	_ =	shalt  }
0x4b: {  	_ =	shalt  }
0x4c: {  	_ =	shalt  }
0x4d: {  	_ =	shalt  }
0x4e: {  	_ =	shalt  }
0x4f: {  	_ =	shalt  }
0x50: {  	_ =	shalt  }
0x51: {  	_ =	shalt  }
0x52: {  	_ =	shalt  }
0x53: {  	_ =	shalt  }
0x54: {  	_ =	shalt  }
0x55: {  	_ =	shalt  }
0x56: {  	_ =	shalt  }
0x57: {  	_ =	shalt  }
0x58: {  	_ =	shalt  }
0x59: {  	_ =	shalt  }
0x5a: {  	_ =	shalt  }
0x5b: {  	_ =	shalt  }
0x5c: {  	_ =	shalt  }
0x5d: {  	_ =	shalt  }
0x5e: {  	_ =	shalt  }
0x5f: {  	_ =	shalt  }
0x60: {  	_ =	shalt  }
0x61: {  	_ =	shalt  }
0x62: {  	_ =	shalt  }
0x63: {  	_ =	shalt  }
0x64: {  	_ =	shalt  }
0x65: {  	_ =	shalt  }
0x66: {  	_ =	shalt  }
0x67: {  	_ =	shalt  }
0x68: {  	_ =	shalt  }
0x69: {  	_ =	shalt  }
0x6a: {  	_ =	shalt  }
0x6b: {  	_ =	shalt  }
0x6c: {  	_ =	shalt  }
0x6d: {  	_ =	shalt  }
0x6e: {  	_ =	shalt  }
0x6f: {  	_ =	shalt  }
0x70: {  	_ =	shalt  }
0x71: {  	_ =	shalt  }
0x72: {  	_ =	shalt  }
0x73: {  	_ =	shalt  }
0x74: {  	_ =	shalt  }
0x75: {  	_ =	shalt  }
0x76: {  	_ =	shalt  }
0x77: {  	_ =	shalt  }
0x78: {  	_ =	shalt  }
0x79: {  	_ =	shalt  }
0x7a: {  	_ =	shalt  }
0x7b: {  	_ =	shalt  }
0x7c: {  	_ =	shalt  }
0x7d: {  	_ =	shalt  }
0x7e: {  	_ =	shalt  }
0x7f: {  	_ =	shalt  }
0x80: {  	_ =	shalt  }
0x81: {  	_ =	shalt  }
0x82: {  	_ =	shalt  }
0x83: {  	_ =	shalt  }
0x84: {  	_ =	shalt  }
0x85: {  	_ =	shalt  }
0x86: {  	_ =	shalt  }
0x87: {  	_ =	shalt  }
.Lfunc_end0:
.L_simem_size_0:
called_computation_lowered:
.L_overlay_start_0:
0x88: {  	s2 =	sld [smem:$0x3FD9]  }
0x89: {  	s3 =	sld [smem:$0x3FFE];
	_ =	sdelay $0x1  }
0x8a: {  	s1 =	srdreg.scid  }
0x8b: {  	s0 =	sand.u32 $0x1, s1  }
0x8c: {  	s16 =	sshll.u32 s0, $0xA;
	s2 =	sadd.s32 s3, s2  }
0x8d: {  	s2 =	sadd.s32 s2, s16  }
0x8e: {  	[smem:$0x3FB3] =	sst s2  }
0x8f: {  	_ = 	snop  }
0x90: {  	(tm) =	ssettm $0x1  }
0x91: {  	s17 =	sld [smem:$0x3FFB];
	_ =	sdelay $0x3  }
0x92: {  	_ =	strace s17  }
0x93: {  	s2 =	sld [smem:$0x3FFC];
	_ =	sdelay $0x3  }
0x94: {  	_ =	strace s2  }
0x95: {  	s2 =	sld [smem:$0x3FFD];
	_ =	sdelay $0x3  }
0x96: {  	_ =	strace s2  }
0x97: {  	_ =	strace $0x8FFFFFFF  }
0x98: {  	s18 =	sld [smem:$0x3FDB];
	_ =	sdelay $0x1  }
0x99: {  	s19 =	simm.s32 $_scs_section_size  }
0x9a: {  	s4 =	simm.s32 $_size__tile_overlayer_lowered;
	s5 =	simm.s32 $_tile_overlayer_lowered  }
0x9b: {  	s22 =	simm.s32 $0x1BFF;
	s21 =	sshll.u32 s5, $0x1;
	s2 =	sadd.s32 s19, s18  }
0x9c: {  	s6 =	simm.s32 $0x0;
	s20 =	sshll.u32 s4, $0x1;
	s4 =	sadd.s32 s21, s2  }
0x9d: {  	[timem:s6], [sflag:s22] =	dma.local [hbm:s4], s20  }
0x9e: {  	_ =	swait.ge [sflag:s22], s20  }
0x9f: {  	s3 =	ssub.s32 $0x0, s20;
	[sflag:s22] =	ssyncset.done $0x0  }
0xa0: {  	[sflag:s22] =	ssyncadd.s32 s3;
	_ =	sdelay $0x1  }
0xa1: {  	s23 =	simm.s32 $0x1B8B  }
0xa2: {  	_ =	swait.ge [sflag:s23], $0x1  }
0xa3: {  	[sflag:s23] =	ssyncset.done $0x0  }
0xa4: {  	s25 =	simm.s32 $0x1B8E;
	s24 =	sld [smem:$0x3FFE];
	[sflag:s23] =	ssyncadd.s32 $0xFFFFFFFF  }
0xa5: {  	s26 =	simm.s32 $execute0_lowered;
	[smem:$0x3FD2] =	sst s25  }
0xa6: {  	s4 =	sshll.u32 s26, $0x1;
	_ =	strace $0x80000046;
	[dreg:$0x1] =	wrdreg $0xFFFFFFFF  }
0xa7: {  	s28 =	simm.s32 $_size_execute0_lowered;
	s2 =	sadd.s32 s2, s4;
	[dreg:$0x0] =	wrdreg $0x0  }
0xa8: {  	s4 =	sshll.u32 s28, $0x1;
	[dreg:$0x2] =	wrdreg s2  }
0xa9: {  	[dreg:$0x3] =	wrdreg s4  }
0xaa: {  	[dreg:$0x4] =	wrdreg $0xC0  }
0xab: {  	_ =	task [dreg:s6], $0x5FFFF  }
0xac: {  	[dreg:$0x1] =	wrdreg $0xFFFFFFFF  }
0xad: {  	[dreg:$0x0] =	wrdreg $0x60  }
0xae: {  	[dreg:$0x2] =	wrdreg s24  }
0xaf: {  	[dreg:$0x3] =	wrdreg $0x48000  }
0xb0: {  	[dreg:$0x4] =	wrdreg $0x9  }
0xb1: {  	_ =	task.clear_ibuf [dreg:s6], $0x5FFFF;
	_ =	strace $0x90000046  }
0xb2: {  	s29 =	simm.s32 $0x9;
	_ =	strace $0x80000048  }
0xb3: {  	_ =	swait.ge [sflag:s29], $0x1  }
0xb4: {  	[sflag:s29] =	ssyncadd.s32 $0xFFFFFFFF  }
0xb5: {  	_ =	strace $0x90000048  }
0xb6: {  	_ =	sfence  }
0xb7: {  	s30 =	sld [smem:$0x0];
	_ =	sdelay $0x2  }
0xb8: {  	s31 =	sshll.u32 s1, $0xD;
	s1 =	sshrl.u32 s1, $0x2  }
0xb9: {  	s3 =	sand.u32 $0x4000, s31;
	s1 =	sadd.s32 s1, s30  }
0xba: {  	s0 =	sor.u32 s3, s0;
	s1 =	sshll.u32 s1, $0x11  }
0xbb: {  	s0 =	sor.u32 s1, s0  }
0xbc: {  	s0 =	sadd.s32 $0x8F2B, s0  }
0xbd: {  	[sflag:s0] =	ssyncadd.remote.s32 $0x1  }
0xbe: {  	_ =	sfence.sel $0xFFFF  }
0xbf: {  	[dreg:$0x0] =	wrdreg $0xFFFFFFFF;
	(pc) =	sbr.abs _section_cstart, $3  }
0xc0: {  	[dreg:$0x1] =	wrdreg $0xFFFFFFFF  }
0xc1: {  	_ =	task.clear_ibuf [dreg:s6], $0x2FFFF;
	_ =	strace $0x9FFFFFFF  }
0xc2: {  	(tm) =	ssettm $0x7FFFFFFF  }
0xc3: {  	_ =	shalt  }
tec
execute0_lowered:
.L_overlay_start_1:
0x0: {  	(tag) =	ssettag $0x1  }
0x1: {  	s0 =	srdreg.scid;
	s4 =	rddreg [dreg:$0x0]  }
0x2: {  	s8 =	stileid.u32;
	s2 =	rddreg [dreg:$0x1]  }
0x3: {  	s3 =	simm.s32 $0x0;
	s18 =	simm.s32 $0x800;
	s28 =	simm.s32 $0x400  }
0x4: {  	s29 =	simm.s32 $0x480;
	s30 =	simm.s32 $0x500;
	s31 =	simm.s32 $0x580  }
0x5: {  	s0 =	sand.u32 $0x1, s0;
	s1 =	smul.u32 $0x5000, s8;
	[smem:$0x7FF] =	sst s3  }
0x6: {  	s19 =	smul.u32 $0x50000, s8;
	s6 =	sadd.s32 $0x19600, s4;
	s20 =	sadd.s32 $0x19E00, s4  }
0x7: {  	s10 =	smul.u32 $0x14000, s8;
	_ =	strace $0x80000047;
	[dreg:$0x3] =	wrdreg s6  }
0x8: {  	s5 =	smul.u32 $0x2800, s0;
	[dreg:$0x4] =	wrdreg s20;
	s21 =	ssub.s32 $0x2, s0  }
0x9: {  	s0 =	smul.u32 $0x140000, s0;
	s20 =	simm.s32 $0x80;
	s7 =	sshrl.u32 s21, $0x1  }
0xa: {  	s22 =	sadd.s32 $0x4000, s10;
	s12 =	sadd.s32 $0x8000, s10;
	s13 =	sadd.s32 $0xC000, s10  }
0xb: {  	s15 =	sadd.s32 $0x10000, s10;
	s1 =	sadd.s32 s5, s1;
	s5 =	sshrl.u32 s19, $0x2  }
0xc: {  	s11 =	ssub.s32 s21, s7;
	s7 =	sadd.s32 s22, s2;
	s8 =	sadd.s32 s12, s2  }
0xd: {  	s9 =	sadd.s32 s13, s2;
	s14 =	sadd.s32 s10, s0;
	s10 =	sadd.s32 s15, s2  }
0xe: {  	s23 =	sadd.s32 s0, s12;
	s24 =	sadd.s32 s0, s13;
	s19 =	simm.s32 $0x2  }
0xf: {  	s21 =	simm.s32 $0x100;
	s1 =	sshrl.u32 s1, $0x3;
	s6 =	sadd.s32 s5, s2  }
0x10: {  	s5 =	sadd.s32 s0, s22;
	s14 =	sshrl.u32 s14, $0x3;
	s0 =	sadd.s32 s0, s15  }
0x11: {  	s12 =	sshrl.u32 s24, $0x3;
	s26 =	smax.u32 s11, $0x1;
	s22 =	simm.s32 $0x180  }
0x12: {  	s24 =	simm.s32 $0x280;
	s11 =	simm.s32 $0x1;
	s1 =	sadd.s32 s1, s4  }
0x13: {  	s4 =	sadd.s32 $0x1A600, s4;
	s5 =	sshrl.u32 s5, $0x3;
	s0 =	sshrl.u32 s0, $0x3  }
0x14: {  	[dreg:$0xa] =	wrdreg s26;
	s26 =	simm.s32 $0x380;
	s14 =	sadd.s32 s4, s14  }
0x15: {  	s5 =	sadd.s32 s4, s5;
	s25 =	sadd.s32 s4, s12;
	[dreg:$0x5] =	wrdreg s14  }
0x16: {  	s0 =	sadd.s32 s4, s0;
	s17 =	sadd.s32 $0x5600, s1;
	[dreg:$0x6] =	wrdreg s5  }
0x17: {  	s1 =	simm.s32 $0x600;
	s12 =	simm.s32 $0x0;
	[dreg:$0x8] =	wrdreg s25  }
0x18: {  	s5 =	sshrl.u32 s23, $0x3;
	[dreg:$0x9] =	wrdreg s0;
	s23 =	simm.s32 $0x200  }
0x19: {  	s25 =	simm.s32 $0x300;
	s0 =	simm.s32 $0x680;
	s5 =	sadd.s32 s4, s5  }
0x1a: {  	s4 =	simm.s32 $0x700;
	[dreg:$0x7] =	wrdreg s5;
	s5 =	simm.s32 $0x780  }
.LBB2_1:
0x1b: {  	s13 =	rddreg [dreg:$0x3]  }
0x1c: {  	[tilespmem:s18], [sflag:$0x2] =	stream.linear.gather [hbm4b:s13+s3], $0x4000, $0x38;
	[tilespmem:$0x18800] =	vst v63  }
0x1d: {  	_ =	swait.ge [sflag:s19], $0x4000  }
0x1e: {  	[sflag:s19] =	ssyncset.done $0x0  }
0x1f: {  	[sflag:s19] =	ssyncadd.s32 $0xFFFFC000  }
0x20: {  	[spmem:s6] =	stream.linear.scatter [tilespmem:s18], [sflag:$0x2], $0x4000, $0x38;
	[tilespmem:$0x18800] =	vst v63  }
0x21: {  	_ =	swait.ge [sflag:s19], $0x4000  }
0x22: {  	[sflag:s19] =	ssyncset.done $0x0  }
0x23: {  	[sflag:s19] =	ssyncadd.s32 $0xFFFFC000  }
0x24: {  	[spmem:s7] =	stream.linear.scatter [tilespmem:s18], [sflag:$0x2], $0x4000, $0x38;
	[tilespmem:$0x18800] =	vst v63  }
0x25: {  	_ =	swait.ge [sflag:s19], $0x4000  }
0x26: {  	[sflag:s19] =	ssyncset.done $0x0  }
0x27: {  	[sflag:s19] =	ssyncadd.s32 $0xFFFFC000  }
0x28: {  	[spmem:s8] =	stream.linear.scatter [tilespmem:s18], [sflag:$0x2], $0x4000, $0x38;
	[tilespmem:$0x18800] =	vst v63  }
0x29: {  	_ =	swait.ge [sflag:s19], $0x4000  }
0x2a: {  	[sflag:s19] =	ssyncset.done $0x0  }
0x2b: {  	[sflag:s19] =	ssyncadd.s32 $0xFFFFC000  }
0x2c: {  	[spmem:s9] =	stream.linear.scatter [tilespmem:s18], [sflag:$0x2], $0x4000, $0x38;
	[tilespmem:$0x18800] =	vst v63  }
0x2d: {  	_ =	swait.ge [sflag:s19], $0x4000  }
0x2e: {  	[sflag:s19] =	ssyncset.done $0x0  }
0x2f: {  	[sflag:s19] =	ssyncadd.s32 $0xFFFFC000  }
0x30: {  	[spmem:s10] =	stream.linear.scatter [tilespmem:s18], [sflag:$0x2], $0x4000, $0x38;
	[tilespmem:$0x18800] =	vst v63  }
0x31: {  	_ =	swait.ge [sflag:s19], $0x4000  }
0x32: {  	[sflag:s19] =	ssyncset.done $0x0  }
0x33: {  	s15 =	rddreg [dreg:$0x4];
	[sflag:s19] =	ssyncadd.s32 $0xFFFFC000  }
0x34: {  	[tilespmem:s18], [sflag:$0x2] =	stream.linear.gather [hbm4b:s15+s3], $0x4000, $0x38;
	[tilespmem:$0x18800] =	vst v63  }
0x35: {  	_ =	swait.ge [sflag:s19], $0x4000  }
0x36: {  	[sflag:s19] =	ssyncset.done $0x0  }
0x37: {  	[sflag:s19] =	ssyncadd.s32 $0xFFFFC000  }
0x38: {  	s16 =	sadd.s32 $0x0, s17;
	[bflag:$0x0] =	sbarrier.arrive $0xFFFF  }
0x39: {  	[tilespmem:s3], [sflag:$0x2] =	stream.linear.gather [hbm4b:s16+s3], $0x800, $0x38;
	[tilespmem:$0x18800] =	vst v63  }
0x3a: {  	_ =	swait.ge [sflag:s19], $0x800  }
0x3b: {  	[sflag:s19] =	ssyncset.done $0x0  }
0x3c: {  	[sflag:s19] =	ssyncadd.s32 $0xFFFFF800  }
0x3d: {  	[spmem:s2] =	stream.indirect.scatter.add.f32 [tilespmem:s18], [sflag:$0x1], $0x80, s3, s20, $0xb8;
	[tilespmem:$0x18800] =	vst v63  }
0x3e: {  	_ = 	snop  }
0x3f: {  	[spmem:s2] =	stream.indirect.scatter.add.f32 [tilespmem:s18], [sflag:$0x1], $0x80, s20, s20, $0xb8;
	[tilespmem:$0x18800] =	vst v63  }
0x40: {  	_ = 	snop  }
0x41: {  	[spmem:s2] =	stream.indirect.scatter.add.f32 [tilespmem:s18], [sflag:$0x1], $0x80, s21, s20, $0xb8;
	[tilespmem:$0x18800] =	vst v63  }
0x42: {  	_ = 	snop  }
0x43: {  	[spmem:s2] =	stream.indirect.scatter.add.f32 [tilespmem:s18], [sflag:$0x1], $0x80, s22, s20, $0xb8;
	[tilespmem:$0x18800] =	vst v63  }
0x44: {  	_ = 	snop  }
0x45: {  	[spmem:s2] =	stream.indirect.scatter.add.f32 [tilespmem:s18], [sflag:$0x1], $0x80, s23, s20, $0xb8;
	[tilespmem:$0x18800] =	vst v63  }
0x46: {  	_ = 	snop  }
0x47: {  	[spmem:s2] =	stream.indirect.scatter.add.f32 [tilespmem:s18], [sflag:$0x1], $0x80, s24, s20, $0xb8;
	[tilespmem:$0x18800] =	vst v63  }
0x48: {  	_ = 	snop  }
0x49: {  	[spmem:s2] =	stream.indirect.scatter.add.f32 [tilespmem:s18], [sflag:$0x1], $0x80, s25, s20, $0xb8;
	[tilespmem:$0x18800] =	vst v63  }
0x4a: {  	_ = 	snop  }
0x4b: {  	[spmem:s2] =	stream.indirect.scatter.add.f32 [tilespmem:s18], [sflag:$0x1], $0x80, s26, s20, $0xb8;
	[tilespmem:$0x18800] =	vst v63  }
0x4c: {  	_ = 	snop  }
0x4d: {  	[spmem:s2] =	stream.indirect.scatter.add.f32 [tilespmem:s18], [sflag:$0x1], $0x80, s28, s20, $0xb8;
	[tilespmem:$0x18800] =	vst v63  }
0x4e: {  	_ = 	snop  }
0x4f: {  	[spmem:s2] =	stream.indirect.scatter.add.f32 [tilespmem:s18], [sflag:$0x1], $0x80, s29, s20, $0xb8;
	[tilespmem:$0x18800] =	vst v63  }
0x50: {  	_ = 	snop  }
0x51: {  	[spmem:s2] =	stream.indirect.scatter.add.f32 [tilespmem:s18], [sflag:$0x1], $0x80, s30, s20, $0xb8;
	[tilespmem:$0x18800] =	vst v63  }
0x52: {  	_ = 	snop  }
0x53: {  	[spmem:s2] =	stream.indirect.scatter.add.f32 [tilespmem:s18], [sflag:$0x1], $0x80, s31, s20, $0xb8;
	[tilespmem:$0x18800] =	vst v63  }
0x54: {  	_ = 	snop  }
0x55: {  	[spmem:s2] =	stream.indirect.scatter.add.f32 [tilespmem:s18], [sflag:$0x1], $0x80, s1, s20, $0xb8;
	[tilespmem:$0x18800] =	vst v63  }
0x56: {  	_ = 	snop  }
0x57: {  	[spmem:s2] =	stream.indirect.scatter.add.f32 [tilespmem:s18], [sflag:$0x1], $0x80, s0, s20, $0xb8;
	[tilespmem:$0x18800] =	vst v63  }
0x58: {  	_ = 	snop  }
0x59: {  	[spmem:s2] =	stream.indirect.scatter.add.f32 [tilespmem:s18], [sflag:$0x1], $0x80, s4, s20, $0xb8;
	[tilespmem:$0x18800] =	vst v63  }
0x5a: {  	_ = 	snop  }
0x5b: {  	[spmem:s2] =	stream.indirect.scatter.add.f32 [tilespmem:s18], [sflag:$0x1], $0x80, s5, s20, $0xb8;
	[tilespmem:$0x18800] =	vst v63  }
0x5c: {  	_ =	swait.ge [sflag:s11], $0x4000  }
0x5d: {  	[sflag:s11] =	ssyncset.done $0x0  }
0x5e: {  	[sflag:s11] =	ssyncadd.s32 $0xFFFFC000  }
0x5f: {  	_ =	swait.ge [sflag:s11], $0x4000  }
0x60: {  	[sflag:s11] =	ssyncset.done $0x0  }
0x61: {  	[sflag:s11] =	ssyncadd.s32 $0xFFFFC000  }
0x62: {  	_ =	swait.ge [sflag:s11], $0x4000  }
0x63: {  	[sflag:s11] =	ssyncset.done $0x0  }
0x64: {  	[sflag:s11] =	ssyncadd.s32 $0xFFFFC000  }
0x65: {  	_ =	swait.ge [sflag:s11], $0x4000  }
0x66: {  	[sflag:s11] =	ssyncset.done $0x0  }
0x67: {  	[sflag:s11] =	ssyncadd.s32 $0xFFFFC000  }
0x68: {  	_ =	swait.ge [sflag:s11], $0x4000  }
0x69: {  	[sflag:s11] =	ssyncset.done $0x0  }
0x6a: {  	[sflag:s11] =	ssyncadd.s32 $0xFFFFC000  }
0x6b: {  	_ =	swait.ge [sflag:s11], $0x4000  }
0x6c: {  	[sflag:s11] =	ssyncset.done $0x0  }
0x6d: {  	[sflag:s11] =	ssyncadd.s32 $0xFFFFC000  }
0x6e: {  	_ =	swait.ge [sflag:s11], $0x4000  }
0x6f: {  	[sflag:s11] =	ssyncset.done $0x0  }
0x70: {  	[sflag:s11] =	ssyncadd.s32 $0xFFFFC000  }
0x71: {  	_ =	swait.ge [sflag:s11], $0x4000  }
0x72: {  	[sflag:s11] =	ssyncset.done $0x0  }
0x73: {  	[sflag:s11] =	ssyncadd.s32 $0xFFFFC000  }
0x74: {  	_ =	swait.ge [sflag:s11], $0x4000  }
0x75: {  	[sflag:s11] =	ssyncset.done $0x0  }
0x76: {  	[sflag:s11] =	ssyncadd.s32 $0xFFFFC000  }
0x77: {  	_ =	swait.ge [sflag:s11], $0x4000  }
0x78: {  	[sflag:s11] =	ssyncset.done $0x0  }
0x79: {  	[sflag:s11] =	ssyncadd.s32 $0xFFFFC000  }
0x7a: {  	_ =	swait.ge [sflag:s11], $0x4000  }
0x7b: {  	[sflag:s11] =	ssyncset.done $0x0  }
0x7c: {  	[sflag:s11] =	ssyncadd.s32 $0xFFFFC000  }
0x7d: {  	_ =	swait.ge [sflag:s11], $0x4000  }
0x7e: {  	[sflag:s11] =	ssyncset.done $0x0  }
0x7f: {  	[sflag:s11] =	ssyncadd.s32 $0xFFFFC000  }
0x80: {  	_ =	swait.ge [sflag:s11], $0x4000  }
0x81: {  	[sflag:s11] =	ssyncset.done $0x0  }
0x82: {  	[sflag:s11] =	ssyncadd.s32 $0xFFFFC000  }
0x83: {  	_ =	swait.ge [sflag:s11], $0x4000  }
0x84: {  	[sflag:s11] =	ssyncset.done $0x0  }
0x85: {  	[sflag:s11] =	ssyncadd.s32 $0xFFFFC000  }
0x86: {  	_ =	swait.ge [sflag:s11], $0x4000  }
0x87: {  	[sflag:s11] =	ssyncset.done $0x0  }
0x88: {  	[sflag:s11] =	ssyncadd.s32 $0xFFFFC000  }
0x89: {  	_ =	swait.ge [sflag:s11], $0x4000  }
0x8a: {  	s14 =	simm.s32 $0x200;
	s13 =	simm.s32 $0x100;
	[sflag:s11] =	ssyncset.done $0x0  }
.LBB2_2:
0x8b: {  	s16 =	sadd.s32 s13, s17  }
0x8c: {  	[sflag:s11] =	ssyncadd.s32 $0xFFFFC000;
	s13 =	smov.u32 s14;
	s15 =	sadd.s32 $0x100, s14  }
0x8d: {  	[tilespmem:s3], [sflag:$0x2] =	stream.linear.gather [hbm4b:s16+s3], $0x800, $0x38;
	[tilespmem:$0x18800] =	vst v63  }
0x8e: {  	p0 =	sne.s32 s14, $0x400;
	_ =	swait.ge [sflag:s19], $0x800  }
0x8f: {  	[sflag:s19] =	ssyncset.done $0x0  }
0x90: {  	[sflag:s19] =	ssyncadd.s32 $0xFFFFF800  }
0x91: {  	[spmem:s2] =	stream.indirect.scatter.add.f32 [tilespmem:s18], [sflag:$0x1], $0x80, s3, s20, $0xb8;
	[tilespmem:$0x18800] =	vst v63  }
0x92: {  	_ = 	snop  }
0x93: {  	[spmem:s2] =	stream.indirect.scatter.add.f32 [tilespmem:s18], [sflag:$0x1], $0x80, s20, s20, $0xb8;
	[tilespmem:$0x18800] =	vst v63  }
0x94: {  	_ = 	snop  }
0x95: {  	[spmem:s2] =	stream.indirect.scatter.add.f32 [tilespmem:s18], [sflag:$0x1], $0x80, s21, s20, $0xb8;
	[tilespmem:$0x18800] =	vst v63  }
0x96: {  	_ = 	snop  }
0x97: {  	[spmem:s2] =	stream.indirect.scatter.add.f32 [tilespmem:s18], [sflag:$0x1], $0x80, s22, s20, $0xb8;
	[tilespmem:$0x18800] =	vst v63  }
0x98: {  	_ = 	snop  }
0x99: {  	[spmem:s2] =	stream.indirect.scatter.add.f32 [tilespmem:s18], [sflag:$0x1], $0x80, s23, s20, $0xb8;
	[tilespmem:$0x18800] =	vst v63  }
0x9a: {  	_ = 	snop  }
0x9b: {  	[spmem:s2] =	stream.indirect.scatter.add.f32 [tilespmem:s18], [sflag:$0x1], $0x80, s24, s20, $0xb8;
	[tilespmem:$0x18800] =	vst v63  }
0x9c: {  	_ = 	snop  }
0x9d: {  	[spmem:s2] =	stream.indirect.scatter.add.f32 [tilespmem:s18], [sflag:$0x1], $0x80, s25, s20, $0xb8;
	[tilespmem:$0x18800] =	vst v63  }
0x9e: {  	_ = 	snop  }
0x9f: {  	[spmem:s2] =	stream.indirect.scatter.add.f32 [tilespmem:s18], [sflag:$0x1], $0x80, s26, s20, $0xb8;
	[tilespmem:$0x18800] =	vst v63  }
0xa0: {  	_ = 	snop  }
0xa1: {  	[spmem:s2] =	stream.indirect.scatter.add.f32 [tilespmem:s18], [sflag:$0x1], $0x80, s28, s20, $0xb8;
	[tilespmem:$0x18800] =	vst v63  }
0xa2: {  	_ = 	snop  }
0xa3: {  	[spmem:s2] =	stream.indirect.scatter.add.f32 [tilespmem:s18], [sflag:$0x1], $0x80, s29, s20, $0xb8;
	[tilespmem:$0x18800] =	vst v63  }
0xa4: {  	_ = 	snop  }
0xa5: {  	[spmem:s2] =	stream.indirect.scatter.add.f32 [tilespmem:s18], [sflag:$0x1], $0x80, s30, s20, $0xb8;
	[tilespmem:$0x18800] =	vst v63  }
0xa6: {  	_ = 	snop  }
0xa7: {  	[spmem:s2] =	stream.indirect.scatter.add.f32 [tilespmem:s18], [sflag:$0x1], $0x80, s31, s20, $0xb8;
	[tilespmem:$0x18800] =	vst v63  }
0xa8: {  	_ = 	snop  }
0xa9: {  	[spmem:s2] =	stream.indirect.scatter.add.f32 [tilespmem:s18], [sflag:$0x1], $0x80, s1, s20, $0xb8;
	[tilespmem:$0x18800] =	vst v63  }
0xaa: {  	_ = 	snop  }
0xab: {  	[spmem:s2] =	stream.indirect.scatter.add.f32 [tilespmem:s18], [sflag:$0x1], $0x80, s0, s20, $0xb8;
	[tilespmem:$0x18800] =	vst v63  }
0xac: {  	_ = 	snop  }
0xad: {  	[spmem:s2] =	stream.indirect.scatter.add.f32 [tilespmem:s18], [sflag:$0x1], $0x80, s4, s20, $0xb8;
	[tilespmem:$0x18800] =	vst v63  }
0xae: {  	_ = 	snop  }
0xaf: {  	[spmem:s2] =	stream.indirect.scatter.add.f32 [tilespmem:s18], [sflag:$0x1], $0x80, s5, s20, $0xb8;
	[tilespmem:$0x18800] =	vst v63  }
0xb0: {  	_ =	swait.ge [sflag:s11], $0x4000  }
0xb1: {  	[sflag:s11] =	ssyncset.done $0x0  }
0xb2: {  	[sflag:s11] =	ssyncadd.s32 $0xFFFFC000  }
0xb3: {  	_ =	swait.ge [sflag:s11], $0x4000  }
0xb4: {  	[sflag:s11] =	ssyncset.done $0x0  }
0xb5: {  	[sflag:s11] =	ssyncadd.s32 $0xFFFFC000  }
0xb6: {  	_ =	swait.ge [sflag:s11], $0x4000  }
0xb7: {  	[sflag:s11] =	ssyncset.done $0x0  }
0xb8: {  	[sflag:s11] =	ssyncadd.s32 $0xFFFFC000  }
0xb9: {  	_ =	swait.ge [sflag:s11], $0x4000  }
0xba: {  	[sflag:s11] =	ssyncset.done $0x0  }
0xbb: {  	[sflag:s11] =	ssyncadd.s32 $0xFFFFC000  }
0xbc: {  	_ =	swait.ge [sflag:s11], $0x4000  }
0xbd: {  	[sflag:s11] =	ssyncset.done $0x0  }
0xbe: {  	[sflag:s11] =	ssyncadd.s32 $0xFFFFC000  }
0xbf: {  	_ =	swait.ge [sflag:s11], $0x4000  }
0xc0: {  	[sflag:s11] =	ssyncset.done $0x0  }
0xc1: {  	[sflag:s11] =	ssyncadd.s32 $0xFFFFC000  }
0xc2: {  	_ =	swait.ge [sflag:s11], $0x4000  }
0xc3: {  	[sflag:s11] =	ssyncset.done $0x0  }
0xc4: {  	[sflag:s11] =	ssyncadd.s32 $0xFFFFC000  }
0xc5: {  	_ =	swait.ge [sflag:s11], $0x4000  }
0xc6: {  	[sflag:s11] =	ssyncset.done $0x0  }
0xc7: {  	[sflag:s11] =	ssyncadd.s32 $0xFFFFC000  }
0xc8: {  	_ =	swait.ge [sflag:s11], $0x4000  }
0xc9: {  	[sflag:s11] =	ssyncset.done $0x0  }
0xca: {  	[sflag:s11] =	ssyncadd.s32 $0xFFFFC000  }
0xcb: {  	_ =	swait.ge [sflag:s11], $0x4000  }
0xcc: {  	[sflag:s11] =	ssyncset.done $0x0  }
0xcd: {  	[sflag:s11] =	ssyncadd.s32 $0xFFFFC000  }
0xce: {  	_ =	swait.ge [sflag:s11], $0x4000  }
0xcf: {  	[sflag:s11] =	ssyncset.done $0x0  }
0xd0: {  	[sflag:s11] =	ssyncadd.s32 $0xFFFFC000  }
0xd1: {  	_ =	swait.ge [sflag:s11], $0x4000  }
0xd2: {  	[sflag:s11] =	ssyncset.done $0x0  }
0xd3: {  	[sflag:s11] =	ssyncadd.s32 $0xFFFFC000  }
0xd4: {  	_ =	swait.ge [sflag:s11], $0x4000  }
0xd5: {  	[sflag:s11] =	ssyncset.done $0x0  }
0xd6: {  	[sflag:s11] =	ssyncadd.s32 $0xFFFFC000  }
0xd7: {  	_ =	swait.ge [sflag:s11], $0x4000  }
0xd8: {  	[sflag:s11] =	ssyncset.done $0x0  }
0xd9: {  	[sflag:s11] =	ssyncadd.s32 $0xFFFFC000  }
.Ltmp0:
0xda: {  	_ =	swait.ge [sflag:s11], $0x4000;
	(pc) =	sbr.rel @p0 .LBB2_2-.Ltmp0, $4  }
0xdb: {  	[sflag:s11] =	ssyncset.done $0x0  }
0xdc: {  	[sflag:s11] =	ssyncadd.s32 $0xFFFFC000  }
0xdd: {  	_ =	swait.ge [sflag:s11], $0x4000  }
0xde: {  	s14 =	smov.u32 s15;
	[sflag:s11] =	ssyncset.done $0x0  }
0xdf: {  	s13 =	sadd.s32 s13, s17;
	[sflag:s11] =	ssyncadd.s32 $0xFFFFC000  }
0xe0: {  	[tilespmem:s3], [sflag:$0x2] =	stream.linear.gather [hbm4b:s13+s3], $0x800, $0x38;
	[tilespmem:$0x18800] =	vst v63  }
0xe1: {  	_ =	swait.ge [sflag:s19], $0x800  }
0xe2: {  	[sflag:s19] =	ssyncset.done $0x0  }
0xe3: {  	[sflag:s19] =	ssyncadd.s32 $0xFFFFF800  }
0xe4: {  	[spmem:s2] =	stream.indirect.scatter.add.f32 [tilespmem:s18], [sflag:$0x1], $0x80, s3, s20, $0xb8;
	[tilespmem:$0x18800] =	vst v63  }
0xe5: {  	_ = 	snop  }
0xe6: {  	[spmem:s2] =	stream.indirect.scatter.add.f32 [tilespmem:s18], [sflag:$0x1], $0x80, s20, s20, $0xb8;
	[tilespmem:$0x18800] =	vst v63  }
0xe7: {  	_ = 	snop  }
0xe8: {  	[spmem:s2] =	stream.indirect.scatter.add.f32 [tilespmem:s18], [sflag:$0x1], $0x80, s21, s20, $0xb8;
	[tilespmem:$0x18800] =	vst v63  }
0xe9: {  	_ = 	snop  }
0xea: {  	[spmem:s2] =	stream.indirect.scatter.add.f32 [tilespmem:s18], [sflag:$0x1], $0x80, s22, s20, $0xb8;
	[tilespmem:$0x18800] =	vst v63  }
0xeb: {  	_ = 	snop  }
0xec: {  	[spmem:s2] =	stream.indirect.scatter.add.f32 [tilespmem:s18], [sflag:$0x1], $0x80, s23, s20, $0xb8;
	[tilespmem:$0x18800] =	vst v63  }
0xed: {  	_ = 	snop  }
0xee: {  	[spmem:s2] =	stream.indirect.scatter.add.f32 [tilespmem:s18], [sflag:$0x1], $0x80, s24, s20, $0xb8;
	[tilespmem:$0x18800] =	vst v63  }
0xef: {  	_ = 	snop  }
0xf0: {  	[spmem:s2] =	stream.indirect.scatter.add.f32 [tilespmem:s18], [sflag:$0x1], $0x80, s25, s20, $0xb8;
	[tilespmem:$0x18800] =	vst v63  }
0xf1: {  	_ = 	snop  }
0xf2: {  	[spmem:s2] =	stream.indirect.scatter.add.f32 [tilespmem:s18], [sflag:$0x1], $0x80, s26, s20, $0xb8;
	[tilespmem:$0x18800] =	vst v63  }
0xf3: {  	_ = 	snop  }
0xf4: {  	[spmem:s2] =	stream.indirect.scatter.add.f32 [tilespmem:s18], [sflag:$0x1], $0x80, s28, s20, $0xb8;
	[tilespmem:$0x18800] =	vst v63  }
0xf5: {  	_ = 	snop  }
0xf6: {  	[spmem:s2] =	stream.indirect.scatter.add.f32 [tilespmem:s18], [sflag:$0x1], $0x80, s29, s20, $0xb8;
	[tilespmem:$0x18800] =	vst v63  }
0xf7: {  	_ = 	snop  }
0xf8: {  	[spmem:s2] =	stream.indirect.scatter.add.f32 [tilespmem:s18], [sflag:$0x1], $0x80, s30, s20, $0xb8;
	[tilespmem:$0x18800] =	vst v63  }
0xf9: {  	_ = 	snop  }
0xfa: {  	[spmem:s2] =	stream.indirect.scatter.add.f32 [tilespmem:s18], [sflag:$0x1], $0x80, s31, s20, $0xb8;
	[tilespmem:$0x18800] =	vst v63  }
0xfb: {  	_ = 	snop  }
0xfc: {  	[spmem:s2] =	stream.indirect.scatter.add.f32 [tilespmem:s18], [sflag:$0x1], $0x80, s1, s20, $0xb8;
	[tilespmem:$0x18800] =	vst v63  }
0xfd: {  	_ = 	snop  }
0xfe: {  	[spmem:s2] =	stream.indirect.scatter.add.f32 [tilespmem:s18], [sflag:$0x1], $0x80, s0, s20, $0xb8;
	[tilespmem:$0x18800] =	vst v63  }
0xff: {  	_ = 	snop  }
0x100: {  	[spmem:s2] =	stream.indirect.scatter.add.f32 [tilespmem:s18], [sflag:$0x1], $0x80, s4, s20, $0xb8;
	[tilespmem:$0x18800] =	vst v63  }
0x101: {  	_ = 	snop  }
0x102: {  	[spmem:s2] =	stream.indirect.scatter.add.f32 [tilespmem:s18], [sflag:$0x1], $0x80, s5, s20, $0xb8;
	[tilespmem:$0x18800] =	vst v63  }
0x103: {  	_ =	swait.ge [sflag:s11], $0x4000  }
0x104: {  	[sflag:s11] =	ssyncset.done $0x0  }
0x105: {  	[sflag:s11] =	ssyncadd.s32 $0xFFFFC000  }
0x106: {  	_ =	swait.ge [sflag:s11], $0x4000  }
0x107: {  	[sflag:s11] =	ssyncset.done $0x0  }
0x108: {  	[sflag:s11] =	ssyncadd.s32 $0xFFFFC000  }
0x109: {  	_ =	swait.ge [sflag:s11], $0x4000  }
0x10a: {  	[sflag:s11] =	ssyncset.done $0x0  }
0x10b: {  	[sflag:s11] =	ssyncadd.s32 $0xFFFFC000  }
0x10c: {  	_ =	swait.ge [sflag:s11], $0x4000  }
0x10d: {  	[sflag:s11] =	ssyncset.done $0x0  }
0x10e: {  	[sflag:s11] =	ssyncadd.s32 $0xFFFFC000  }
0x10f: {  	_ =	swait.ge [sflag:s11], $0x4000  }
0x110: {  	[sflag:s11] =	ssyncset.done $0x0  }
0x111: {  	[sflag:s11] =	ssyncadd.s32 $0xFFFFC000  }
0x112: {  	_ =	swait.ge [sflag:s11], $0x4000  }
0x113: {  	[sflag:s11] =	ssyncset.done $0x0  }
0x114: {  	[sflag:s11] =	ssyncadd.s32 $0xFFFFC000  }
0x115: {  	_ =	swait.ge [sflag:s11], $0x4000  }
0x116: {  	[sflag:s11] =	ssyncset.done $0x0  }
0x117: {  	[sflag:s11] =	ssyncadd.s32 $0xFFFFC000  }
0x118: {  	_ =	swait.ge [sflag:s11], $0x4000  }
0x119: {  	[sflag:s11] =	ssyncset.done $0x0  }
0x11a: {  	[sflag:s11] =	ssyncadd.s32 $0xFFFFC000  }
0x11b: {  	_ =	swait.ge [sflag:s11], $0x4000  }
0x11c: {  	[sflag:s11] =	ssyncset.done $0x0  }
0x11d: {  	[sflag:s11] =	ssyncadd.s32 $0xFFFFC000  }
0x11e: {  	_ =	swait.ge [sflag:s11], $0x4000  }
0x11f: {  	[sflag:s11] =	ssyncset.done $0x0  }
0x120: {  	[sflag:s11] =	ssyncadd.s32 $0xFFFFC000  }
0x121: {  	_ =	swait.ge [sflag:s11], $0x4000  }
0x122: {  	[sflag:s11] =	ssyncset.done $0x0  }
0x123: {  	[sflag:s11] =	ssyncadd.s32 $0xFFFFC000  }
0x124: {  	_ =	swait.ge [sflag:s11], $0x4000  }
0x125: {  	[sflag:s11] =	ssyncset.done $0x0  }
0x126: {  	[sflag:s11] =	ssyncadd.s32 $0xFFFFC000  }
0x127: {  	_ =	swait.ge [sflag:s11], $0x4000  }
0x128: {  	[sflag:s11] =	ssyncset.done $0x0  }
0x129: {  	[sflag:s11] =	ssyncadd.s32 $0xFFFFC000  }
0x12a: {  	_ =	swait.ge [sflag:s11], $0x4000  }
0x12b: {  	[sflag:s11] =	ssyncset.done $0x0  }
0x12c: {  	[sflag:s11] =	ssyncadd.s32 $0xFFFFC000  }
0x12d: {  	_ =	swait.ge [sflag:s11], $0x4000  }
0x12e: {  	[sflag:s11] =	ssyncset.done $0x0  }
0x12f: {  	[sflag:s11] =	ssyncadd.s32 $0xFFFFC000  }
0x130: {  	_ =	swait.ge [sflag:s11], $0x4000  }
0x131: {  	[sflag:s11] =	ssyncset.done $0x0  }
0x132: {  	[sflag:s11] =	ssyncadd.s32 $0xFFFFC000  }
0x133: {  	[bflag:$0x0] =	sbarrier.arrive $0xFFFF  }
0x134: {  	[tilespmem:s18], [sflag:$0x2] =	stream.linear.gather [spmem:s6], $0x4000, $0x38;
	[tilespmem:$0x18800] =	vst v63  }
0x135: {  	_ =	swait.ge [sflag:s19], $0x4000  }
0x136: {  	[sflag:s19] =	ssyncset.done $0x0  }
0x137: {  	s14 =	rddreg [dreg:$0x5];
	[sflag:s19] =	ssyncadd.s32 $0xFFFFC000  }
0x138: {  	[hbm4b:s14+s3] =	stream.linear.scatter [tilespmem:s18], [sflag:$0x2], $0x4000, $0x38;
	[tilespmem:$0x18800] =	vst v63  }
0x139: {  	_ =	swait.ge [sflag:s19], $0x4000  }
0x13a: {  	[sflag:s19] =	ssyncset.done $0x0  }
0x13b: {  	[sflag:s19] =	ssyncadd.s32 $0xFFFFC000  }
0x13c: {  	[tilespmem:s18], [sflag:$0x2] =	stream.linear.gather [spmem:s7], $0x4000, $0x38;
	[tilespmem:$0x18800] =	vst v63  }
0x13d: {  	_ =	swait.ge [sflag:s19], $0x4000  }
0x13e: {  	[sflag:s19] =	ssyncset.done $0x0  }
0x13f: {  	s15 =	rddreg [dreg:$0x6];
	[sflag:s19] =	ssyncadd.s32 $0xFFFFC000  }
0x140: {  	[hbm4b:s15+s3] =	stream.linear.scatter [tilespmem:s18], [sflag:$0x2], $0x4000, $0x38;
	[tilespmem:$0x18800] =	vst v63  }
0x141: {  	_ =	swait.ge [sflag:s19], $0x4000  }
0x142: {  	[sflag:s19] =	ssyncset.done $0x0  }
0x143: {  	[sflag:s19] =	ssyncadd.s32 $0xFFFFC000  }
0x144: {  	[tilespmem:s18], [sflag:$0x2] =	stream.linear.gather [spmem:s8], $0x4000, $0x38;
	[tilespmem:$0x18800] =	vst v63  }
0x145: {  	_ =	swait.ge [sflag:s19], $0x4000  }
0x146: {  	[sflag:s19] =	ssyncset.done $0x0  }
0x147: {  	s16 =	rddreg [dreg:$0x7];
	[sflag:s19] =	ssyncadd.s32 $0xFFFFC000  }
0x148: {  	[hbm4b:s16+s3] =	stream.linear.scatter [tilespmem:s18], [sflag:$0x2], $0x4000, $0x38;
	[tilespmem:$0x18800] =	vst v63  }
0x149: {  	_ =	swait.ge [sflag:s19], $0x4000  }
0x14a: {  	[sflag:s19] =	ssyncset.done $0x0  }
0x14b: {  	[sflag:s19] =	ssyncadd.s32 $0xFFFFC000  }
0x14c: {  	[tilespmem:s18], [sflag:$0x2] =	stream.linear.gather [spmem:s9], $0x4000, $0x38;
	[tilespmem:$0x18800] =	vst v63  }
0x14d: {  	_ =	swait.ge [sflag:s19], $0x4000  }
0x14e: {  	[sflag:s19] =	ssyncset.done $0x0  }
0x14f: {  	s14 =	rddreg [dreg:$0x8];
	[sflag:s19] =	ssyncadd.s32 $0xFFFFC000  }
0x150: {  	[hbm4b:s14+s3] =	stream.linear.scatter [tilespmem:s18], [sflag:$0x2], $0x4000, $0x38;
	[tilespmem:$0x18800] =	vst v63  }
0x151: {  	_ =	swait.ge [sflag:s19], $0x4000  }
0x152: {  	[sflag:s19] =	ssyncset.done $0x0  }
0x153: {  	[sflag:s19] =	ssyncadd.s32 $0xFFFFC000  }
0x154: {  	[tilespmem:s18], [sflag:$0x2] =	stream.linear.gather [spmem:s10], $0x4000, $0x38;
	[tilespmem:$0x18800] =	vst v63  }
0x155: {  	_ =	swait.ge [sflag:s19], $0x4000  }
0x156: {  	[sflag:s19] =	ssyncset.done $0x0  }
0x157: {  	s15 =	rddreg [dreg:$0x9];
	[sflag:s19] =	ssyncadd.s32 $0xFFFFC000  }
0x158: {  	[hbm4b:s15+s3] =	stream.linear.scatter [tilespmem:s18], [sflag:$0x2], $0x4000, $0x38;
	[tilespmem:$0x18800] =	vst v63  }
0x159: {  	_ =	swait.ge [sflag:s19], $0x4000  }
0x15a: {  	s12 =	sadd.s32 $0x1, s12;
	s16 =	rddreg [dreg:$0xa]  }
0x15b: {  	p0 =	sne.s32 s12, s16  }
.Ltmp1:
0x15c: {  	_ = 	snop;
	(pc) =	sbr.rel @p0 .LBB2_1-.Ltmp1, $3  }
0x15d: {  	_ =	sdelay $0x1  }
0x15e: {  	[sflag:s19] =	ssyncset.done $0x0  }
0x15f: {  	[sflag:s19] =	ssyncadd.s32 $0xFFFFC000  }
0x160: {  	_ =	sfence.sel $0x180000  }
0x161: {  	[bflag:$0x0] =	sbarrier.arrive $0xFFFF  }
0x162: {  	_ =	strace $0x90000047  }
0x163: {  	s0 =	stileid.u32;
	[bflag:$0x2] =	sbarrier.arrive $0xFFFF  }
0x164: {  	p0 =	sne.s32 s0, $0x0;
	s0 =	rddreg [dreg:$0x2]  }
0x165: {  	s0 =	sadd.s32 @!p0 $0x100000, s0  }
0x166: {  	[sflag:s0] =	ssyncadd.tile.s32 @!p0 $0x1;
	_ =	shalt  }
.Lfunc_end2:
_tile_overlayer_lowered:
.L_overlay_start_2:
0x167: {  	(tag) =	ssettag $0x2  }
0x168: {  	s0 =	rddreg [dreg:$0x0];
	s2 =	stileid.u32  }
0x169: {  	s1 =	rddreg [dreg:$0x1];
	p0 =	sne.s32 s2, $0x0  }
0x16a: {  	s3 =	rddreg [dreg:$0x2];
	[bflag:$0x3] =	sbarrier.arrive $0xFFFF;
	s2 =	simm.s32 @!p0 $0x1C02  }
0x16b: {  	[timem:s3], [sflag:s2] =	dma.local @!p0 [hbm:s0], s1  }
0x16c: {  	s0 =	simm.s32 @!p0 $0x2  }
0x16d: {  	_ =	swait.ge @!p0 [sflag:s0], s1  }
0x16e: {  	s1 =	ssub.s32 @!p0 $0x0, s1;
	[sflag:s0] =	ssyncset.done @!p0 $0x0  }
0x16f: {  	[sflag:s0] =	ssyncadd.s32 @!p0 s1  }
0x170: {  	[bflag:$0x3] =	sbarrier.arrive $0xFFFF  }
0x171: {  	_ =	shalt  }

// kernel: kernel.18.cloned.1.call-start
scs
__scs_entry_jumppad:
0x0: {  	(pc) =	sbr.rel $0x88, $3  }
0x1: {  	(tag) =	ssettag $0x0;
	lr =	simm.s32 $0x1  }
0x2: {  	[smem:$0x3F8C] =	sst lr;
	_ =	strace $0xD0000000  }
0x3: {  	_ = 	snop  }
0x4: {  	_ = 	snop  }
0x5: {  	_ = 	snop  }
0x6: {  	_ = 	snop  }
0x7: {  	_ = 	snop  }
__scs_overlays_trampoline_lowered:
0x8: {  	[smem:$0x3F9B] =	sst s0  }
0x9: {  	[smem:$0x3F9C] =	sst s1  }
0xa: {  	[smem:$0x3F9D] =	sst s2  }
0xb: {  	[smem:$0x3F9E] =	sst s3  }
0xc: {  	[smem:$0x3F9F] =	sst s4  }
0xd: {  	[smem:$0x3FA0] =	sst s5  }
0xe: {  	[smem:$0x3FA1] =	sst s6  }
0xf: {  	[smem:$0x3FA2] =	sst s7  }
0x10: {  	[smem:$0x3FA3] =	sst s8  }
0x11: {  	[smem:$0x3FA4] =	sst s9;
	s0 =	simm.s32 @!p0 $0x0  }
0x12: {  	s1 =	sld [smem:$0x3F8A];
	s0 =	simm.s32 @p0 $0x1  }
0x13: {  	[smem:$0x3FA5] =	sst s0;
	s0 =	simm.s32 @!p1 $0x0  }
0x14: {  	s2 =	sld [smem:$0x3F89];
	s0 =	simm.s32 @p1 $0x1  }
0x15: {  	[smem:$0x3FA6] =	sst s0;
	s0 =	simm.s32 @!p2 $0x0  }
0x16: {  	s3 =	sld [smem:$0x3FDB];
	s0 =	simm.s32 @p2 $0x1  }
0x17: {  	s4 =	simm.s32 $0x1BF5;
	[smem:$0x3FA8] =	sst s0  }
0x18: {  	s0 =	sld [smem:$0x3F8B];
	_ =	swait.ge [sflag:s4], $0x0  }
0x19: {  	s7 =	sld [smem:$0x3F8C]  }
0x1a: {  	s8 =	sadd.s32 $0xFFFFE003, lr  }
0x1b: {  	s9 =	sadd.s32 $0xFFFFFEF7, lr;
	s5 =	simm.s32 $0xFFFFFFFF;
	p2 =	slt.u32 s8, $0xFFFFF086  }
0x1c: {  	p1 =	slt.u32 s9, $0xF7A;
	s5 =	simm.s32 @!p2 $0x0  }
0x1d: {  	s5 =	simm.s32 @p1 $0x1;
	p0 =	seq.s32 s7, s2  }
0x1e: {  	s7 =	smul.u32 @!p0 $0xF7A, s2;
	p2 =	seq.s32 @!p0 s5, $0x0  }
0x1f: {  	s9 =	smul.u32 $0xF7A, s1;
	s8 =	simm.s32 @!p0 $0x1BF5;
	p2 =	por !p2, p0  }
0x20: {  	[sflag:s8] =	ssyncset.s32 @!p0 $0xFFFFF086;
	s6 =	sadd.s32 @!p0 s3, s7;
	s7 =	simm.s32 @!p0 $0x108  }
0x21: {  	s3 =	sadd.s32 s3, s9;
	s6 =	sadd.s32 @!p0 $0x88, s6;
	s7 =	simm.s32 @p2 $0x1082  }
0x22: {  	[simem:s7], [sflag:s8] =	dma.local @!p0 [hbm:s6], $0xF7A  }
0x23: {  	s9 =	sor.u32 $0xD0000000, s2;
	s6 =	simm.s32 $0x108;
	_ =	swait.ge @!p0 [sflag:s8], $0x0  }
0x24: {  	s3 =	sadd.s32 $0x88, s3;
	s6 =	simm.s32 @!p1 $0x1082;
	[sflag:s4] =	ssyncset.s32 $0xFFFFF086  }
0x25: {  	[simem:s6], [sflag:s4] =	dma.local [hbm:s3], $0xF7A  }
0x26: {  	[smem:$0x3F8C] =	sst s1;
	(tag) =	ssettag s2;
	_ =	strace s9  }
0x27: {  	s1 =	sld [smem:$0x3F9C]  }
0x28: {  	s2 =	sld [smem:$0x3F9D]  }
0x29: {  	s4 =	sld [smem:$0x3F9F]  }
0x2a: {  	p0 =	seq.s32 s5, $0x0;
	s5 =	sld [smem:$0x3FA0]  }
0x2b: {  	s6 =	sld [smem:$0x3FA1]  }
0x2c: {  	s7 =	sld [smem:$0x3FA2]  }
0x2d: {  	s3 =	simm.s32 $0x108;
	s8 =	sld [smem:$0x3FA3]  }
0x2e: {  	s3 =	simm.s32 @!p0 $0x1082;
	s9 =	sld [smem:$0x3FA4]  }
0x2f: {  	lr =	sadd.s32 s0, s3;
	s0 =	sld [smem:$0x3F9B]  }
0x30: {  	s3 =	sld [smem:$0x3F9E]  }
0x31: {  	[smem:$0x3FA7] =	sst s10  }
0x32: {  	s10 =	sld [smem:$0x3FA5];
	_ =	sdelay $0x3  }
0x33: {  	p0 =	seq.s32 s10, $0x1;
	s10 =	sld [smem:$0x3FA7];
	_ =	sdelay $0x3  }
0x34: {  	[smem:$0x3FA7] =	sst s10  }
0x35: {  	s10 =	sld [smem:$0x3FA6];
	_ =	sdelay $0x3  }
0x36: {  	p1 =	seq.s32 s10, $0x1;
	s10 =	sld [smem:$0x3FA7];
	_ =	sdelay $0x3  }
0x37: {  	[smem:$0x3FA7] =	sst s10  }
0x38: {  	s10 =	sld [smem:$0x3FA8]  }
0x39: {  	_ = 	snop;
	(pc) =	sbr.ind lr, $3  }
0x3a: {  	_ = 	snop  }
0x3b: {  	_ = 	snop  }
0x3c: {  	p2 =	seq.s32 s10, $0x1;
	s10 =	sld [smem:$0x3FA7]  }
0x3d: {  	_ =	shalt  }
0x3e: {  	_ =	shalt  }
0x3f: {  	_ =	shalt  }
0x40: {  	_ =	shalt  }
0x41: {  	_ =	shalt  }
0x42: {  	_ =	shalt  }
0x43: {  	_ =	shalt  }
0x44: {  	_ =	shalt  }
0x45: {  	_ =	shalt  }
0x46: {  	_ =	shalt  }
0x47: {  	_ =	shalt  }
0x48: {  	_ =	shalt  }
0x49: {  	_ =	shalt  }
0x4a: {  	_ =	shalt  }
0x4b: {  	_ =	shalt  }
0x4c: {  	_ =	shalt  }
0x4d: {  	_ =	shalt  }
0x4e: {  	_ =	shalt  }
0x4f: {  	_ =	shalt  }
0x50: {  	_ =	shalt  }
0x51: {  	_ =	shalt  }
0x52: {  	_ =	shalt  }
0x53: {  	_ =	shalt  }
0x54: {  	_ =	shalt  }
0x55: {  	_ =	shalt  }
0x56: {  	_ =	shalt  }
0x57: {  	_ =	shalt  }
0x58: {  	_ =	shalt  }
0x59: {  	_ =	shalt  }
0x5a: {  	_ =	shalt  }
0x5b: {  	_ =	shalt  }
0x5c: {  	_ =	shalt  }
0x5d: {  	_ =	shalt  }
0x5e: {  	_ =	shalt  }
0x5f: {  	_ =	shalt  }
0x60: {  	_ =	shalt  }
0x61: {  	_ =	shalt  }
0x62: {  	_ =	shalt  }
0x63: {  	_ =	shalt  }
0x64: {  	_ =	shalt  }
0x65: {  	_ =	shalt  }
0x66: {  	_ =	shalt  }
0x67: {  	_ =	shalt  }
0x68: {  	_ =	shalt  }
0x69: {  	_ =	shalt  }
0x6a: {  	_ =	shalt  }
0x6b: {  	_ =	shalt  }
0x6c: {  	_ =	shalt  }
0x6d: {  	_ =	shalt  }
0x6e: {  	_ =	shalt  }
0x6f: {  	_ =	shalt  }
0x70: {  	_ =	shalt  }
0x71: {  	_ =	shalt  }
0x72: {  	_ =	shalt  }
0x73: {  	_ =	shalt  }
0x74: {  	_ =	shalt  }
0x75: {  	_ =	shalt  }
0x76: {  	_ =	shalt  }
0x77: {  	_ =	shalt  }
0x78: {  	_ =	shalt  }
0x79: {  	_ =	shalt  }
0x7a: {  	_ =	shalt  }
0x7b: {  	_ =	shalt  }
0x7c: {  	_ =	shalt  }
0x7d: {  	_ =	shalt  }
0x7e: {  	_ =	shalt  }
0x7f: {  	_ =	shalt  }
0x80: {  	_ =	shalt  }
0x81: {  	_ =	shalt  }
0x82: {  	_ =	shalt  }
0x83: {  	_ =	shalt  }
0x84: {  	_ =	shalt  }
0x85: {  	_ =	shalt  }
0x86: {  	_ =	shalt  }
0x87: {  	_ =	shalt  }
.Lfunc_end0:
.L_simem_size_0:
called_computation.1_lowered:
.L_overlay_start_0:
0x88: {  	s2 =	sld [smem:$0x3FD9]  }
0x89: {  	s3 =	sld [smem:$0x3FFE];
	_ =	sdelay $0x1  }
0x8a: {  	s1 =	srdreg.scid  }
0x8b: {  	s0 =	sand.u32 $0x1, s1  }
0x8c: {  	s16 =	sshll.u32 s0, $0xA;
	s2 =	sadd.s32 s3, s2  }
0x8d: {  	s2 =	sadd.s32 s2, s16  }
0x8e: {  	[smem:$0x3FB3] =	sst s2  }
0x8f: {  	_ = 	snop  }
0x90: {  	(tm) =	ssettm $0x1  }
0x91: {  	s17 =	sld [smem:$0x3FFB];
	_ =	sdelay $0x3  }
0x92: {  	_ =	strace s17  }
0x93: {  	s2 =	sld [smem:$0x3FFC];
	_ =	sdelay $0x3  }
0x94: {  	_ =	strace s2  }
0x95: {  	s2 =	sld [smem:$0x3FFD];
	_ =	sdelay $0x3  }
0x96: {  	_ =	strace s2  }
0x97: {  	_ =	strace $0x8FFFFFFF  }
0x98: {  	s18 =	sld [smem:$0x3FDB];
	_ =	sdelay $0x1  }
0x99: {  	s19 =	simm.s32 $_scs_section_size  }
0x9a: {  	s4 =	simm.s32 $_size__tile_overlayer_lowered;
	s5 =	simm.s32 $_tile_overlayer_lowered  }
0x9b: {  	s22 =	simm.s32 $0x1BFF;
	s21 =	sshll.u32 s5, $0x1;
	s2 =	sadd.s32 s19, s18  }
0x9c: {  	s6 =	simm.s32 $0x0;
	s20 =	sshll.u32 s4, $0x1;
	s4 =	sadd.s32 s21, s2  }
0x9d: {  	[timem:s6], [sflag:s22] =	dma.local [hbm:s4], s20  }
0x9e: {  	_ =	swait.ge [sflag:s22], s20  }
0x9f: {  	s3 =	ssub.s32 $0x0, s20;
	[sflag:s22] =	ssyncset.done $0x0  }
0xa0: {  	[sflag:s22] =	ssyncadd.s32 s3;
	_ =	sdelay $0x1  }
0xa1: {  	s23 =	simm.s32 $0x1B8B  }
0xa2: {  	_ =	swait.ge [sflag:s23], $0x1  }
0xa3: {  	[sflag:s23] =	ssyncset.done $0x0  }
0xa4: {  	s25 =	simm.s32 $0x1B8E;
	s24 =	sld [smem:$0x3FFE];
	[sflag:s23] =	ssyncadd.s32 $0xFFFFFFFF  }
0xa5: {  	s26 =	simm.s32 $execute0_lowered;
	[smem:$0x3FD2] =	sst s25  }
0xa6: {  	s4 =	sshll.u32 s26, $0x1;
	_ =	strace $0x80000049;
	[dreg:$0x1] =	wrdreg $0xFFFFFFFF  }
0xa7: {  	s28 =	simm.s32 $_size_execute0_lowered;
	s2 =	sadd.s32 s2, s4;
	[dreg:$0x0] =	wrdreg $0x0  }
0xa8: {  	s4 =	sshll.u32 s28, $0x1;
	[dreg:$0x2] =	wrdreg s2  }
0xa9: {  	[dreg:$0x3] =	wrdreg s4  }
0xaa: {  	[dreg:$0x4] =	wrdreg $0xC0  }
0xab: {  	_ =	task [dreg:s6], $0x5FFFF  }
0xac: {  	[dreg:$0x1] =	wrdreg $0xFFFFFFFF  }
0xad: {  	[dreg:$0x0] =	wrdreg $0x60  }
0xae: {  	[dreg:$0x2] =	wrdreg s24  }
0xaf: {  	[dreg:$0x3] =	wrdreg $0x88000  }
0xb0: {  	[dreg:$0x4] =	wrdreg $0x9  }
0xb1: {  	_ =	task.clear_ibuf [dreg:s6], $0x5FFFF;
	_ =	strace $0x90000049  }
0xb2: {  	s29 =	simm.s32 $0x9;
	_ =	strace $0x8000004B  }
0xb3: {  	_ =	swait.ge [sflag:s29], $0x1  }
0xb4: {  	[sflag:s29] =	ssyncadd.s32 $0xFFFFFFFF  }
0xb5: {  	_ =	strace $0x9000004B  }
0xb6: {  	_ =	sfence  }
0xb7: {  	s30 =	sld [smem:$0x0];
	_ =	sdelay $0x2  }
0xb8: {  	s31 =	sshll.u32 s1, $0xD;
	s1 =	sshrl.u32 s1, $0x2  }
0xb9: {  	s3 =	sand.u32 $0x4000, s31;
	s1 =	sadd.s32 s1, s30  }
0xba: {  	s0 =	sor.u32 s3, s0;
	s1 =	sshll.u32 s1, $0x11  }
0xbb: {  	s0 =	sor.u32 s1, s0  }
0xbc: {  	s0 =	sadd.s32 $0x8F2B, s0  }
0xbd: {  	[sflag:s0] =	ssyncadd.remote.s32 $0x1  }
0xbe: {  	_ =	sfence.sel $0xFFFF  }
0xbf: {  	[dreg:$0x0] =	wrdreg $0xFFFFFFFF;
	(pc) =	sbr.abs _section_cstart, $3  }
0xc0: {  	[dreg:$0x1] =	wrdreg $0xFFFFFFFF  }
0xc1: {  	_ =	task.clear_ibuf [dreg:s6], $0x2FFFF;
	_ =	strace $0x9FFFFFFF  }
0xc2: {  	(tm) =	ssettm $0x7FFFFFFF  }
0xc3: {  	_ =	shalt  }
tec
execute0_lowered:
.L_overlay_start_1:
0x0: {  	(tag) =	ssettag $0x1  }
0x1: {  	s0 =	rddreg [dreg:$0x0]  }
0x2: {  	s2 =	rddreg [dreg:$0x1]  }
0x3: {  	s9 =	stileid.u32;
	s3 =	simm.s32 $0x0;
	s4 =	srdreg.scid  }
0x4: {  	s28 =	simm.s32 $0x480;
	s29 =	simm.s32 $0x4;
	s30 =	simm.s32 $0x180  }
0x5: {  	s31 =	simm.s32 $0x500;
	s1 =	smul.u32 $0xA00, s9;
	[smem:$0x7FF] =	sst s3  }
0x6: {  	s5 =	sand.u32 $0x1, s4;
	s4 =	sadd.s32 $0x19E00, s0;
	s7 =	smul.u32 $0x50000, s9  }
0x7: {  	s8 =	sadd.s32 $0x19600, s0;
	s9 =	smul.u32 $0x14000, s9;
	_ =	strace $0x8000004A  }
0x8: {  	s6 =	ssub.s32 $0x2, s5;
	[dreg:$0x4] =	wrdreg s8;
	s12 =	smul.u32 $0x140000, s5  }
0x9: {  	s5 =	smul.u32 $0x500, s5;
	s1 =	sadd.s32 s1, s0;
	s17 =	sshrl.u32 s6, $0x1  }
0xa: {  	s0 =	sadd.s32 $0x41E00, s0;
	s7 =	sshrl.u32 s7, $0x2;
	s18 =	sadd.s32 $0x4000, s9  }
0xb: {  	s11 =	sadd.s32 $0x8000, s9;
	s19 =	sadd.s32 $0xC000, s9;
	s13 =	sadd.s32 $0x10000, s9  }
0xc: {  	s6 =	ssub.s32 s6, s17;
	s10 =	sadd.s32 s7, s2;
	s14 =	sadd.s32 s18, s2  }
0xd: {  	s15 =	sadd.s32 s11, s2;
	s9 =	sadd.s32 s9, s12;
	s16 =	sadd.s32 s19, s2  }
0xe: {  	s17 =	sadd.s32 s13, s2;
	s8 =	sadd.s32 s12, s18;
	s20 =	sadd.s32 s12, s11  }
0xf: {  	s7 =	sadd.s32 s12, s19;
	s22 =	sadd.s32 s12, s13;
	s1 =	sadd.s32 s5, s1  }
0x10: {  	s18 =	simm.s32 $0x800;
	s19 =	simm.s32 $0x5;
	s5 =	simm.s32 $0x280  }
0x11: {  	s11 =	simm.s32 $0x600;
	s12 =	simm.s32 $0x300;
	s13 =	simm.s32 $0x680  }
0x12: {  	[dreg:$0x9] =	wrdreg s17;
	s9 =	sshrl.u32 s9, $0x3;
	s8 =	sshrl.u32 s8, $0x3  }
0x13: {  	s7 =	sshrl.u32 s7, $0x3;
	s24 =	sshrl.u32 s22, $0x3;
	s25 =	sadd.s32 $0x5600, s1  }
0x14: {  	s26 =	smax.u32 s6, $0x1;
	s17 =	sadd.s32 $0xF600, s1;
	[dreg:$0x5] =	wrdreg s10  }
0x15: {  	s22 =	simm.s32 $0x4800;
	s1 =	simm.s32 $0x580;
	[dreg:$0xf] =	wrdreg s26  }
0x16: {  	s6 =	simm.s32 $0x0;
	s9 =	sadd.s32 s0, s9;
	[dreg:$0x3] =	wrdreg s25  }
0x17: {  	s8 =	sadd.s32 s0, s8;
	s23 =	sadd.s32 s0, s7;
	[dreg:$0x10] =	wrdreg s6  }
0x18: {  	s7 =	smov.u32 s14;
	s25 =	simm.s32 $0x100;
	[dreg:$0xa] =	wrdreg s9  }
0x19: {  	s26 =	simm.s32 $0x2;
	s14 =	simm.s32 $0x380;
	[dreg:$0xb] =	wrdreg s8  }
0x1a: {  	s9 =	sshrl.u32 s20, $0x3;
	[dreg:$0xd] =	wrdreg s23;
	s8 =	smov.u32 s15  }
0x1b: {  	s20 =	simm.s32 $0x400;
	s23 =	simm.s32 $0x1;
	[dreg:$0x6] =	wrdreg s7  }
0x1c: {  	s15 =	simm.s32 $0x700;
	s21 =	sadd.s32 s0, s9;
	[dreg:$0x7] =	wrdreg s8  }
0x1d: {  	s9 =	smov.u32 s16;
	s0 =	sadd.s32 s0, s24;
	[dreg:$0xc] =	wrdreg s21  }
0x1e: {  	s24 =	simm.s32 $0x3;
	s16 =	simm.s32 $0x780;
	[dreg:$0xe] =	wrdreg s0  }
0x1f: {  	s21 =	simm.s32 $0x80;
	s0 =	simm.s32 $0x200;
	[dreg:$0x8] =	wrdreg s9  }
.LBB2_1:
0x20: {  	s6 =	rddreg [dreg:$0x4]  }
0x21: {  	[tilespmem:s18], [sflag:$0x5] =	stream.linear.gather [hbm4b:s6+s3], $0x4000, $0x38;
	[tilespmem:$0x1C800] =	vst v63  }
0x22: {  	_ =	swait.ge [sflag:s19], $0x4000  }
0x23: {  	[sflag:s19] =	ssyncset.done $0x0  }
0x24: {  	[sflag:s19] =	ssyncadd.s32 $0xFFFFC000  }
0x25: {  	[spmem:s10] =	stream.linear.scatter [tilespmem:s18], [sflag:$0x5], $0x4000, $0x38;
	[tilespmem:$0x1C800] =	vst v63  }
0x26: {  	_ =	swait.ge [sflag:s19], $0x4000  }
0x27: {  	[sflag:s19] =	ssyncset.done $0x0  }
0x28: {  	[sflag:s19] =	ssyncadd.s32 $0xFFFFC000  }
0x29: {  	[spmem:s7] =	stream.linear.scatter [tilespmem:s18], [sflag:$0x5], $0x4000, $0x38;
	[tilespmem:$0x1C800] =	vst v63  }
0x2a: {  	_ =	swait.ge [sflag:s19], $0x4000  }
0x2b: {  	[sflag:s19] =	ssyncset.done $0x0  }
0x2c: {  	[sflag:s19] =	ssyncadd.s32 $0xFFFFC000  }
0x2d: {  	[spmem:s8] =	stream.linear.scatter [tilespmem:s18], [sflag:$0x5], $0x4000, $0x38;
	[tilespmem:$0x1C800] =	vst v63  }
0x2e: {  	_ =	swait.ge [sflag:s19], $0x4000  }
0x2f: {  	[sflag:s19] =	ssyncset.done $0x0  }
0x30: {  	[sflag:s19] =	ssyncadd.s32 $0xFFFFC000  }
0x31: {  	[spmem:s9] =	stream.linear.scatter [tilespmem:s18], [sflag:$0x5], $0x4000, $0x38;
	[tilespmem:$0x1C800] =	vst v63  }
0x32: {  	_ =	swait.ge [sflag:s19], $0x4000  }
0x33: {  	[sflag:s19] =	ssyncset.done $0x0  }
0x34: {  	s8 =	rddreg [dreg:$0x9];
	[sflag:s19] =	ssyncadd.s32 $0xFFFFC000  }
0x35: {  	[spmem:s8] =	stream.linear.scatter [tilespmem:s18], [sflag:$0x5], $0x4000, $0x38;
	[tilespmem:$0x1C800] =	vst v63  }
0x36: {  	_ =	swait.ge [sflag:s19], $0x4000  }
0x37: {  	[sflag:s19] =	ssyncset.done $0x0  }
0x38: {  	[sflag:s19] =	ssyncadd.s32 $0xFFFFC000  }
0x39: {  	s9 =	sadd.s32 $0x0, s17;
	[bflag:$0x0] =	sbarrier.arrive $0xFFFF  }
0x3a: {  	[tilespmem:s3], [sflag:$0x5] =	stream.linear.gather [hbm4b:s9+s3], $0x400, $0x38;
	[tilespmem:$0x1C800] =	vst v63  }
0x3b: {  	_ =	swait.ge [sflag:s19], $0x400  }
0x3c: {  	s10 =	rddreg [dreg:$0x3];
	[sflag:s19] =	ssyncset.done $0x0  }
0x3d: {  	[sflag:s19] =	ssyncadd.s32 $0xFFFFFC00;
	s7 =	sadd.s32 $0x0, s10  }
0x3e: {  	[tilespmem:s20], [sflag:$0x5] =	stream.linear.gather [hbm4b:s7+s3], $0x400, $0x38;
	[tilespmem:$0x1C800] =	vst v63  }
0x3f: {  	_ =	swait.ge [sflag:s19], $0x400  }
0x40: {  	[sflag:s19] =	ssyncset.done $0x0  }
0x41: {  	[sflag:s19] =	ssyncadd.s32 $0xFFFFFC00  }
0x42: {  	[tilespmem:s18], [sflag:$0x1] =	stream.indirect.gather [hbm4b:s4+s21], $0x80, s3, s21, $0xb8;
	[tilespmem:$0x1C800] =	vst v63  }
0x43: {  	_ = 	snop  }
0x44: {  	[tilespmem:s22], [sflag:$0x2] =	stream.indirect.gather [hbm4b:s4+s21], $0x80, s21, s21, $0xb8;
	[tilespmem:$0x1C800] =	vst v63  }
0x45: {  	_ =	swait.ge [sflag:s23], $0x4000  }
0x46: {  	[sflag:s23] =	ssyncset.done $0x0  }
0x47: {  	[sflag:s23] =	ssyncadd.s32 $0xFFFFC000  }
0x48: {  	[spmem:s2] =	stream.indirect.scatter.add.f32 [tilespmem:s18], [sflag:$0x3], $0x80, s20, s21, $0xb8;
	[tilespmem:$0x1C800] =	vst v63  }
0x49: {  	_ =	swait.ge [sflag:s24], $0x4000  }
0x4a: {  	[sflag:s24] =	ssyncset.done $0x0  }
0x4b: {  	[sflag:s24] =	ssyncadd.s32 $0xFFFFC000  }
0x4c: {  	[tilespmem:s18], [sflag:$0x1] =	stream.indirect.gather [hbm4b:s4+s21], $0x80, s25, s21, $0xb8;
	[tilespmem:$0x1C800] =	vst v63  }
0x4d: {  	_ =	swait.ge [sflag:s26], $0x4000  }
0x4e: {  	[sflag:s26] =	ssyncset.done $0x0  }
0x4f: {  	[sflag:s26] =	ssyncadd.s32 $0xFFFFC000  }
0x50: {  	[spmem:s2] =	stream.indirect.scatter.add.f32 [tilespmem:s22], [sflag:$0x4], $0x80, s28, s21, $0xb8;
	[tilespmem:$0x1C800] =	vst v63  }
0x51: {  	_ =	swait.ge [sflag:s29], $0x4000  }
0x52: {  	[sflag:s29] =	ssyncset.done $0x0  }
0x53: {  	[sflag:s29] =	ssyncadd.s32 $0xFFFFC000  }
0x54: {  	[tilespmem:s22], [sflag:$0x2] =	stream.indirect.gather [hbm4b:s4+s21], $0x80, s30, s21, $0xb8;
	[tilespmem:$0x1C800] =	vst v63  }
0x55: {  	_ =	swait.ge [sflag:s23], $0x4000  }
0x56: {  	[sflag:s23] =	ssyncset.done $0x0  }
0x57: {  	[sflag:s23] =	ssyncadd.s32 $0xFFFFC000  }
0x58: {  	[spmem:s2] =	stream.indirect.scatter.add.f32 [tilespmem:s18], [sflag:$0x3], $0x80, s31, s21, $0xb8;
	[tilespmem:$0x1C800] =	vst v63  }
0x59: {  	_ =	swait.ge [sflag:s24], $0x4000  }
0x5a: {  	[sflag:s24] =	ssyncset.done $0x0  }
0x5b: {  	[sflag:s24] =	ssyncadd.s32 $0xFFFFC000  }
0x5c: {  	[tilespmem:s18], [sflag:$0x1] =	stream.indirect.gather [hbm4b:s4+s21], $0x80, s0, s21, $0xb8;
	[tilespmem:$0x1C800] =	vst v63  }
0x5d: {  	_ =	swait.ge [sflag:s26], $0x4000  }
0x5e: {  	[sflag:s26] =	ssyncset.done $0x0  }
0x5f: {  	[sflag:s26] =	ssyncadd.s32 $0xFFFFC000  }
0x60: {  	[spmem:s2] =	stream.indirect.scatter.add.f32 [tilespmem:s22], [sflag:$0x4], $0x80, s1, s21, $0xb8;
	[tilespmem:$0x1C800] =	vst v63  }
0x61: {  	_ =	swait.ge [sflag:s29], $0x4000  }
0x62: {  	[sflag:s29] =	ssyncset.done $0x0  }
0x63: {  	[sflag:s29] =	ssyncadd.s32 $0xFFFFC000  }
0x64: {  	[tilespmem:s22], [sflag:$0x2] =	stream.indirect.gather [hbm4b:s4+s21], $0x80, s5, s21, $0xb8;
	[tilespmem:$0x1C800] =	vst v63  }
0x65: {  	_ =	swait.ge [sflag:s23], $0x4000  }
0x66: {  	[sflag:s23] =	ssyncset.done $0x0  }
0x67: {  	[sflag:s23] =	ssyncadd.s32 $0xFFFFC000  }
0x68: {  	[spmem:s2] =	stream.indirect.scatter.add.f32 [tilespmem:s18], [sflag:$0x3], $0x80, s11, s21, $0xb8;
	[tilespmem:$0x1C800] =	vst v63  }
0x69: {  	_ =	swait.ge [sflag:s24], $0x4000  }
0x6a: {  	[sflag:s24] =	ssyncset.done $0x0  }
0x6b: {  	[sflag:s24] =	ssyncadd.s32 $0xFFFFC000  }
0x6c: {  	[tilespmem:s18], [sflag:$0x1] =	stream.indirect.gather [hbm4b:s4+s21], $0x80, s12, s21, $0xb8;
	[tilespmem:$0x1C800] =	vst v63  }
0x6d: {  	_ =	swait.ge [sflag:s26], $0x4000  }
0x6e: {  	[sflag:s26] =	ssyncset.done $0x0  }
0x6f: {  	[sflag:s26] =	ssyncadd.s32 $0xFFFFC000  }
0x70: {  	[spmem:s2] =	stream.indirect.scatter.add.f32 [tilespmem:s22], [sflag:$0x4], $0x80, s13, s21, $0xb8;
	[tilespmem:$0x1C800] =	vst v63  }
0x71: {  	_ =	swait.ge [sflag:s29], $0x4000  }
0x72: {  	[sflag:s29] =	ssyncset.done $0x0  }
0x73: {  	[sflag:s29] =	ssyncadd.s32 $0xFFFFC000  }
0x74: {  	[tilespmem:s22], [sflag:$0x2] =	stream.indirect.gather [hbm4b:s4+s21], $0x80, s14, s21, $0xb8;
	[tilespmem:$0x1C800] =	vst v63  }
0x75: {  	_ =	swait.ge [sflag:s23], $0x4000  }
0x76: {  	[sflag:s23] =	ssyncset.done $0x0  }
0x77: {  	[sflag:s23] =	ssyncadd.s32 $0xFFFFC000  }
0x78: {  	[spmem:s2] =	stream.indirect.scatter.add.f32 [tilespmem:s18], [sflag:$0x3], $0x80, s15, s21, $0xb8;
	[tilespmem:$0x1C800] =	vst v63  }
0x79: {  	_ =	swait.ge [sflag:s26], $0x4000  }
0x7a: {  	[sflag:s26] =	ssyncset.done $0x0  }
0x7b: {  	[sflag:s26] =	ssyncadd.s32 $0xFFFFC000  }
0x7c: {  	[spmem:s2] =	stream.indirect.scatter.add.f32 [tilespmem:s22], [sflag:$0x4], $0x80, s16, s21, $0xb8;
	[tilespmem:$0x1C800] =	vst v63  }
0x7d: {  	_ =	swait.ge [sflag:s24], $0x4000  }
0x7e: {  	[sflag:s24] =	ssyncset.done $0x0  }
0x7f: {  	[sflag:s24] =	ssyncadd.s32 $0xFFFFC000  }
0x80: {  	_ =	swait.ge [sflag:s29], $0x4000  }
0x81: {  	s8 =	simm.s32 $0x100;
	s7 =	simm.s32 $0x80;
	[sflag:s29] =	ssyncset.done $0x0  }
.LBB2_2:
0x82: {  	s10 =	sadd.s32 s7, s17;
	[sflag:s29] =	ssyncadd.s32 $0xFFFFC000  }
0x83: {  	[tilespmem:s3], [sflag:$0x5] =	stream.linear.gather [hbm4b:s10+s3], $0x400, $0x38;
	[tilespmem:$0x1C800] =	vst v63  }
0x84: {  	s6 =	smov.u32 s8;
	_ =	swait.ge [sflag:s19], $0x400  }
0x85: {  	s9 =	sadd.s32 $0x80, s8;
	s10 =	rddreg [dreg:$0x3];
	[sflag:s19] =	ssyncset.done $0x0  }
0x86: {  	p0 =	sne.s32 s8, $0x480;
	[sflag:s19] =	ssyncadd.s32 $0xFFFFFC00;
	s8 =	sadd.s32 s7, s10  }
0x87: {  	[tilespmem:s20], [sflag:$0x5] =	stream.linear.gather [hbm4b:s8+s3], $0x400, $0x38;
	[tilespmem:$0x1C800] =	vst v63  }
0x88: {  	_ =	swait.ge [sflag:s19], $0x400  }
0x89: {  	[sflag:s19] =	ssyncset.done $0x0  }
0x8a: {  	[sflag:s19] =	ssyncadd.s32 $0xFFFFFC00  }
0x8b: {  	[tilespmem:s18], [sflag:$0x1] =	stream.indirect.gather [hbm4b:s4+s21], $0x80, s3, s21, $0xb8;
	[tilespmem:$0x1C800] =	vst v63  }
0x8c: {  	_ = 	snop  }
0x8d: {  	[tilespmem:s22], [sflag:$0x2] =	stream.indirect.gather [hbm4b:s4+s21], $0x80, s21, s21, $0xb8;
	[tilespmem:$0x1C800] =	vst v63  }
0x8e: {  	_ =	swait.ge [sflag:s23], $0x4000  }
0x8f: {  	[sflag:s23] =	ssyncset.done $0x0  }
0x90: {  	[sflag:s23] =	ssyncadd.s32 $0xFFFFC000  }
0x91: {  	[spmem:s2] =	stream.indirect.scatter.add.f32 [tilespmem:s18], [sflag:$0x3], $0x80, s20, s21, $0xb8;
	[tilespmem:$0x1C800] =	vst v63  }
0x92: {  	_ =	swait.ge [sflag:s24], $0x4000  }
0x93: {  	[sflag:s24] =	ssyncset.done $0x0  }
0x94: {  	[sflag:s24] =	ssyncadd.s32 $0xFFFFC000  }
0x95: {  	[tilespmem:s18], [sflag:$0x1] =	stream.indirect.gather [hbm4b:s4+s21], $0x80, s25, s21, $0xb8;
	[tilespmem:$0x1C800] =	vst v63  }
0x96: {  	_ =	swait.ge [sflag:s26], $0x4000  }
0x97: {  	[sflag:s26] =	ssyncset.done $0x0  }
0x98: {  	[sflag:s26] =	ssyncadd.s32 $0xFFFFC000  }
0x99: {  	[spmem:s2] =	stream.indirect.scatter.add.f32 [tilespmem:s22], [sflag:$0x4], $0x80, s28, s21, $0xb8;
	[tilespmem:$0x1C800] =	vst v63  }
0x9a: {  	_ =	swait.ge [sflag:s29], $0x4000  }
0x9b: {  	[sflag:s29] =	ssyncset.done $0x0  }
0x9c: {  	[sflag:s29] =	ssyncadd.s32 $0xFFFFC000  }
0x9d: {  	[tilespmem:s22], [sflag:$0x2] =	stream.indirect.gather [hbm4b:s4+s21], $0x80, s30, s21, $0xb8;
	[tilespmem:$0x1C800] =	vst v63  }
0x9e: {  	_ =	swait.ge [sflag:s23], $0x4000  }
0x9f: {  	[sflag:s23] =	ssyncset.done $0x0  }
0xa0: {  	[sflag:s23] =	ssyncadd.s32 $0xFFFFC000  }
0xa1: {  	[spmem:s2] =	stream.indirect.scatter.add.f32 [tilespmem:s18], [sflag:$0x3], $0x80, s31, s21, $0xb8;
	[tilespmem:$0x1C800] =	vst v63  }
0xa2: {  	_ =	swait.ge [sflag:s24], $0x4000  }
0xa3: {  	[sflag:s24] =	ssyncset.done $0x0  }
0xa4: {  	[sflag:s24] =	ssyncadd.s32 $0xFFFFC000  }
0xa5: {  	[tilespmem:s18], [sflag:$0x1] =	stream.indirect.gather [hbm4b:s4+s21], $0x80, s0, s21, $0xb8;
	[tilespmem:$0x1C800] =	vst v63  }
0xa6: {  	_ =	swait.ge [sflag:s26], $0x4000  }
0xa7: {  	[sflag:s26] =	ssyncset.done $0x0  }
0xa8: {  	[sflag:s26] =	ssyncadd.s32 $0xFFFFC000  }
0xa9: {  	[spmem:s2] =	stream.indirect.scatter.add.f32 [tilespmem:s22], [sflag:$0x4], $0x80, s1, s21, $0xb8;
	[tilespmem:$0x1C800] =	vst v63  }
0xaa: {  	_ =	swait.ge [sflag:s29], $0x4000  }
0xab: {  	[sflag:s29] =	ssyncset.done $0x0  }
0xac: {  	[sflag:s29] =	ssyncadd.s32 $0xFFFFC000  }
0xad: {  	[tilespmem:s22], [sflag:$0x2] =	stream.indirect.gather [hbm4b:s4+s21], $0x80, s5, s21, $0xb8;
	[tilespmem:$0x1C800] =	vst v63  }
0xae: {  	_ =	swait.ge [sflag:s23], $0x4000  }
0xaf: {  	[sflag:s23] =	ssyncset.done $0x0  }
0xb0: {  	[sflag:s23] =	ssyncadd.s32 $0xFFFFC000  }
0xb1: {  	[spmem:s2] =	stream.indirect.scatter.add.f32 [tilespmem:s18], [sflag:$0x3], $0x80, s11, s21, $0xb8;
	[tilespmem:$0x1C800] =	vst v63  }
0xb2: {  	_ =	swait.ge [sflag:s24], $0x4000  }
0xb3: {  	[sflag:s24] =	ssyncset.done $0x0  }
0xb4: {  	[sflag:s24] =	ssyncadd.s32 $0xFFFFC000  }
0xb5: {  	[tilespmem:s18], [sflag:$0x1] =	stream.indirect.gather [hbm4b:s4+s21], $0x80, s12, s21, $0xb8;
	[tilespmem:$0x1C800] =	vst v63  }
0xb6: {  	_ =	swait.ge [sflag:s26], $0x4000  }
0xb7: {  	[sflag:s26] =	ssyncset.done $0x0  }
0xb8: {  	[sflag:s26] =	ssyncadd.s32 $0xFFFFC000  }
0xb9: {  	[spmem:s2] =	stream.indirect.scatter.add.f32 [tilespmem:s22], [sflag:$0x4], $0x80, s13, s21, $0xb8;
	[tilespmem:$0x1C800] =	vst v63  }
0xba: {  	_ =	swait.ge [sflag:s29], $0x4000  }
0xbb: {  	[sflag:s29] =	ssyncset.done $0x0  }
0xbc: {  	[sflag:s29] =	ssyncadd.s32 $0xFFFFC000  }
0xbd: {  	[tilespmem:s22], [sflag:$0x2] =	stream.indirect.gather [hbm4b:s4+s21], $0x80, s14, s21, $0xb8;
	[tilespmem:$0x1C800] =	vst v63  }
0xbe: {  	_ =	swait.ge [sflag:s23], $0x4000  }
0xbf: {  	[sflag:s23] =	ssyncset.done $0x0  }
0xc0: {  	[sflag:s23] =	ssyncadd.s32 $0xFFFFC000  }
0xc1: {  	[spmem:s2] =	stream.indirect.scatter.add.f32 [tilespmem:s18], [sflag:$0x3], $0x80, s15, s21, $0xb8;
	[tilespmem:$0x1C800] =	vst v63  }
0xc2: {  	_ =	swait.ge [sflag:s26], $0x4000  }
0xc3: {  	[sflag:s26] =	ssyncset.done $0x0  }
0xc4: {  	[sflag:s26] =	ssyncadd.s32 $0xFFFFC000  }
0xc5: {  	[spmem:s2] =	stream.indirect.scatter.add.f32 [tilespmem:s22], [sflag:$0x4], $0x80, s16, s21, $0xb8;
	[tilespmem:$0x1C800] =	vst v63  }
.Ltmp0:
0xc6: {  	_ =	swait.ge [sflag:s24], $0x4000;
	(pc) =	sbr.rel @p0 .LBB2_2-.Ltmp0, $4  }
0xc7: {  	[sflag:s24] =	ssyncset.done $0x0  }
0xc8: {  	[sflag:s24] =	ssyncadd.s32 $0xFFFFC000  }
0xc9: {  	_ =	swait.ge [sflag:s29], $0x4000  }
0xca: {  	s7 =	smov.u32 s6;
	s8 =	smov.u32 s9;
	[sflag:s29] =	ssyncset.done $0x0  }
0xcb: {  	s6 =	sadd.s32 s7, s17;
	[sflag:s29] =	ssyncadd.s32 $0xFFFFC000  }
0xcc: {  	[tilespmem:s3], [sflag:$0x5] =	stream.linear.gather [hbm4b:s6+s3], $0x400, $0x38;
	[tilespmem:$0x1C800] =	vst v63  }
0xcd: {  	_ =	swait.ge [sflag:s19], $0x400  }
0xce: {  	s9 =	rddreg [dreg:$0x3];
	[sflag:s19] =	ssyncset.done $0x0  }
0xcf: {  	s6 =	sadd.s32 s7, s9;
	[sflag:s19] =	ssyncadd.s32 $0xFFFFFC00  }
0xd0: {  	[tilespmem:s20], [sflag:$0x5] =	stream.linear.gather [hbm4b:s6+s3], $0x400, $0x38;
	[tilespmem:$0x1C800] =	vst v63  }
0xd1: {  	_ =	swait.ge [sflag:s19], $0x400  }
0xd2: {  	[sflag:s19] =	ssyncset.done $0x0  }
0xd3: {  	[sflag:s19] =	ssyncadd.s32 $0xFFFFFC00  }
0xd4: {  	[tilespmem:s18], [sflag:$0x1] =	stream.indirect.gather [hbm4b:s4+s21], $0x80, s3, s21, $0xb8;
	[tilespmem:$0x1C800] =	vst v63  }
0xd5: {  	_ = 	snop  }
0xd6: {  	[tilespmem:s22], [sflag:$0x2] =	stream.indirect.gather [hbm4b:s4+s21], $0x80, s21, s21, $0xb8;
	[tilespmem:$0x1C800] =	vst v63  }
0xd7: {  	_ =	swait.ge [sflag:s23], $0x4000  }
0xd8: {  	[sflag:s23] =	ssyncset.done $0x0  }
0xd9: {  	[sflag:s23] =	ssyncadd.s32 $0xFFFFC000  }
0xda: {  	[spmem:s2] =	stream.indirect.scatter.add.f32 [tilespmem:s18], [sflag:$0x3], $0x80, s20, s21, $0xb8;
	[tilespmem:$0x1C800] =	vst v63  }
0xdb: {  	_ =	swait.ge [sflag:s24], $0x4000  }
0xdc: {  	[sflag:s24] =	ssyncset.done $0x0  }
0xdd: {  	[sflag:s24] =	ssyncadd.s32 $0xFFFFC000  }
0xde: {  	[tilespmem:s18], [sflag:$0x1] =	stream.indirect.gather [hbm4b:s4+s21], $0x80, s25, s21, $0xb8;
	[tilespmem:$0x1C800] =	vst v63  }
0xdf: {  	_ =	swait.ge [sflag:s26], $0x4000  }
0xe0: {  	[sflag:s26] =	ssyncset.done $0x0  }
0xe1: {  	[sflag:s26] =	ssyncadd.s32 $0xFFFFC000  }
0xe2: {  	[spmem:s2] =	stream.indirect.scatter.add.f32 [tilespmem:s22], [sflag:$0x4], $0x80, s28, s21, $0xb8;
	[tilespmem:$0x1C800] =	vst v63  }
0xe3: {  	_ =	swait.ge [sflag:s29], $0x4000  }
0xe4: {  	[sflag:s29] =	ssyncset.done $0x0  }
0xe5: {  	[sflag:s29] =	ssyncadd.s32 $0xFFFFC000  }
0xe6: {  	[tilespmem:s22], [sflag:$0x2] =	stream.indirect.gather [hbm4b:s4+s21], $0x80, s30, s21, $0xb8;
	[tilespmem:$0x1C800] =	vst v63  }
0xe7: {  	_ =	swait.ge [sflag:s23], $0x4000  }
0xe8: {  	[sflag:s23] =	ssyncset.done $0x0  }
0xe9: {  	[sflag:s23] =	ssyncadd.s32 $0xFFFFC000  }
0xea: {  	[spmem:s2] =	stream.indirect.scatter.add.f32 [tilespmem:s18], [sflag:$0x3], $0x80, s31, s21, $0xb8;
	[tilespmem:$0x1C800] =	vst v63  }
0xeb: {  	_ =	swait.ge [sflag:s24], $0x4000  }
0xec: {  	[sflag:s24] =	ssyncset.done $0x0  }
0xed: {  	[sflag:s24] =	ssyncadd.s32 $0xFFFFC000  }
0xee: {  	[tilespmem:s18], [sflag:$0x1] =	stream.indirect.gather [hbm4b:s4+s21], $0x80, s0, s21, $0xb8;
	[tilespmem:$0x1C800] =	vst v63  }
0xef: {  	_ =	swait.ge [sflag:s26], $0x4000  }
0xf0: {  	[sflag:s26] =	ssyncset.done $0x0  }
0xf1: {  	[sflag:s26] =	ssyncadd.s32 $0xFFFFC000  }
0xf2: {  	[spmem:s2] =	stream.indirect.scatter.add.f32 [tilespmem:s22], [sflag:$0x4], $0x80, s1, s21, $0xb8;
	[tilespmem:$0x1C800] =	vst v63  }
0xf3: {  	_ =	swait.ge [sflag:s29], $0x4000  }
0xf4: {  	[sflag:s29] =	ssyncset.done $0x0  }
0xf5: {  	[sflag:s29] =	ssyncadd.s32 $0xFFFFC000  }
0xf6: {  	[tilespmem:s22], [sflag:$0x2] =	stream.indirect.gather [hbm4b:s4+s21], $0x80, s5, s21, $0xb8;
	[tilespmem:$0x1C800] =	vst v63  }
0xf7: {  	_ =	swait.ge [sflag:s23], $0x4000  }
0xf8: {  	[sflag:s23] =	ssyncset.done $0x0  }
0xf9: {  	[sflag:s23] =	ssyncadd.s32 $0xFFFFC000  }
0xfa: {  	[spmem:s2] =	stream.indirect.scatter.add.f32 [tilespmem:s18], [sflag:$0x3], $0x80, s11, s21, $0xb8;
	[tilespmem:$0x1C800] =	vst v63  }
0xfb: {  	_ =	swait.ge [sflag:s24], $0x4000  }
0xfc: {  	[sflag:s24] =	ssyncset.done $0x0  }
0xfd: {  	[sflag:s24] =	ssyncadd.s32 $0xFFFFC000  }
0xfe: {  	[tilespmem:s18], [sflag:$0x1] =	stream.indirect.gather [hbm4b:s4+s21], $0x80, s12, s21, $0xb8;
	[tilespmem:$0x1C800] =	vst v63  }
0xff: {  	_ =	swait.ge [sflag:s26], $0x4000  }
0x100: {  	[sflag:s26] =	ssyncset.done $0x0  }
0x101: {  	[sflag:s26] =	ssyncadd.s32 $0xFFFFC000  }
0x102: {  	[spmem:s2] =	stream.indirect.scatter.add.f32 [tilespmem:s22], [sflag:$0x4], $0x80, s13, s21, $0xb8;
	[tilespmem:$0x1C800] =	vst v63  }
0x103: {  	_ =	swait.ge [sflag:s29], $0x4000  }
0x104: {  	[sflag:s29] =	ssyncset.done $0x0  }
0x105: {  	[sflag:s29] =	ssyncadd.s32 $0xFFFFC000  }
0x106: {  	[tilespmem:s22], [sflag:$0x2] =	stream.indirect.gather [hbm4b:s4+s21], $0x80, s14, s21, $0xb8;
	[tilespmem:$0x1C800] =	vst v63  }
0x107: {  	_ =	swait.ge [sflag:s23], $0x4000  }
0x108: {  	[sflag:s23] =	ssyncset.done $0x0  }
0x109: {  	[sflag:s23] =	ssyncadd.s32 $0xFFFFC000  }
0x10a: {  	[spmem:s2] =	stream.indirect.scatter.add.f32 [tilespmem:s18], [sflag:$0x3], $0x80, s15, s21, $0xb8;
	[tilespmem:$0x1C800] =	vst v63  }
0x10b: {  	_ =	swait.ge [sflag:s26], $0x4000  }
0x10c: {  	[sflag:s26] =	ssyncset.done $0x0  }
0x10d: {  	[sflag:s26] =	ssyncadd.s32 $0xFFFFC000  }
0x10e: {  	[spmem:s2] =	stream.indirect.scatter.add.f32 [tilespmem:s22], [sflag:$0x4], $0x80, s16, s21, $0xb8;
	[tilespmem:$0x1C800] =	vst v63  }
0x10f: {  	_ =	swait.ge [sflag:s24], $0x4000  }
0x110: {  	[sflag:s24] =	ssyncset.done $0x0  }
0x111: {  	[sflag:s24] =	ssyncadd.s32 $0xFFFFC000  }
0x112: {  	_ =	swait.ge [sflag:s29], $0x4000  }
0x113: {  	[sflag:s29] =	ssyncset.done $0x0  }
0x114: {  	[sflag:s29] =	ssyncadd.s32 $0xFFFFC000  }
0x115: {  	[bflag:$0x0] =	sbarrier.arrive $0xFFFF  }
0x116: {  	s10 =	rddreg [dreg:$0x5]  }
0x117: {  	[tilespmem:s18], [sflag:$0x5] =	stream.linear.gather [spmem:s10], $0x4000, $0x38;
	[tilespmem:$0x1C800] =	vst v63  }
0x118: {  	_ =	swait.ge [sflag:s19], $0x4000  }
0x119: {  	[sflag:s19] =	ssyncset.done $0x0  }
0x11a: {  	s7 =	rddreg [dreg:$0xa];
	[sflag:s19] =	ssyncadd.s32 $0xFFFFC000  }
0x11b: {  	[hbm4b:s7+s3] =	stream.linear.scatter [tilespmem:s18], [sflag:$0x5], $0x4000, $0x38;
	[tilespmem:$0x1C800] =	vst v63  }
0x11c: {  	_ =	swait.ge [sflag:s19], $0x4000  }
0x11d: {  	[sflag:s19] =	ssyncset.done $0x0  }
0x11e: {  	s7 =	rddreg [dreg:$0x6];
	[sflag:s19] =	ssyncadd.s32 $0xFFFFC000  }
0x11f: {  	[tilespmem:s18], [sflag:$0x5] =	stream.linear.gather [spmem:s7], $0x4000, $0x38;
	[tilespmem:$0x1C800] =	vst v63  }
0x120: {  	_ =	swait.ge [sflag:s19], $0x4000  }
0x121: {  	[sflag:s19] =	ssyncset.done $0x0  }
0x122: {  	s8 =	rddreg [dreg:$0xb];
	[sflag:s19] =	ssyncadd.s32 $0xFFFFC000  }
0x123: {  	[hbm4b:s8+s3] =	stream.linear.scatter [tilespmem:s18], [sflag:$0x5], $0x4000, $0x38;
	[tilespmem:$0x1C800] =	vst v63  }
0x124: {  	_ =	swait.ge [sflag:s19], $0x4000  }
0x125: {  	[sflag:s19] =	ssyncset.done $0x0  }
0x126: {  	s8 =	rddreg [dreg:$0x7];
	[sflag:s19] =	ssyncadd.s32 $0xFFFFC000  }
0x127: {  	[tilespmem:s18], [sflag:$0x5] =	stream.linear.gather [spmem:s8], $0x4000, $0x38;
	[tilespmem:$0x1C800] =	vst v63  }
0x128: {  	_ =	swait.ge [sflag:s19], $0x4000  }
0x129: {  	[sflag:s19] =	ssyncset.done $0x0  }
0x12a: {  	s9 =	rddreg [dreg:$0xc];
	[sflag:s19] =	ssyncadd.s32 $0xFFFFC000  }
0x12b: {  	[hbm4b:s9+s3] =	stream.linear.scatter [tilespmem:s18], [sflag:$0x5], $0x4000, $0x38;
	[tilespmem:$0x1C800] =	vst v63  }
0x12c: {  	_ =	swait.ge [sflag:s19], $0x4000  }
0x12d: {  	[sflag:s19] =	ssyncset.done $0x0  }
0x12e: {  	s9 =	rddreg [dreg:$0x8];
	[sflag:s19] =	ssyncadd.s32 $0xFFFFC000  }
0x12f: {  	[tilespmem:s18], [sflag:$0x5] =	stream.linear.gather [spmem:s9], $0x4000, $0x38;
	[tilespmem:$0x1C800] =	vst v63  }
0x130: {  	_ =	swait.ge [sflag:s19], $0x4000  }
0x131: {  	[sflag:s19] =	ssyncset.done $0x0  }
0x132: {  	s10 =	rddreg [dreg:$0xd];
	[sflag:s19] =	ssyncadd.s32 $0xFFFFC000  }
0x133: {  	[hbm4b:s10+s3] =	stream.linear.scatter [tilespmem:s18], [sflag:$0x5], $0x4000, $0x38;
	[tilespmem:$0x1C800] =	vst v63  }
0x134: {  	_ =	swait.ge [sflag:s19], $0x4000  }
0x135: {  	[sflag:s19] =	ssyncset.done $0x0  }
0x136: {  	s10 =	rddreg [dreg:$0x9];
	[sflag:s19] =	ssyncadd.s32 $0xFFFFC000  }
0x137: {  	[tilespmem:s18], [sflag:$0x5] =	stream.linear.gather [spmem:s10], $0x4000, $0x38;
	[tilespmem:$0x1C800] =	vst v63  }
0x138: {  	_ =	swait.ge [sflag:s19], $0x4000  }
0x139: {  	[sflag:s19] =	ssyncset.done $0x0  }
0x13a: {  	s10 =	rddreg [dreg:$0xe];
	[sflag:s19] =	ssyncadd.s32 $0xFFFFC000  }
0x13b: {  	[hbm4b:s10+s3] =	stream.linear.scatter [tilespmem:s18], [sflag:$0x5], $0x4000, $0x38;
	[tilespmem:$0x1C800] =	vst v63  }
0x13c: {  	_ =	swait.ge [sflag:s19], $0x4000  }
0x13d: {  	s10 =	rddreg [dreg:$0x10]  }
0x13e: {  	s6 =	rddreg [dreg:$0xf];
	s10 =	sadd.s32 $0x1, s10  }
0x13f: {  	p0 =	sne.s32 s10, s6  }
.Ltmp1:
0x140: {  	_ = 	snop;
	(pc) =	sbr.rel @p0 .LBB2_1-.Ltmp1, $3  }
0x141: {  	_ =	sdelay $0x1  }
0x142: {  	[sflag:s19] =	ssyncset.done $0x0;
	[dreg:$0x10] =	wrdreg s10  }
0x143: {  	[sflag:s19] =	ssyncadd.s32 $0xFFFFC000;
	s10 =	rddreg [dreg:$0x5]  }
0x144: {  	_ =	sfence.sel $0x180000  }
0x145: {  	[bflag:$0x0] =	sbarrier.arrive $0xFFFF  }
0x146: {  	_ =	strace $0x9000004A  }
0x147: {  	s0 =	stileid.u32;
	[bflag:$0x2] =	sbarrier.arrive $0xFFFF  }
0x148: {  	p0 =	sne.s32 s0, $0x0;
	s0 =	rddreg [dreg:$0x2]  }
0x149: {  	s0 =	sadd.s32 @!p0 $0x100000, s0  }
0x14a: {  	[sflag:s0] =	ssyncadd.tile.s32 @!p0 $0x1;
	_ =	shalt  }
.Lfunc_end2:
_tile_overlayer_lowered:
.L_overlay_start_2:
0x14b: {  	(tag) =	ssettag $0x2  }
0x14c: {  	s0 =	rddreg [dreg:$0x0];
	s2 =	stileid.u32  }
0x14d: {  	s1 =	rddreg [dreg:$0x1];
	p0 =	sne.s32 s2, $0x0  }
0x14e: {  	s3 =	rddreg [dreg:$0x2];
	[bflag:$0x3] =	sbarrier.arrive $0xFFFF;
	s2 =	simm.s32 @!p0 $0x1C05  }
0x14f: {  	[timem:s3], [sflag:s2] =	dma.local @!p0 [hbm:s0], s1  }
0x150: {  	s0 =	simm.s32 @!p0 $0x5  }
0x151: {  	_ =	swait.ge @!p0 [sflag:s0], s1  }
0x152: {  	s1 =	ssub.s32 @!p0 $0x0, s1;
	[sflag:s0] =	ssyncset.done @!p0 $0x0  }
0x153: {  	[sflag:s0] =	ssyncadd.s32 @!p0 s1  }
0x154: {  	[bflag:$0x3] =	sbarrier.arrive $0xFFFF  }
0x155: {  	_ =	shalt  }

// kernel: kernel.21.cloned.1.call-start
scs
__scs_entry_jumppad:
0x0: {  	(pc) =	sbr.rel $0x88, $3  }
0x1: {  	(tag) =	ssettag $0x0;
	lr =	simm.s32 $0x1  }
0x2: {  	[smem:$0x3F8C] =	sst lr;
	_ =	strace $0xD0000000  }
0x3: {  	_ = 	snop  }
0x4: {  	_ = 	snop  }
0x5: {  	_ = 	snop  }
0x6: {  	_ = 	snop  }
0x7: {  	_ = 	snop  }
__scs_overlays_trampoline_lowered:
0x8: {  	[smem:$0x3F9B] =	sst s0  }
0x9: {  	[smem:$0x3F9C] =	sst s1  }
0xa: {  	[smem:$0x3F9D] =	sst s2  }
0xb: {  	[smem:$0x3F9E] =	sst s3  }
0xc: {  	[smem:$0x3F9F] =	sst s4  }
0xd: {  	[smem:$0x3FA0] =	sst s5  }
0xe: {  	[smem:$0x3FA1] =	sst s6  }
0xf: {  	[smem:$0x3FA2] =	sst s7  }
0x10: {  	[smem:$0x3FA3] =	sst s8  }
0x11: {  	[smem:$0x3FA4] =	sst s9;
	s0 =	simm.s32 @!p0 $0x0  }
0x12: {  	s1 =	sld [smem:$0x3F8A];
	s0 =	simm.s32 @p0 $0x1  }
0x13: {  	[smem:$0x3FA5] =	sst s0;
	s0 =	simm.s32 @!p1 $0x0  }
0x14: {  	s2 =	sld [smem:$0x3F89];
	s0 =	simm.s32 @p1 $0x1  }
0x15: {  	[smem:$0x3FA6] =	sst s0;
	s0 =	simm.s32 @!p2 $0x0  }
0x16: {  	s3 =	sld [smem:$0x3FDB];
	s0 =	simm.s32 @p2 $0x1  }
0x17: {  	s4 =	simm.s32 $0x1BF5;
	[smem:$0x3FA8] =	sst s0  }
0x18: {  	s0 =	sld [smem:$0x3F8B];
	_ =	swait.ge [sflag:s4], $0x0  }
0x19: {  	s7 =	sld [smem:$0x3F8C]  }
0x1a: {  	s8 =	sadd.s32 $0xFFFFE003, lr  }
0x1b: {  	s9 =	sadd.s32 $0xFFFFFEF7, lr;
	s5 =	simm.s32 $0xFFFFFFFF;
	p2 =	slt.u32 s8, $0xFFFFF086  }
0x1c: {  	p1 =	slt.u32 s9, $0xF7A;
	s5 =	simm.s32 @!p2 $0x0  }
0x1d: {  	s5 =	simm.s32 @p1 $0x1;
	p0 =	seq.s32 s7, s2  }
0x1e: {  	s7 =	smul.u32 @!p0 $0xF7A, s2;
	p2 =	seq.s32 @!p0 s5, $0x0  }
0x1f: {  	s9 =	smul.u32 $0xF7A, s1;
	s8 =	simm.s32 @!p0 $0x1BF5;
	p2 =	por !p2, p0  }
0x20: {  	[sflag:s8] =	ssyncset.s32 @!p0 $0xFFFFF086;
	s6 =	sadd.s32 @!p0 s3, s7;
	s7 =	simm.s32 @!p0 $0x108  }
0x21: {  	s3 =	sadd.s32 s3, s9;
	s6 =	sadd.s32 @!p0 $0x88, s6;
	s7 =	simm.s32 @p2 $0x1082  }
0x22: {  	[simem:s7], [sflag:s8] =	dma.local @!p0 [hbm:s6], $0xF7A  }
0x23: {  	s9 =	sor.u32 $0xD0000000, s2;
	s6 =	simm.s32 $0x108;
	_ =	swait.ge @!p0 [sflag:s8], $0x0  }
0x24: {  	s3 =	sadd.s32 $0x88, s3;
	s6 =	simm.s32 @!p1 $0x1082;
	[sflag:s4] =	ssyncset.s32 $0xFFFFF086  }
0x25: {  	[simem:s6], [sflag:s4] =	dma.local [hbm:s3], $0xF7A  }
0x26: {  	[smem:$0x3F8C] =	sst s1;
	(tag) =	ssettag s2;
	_ =	strace s9  }
0x27: {  	s1 =	sld [smem:$0x3F9C]  }
0x28: {  	s2 =	sld [smem:$0x3F9D]  }
0x29: {  	s4 =	sld [smem:$0x3F9F]  }
0x2a: {  	p0 =	seq.s32 s5, $0x0;
	s5 =	sld [smem:$0x3FA0]  }
0x2b: {  	s6 =	sld [smem:$0x3FA1]  }
0x2c: {  	s7 =	sld [smem:$0x3FA2]  }
0x2d: {  	s3 =	simm.s32 $0x108;
	s8 =	sld [smem:$0x3FA3]  }
0x2e: {  	s3 =	simm.s32 @!p0 $0x1082;
	s9 =	sld [smem:$0x3FA4]  }
0x2f: {  	lr =	sadd.s32 s0, s3;
	s0 =	sld [smem:$0x3F9B]  }
0x30: {  	s3 =	sld [smem:$0x3F9E]  }
0x31: {  	[smem:$0x3FA7] =	sst s10  }
0x32: {  	s10 =	sld [smem:$0x3FA5];
	_ =	sdelay $0x3  }
0x33: {  	p0 =	seq.s32 s10, $0x1;
	s10 =	sld [smem:$0x3FA7];
	_ =	sdelay $0x3  }
0x34: {  	[smem:$0x3FA7] =	sst s10  }
0x35: {  	s10 =	sld [smem:$0x3FA6];
	_ =	sdelay $0x3  }
0x36: {  	p1 =	seq.s32 s10, $0x1;
	s10 =	sld [smem:$0x3FA7];
	_ =	sdelay $0x3  }
0x37: {  	[smem:$0x3FA7] =	sst s10  }
0x38: {  	s10 =	sld [smem:$0x3FA8]  }
0x39: {  	_ = 	snop;
	(pc) =	sbr.ind lr, $3  }
0x3a: {  	_ = 	snop  }
0x3b: {  	_ = 	snop  }
0x3c: {  	p2 =	seq.s32 s10, $0x1;
	s10 =	sld [smem:$0x3FA7]  }
0x3d: {  	_ =	shalt  }
0x3e: {  	_ =	shalt  }
0x3f: {  	_ =	shalt  }
0x40: {  	_ =	shalt  }
0x41: {  	_ =	shalt  }
0x42: {  	_ =	shalt  }
0x43: {  	_ =	shalt  }
0x44: {  	_ =	shalt  }
0x45: {  	_ =	shalt  }
0x46: {  	_ =	shalt  }
0x47: {  	_ =	shalt  }
0x48: {  	_ =	shalt  }
0x49: {  	_ =	shalt  }
0x4a: {  	_ =	shalt  }
0x4b: {  	_ =	shalt  }
0x4c: {  	_ =	shalt  }
0x4d: {  	_ =	shalt  }
0x4e: {  	_ =	shalt  }
0x4f: {  	_ =	shalt  }
0x50: {  	_ =	shalt  }
0x51: {  	_ =	shalt  }
0x52: {  	_ =	shalt  }
0x53: {  	_ =	shalt  }
0x54: {  	_ =	shalt  }
0x55: {  	_ =	shalt  }
0x56: {  	_ =	shalt  }
0x57: {  	_ =	shalt  }
0x58: {  	_ =	shalt  }
0x59: {  	_ =	shalt  }
0x5a: {  	_ =	shalt  }
0x5b: {  	_ =	shalt  }
0x5c: {  	_ =	shalt  }
0x5d: {  	_ =	shalt  }
0x5e: {  	_ =	shalt  }
0x5f: {  	_ =	shalt  }
0x60: {  	_ =	shalt  }
0x61: {  	_ =	shalt  }
0x62: {  	_ =	shalt  }
0x63: {  	_ =	shalt  }
0x64: {  	_ =	shalt  }
0x65: {  	_ =	shalt  }
0x66: {  	_ =	shalt  }
0x67: {  	_ =	shalt  }
0x68: {  	_ =	shalt  }
0x69: {  	_ =	shalt  }
0x6a: {  	_ =	shalt  }
0x6b: {  	_ =	shalt  }
0x6c: {  	_ =	shalt  }
0x6d: {  	_ =	shalt  }
0x6e: {  	_ =	shalt  }
0x6f: {  	_ =	shalt  }
0x70: {  	_ =	shalt  }
0x71: {  	_ =	shalt  }
0x72: {  	_ =	shalt  }
0x73: {  	_ =	shalt  }
0x74: {  	_ =	shalt  }
0x75: {  	_ =	shalt  }
0x76: {  	_ =	shalt  }
0x77: {  	_ =	shalt  }
0x78: {  	_ =	shalt  }
0x79: {  	_ =	shalt  }
0x7a: {  	_ =	shalt  }
0x7b: {  	_ =	shalt  }
0x7c: {  	_ =	shalt  }
0x7d: {  	_ =	shalt  }
0x7e: {  	_ =	shalt  }
0x7f: {  	_ =	shalt  }
0x80: {  	_ =	shalt  }
0x81: {  	_ =	shalt  }
0x82: {  	_ =	shalt  }
0x83: {  	_ =	shalt  }
0x84: {  	_ =	shalt  }
0x85: {  	_ =	shalt  }
0x86: {  	_ =	shalt  }
0x87: {  	_ =	shalt  }
.Lfunc_end0:
.L_simem_size_0:
called_computation.2_lowered:
.L_overlay_start_0:
0x88: {  	s2 =	sld [smem:$0x3FD9]  }
0x89: {  	s3 =	sld [smem:$0x3FFE];
	_ =	sdelay $0x1  }
0x8a: {  	s1 =	srdreg.scid  }
0x8b: {  	s0 =	sand.u32 $0x1, s1  }
0x8c: {  	s16 =	sshll.u32 s0, $0xA;
	s2 =	sadd.s32 s3, s2  }
0x8d: {  	s2 =	sadd.s32 s2, s16  }
0x8e: {  	[smem:$0x3FB3] =	sst s2  }
0x8f: {  	_ = 	snop  }
0x90: {  	(tm) =	ssettm $0x1  }
0x91: {  	s17 =	sld [smem:$0x3FFB];
	_ =	sdelay $0x3  }
0x92: {  	_ =	strace s17  }
0x93: {  	s2 =	sld [smem:$0x3FFC];
	_ =	sdelay $0x3  }
0x94: {  	_ =	strace s2  }
0x95: {  	s2 =	sld [smem:$0x3FFD];
	_ =	sdelay $0x3  }
0x96: {  	_ =	strace s2  }
0x97: {  	_ =	strace $0x8FFFFFFF  }
0x98: {  	s18 =	sld [smem:$0x3FDB];
	_ =	sdelay $0x1  }
0x99: {  	s19 =	simm.s32 $_scs_section_size  }
0x9a: {  	s4 =	simm.s32 $_size__tile_overlayer_lowered;
	s5 =	simm.s32 $_tile_overlayer_lowered  }
0x9b: {  	s22 =	simm.s32 $0x1BFF;
	s21 =	sshll.u32 s5, $0x1;
	s2 =	sadd.s32 s19, s18  }
0x9c: {  	s6 =	simm.s32 $0x0;
	s20 =	sshll.u32 s4, $0x1;
	s4 =	sadd.s32 s21, s2  }
0x9d: {  	[timem:s6], [sflag:s22] =	dma.local [hbm:s4], s20  }
0x9e: {  	_ =	swait.ge [sflag:s22], s20  }
0x9f: {  	s3 =	ssub.s32 $0x0, s20;
	[sflag:s22] =	ssyncset.done $0x0  }
0xa0: {  	[sflag:s22] =	ssyncadd.s32 s3;
	_ =	sdelay $0x1  }
0xa1: {  	s23 =	simm.s32 $0x1B8B  }
0xa2: {  	_ =	swait.ge [sflag:s23], $0x1  }
0xa3: {  	[sflag:s23] =	ssyncset.done $0x0  }
0xa4: {  	s25 =	simm.s32 $0x1B8E;
	s24 =	sld [smem:$0x3FFE];
	[sflag:s23] =	ssyncadd.s32 $0xFFFFFFFF  }
0xa5: {  	s26 =	simm.s32 $execute0_lowered;
	[smem:$0x3FD2] =	sst s25  }
0xa6: {  	s4 =	sshll.u32 s26, $0x1;
	_ =	strace $0x8000004C;
	[dreg:$0x1] =	wrdreg $0xFFFFFFFF  }
0xa7: {  	s28 =	simm.s32 $_size_execute0_lowered;
	s2 =	sadd.s32 s2, s4;
	[dreg:$0x0] =	wrdreg $0x0  }
0xa8: {  	s4 =	sshll.u32 s28, $0x1;
	[dreg:$0x2] =	wrdreg s2  }
0xa9: {  	[dreg:$0x3] =	wrdreg s4  }
0xaa: {  	[dreg:$0x4] =	wrdreg $0xC0  }
0xab: {  	_ =	task [dreg:s6], $0x5FFFF  }
0xac: {  	[dreg:$0x1] =	wrdreg $0xFFFFFFFF  }
0xad: {  	[dreg:$0x0] =	wrdreg $0x60  }
0xae: {  	[dreg:$0x2] =	wrdreg s24  }
0xaf: {  	[dreg:$0x3] =	wrdreg $0x88000  }
0xb0: {  	[dreg:$0x4] =	wrdreg $0x9  }
0xb1: {  	_ =	task.clear_ibuf [dreg:s6], $0x5FFFF;
	_ =	strace $0x9000004C  }
0xb2: {  	s29 =	simm.s32 $0x9;
	_ =	strace $0x8000004E  }
0xb3: {  	_ =	swait.ge [sflag:s29], $0x1  }
0xb4: {  	[sflag:s29] =	ssyncadd.s32 $0xFFFFFFFF  }
0xb5: {  	_ =	strace $0x9000004E  }
0xb6: {  	_ =	sfence  }
0xb7: {  	s30 =	sld [smem:$0x0];
	_ =	sdelay $0x2  }
0xb8: {  	s31 =	sshll.u32 s1, $0xD;
	s1 =	sshrl.u32 s1, $0x2  }
0xb9: {  	s3 =	sand.u32 $0x4000, s31;
	s1 =	sadd.s32 s1, s30  }
0xba: {  	s0 =	sor.u32 s3, s0;
	s1 =	sshll.u32 s1, $0x11  }
0xbb: {  	s0 =	sor.u32 s1, s0  }
0xbc: {  	s0 =	sadd.s32 $0x8F2B, s0  }
0xbd: {  	[sflag:s0] =	ssyncadd.remote.s32 $0x1  }
0xbe: {  	_ =	sfence.sel $0xFFFF  }
0xbf: {  	[dreg:$0x0] =	wrdreg $0xFFFFFFFF;
	(pc) =	sbr.abs _section_cstart, $3  }
0xc0: {  	[dreg:$0x1] =	wrdreg $0xFFFFFFFF  }
0xc1: {  	_ =	task.clear_ibuf [dreg:s6], $0x2FFFF;
	_ =	strace $0x9FFFFFFF  }
0xc2: {  	(tm) =	ssettm $0x7FFFFFFF  }
0xc3: {  	_ =	shalt  }
tec
execute0_lowered:
.L_overlay_start_1:
0x0: {  	(tag) =	ssettag $0x1  }
0x1: {  	s0 =	rddreg [dreg:$0x0]  }
0x2: {  	s2 =	rddreg [dreg:$0x1]  }
0x3: {  	s9 =	stileid.u32;
	s3 =	simm.s32 $0x0;
	s4 =	srdreg.scid  }
0x4: {  	s28 =	simm.s32 $0x480;
	s29 =	simm.s32 $0x4;
	s30 =	simm.s32 $0x180  }
0x5: {  	s31 =	simm.s32 $0x500;
	s1 =	smul.u32 $0xA00, s9;
	[smem:$0x7FF] =	sst s3  }
0x6: {  	s5 =	sand.u32 $0x1, s4;
	s4 =	sadd.s32 $0x19E00, s0;
	s7 =	smul.u32 $0x50000, s9  }
0x7: {  	s8 =	sadd.s32 $0x19600, s0;
	s9 =	smul.u32 $0x14000, s9;
	_ =	strace $0x8000004D  }
0x8: {  	s6 =	ssub.s32 $0x2, s5;
	[dreg:$0x4] =	wrdreg s8;
	s12 =	smul.u32 $0x140000, s5  }
0x9: {  	s5 =	smul.u32 $0x500, s5;
	s1 =	sadd.s32 s1, s0;
	s17 =	sshrl.u32 s6, $0x1  }
0xa: {  	s0 =	sadd.s32 $0x41E00, s0;
	s7 =	sshrl.u32 s7, $0x2;
	s18 =	sadd.s32 $0x4000, s9  }
0xb: {  	s11 =	sadd.s32 $0x8000, s9;
	s19 =	sadd.s32 $0xC000, s9;
	s13 =	sadd.s32 $0x10000, s9  }
0xc: {  	s6 =	ssub.s32 s6, s17;
	s10 =	sadd.s32 s7, s2;
	s14 =	sadd.s32 s18, s2  }
0xd: {  	s15 =	sadd.s32 s11, s2;
	s9 =	sadd.s32 s9, s12;
	s16 =	sadd.s32 s19, s2  }
0xe: {  	s17 =	sadd.s32 s13, s2;
	s8 =	sadd.s32 s12, s18;
	s20 =	sadd.s32 s12, s11  }
0xf: {  	s7 =	sadd.s32 s12, s19;
	s22 =	sadd.s32 s12, s13;
	s1 =	sadd.s32 s5, s1  }
0x10: {  	s18 =	simm.s32 $0x800;
	s19 =	simm.s32 $0x5;
	s5 =	simm.s32 $0x280  }
0x11: {  	s11 =	simm.s32 $0x600;
	s12 =	simm.s32 $0x300;
	s13 =	simm.s32 $0x680  }
0x12: {  	[dreg:$0x9] =	wrdreg s17;
	s9 =	sshrl.u32 s9, $0x3;
	s8 =	sshrl.u32 s8, $0x3  }
0x13: {  	s7 =	sshrl.u32 s7, $0x3;
	s24 =	sshrl.u32 s22, $0x3;
	s25 =	sadd.s32 $0x5600, s1  }
0x14: {  	s26 =	smax.u32 s6, $0x1;
	s17 =	sadd.s32 $0xF600, s1;
	[dreg:$0x5] =	wrdreg s10  }
0x15: {  	s22 =	simm.s32 $0x4800;
	s1 =	simm.s32 $0x580;
	[dreg:$0xf] =	wrdreg s26  }
0x16: {  	s6 =	simm.s32 $0x0;
	s9 =	sadd.s32 s0, s9;
	[dreg:$0x3] =	wrdreg s25  }
0x17: {  	s8 =	sadd.s32 s0, s8;
	s23 =	sadd.s32 s0, s7;
	[dreg:$0x10] =	wrdreg s6  }
0x18: {  	s7 =	smov.u32 s14;
	s25 =	simm.s32 $0x100;
	[dreg:$0xa] =	wrdreg s9  }
0x19: {  	s26 =	simm.s32 $0x2;
	s14 =	simm.s32 $0x380;
	[dreg:$0xb] =	wrdreg s8  }
0x1a: {  	s9 =	sshrl.u32 s20, $0x3;
	[dreg:$0xd] =	wrdreg s23;
	s8 =	smov.u32 s15  }
0x1b: {  	s20 =	simm.s32 $0x400;
	s23 =	simm.s32 $0x1;
	[dreg:$0x6] =	wrdreg s7  }
0x1c: {  	s15 =	simm.s32 $0x700;
	s21 =	sadd.s32 s0, s9;
	[dreg:$0x7] =	wrdreg s8  }
0x1d: {  	s9 =	smov.u32 s16;
	s0 =	sadd.s32 s0, s24;
	[dreg:$0xc] =	wrdreg s21  }
0x1e: {  	s24 =	simm.s32 $0x3;
	s16 =	simm.s32 $0x780;
	[dreg:$0xe] =	wrdreg s0  }
0x1f: {  	s21 =	simm.s32 $0x80;
	s0 =	simm.s32 $0x200;
	[dreg:$0x8] =	wrdreg s9  }
.LBB2_1:
0x20: {  	s6 =	rddreg [dreg:$0x4]  }
0x21: {  	[tilespmem:s18], [sflag:$0x5] =	stream.linear.gather [hbm4b:s6+s3], $0x4000, $0x38;
	[tilespmem:$0x1C800] =	vst v63  }
0x22: {  	_ =	swait.ge [sflag:s19], $0x4000  }
0x23: {  	[sflag:s19] =	ssyncset.done $0x0  }
0x24: {  	[sflag:s19] =	ssyncadd.s32 $0xFFFFC000  }
0x25: {  	[spmem:s10] =	stream.linear.scatter [tilespmem:s18], [sflag:$0x5], $0x4000, $0x38;
	[tilespmem:$0x1C800] =	vst v63  }
0x26: {  	_ =	swait.ge [sflag:s19], $0x4000  }
0x27: {  	[sflag:s19] =	ssyncset.done $0x0  }
0x28: {  	[sflag:s19] =	ssyncadd.s32 $0xFFFFC000  }
0x29: {  	[spmem:s7] =	stream.linear.scatter [tilespmem:s18], [sflag:$0x5], $0x4000, $0x38;
	[tilespmem:$0x1C800] =	vst v63  }
0x2a: {  	_ =	swait.ge [sflag:s19], $0x4000  }
0x2b: {  	[sflag:s19] =	ssyncset.done $0x0  }
0x2c: {  	[sflag:s19] =	ssyncadd.s32 $0xFFFFC000  }
0x2d: {  	[spmem:s8] =	stream.linear.scatter [tilespmem:s18], [sflag:$0x5], $0x4000, $0x38;
	[tilespmem:$0x1C800] =	vst v63  }
0x2e: {  	_ =	swait.ge [sflag:s19], $0x4000  }
0x2f: {  	[sflag:s19] =	ssyncset.done $0x0  }
0x30: {  	[sflag:s19] =	ssyncadd.s32 $0xFFFFC000  }
0x31: {  	[spmem:s9] =	stream.linear.scatter [tilespmem:s18], [sflag:$0x5], $0x4000, $0x38;
	[tilespmem:$0x1C800] =	vst v63  }
0x32: {  	_ =	swait.ge [sflag:s19], $0x4000  }
0x33: {  	[sflag:s19] =	ssyncset.done $0x0  }
0x34: {  	s8 =	rddreg [dreg:$0x9];
	[sflag:s19] =	ssyncadd.s32 $0xFFFFC000  }
0x35: {  	[spmem:s8] =	stream.linear.scatter [tilespmem:s18], [sflag:$0x5], $0x4000, $0x38;
	[tilespmem:$0x1C800] =	vst v63  }
0x36: {  	_ =	swait.ge [sflag:s19], $0x4000  }
0x37: {  	[sflag:s19] =	ssyncset.done $0x0  }
0x38: {  	[sflag:s19] =	ssyncadd.s32 $0xFFFFC000  }
0x39: {  	s9 =	sadd.s32 $0x0, s17;
	[bflag:$0x0] =	sbarrier.arrive $0xFFFF  }
0x3a: {  	[tilespmem:s3], [sflag:$0x5] =	stream.linear.gather [hbm4b:s9+s3], $0x400, $0x38;
	[tilespmem:$0x1C800] =	vst v63  }
0x3b: {  	_ =	swait.ge [sflag:s19], $0x400  }
0x3c: {  	s10 =	rddreg [dreg:$0x3];
	[sflag:s19] =	ssyncset.done $0x0  }
0x3d: {  	[sflag:s19] =	ssyncadd.s32 $0xFFFFFC00;
	s7 =	sadd.s32 $0x0, s10  }
0x3e: {  	[tilespmem:s20], [sflag:$0x5] =	stream.linear.gather [hbm4b:s7+s3], $0x400, $0x38;
	[tilespmem:$0x1C800] =	vst v63  }
0x3f: {  	_ =	swait.ge [sflag:s19], $0x400  }
0x40: {  	[sflag:s19] =	ssyncset.done $0x0  }
0x41: {  	[sflag:s19] =	ssyncadd.s32 $0xFFFFFC00  }
0x42: {  	[tilespmem:s18], [sflag:$0x1] =	stream.indirect.gather [hbm4b:s4+s21], $0x80, s3, s21, $0xb8;
	[tilespmem:$0x1C800] =	vst v63  }
0x43: {  	_ = 	snop  }
0x44: {  	[tilespmem:s22], [sflag:$0x2] =	stream.indirect.gather [hbm4b:s4+s21], $0x80, s21, s21, $0xb8;
	[tilespmem:$0x1C800] =	vst v63  }
0x45: {  	_ =	swait.ge [sflag:s23], $0x4000  }
0x46: {  	[sflag:s23] =	ssyncset.done $0x0  }
0x47: {  	[sflag:s23] =	ssyncadd.s32 $0xFFFFC000  }
0x48: {  	[spmem:s2] =	stream.indirect.scatter.add.f32 [tilespmem:s18], [sflag:$0x3], $0x80, s20, s21, $0xb8;
	[tilespmem:$0x1C800] =	vst v63  }
0x49: {  	_ =	swait.ge [sflag:s24], $0x4000  }
0x4a: {  	[sflag:s24] =	ssyncset.done $0x0  }
0x4b: {  	[sflag:s24] =	ssyncadd.s32 $0xFFFFC000  }
0x4c: {  	[tilespmem:s18], [sflag:$0x1] =	stream.indirect.gather [hbm4b:s4+s21], $0x80, s25, s21, $0xb8;
	[tilespmem:$0x1C800] =	vst v63  }
0x4d: {  	_ =	swait.ge [sflag:s26], $0x4000  }
0x4e: {  	[sflag:s26] =	ssyncset.done $0x0  }
0x4f: {  	[sflag:s26] =	ssyncadd.s32 $0xFFFFC000  }
0x50: {  	[spmem:s2] =	stream.indirect.scatter.add.f32 [tilespmem:s22], [sflag:$0x4], $0x80, s28, s21, $0xb8;
	[tilespmem:$0x1C800] =	vst v63  }
0x51: {  	_ =	swait.ge [sflag:s29], $0x4000  }
0x52: {  	[sflag:s29] =	ssyncset.done $0x0  }
0x53: {  	[sflag:s29] =	ssyncadd.s32 $0xFFFFC000  }
0x54: {  	[tilespmem:s22], [sflag:$0x2] =	stream.indirect.gather [hbm4b:s4+s21], $0x80, s30, s21, $0xb8;
	[tilespmem:$0x1C800] =	vst v63  }
0x55: {  	_ =	swait.ge [sflag:s23], $0x4000  }
0x56: {  	[sflag:s23] =	ssyncset.done $0x0  }
0x57: {  	[sflag:s23] =	ssyncadd.s32 $0xFFFFC000  }
0x58: {  	[spmem:s2] =	stream.indirect.scatter.add.f32 [tilespmem:s18], [sflag:$0x3], $0x80, s31, s21, $0xb8;
	[tilespmem:$0x1C800] =	vst v63  }
0x59: {  	_ =	swait.ge [sflag:s24], $0x4000  }
0x5a: {  	[sflag:s24] =	ssyncset.done $0x0  }
0x5b: {  	[sflag:s24] =	ssyncadd.s32 $0xFFFFC000  }
0x5c: {  	[tilespmem:s18], [sflag:$0x1] =	stream.indirect.gather [hbm4b:s4+s21], $0x80, s0, s21, $0xb8;
	[tilespmem:$0x1C800] =	vst v63  }
0x5d: {  	_ =	swait.ge [sflag:s26], $0x4000  }
0x5e: {  	[sflag:s26] =	ssyncset.done $0x0  }
0x5f: {  	[sflag:s26] =	ssyncadd.s32 $0xFFFFC000  }
0x60: {  	[spmem:s2] =	stream.indirect.scatter.add.f32 [tilespmem:s22], [sflag:$0x4], $0x80, s1, s21, $0xb8;
	[tilespmem:$0x1C800] =	vst v63  }
0x61: {  	_ =	swait.ge [sflag:s29], $0x4000  }
0x62: {  	[sflag:s29] =	ssyncset.done $0x0  }
0x63: {  	[sflag:s29] =	ssyncadd.s32 $0xFFFFC000  }
0x64: {  	[tilespmem:s22], [sflag:$0x2] =	stream.indirect.gather [hbm4b:s4+s21], $0x80, s5, s21, $0xb8;
	[tilespmem:$0x1C800] =	vst v63  }
0x65: {  	_ =	swait.ge [sflag:s23], $0x4000  }
0x66: {  	[sflag:s23] =	ssyncset.done $0x0  }
0x67: {  	[sflag:s23] =	ssyncadd.s32 $0xFFFFC000  }
0x68: {  	[spmem:s2] =	stream.indirect.scatter.add.f32 [tilespmem:s18], [sflag:$0x3], $0x80, s11, s21, $0xb8;
	[tilespmem:$0x1C800] =	vst v63  }
0x69: {  	_ =	swait.ge [sflag:s24], $0x4000  }
0x6a: {  	[sflag:s24] =	ssyncset.done $0x0  }
0x6b: {  	[sflag:s24] =	ssyncadd.s32 $0xFFFFC000  }
0x6c: {  	[tilespmem:s18], [sflag:$0x1] =	stream.indirect.gather [hbm4b:s4+s21], $0x80, s12, s21, $0xb8;
	[tilespmem:$0x1C800] =	vst v63  }
0x6d: {  	_ =	swait.ge [sflag:s26], $0x4000  }
0x6e: {  	[sflag:s26] =	ssyncset.done $0x0  }
0x6f: {  	[sflag:s26] =	ssyncadd.s32 $0xFFFFC000  }
0x70: {  	[spmem:s2] =	stream.indirect.scatter.add.f32 [tilespmem:s22], [sflag:$0x4], $0x80, s13, s21, $0xb8;
	[tilespmem:$0x1C800] =	vst v63  }
0x71: {  	_ =	swait.ge [sflag:s29], $0x4000  }
0x72: {  	[sflag:s29] =	ssyncset.done $0x0  }
0x73: {  	[sflag:s29] =	ssyncadd.s32 $0xFFFFC000  }
0x74: {  	[tilespmem:s22], [sflag:$0x2] =	stream.indirect.gather [hbm4b:s4+s21], $0x80, s14, s21, $0xb8;
	[tilespmem:$0x1C800] =	vst v63  }
0x75: {  	_ =	swait.ge [sflag:s23], $0x4000  }
0x76: {  	[sflag:s23] =	ssyncset.done $0x0  }
0x77: {  	[sflag:s23] =	ssyncadd.s32 $0xFFFFC000  }
0x78: {  	[spmem:s2] =	stream.indirect.scatter.add.f32 [tilespmem:s18], [sflag:$0x3], $0x80, s15, s21, $0xb8;
	[tilespmem:$0x1C800] =	vst v63  }
0x79: {  	_ =	swait.ge [sflag:s26], $0x4000  }
0x7a: {  	[sflag:s26] =	ssyncset.done $0x0  }
0x7b: {  	[sflag:s26] =	ssyncadd.s32 $0xFFFFC000  }
0x7c: {  	[spmem:s2] =	stream.indirect.scatter.add.f32 [tilespmem:s22], [sflag:$0x4], $0x80, s16, s21, $0xb8;
	[tilespmem:$0x1C800] =	vst v63  }
0x7d: {  	_ =	swait.ge [sflag:s24], $0x4000  }
0x7e: {  	[sflag:s24] =	ssyncset.done $0x0  }
0x7f: {  	[sflag:s24] =	ssyncadd.s32 $0xFFFFC000  }
0x80: {  	_ =	swait.ge [sflag:s29], $0x4000  }
0x81: {  	s8 =	simm.s32 $0x100;
	s7 =	simm.s32 $0x80;
	[sflag:s29] =	ssyncset.done $0x0  }
.LBB2_2:
0x82: {  	s10 =	sadd.s32 s7, s17;
	[sflag:s29] =	ssyncadd.s32 $0xFFFFC000  }
0x83: {  	[tilespmem:s3], [sflag:$0x5] =	stream.linear.gather [hbm4b:s10+s3], $0x400, $0x38;
	[tilespmem:$0x1C800] =	vst v63  }
0x84: {  	s6 =	smov.u32 s8;
	_ =	swait.ge [sflag:s19], $0x400  }
0x85: {  	s9 =	sadd.s32 $0x80, s8;
	s10 =	rddreg [dreg:$0x3];
	[sflag:s19] =	ssyncset.done $0x0  }
0x86: {  	p0 =	sne.s32 s8, $0x480;
	[sflag:s19] =	ssyncadd.s32 $0xFFFFFC00;
	s8 =	sadd.s32 s7, s10  }
0x87: {  	[tilespmem:s20], [sflag:$0x5] =	stream.linear.gather [hbm4b:s8+s3], $0x400, $0x38;
	[tilespmem:$0x1C800] =	vst v63  }
0x88: {  	_ =	swait.ge [sflag:s19], $0x400  }
0x89: {  	[sflag:s19] =	ssyncset.done $0x0  }
0x8a: {  	[sflag:s19] =	ssyncadd.s32 $0xFFFFFC00  }
0x8b: {  	[tilespmem:s18], [sflag:$0x1] =	stream.indirect.gather [hbm4b:s4+s21], $0x80, s3, s21, $0xb8;
	[tilespmem:$0x1C800] =	vst v63  }
0x8c: {  	_ = 	snop  }
0x8d: {  	[tilespmem:s22], [sflag:$0x2] =	stream.indirect.gather [hbm4b:s4+s21], $0x80, s21, s21, $0xb8;
	[tilespmem:$0x1C800] =	vst v63  }
0x8e: {  	_ =	swait.ge [sflag:s23], $0x4000  }
0x8f: {  	[sflag:s23] =	ssyncset.done $0x0  }
0x90: {  	[sflag:s23] =	ssyncadd.s32 $0xFFFFC000  }
0x91: {  	[spmem:s2] =	stream.indirect.scatter.add.f32 [tilespmem:s18], [sflag:$0x3], $0x80, s20, s21, $0xb8;
	[tilespmem:$0x1C800] =	vst v63  }
0x92: {  	_ =	swait.ge [sflag:s24], $0x4000  }
0x93: {  	[sflag:s24] =	ssyncset.done $0x0  }
0x94: {  	[sflag:s24] =	ssyncadd.s32 $0xFFFFC000  }
0x95: {  	[tilespmem:s18], [sflag:$0x1] =	stream.indirect.gather [hbm4b:s4+s21], $0x80, s25, s21, $0xb8;
	[tilespmem:$0x1C800] =	vst v63  }
0x96: {  	_ =	swait.ge [sflag:s26], $0x4000  }
0x97: {  	[sflag:s26] =	ssyncset.done $0x0  }
0x98: {  	[sflag:s26] =	ssyncadd.s32 $0xFFFFC000  }
0x99: {  	[spmem:s2] =	stream.indirect.scatter.add.f32 [tilespmem:s22], [sflag:$0x4], $0x80, s28, s21, $0xb8;
	[tilespmem:$0x1C800] =	vst v63  }
0x9a: {  	_ =	swait.ge [sflag:s29], $0x4000  }
0x9b: {  	[sflag:s29] =	ssyncset.done $0x0  }
0x9c: {  	[sflag:s29] =	ssyncadd.s32 $0xFFFFC000  }
0x9d: {  	[tilespmem:s22], [sflag:$0x2] =	stream.indirect.gather [hbm4b:s4+s21], $0x80, s30, s21, $0xb8;
	[tilespmem:$0x1C800] =	vst v63  }
0x9e: {  	_ =	swait.ge [sflag:s23], $0x4000  }
0x9f: {  	[sflag:s23] =	ssyncset.done $0x0  }
0xa0: {  	[sflag:s23] =	ssyncadd.s32 $0xFFFFC000  }
0xa1: {  	[spmem:s2] =	stream.indirect.scatter.add.f32 [tilespmem:s18], [sflag:$0x3], $0x80, s31, s21, $0xb8;
	[tilespmem:$0x1C800] =	vst v63  }
0xa2: {  	_ =	swait.ge [sflag:s24], $0x4000  }
0xa3: {  	[sflag:s24] =	ssyncset.done $0x0  }
0xa4: {  	[sflag:s24] =	ssyncadd.s32 $0xFFFFC000  }
0xa5: {  	[tilespmem:s18], [sflag:$0x1] =	stream.indirect.gather [hbm4b:s4+s21], $0x80, s0, s21, $0xb8;
	[tilespmem:$0x1C800] =	vst v63  }
0xa6: {  	_ =	swait.ge [sflag:s26], $0x4000  }
0xa7: {  	[sflag:s26] =	ssyncset.done $0x0  }
0xa8: {  	[sflag:s26] =	ssyncadd.s32 $0xFFFFC000  }
0xa9: {  	[spmem:s2] =	stream.indirect.scatter.add.f32 [tilespmem:s22], [sflag:$0x4], $0x80, s1, s21, $0xb8;
	[tilespmem:$0x1C800] =	vst v63  }
0xaa: {  	_ =	swait.ge [sflag:s29], $0x4000  }
0xab: {  	[sflag:s29] =	ssyncset.done $0x0  }
0xac: {  	[sflag:s29] =	ssyncadd.s32 $0xFFFFC000  }
0xad: {  	[tilespmem:s22], [sflag:$0x2] =	stream.indirect.gather [hbm4b:s4+s21], $0x80, s5, s21, $0xb8;
	[tilespmem:$0x1C800] =	vst v63  }
0xae: {  	_ =	swait.ge [sflag:s23], $0x4000  }
0xaf: {  	[sflag:s23] =	ssyncset.done $0x0  }
0xb0: {  	[sflag:s23] =	ssyncadd.s32 $0xFFFFC000  }
0xb1: {  	[spmem:s2] =	stream.indirect.scatter.add.f32 [tilespmem:s18], [sflag:$0x3], $0x80, s11, s21, $0xb8;
	[tilespmem:$0x1C800] =	vst v63  }
0xb2: {  	_ =	swait.ge [sflag:s24], $0x4000  }
0xb3: {  	[sflag:s24] =	ssyncset.done $0x0  }
0xb4: {  	[sflag:s24] =	ssyncadd.s32 $0xFFFFC000  }
0xb5: {  	[tilespmem:s18], [sflag:$0x1] =	stream.indirect.gather [hbm4b:s4+s21], $0x80, s12, s21, $0xb8;
	[tilespmem:$0x1C800] =	vst v63  }
0xb6: {  	_ =	swait.ge [sflag:s26], $0x4000  }
0xb7: {  	[sflag:s26] =	ssyncset.done $0x0  }
0xb8: {  	[sflag:s26] =	ssyncadd.s32 $0xFFFFC000  }
0xb9: {  	[spmem:s2] =	stream.indirect.scatter.add.f32 [tilespmem:s22], [sflag:$0x4], $0x80, s13, s21, $0xb8;
	[tilespmem:$0x1C800] =	vst v63  }
0xba: {  	_ =	swait.ge [sflag:s29], $0x4000  }
0xbb: {  	[sflag:s29] =	ssyncset.done $0x0  }
0xbc: {  	[sflag:s29] =	ssyncadd.s32 $0xFFFFC000  }
0xbd: {  	[tilespmem:s22], [sflag:$0x2] =	stream.indirect.gather [hbm4b:s4+s21], $0x80, s14, s21, $0xb8;
	[tilespmem:$0x1C800] =	vst v63  }
0xbe: {  	_ =	swait.ge [sflag:s23], $0x4000  }
0xbf: {  	[sflag:s23] =	ssyncset.done $0x0  }
0xc0: {  	[sflag:s23] =	ssyncadd.s32 $0xFFFFC000  }
0xc1: {  	[spmem:s2] =	stream.indirect.scatter.add.f32 [tilespmem:s18], [sflag:$0x3], $0x80, s15, s21, $0xb8;
	[tilespmem:$0x1C800] =	vst v63  }
0xc2: {  	_ =	swait.ge [sflag:s26], $0x4000  }
0xc3: {  	[sflag:s26] =	ssyncset.done $0x0  }
0xc4: {  	[sflag:s26] =	ssyncadd.s32 $0xFFFFC000  }
0xc5: {  	[spmem:s2] =	stream.indirect.scatter.add.f32 [tilespmem:s22], [sflag:$0x4], $0x80, s16, s21, $0xb8;
	[tilespmem:$0x1C800] =	vst v63  }
.Ltmp0:
0xc6: {  	_ =	swait.ge [sflag:s24], $0x4000;
	(pc) =	sbr.rel @p0 .LBB2_2-.Ltmp0, $4  }
0xc7: {  	[sflag:s24] =	ssyncset.done $0x0  }
0xc8: {  	[sflag:s24] =	ssyncadd.s32 $0xFFFFC000  }
0xc9: {  	_ =	swait.ge [sflag:s29], $0x4000  }
0xca: {  	s7 =	smov.u32 s6;
	s8 =	smov.u32 s9;
	[sflag:s29] =	ssyncset.done $0x0  }
0xcb: {  	s6 =	sadd.s32 s7, s17;
	[sflag:s29] =	ssyncadd.s32 $0xFFFFC000  }
0xcc: {  	[tilespmem:s3], [sflag:$0x5] =	stream.linear.gather [hbm4b:s6+s3], $0x400, $0x38;
	[tilespmem:$0x1C800] =	vst v63  }
0xcd: {  	_ =	swait.ge [sflag:s19], $0x400  }
0xce: {  	s9 =	rddreg [dreg:$0x3];
	[sflag:s19] =	ssyncset.done $0x0  }
0xcf: {  	s6 =	sadd.s32 s7, s9;
	[sflag:s19] =	ssyncadd.s32 $0xFFFFFC00  }
0xd0: {  	[tilespmem:s20], [sflag:$0x5] =	stream.linear.gather [hbm4b:s6+s3], $0x400, $0x38;
	[tilespmem:$0x1C800] =	vst v63  }
0xd1: {  	_ =	swait.ge [sflag:s19], $0x400  }
0xd2: {  	[sflag:s19] =	ssyncset.done $0x0  }
0xd3: {  	[sflag:s19] =	ssyncadd.s32 $0xFFFFFC00  }
0xd4: {  	[tilespmem:s18], [sflag:$0x1] =	stream.indirect.gather [hbm4b:s4+s21], $0x80, s3, s21, $0xb8;
	[tilespmem:$0x1C800] =	vst v63  }
0xd5: {  	_ = 	snop  }
0xd6: {  	[tilespmem:s22], [sflag:$0x2] =	stream.indirect.gather [hbm4b:s4+s21], $0x80, s21, s21, $0xb8;
	[tilespmem:$0x1C800] =	vst v63  }
0xd7: {  	_ =	swait.ge [sflag:s23], $0x4000  }
0xd8: {  	[sflag:s23] =	ssyncset.done $0x0  }
0xd9: {  	[sflag:s23] =	ssyncadd.s32 $0xFFFFC000  }
0xda: {  	[spmem:s2] =	stream.indirect.scatter.add.f32 [tilespmem:s18], [sflag:$0x3], $0x80, s20, s21, $0xb8;
	[tilespmem:$0x1C800] =	vst v63  }
0xdb: {  	_ =	swait.ge [sflag:s24], $0x4000  }
0xdc: {  	[sflag:s24] =	ssyncset.done $0x0  }
0xdd: {  	[sflag:s24] =	ssyncadd.s32 $0xFFFFC000  }
0xde: {  	[tilespmem:s18], [sflag:$0x1] =	stream.indirect.gather [hbm4b:s4+s21], $0x80, s25, s21, $0xb8;
	[tilespmem:$0x1C800] =	vst v63  }
0xdf: {  	_ =	swait.ge [sflag:s26], $0x4000  }
0xe0: {  	[sflag:s26] =	ssyncset.done $0x0  }
0xe1: {  	[sflag:s26] =	ssyncadd.s32 $0xFFFFC000  }
0xe2: {  	[spmem:s2] =	stream.indirect.scatter.add.f32 [tilespmem:s22], [sflag:$0x4], $0x80, s28, s21, $0xb8;
	[tilespmem:$0x1C800] =	vst v63  }
0xe3: {  	_ =	swait.ge [sflag:s29], $0x4000  }
0xe4: {  	[sflag:s29] =	ssyncset.done $0x0  }
0xe5: {  	[sflag:s29] =	ssyncadd.s32 $0xFFFFC000  }
0xe6: {  	[tilespmem:s22], [sflag:$0x2] =	stream.indirect.gather [hbm4b:s4+s21], $0x80, s30, s21, $0xb8;
	[tilespmem:$0x1C800] =	vst v63  }
0xe7: {  	_ =	swait.ge [sflag:s23], $0x4000  }
0xe8: {  	[sflag:s23] =	ssyncset.done $0x0  }
0xe9: {  	[sflag:s23] =	ssyncadd.s32 $0xFFFFC000  }
0xea: {  	[spmem:s2] =	stream.indirect.scatter.add.f32 [tilespmem:s18], [sflag:$0x3], $0x80, s31, s21, $0xb8;
	[tilespmem:$0x1C800] =	vst v63  }
0xeb: {  	_ =	swait.ge [sflag:s24], $0x4000  }
0xec: {  	[sflag:s24] =	ssyncset.done $0x0  }
0xed: {  	[sflag:s24] =	ssyncadd.s32 $0xFFFFC000  }
0xee: {  	[tilespmem:s18], [sflag:$0x1] =	stream.indirect.gather [hbm4b:s4+s21], $0x80, s0, s21, $0xb8;
	[tilespmem:$0x1C800] =	vst v63  }
0xef: {  	_ =	swait.ge [sflag:s26], $0x4000  }
0xf0: {  	[sflag:s26] =	ssyncset.done $0x0  }
0xf1: {  	[sflag:s26] =	ssyncadd.s32 $0xFFFFC000  }
0xf2: {  	[spmem:s2] =	stream.indirect.scatter.add.f32 [tilespmem:s22], [sflag:$0x4], $0x80, s1, s21, $0xb8;
	[tilespmem:$0x1C800] =	vst v63  }
0xf3: {  	_ =	swait.ge [sflag:s29], $0x4000  }
0xf4: {  	[sflag:s29] =	ssyncset.done $0x0  }
0xf5: {  	[sflag:s29] =	ssyncadd.s32 $0xFFFFC000  }
0xf6: {  	[tilespmem:s22], [sflag:$0x2] =	stream.indirect.gather [hbm4b:s4+s21], $0x80, s5, s21, $0xb8;
	[tilespmem:$0x1C800] =	vst v63  }
0xf7: {  	_ =	swait.ge [sflag:s23], $0x4000  }
0xf8: {  	[sflag:s23] =	ssyncset.done $0x0  }
0xf9: {  	[sflag:s23] =	ssyncadd.s32 $0xFFFFC000  }
0xfa: {  	[spmem:s2] =	stream.indirect.scatter.add.f32 [tilespmem:s18], [sflag:$0x3], $0x80, s11, s21, $0xb8;
	[tilespmem:$0x1C800] =	vst v63  }
0xfb: {  	_ =	swait.ge [sflag:s24], $0x4000  }
0xfc: {  	[sflag:s24] =	ssyncset.done $0x0  }
0xfd: {  	[sflag:s24] =	ssyncadd.s32 $0xFFFFC000  }
0xfe: {  	[tilespmem:s18], [sflag:$0x1] =	stream.indirect.gather [hbm4b:s4+s21], $0x80, s12, s21, $0xb8;
	[tilespmem:$0x1C800] =	vst v63  }
0xff: {  	_ =	swait.ge [sflag:s26], $0x4000  }
0x100: {  	[sflag:s26] =	ssyncset.done $0x0  }
0x101: {  	[sflag:s26] =	ssyncadd.s32 $0xFFFFC000  }
0x102: {  	[spmem:s2] =	stream.indirect.scatter.add.f32 [tilespmem:s22], [sflag:$0x4], $0x80, s13, s21, $0xb8;
	[tilespmem:$0x1C800] =	vst v63  }
0x103: {  	_ =	swait.ge [sflag:s29], $0x4000  }
0x104: {  	[sflag:s29] =	ssyncset.done $0x0  }
0x105: {  	[sflag:s29] =	ssyncadd.s32 $0xFFFFC000  }
0x106: {  	[tilespmem:s22], [sflag:$0x2] =	stream.indirect.gather [hbm4b:s4+s21], $0x80, s14, s21, $0xb8;
	[tilespmem:$0x1C800] =	vst v63  }
0x107: {  	_ =	swait.ge [sflag:s23], $0x4000  }
0x108: {  	[sflag:s23] =	ssyncset.done $0x0  }
0x109: {  	[sflag:s23] =	ssyncadd.s32 $0xFFFFC000  }
0x10a: {  	[spmem:s2] =	stream.indirect.scatter.add.f32 [tilespmem:s18], [sflag:$0x3], $0x80, s15, s21, $0xb8;
	[tilespmem:$0x1C800] =	vst v63  }
0x10b: {  	_ =	swait.ge [sflag:s26], $0x4000  }
0x10c: {  	[sflag:s26] =	ssyncset.done $0x0  }
0x10d: {  	[sflag:s26] =	ssyncadd.s32 $0xFFFFC000  }
0x10e: {  	[spmem:s2] =	stream.indirect.scatter.add.f32 [tilespmem:s22], [sflag:$0x4], $0x80, s16, s21, $0xb8;
	[tilespmem:$0x1C800] =	vst v63  }
0x10f: {  	_ =	swait.ge [sflag:s24], $0x4000  }
0x110: {  	[sflag:s24] =	ssyncset.done $0x0  }
0x111: {  	[sflag:s24] =	ssyncadd.s32 $0xFFFFC000  }
0x112: {  	_ =	swait.ge [sflag:s29], $0x4000  }
0x113: {  	[sflag:s29] =	ssyncset.done $0x0  }
0x114: {  	[sflag:s29] =	ssyncadd.s32 $0xFFFFC000  }
0x115: {  	[bflag:$0x0] =	sbarrier.arrive $0xFFFF  }
0x116: {  	s10 =	rddreg [dreg:$0x5]  }
0x117: {  	[tilespmem:s18], [sflag:$0x5] =	stream.linear.gather [spmem:s10], $0x4000, $0x38;
	[tilespmem:$0x1C800] =	vst v63  }
0x118: {  	_ =	swait.ge [sflag:s19], $0x4000  }
0x119: {  	[sflag:s19] =	ssyncset.done $0x0  }
0x11a: {  	s7 =	rddreg [dreg:$0xa];
	[sflag:s19] =	ssyncadd.s32 $0xFFFFC000  }
0x11b: {  	[hbm4b:s7+s3] =	stream.linear.scatter [tilespmem:s18], [sflag:$0x5], $0x4000, $0x38;
	[tilespmem:$0x1C800] =	vst v63  }
0x11c: {  	_ =	swait.ge [sflag:s19], $0x4000  }
0x11d: {  	[sflag:s19] =	ssyncset.done $0x0  }
0x11e: {  	s7 =	rddreg [dreg:$0x6];
	[sflag:s19] =	ssyncadd.s32 $0xFFFFC000  }
0x11f: {  	[tilespmem:s18], [sflag:$0x5] =	stream.linear.gather [spmem:s7], $0x4000, $0x38;
	[tilespmem:$0x1C800] =	vst v63  }
0x120: {  	_ =	swait.ge [sflag:s19], $0x4000  }
0x121: {  	[sflag:s19] =	ssyncset.done $0x0  }
0x122: {  	s8 =	rddreg [dreg:$0xb];
	[sflag:s19] =	ssyncadd.s32 $0xFFFFC000  }
0x123: {  	[hbm4b:s8+s3] =	stream.linear.scatter [tilespmem:s18], [sflag:$0x5], $0x4000, $0x38;
	[tilespmem:$0x1C800] =	vst v63  }
0x124: {  	_ =	swait.ge [sflag:s19], $0x4000  }
0x125: {  	[sflag:s19] =	ssyncset.done $0x0  }
0x126: {  	s8 =	rddreg [dreg:$0x7];
	[sflag:s19] =	ssyncadd.s32 $0xFFFFC000  }
0x127: {  	[tilespmem:s18], [sflag:$0x5] =	stream.linear.gather [spmem:s8], $0x4000, $0x38;
	[tilespmem:$0x1C800] =	vst v63  }
0x128: {  	_ =	swait.ge [sflag:s19], $0x4000  }
0x129: {  	[sflag:s19] =	ssyncset.done $0x0  }
0x12a: {  	s9 =	rddreg [dreg:$0xc];
	[sflag:s19] =	ssyncadd.s32 $0xFFFFC000  }
0x12b: {  	[hbm4b:s9+s3] =	stream.linear.scatter [tilespmem:s18], [sflag:$0x5], $0x4000, $0x38;
	[tilespmem:$0x1C800] =	vst v63  }
0x12c: {  	_ =	swait.ge [sflag:s19], $0x4000  }
0x12d: {  	[sflag:s19] =	ssyncset.done $0x0  }
0x12e: {  	s9 =	rddreg [dreg:$0x8];
	[sflag:s19] =	ssyncadd.s32 $0xFFFFC000  }
0x12f: {  	[tilespmem:s18], [sflag:$0x5] =	stream.linear.gather [spmem:s9], $0x4000, $0x38;
	[tilespmem:$0x1C800] =	vst v63  }
0x130: {  	_ =	swait.ge [sflag:s19], $0x4000  }
0x131: {  	[sflag:s19] =	ssyncset.done $0x0  }
0x132: {  	s10 =	rddreg [dreg:$0xd];
	[sflag:s19] =	ssyncadd.s32 $0xFFFFC000  }
0x133: {  	[hbm4b:s10+s3] =	stream.linear.scatter [tilespmem:s18], [sflag:$0x5], $0x4000, $0x38;
	[tilespmem:$0x1C800] =	vst v63  }
0x134: {  	_ =	swait.ge [sflag:s19], $0x4000  }
0x135: {  	[sflag:s19] =	ssyncset.done $0x0  }
0x136: {  	s10 =	rddreg [dreg:$0x9];
	[sflag:s19] =	ssyncadd.s32 $0xFFFFC000  }
0x137: {  	[tilespmem:s18], [sflag:$0x5] =	stream.linear.gather [spmem:s10], $0x4000, $0x38;
	[tilespmem:$0x1C800] =	vst v63  }
0x138: {  	_ =	swait.ge [sflag:s19], $0x4000  }
0x139: {  	[sflag:s19] =	ssyncset.done $0x0  }
0x13a: {  	s10 =	rddreg [dreg:$0xe];
	[sflag:s19] =	ssyncadd.s32 $0xFFFFC000  }
0x13b: {  	[hbm4b:s10+s3] =	stream.linear.scatter [tilespmem:s18], [sflag:$0x5], $0x4000, $0x38;
	[tilespmem:$0x1C800] =	vst v63  }
0x13c: {  	_ =	swait.ge [sflag:s19], $0x4000  }
0x13d: {  	s10 =	rddreg [dreg:$0x10]  }
0x13e: {  	s6 =	rddreg [dreg:$0xf];
	s10 =	sadd.s32 $0x1, s10  }
0x13f: {  	p0 =	sne.s32 s10, s6  }
.Ltmp1:
0x140: {  	_ = 	snop;
	(pc) =	sbr.rel @p0 .LBB2_1-.Ltmp1, $3  }
0x141: {  	_ =	sdelay $0x1  }
0x142: {  	[sflag:s19] =	ssyncset.done $0x0;
	[dreg:$0x10] =	wrdreg s10  }
0x143: {  	[sflag:s19] =	ssyncadd.s32 $0xFFFFC000;
	s10 =	rddreg [dreg:$0x5]  }
0x144: {  	_ =	sfence.sel $0x180000  }
0x145: {  	[bflag:$0x0] =	sbarrier.arrive $0xFFFF  }
0x146: {  	_ =	strace $0x9000004D  }
0x147: {  	s0 =	stileid.u32;
	[bflag:$0x2] =	sbarrier.arrive $0xFFFF  }
0x148: {  	p0 =	sne.s32 s0, $0x0;
	s0 =	rddreg [dreg:$0x2]  }
0x149: {  	s0 =	sadd.s32 @!p0 $0x100000, s0  }
0x14a: {  	[sflag:s0] =	ssyncadd.tile.s32 @!p0 $0x1;
	_ =	shalt  }
.Lfunc_end2:
_tile_overlayer_lowered:
.L_overlay_start_2:
0x14b: {  	(tag) =	ssettag $0x2  }
0x14c: {  	s0 =	rddreg [dreg:$0x0];
	s2 =	stileid.u32  }
0x14d: {  	s1 =	rddreg [dreg:$0x1];
	p0 =	sne.s32 s2, $0x0  }
0x14e: {  	s3 =	rddreg [dreg:$0x2];
	[bflag:$0x3] =	sbarrier.arrive $0xFFFF;
	s2 =	simm.s32 @!p0 $0x1C05  }
0x14f: {  	[timem:s3], [sflag:s2] =	dma.local @!p0 [hbm:s0], s1  }
0x150: {  	s0 =	simm.s32 @!p0 $0x5  }
0x151: {  	_ =	swait.ge @!p0 [sflag:s0], s1  }
0x152: {  	s1 =	ssub.s32 @!p0 $0x0, s1;
	[sflag:s0] =	ssyncset.done @!p0 $0x0  }
0x153: {  	[sflag:s0] =	ssyncadd.s32 @!p0 s1  }
0x154: {  	[bflag:$0x3] =	sbarrier.arrive $0xFFFF  }
0x155: {  	_ =	shalt  }

// kernel: kernel.24.cloned.1.call-start
scs
__scs_entry_jumppad:
0x0: {  	(pc) =	sbr.rel $0x88, $3  }
0x1: {  	(tag) =	ssettag $0x0;
	lr =	simm.s32 $0x1  }
0x2: {  	[smem:$0x3F8C] =	sst lr;
	_ =	strace $0xD0000000  }
0x3: {  	_ = 	snop  }
0x4: {  	_ = 	snop  }
0x5: {  	_ = 	snop  }
0x6: {  	_ = 	snop  }
0x7: {  	_ = 	snop  }
__scs_overlays_trampoline_lowered:
0x8: {  	[smem:$0x3F9B] =	sst s0  }
0x9: {  	[smem:$0x3F9C] =	sst s1  }
0xa: {  	[smem:$0x3F9D] =	sst s2  }
0xb: {  	[smem:$0x3F9E] =	sst s3  }
0xc: {  	[smem:$0x3F9F] =	sst s4  }
0xd: {  	[smem:$0x3FA0] =	sst s5  }
0xe: {  	[smem:$0x3FA1] =	sst s6  }
0xf: {  	[smem:$0x3FA2] =	sst s7  }
0x10: {  	[smem:$0x3FA3] =	sst s8  }
0x11: {  	[smem:$0x3FA4] =	sst s9;
	s0 =	simm.s32 @!p0 $0x0  }
0x12: {  	s1 =	sld [smem:$0x3F8A];
	s0 =	simm.s32 @p0 $0x1  }
0x13: {  	[smem:$0x3FA5] =	sst s0;
	s0 =	simm.s32 @!p1 $0x0  }
0x14: {  	s2 =	sld [smem:$0x3F89];
	s0 =	simm.s32 @p1 $0x1  }
0x15: {  	[smem:$0x3FA6] =	sst s0;
	s0 =	simm.s32 @!p2 $0x0  }
0x16: {  	s3 =	sld [smem:$0x3FDB];
	s0 =	simm.s32 @p2 $0x1  }
0x17: {  	s4 =	simm.s32 $0x1BF5;
	[smem:$0x3FA8] =	sst s0  }
0x18: {  	s0 =	sld [smem:$0x3F8B];
	_ =	swait.ge [sflag:s4], $0x0  }
0x19: {  	s7 =	sld [smem:$0x3F8C]  }
0x1a: {  	s8 =	sadd.s32 $0xFFFFE003, lr  }
0x1b: {  	s9 =	sadd.s32 $0xFFFFFEF7, lr;
	s5 =	simm.s32 $0xFFFFFFFF;
	p2 =	slt.u32 s8, $0xFFFFF086  }
0x1c: {  	p1 =	slt.u32 s9, $0xF7A;
	s5 =	simm.s32 @!p2 $0x0  }
0x1d: {  	s5 =	simm.s32 @p1 $0x1;
	p0 =	seq.s32 s7, s2  }
0x1e: {  	s7 =	smul.u32 @!p0 $0xF7A, s2;
	p2 =	seq.s32 @!p0 s5, $0x0  }
0x1f: {  	s9 =	smul.u32 $0xF7A, s1;
	s8 =	simm.s32 @!p0 $0x1BF5;
	p2 =	por !p2, p0  }
0x20: {  	[sflag:s8] =	ssyncset.s32 @!p0 $0xFFFFF086;
	s6 =	sadd.s32 @!p0 s3, s7;
	s7 =	simm.s32 @!p0 $0x108  }
0x21: {  	s3 =	sadd.s32 s3, s9;
	s6 =	sadd.s32 @!p0 $0x88, s6;
	s7 =	simm.s32 @p2 $0x1082  }
0x22: {  	[simem:s7], [sflag:s8] =	dma.local @!p0 [hbm:s6], $0xF7A  }
0x23: {  	s9 =	sor.u32 $0xD0000000, s2;
	s6 =	simm.s32 $0x108;
	_ =	swait.ge @!p0 [sflag:s8], $0x0  }
0x24: {  	s3 =	sadd.s32 $0x88, s3;
	s6 =	simm.s32 @!p1 $0x1082;
	[sflag:s4] =	ssyncset.s32 $0xFFFFF086  }
0x25: {  	[simem:s6], [sflag:s4] =	dma.local [hbm:s3], $0xF7A  }
0x26: {  	[smem:$0x3F8C] =	sst s1;
	(tag) =	ssettag s2;
	_ =	strace s9  }
0x27: {  	s1 =	sld [smem:$0x3F9C]  }
0x28: {  	s2 =	sld [smem:$0x3F9D]  }
0x29: {  	s4 =	sld [smem:$0x3F9F]  }
0x2a: {  	p0 =	seq.s32 s5, $0x0;
	s5 =	sld [smem:$0x3FA0]  }
0x2b: {  	s6 =	sld [smem:$0x3FA1]  }
0x2c: {  	s7 =	sld [smem:$0x3FA2]  }
0x2d: {  	s3 =	simm.s32 $0x108;
	s8 =	sld [smem:$0x3FA3]  }
0x2e: {  	s3 =	simm.s32 @!p0 $0x1082;
	s9 =	sld [smem:$0x3FA4]  }
0x2f: {  	lr =	sadd.s32 s0, s3;
	s0 =	sld [smem:$0x3F9B]  }
0x30: {  	s3 =	sld [smem:$0x3F9E]  }
0x31: {  	[smem:$0x3FA7] =	sst s10  }
0x32: {  	s10 =	sld [smem:$0x3FA5];
	_ =	sdelay $0x3  }
0x33: {  	p0 =	seq.s32 s10, $0x1;
	s10 =	sld [smem:$0x3FA7];
	_ =	sdelay $0x3  }
0x34: {  	[smem:$0x3FA7] =	sst s10  }
0x35: {  	s10 =	sld [smem:$0x3FA6];
	_ =	sdelay $0x3  }
0x36: {  	p1 =	seq.s32 s10, $0x1;
	s10 =	sld [smem:$0x3FA7];
	_ =	sdelay $0x3  }
0x37: {  	[smem:$0x3FA7] =	sst s10  }
0x38: {  	s10 =	sld [smem:$0x3FA8]  }
0x39: {  	_ = 	snop;
	(pc) =	sbr.ind lr, $3  }
0x3a: {  	_ = 	snop  }
0x3b: {  	_ = 	snop  }
0x3c: {  	p2 =	seq.s32 s10, $0x1;
	s10 =	sld [smem:$0x3FA7]  }
0x3d: {  	_ =	shalt  }
0x3e: {  	_ =	shalt  }
0x3f: {  	_ =	shalt  }
0x40: {  	_ =	shalt  }
0x41: {  	_ =	shalt  }
0x42: {  	_ =	shalt  }
0x43: {  	_ =	shalt  }
0x44: {  	_ =	shalt  }
0x45: {  	_ =	shalt  }
0x46: {  	_ =	shalt  }
0x47: {  	_ =	shalt  }
0x48: {  	_ =	shalt  }
0x49: {  	_ =	shalt  }
0x4a: {  	_ =	shalt  }
0x4b: {  	_ =	shalt  }
0x4c: {  	_ =	shalt  }
0x4d: {  	_ =	shalt  }
0x4e: {  	_ =	shalt  }
0x4f: {  	_ =	shalt  }
0x50: {  	_ =	shalt  }
0x51: {  	_ =	shalt  }
0x52: {  	_ =	shalt  }
0x53: {  	_ =	shalt  }
0x54: {  	_ =	shalt  }
0x55: {  	_ =	shalt  }
0x56: {  	_ =	shalt  }
0x57: {  	_ =	shalt  }
0x58: {  	_ =	shalt  }
0x59: {  	_ =	shalt  }
0x5a: {  	_ =	shalt  }
0x5b: {  	_ =	shalt  }
0x5c: {  	_ =	shalt  }
0x5d: {  	_ =	shalt  }
0x5e: {  	_ =	shalt  }
0x5f: {  	_ =	shalt  }
0x60: {  	_ =	shalt  }
0x61: {  	_ =	shalt  }
0x62: {  	_ =	shalt  }
0x63: {  	_ =	shalt  }
0x64: {  	_ =	shalt  }
0x65: {  	_ =	shalt  }
0x66: {  	_ =	shalt  }
0x67: {  	_ =	shalt  }
0x68: {  	_ =	shalt  }
0x69: {  	_ =	shalt  }
0x6a: {  	_ =	shalt  }
0x6b: {  	_ =	shalt  }
0x6c: {  	_ =	shalt  }
0x6d: {  	_ =	shalt  }
0x6e: {  	_ =	shalt  }
0x6f: {  	_ =	shalt  }
0x70: {  	_ =	shalt  }
0x71: {  	_ =	shalt  }
0x72: {  	_ =	shalt  }
0x73: {  	_ =	shalt  }
0x74: {  	_ =	shalt  }
0x75: {  	_ =	shalt  }
0x76: {  	_ =	shalt  }
0x77: {  	_ =	shalt  }
0x78: {  	_ =	shalt  }
0x79: {  	_ =	shalt  }
0x7a: {  	_ =	shalt  }
0x7b: {  	_ =	shalt  }
0x7c: {  	_ =	shalt  }
0x7d: {  	_ =	shalt  }
0x7e: {  	_ =	shalt  }
0x7f: {  	_ =	shalt  }
0x80: {  	_ =	shalt  }
0x81: {  	_ =	shalt  }
0x82: {  	_ =	shalt  }
0x83: {  	_ =	shalt  }
0x84: {  	_ =	shalt  }
0x85: {  	_ =	shalt  }
0x86: {  	_ =	shalt  }
0x87: {  	_ =	shalt  }
.Lfunc_end0:
.L_simem_size_0:
called_computation.3_lowered:
.L_overlay_start_0:
0x88: {  	s2 =	sld [smem:$0x3FD9]  }
0x89: {  	s3 =	sld [smem:$0x3FFE];
	_ =	sdelay $0x1  }
0x8a: {  	s1 =	srdreg.scid  }
0x8b: {  	s0 =	sand.u32 $0x1, s1  }
0x8c: {  	s16 =	sshll.u32 s0, $0xA;
	s2 =	sadd.s32 s3, s2  }
0x8d: {  	s2 =	sadd.s32 s2, s16  }
0x8e: {  	[smem:$0x3FB3] =	sst s2  }
0x8f: {  	_ = 	snop  }
0x90: {  	(tm) =	ssettm $0x1  }
0x91: {  	s17 =	sld [smem:$0x3FFB];
	_ =	sdelay $0x3  }
0x92: {  	_ =	strace s17  }
0x93: {  	s2 =	sld [smem:$0x3FFC];
	_ =	sdelay $0x3  }
0x94: {  	_ =	strace s2  }
0x95: {  	s2 =	sld [smem:$0x3FFD];
	_ =	sdelay $0x3  }
0x96: {  	_ =	strace s2  }
0x97: {  	_ =	strace $0x8FFFFFFF  }
0x98: {  	s18 =	sld [smem:$0x3FDB];
	_ =	sdelay $0x1  }
0x99: {  	s19 =	simm.s32 $_scs_section_size  }
0x9a: {  	s4 =	simm.s32 $_size__tile_overlayer_lowered;
	s5 =	simm.s32 $_tile_overlayer_lowered  }
0x9b: {  	s22 =	simm.s32 $0x1BFF;
	s21 =	sshll.u32 s5, $0x1;
	s2 =	sadd.s32 s19, s18  }
0x9c: {  	s6 =	simm.s32 $0x0;
	s20 =	sshll.u32 s4, $0x1;
	s4 =	sadd.s32 s21, s2  }
0x9d: {  	[timem:s6], [sflag:s22] =	dma.local [hbm:s4], s20  }
0x9e: {  	_ =	swait.ge [sflag:s22], s20  }
0x9f: {  	s3 =	ssub.s32 $0x0, s20;
	[sflag:s22] =	ssyncset.done $0x0  }
0xa0: {  	[sflag:s22] =	ssyncadd.s32 s3;
	_ =	sdelay $0x1  }
0xa1: {  	s23 =	simm.s32 $0x1B8B  }
0xa2: {  	_ =	swait.ge [sflag:s23], $0x1  }
0xa3: {  	[sflag:s23] =	ssyncset.done $0x0  }
0xa4: {  	s25 =	simm.s32 $0x1B8E;
	s24 =	sld [smem:$0x3FFE];
	[sflag:s23] =	ssyncadd.s32 $0xFFFFFFFF  }
0xa5: {  	s26 =	simm.s32 $execute0_lowered;
	[smem:$0x3FD2] =	sst s25  }
0xa6: {  	s4 =	sshll.u32 s26, $0x1;
	_ =	strace $0x8000004F;
	[dreg:$0x1] =	wrdreg $0xFFFFFFFF  }
0xa7: {  	s28 =	simm.s32 $_size_execute0_lowered;
	s2 =	sadd.s32 s2, s4;
	[dreg:$0x0] =	wrdreg $0x0  }
0xa8: {  	s4 =	sshll.u32 s28, $0x1;
	[dreg:$0x2] =	wrdreg s2  }
0xa9: {  	[dreg:$0x3] =	wrdreg s4  }
0xaa: {  	[dreg:$0x4] =	wrdreg $0xC0  }
0xab: {  	_ =	task [dreg:s6], $0x5FFFF  }
0xac: {  	[dreg:$0x1] =	wrdreg $0xFFFFFFFF  }
0xad: {  	[dreg:$0x0] =	wrdreg $0x60  }
0xae: {  	[dreg:$0x2] =	wrdreg s24  }
0xaf: {  	[dreg:$0x3] =	wrdreg $0x88000  }
0xb0: {  	[dreg:$0x4] =	wrdreg $0x9  }
0xb1: {  	_ =	task.clear_ibuf [dreg:s6], $0x5FFFF;
	_ =	strace $0x9000004F  }
0xb2: {  	s29 =	simm.s32 $0x9;
	_ =	strace $0x80000051  }
0xb3: {  	_ =	swait.ge [sflag:s29], $0x1  }
0xb4: {  	[sflag:s29] =	ssyncadd.s32 $0xFFFFFFFF  }
0xb5: {  	_ =	strace $0x90000051  }
0xb6: {  	_ =	sfence  }
0xb7: {  	s30 =	sld [smem:$0x0];
	_ =	sdelay $0x2  }
0xb8: {  	s31 =	sshll.u32 s1, $0xD;
	s1 =	sshrl.u32 s1, $0x2  }
0xb9: {  	s3 =	sand.u32 $0x4000, s31;
	s1 =	sadd.s32 s1, s30  }
0xba: {  	s0 =	sor.u32 s3, s0;
	s1 =	sshll.u32 s1, $0x11  }
0xbb: {  	s0 =	sor.u32 s1, s0  }
0xbc: {  	s0 =	sadd.s32 $0x8F2B, s0  }
0xbd: {  	[sflag:s0] =	ssyncadd.remote.s32 $0x1  }
0xbe: {  	_ =	sfence.sel $0xFFFF  }
0xbf: {  	[dreg:$0x0] =	wrdreg $0xFFFFFFFF;
	(pc) =	sbr.abs _section_cstart, $3  }
0xc0: {  	[dreg:$0x1] =	wrdreg $0xFFFFFFFF  }
0xc1: {  	_ =	task.clear_ibuf [dreg:s6], $0x2FFFF;
	_ =	strace $0x9FFFFFFF  }
0xc2: {  	(tm) =	ssettm $0x7FFFFFFF  }
0xc3: {  	_ =	shalt  }
tec
execute0_lowered:
.L_overlay_start_1:
0x0: {  	(tag) =	ssettag $0x1  }
0x1: {  	s0 =	rddreg [dreg:$0x0]  }
0x2: {  	s2 =	rddreg [dreg:$0x1]  }
0x3: {  	s9 =	stileid.u32;
	s3 =	simm.s32 $0x0;
	s4 =	srdreg.scid  }
0x4: {  	s28 =	simm.s32 $0x480;
	s29 =	simm.s32 $0x4;
	s30 =	simm.s32 $0x180  }
0x5: {  	s31 =	simm.s32 $0x500;
	s1 =	smul.u32 $0xA00, s9;
	[smem:$0x7FF] =	sst s3  }
0x6: {  	s5 =	sand.u32 $0x1, s4;
	s4 =	sadd.s32 $0x19E00, s0;
	s7 =	smul.u32 $0x50000, s9  }
0x7: {  	s8 =	sadd.s32 $0x19600, s0;
	s9 =	smul.u32 $0x14000, s9;
	_ =	strace $0x80000050  }
0x8: {  	s6 =	ssub.s32 $0x2, s5;
	[dreg:$0x4] =	wrdreg s8;
	s12 =	smul.u32 $0x140000, s5  }
0x9: {  	s5 =	smul.u32 $0x500, s5;
	s1 =	sadd.s32 s1, s0;
	s17 =	sshrl.u32 s6, $0x1  }
0xa: {  	s0 =	sadd.s32 $0x41E00, s0;
	s7 =	sshrl.u32 s7, $0x2;
	s18 =	sadd.s32 $0x4000, s9  }
0xb: {  	s11 =	sadd.s32 $0x8000, s9;
	s19 =	sadd.s32 $0xC000, s9;
	s13 =	sadd.s32 $0x10000, s9  }
0xc: {  	s6 =	ssub.s32 s6, s17;
	s10 =	sadd.s32 s7, s2;
	s14 =	sadd.s32 s18, s2  }
0xd: {  	s15 =	sadd.s32 s11, s2;
	s9 =	sadd.s32 s9, s12;
	s16 =	sadd.s32 s19, s2  }
0xe: {  	s17 =	sadd.s32 s13, s2;
	s8 =	sadd.s32 s12, s18;
	s20 =	sadd.s32 s12, s11  }
0xf: {  	s7 =	sadd.s32 s12, s19;
	s22 =	sadd.s32 s12, s13;
	s1 =	sadd.s32 s5, s1  }
0x10: {  	s18 =	simm.s32 $0x800;
	s19 =	simm.s32 $0x5;
	s5 =	simm.s32 $0x280  }
0x11: {  	s11 =	simm.s32 $0x600;
	s12 =	simm.s32 $0x300;
	s13 =	simm.s32 $0x680  }
0x12: {  	[dreg:$0x9] =	wrdreg s17;
	s9 =	sshrl.u32 s9, $0x3;
	s8 =	sshrl.u32 s8, $0x3  }
0x13: {  	s7 =	sshrl.u32 s7, $0x3;
	s24 =	sshrl.u32 s22, $0x3;
	s25 =	sadd.s32 $0x5600, s1  }
0x14: {  	s26 =	smax.u32 s6, $0x1;
	s17 =	sadd.s32 $0xF600, s1;
	[dreg:$0x5] =	wrdreg s10  }
0x15: {  	s22 =	simm.s32 $0x4800;
	s1 =	simm.s32 $0x580;
	[dreg:$0xf] =	wrdreg s26  }
0x16: {  	s6 =	simm.s32 $0x0;
	s9 =	sadd.s32 s0, s9;
	[dreg:$0x3] =	wrdreg s25  }
0x17: {  	s8 =	sadd.s32 s0, s8;
	s23 =	sadd.s32 s0, s7;
	[dreg:$0x10] =	wrdreg s6  }
0x18: {  	s7 =	smov.u32 s14;
	s25 =	simm.s32 $0x100;
	[dreg:$0xa] =	wrdreg s9  }
0x19: {  	s26 =	simm.s32 $0x2;
	s14 =	simm.s32 $0x380;
	[dreg:$0xb] =	wrdreg s8  }
0x1a: {  	s9 =	sshrl.u32 s20, $0x3;
	[dreg:$0xd] =	wrdreg s23;
	s8 =	smov.u32 s15  }
0x1b: {  	s20 =	simm.s32 $0x400;
	s23 =	simm.s32 $0x1;
	[dreg:$0x6] =	wrdreg s7  }
0x1c: {  	s15 =	simm.s32 $0x700;
	s21 =	sadd.s32 s0, s9;
	[dreg:$0x7] =	wrdreg s8  }
0x1d: {  	s9 =	smov.u32 s16;
	s0 =	sadd.s32 s0, s24;
	[dreg:$0xc] =	wrdreg s21  }
0x1e: {  	s24 =	simm.s32 $0x3;
	s16 =	simm.s32 $0x780;
	[dreg:$0xe] =	wrdreg s0  }
0x1f: {  	s21 =	simm.s32 $0x80;
	s0 =	simm.s32 $0x200;
	[dreg:$0x8] =	wrdreg s9  }
.LBB2_1:
0x20: {  	s6 =	rddreg [dreg:$0x4]  }
0x21: {  	[tilespmem:s18], [sflag:$0x5] =	stream.linear.gather [hbm4b:s6+s3], $0x4000, $0x38;
	[tilespmem:$0x1C800] =	vst v63  }
0x22: {  	_ =	swait.ge [sflag:s19], $0x4000  }
0x23: {  	[sflag:s19] =	ssyncset.done $0x0  }
0x24: {  	[sflag:s19] =	ssyncadd.s32 $0xFFFFC000  }
0x25: {  	[spmem:s10] =	stream.linear.scatter [tilespmem:s18], [sflag:$0x5], $0x4000, $0x38;
	[tilespmem:$0x1C800] =	vst v63  }
0x26: {  	_ =	swait.ge [sflag:s19], $0x4000  }
0x27: {  	[sflag:s19] =	ssyncset.done $0x0  }
0x28: {  	[sflag:s19] =	ssyncadd.s32 $0xFFFFC000  }
0x29: {  	[spmem:s7] =	stream.linear.scatter [tilespmem:s18], [sflag:$0x5], $0x4000, $0x38;
	[tilespmem:$0x1C800] =	vst v63  }
0x2a: {  	_ =	swait.ge [sflag:s19], $0x4000  }
0x2b: {  	[sflag:s19] =	ssyncset.done $0x0  }
0x2c: {  	[sflag:s19] =	ssyncadd.s32 $0xFFFFC000  }
0x2d: {  	[spmem:s8] =	stream.linear.scatter [tilespmem:s18], [sflag:$0x5], $0x4000, $0x38;
	[tilespmem:$0x1C800] =	vst v63  }
0x2e: {  	_ =	swait.ge [sflag:s19], $0x4000  }
0x2f: {  	[sflag:s19] =	ssyncset.done $0x0  }
0x30: {  	[sflag:s19] =	ssyncadd.s32 $0xFFFFC000  }
0x31: {  	[spmem:s9] =	stream.linear.scatter [tilespmem:s18], [sflag:$0x5], $0x4000, $0x38;
	[tilespmem:$0x1C800] =	vst v63  }
0x32: {  	_ =	swait.ge [sflag:s19], $0x4000  }
0x33: {  	[sflag:s19] =	ssyncset.done $0x0  }
0x34: {  	s8 =	rddreg [dreg:$0x9];
	[sflag:s19] =	ssyncadd.s32 $0xFFFFC000  }
0x35: {  	[spmem:s8] =	stream.linear.scatter [tilespmem:s18], [sflag:$0x5], $0x4000, $0x38;
	[tilespmem:$0x1C800] =	vst v63  }
0x36: {  	_ =	swait.ge [sflag:s19], $0x4000  }
0x37: {  	[sflag:s19] =	ssyncset.done $0x0  }
0x38: {  	[sflag:s19] =	ssyncadd.s32 $0xFFFFC000  }
0x39: {  	s9 =	sadd.s32 $0x0, s17;
	[bflag:$0x0] =	sbarrier.arrive $0xFFFF  }
0x3a: {  	[tilespmem:s3], [sflag:$0x5] =	stream.linear.gather [hbm4b:s9+s3], $0x400, $0x38;
	[tilespmem:$0x1C800] =	vst v63  }
0x3b: {  	_ =	swait.ge [sflag:s19], $0x400  }
0x3c: {  	s10 =	rddreg [dreg:$0x3];
	[sflag:s19] =	ssyncset.done $0x0  }
0x3d: {  	[sflag:s19] =	ssyncadd.s32 $0xFFFFFC00;
	s7 =	sadd.s32 $0x0, s10  }
0x3e: {  	[tilespmem:s20], [sflag:$0x5] =	stream.linear.gather [hbm4b:s7+s3], $0x400, $0x38;
	[tilespmem:$0x1C800] =	vst v63  }
0x3f: {  	_ =	swait.ge [sflag:s19], $0x400  }
0x40: {  	[sflag:s19] =	ssyncset.done $0x0  }
0x41: {  	[sflag:s19] =	ssyncadd.s32 $0xFFFFFC00  }
0x42: {  	[tilespmem:s18], [sflag:$0x1] =	stream.indirect.gather [hbm4b:s4+s21], $0x80, s3, s21, $0xb8;
	[tilespmem:$0x1C800] =	vst v63  }
0x43: {  	_ = 	snop  }
0x44: {  	[tilespmem:s22], [sflag:$0x2] =	stream.indirect.gather [hbm4b:s4+s21], $0x80, s21, s21, $0xb8;
	[tilespmem:$0x1C800] =	vst v63  }
0x45: {  	_ =	swait.ge [sflag:s23], $0x4000  }
0x46: {  	[sflag:s23] =	ssyncset.done $0x0  }
0x47: {  	[sflag:s23] =	ssyncadd.s32 $0xFFFFC000  }
0x48: {  	[spmem:s2] =	stream.indirect.scatter.add.f32 [tilespmem:s18], [sflag:$0x3], $0x80, s20, s21, $0xb8;
	[tilespmem:$0x1C800] =	vst v63  }
0x49: {  	_ =	swait.ge [sflag:s24], $0x4000  }
0x4a: {  	[sflag:s24] =	ssyncset.done $0x0  }
0x4b: {  	[sflag:s24] =	ssyncadd.s32 $0xFFFFC000  }
0x4c: {  	[tilespmem:s18], [sflag:$0x1] =	stream.indirect.gather [hbm4b:s4+s21], $0x80, s25, s21, $0xb8;
	[tilespmem:$0x1C800] =	vst v63  }
0x4d: {  	_ =	swait.ge [sflag:s26], $0x4000  }
0x4e: {  	[sflag:s26] =	ssyncset.done $0x0  }
0x4f: {  	[sflag:s26] =	ssyncadd.s32 $0xFFFFC000  }
0x50: {  	[spmem:s2] =	stream.indirect.scatter.add.f32 [tilespmem:s22], [sflag:$0x4], $0x80, s28, s21, $0xb8;
	[tilespmem:$0x1C800] =	vst v63  }
0x51: {  	_ =	swait.ge [sflag:s29], $0x4000  }
0x52: {  	[sflag:s29] =	ssyncset.done $0x0  }
0x53: {  	[sflag:s29] =	ssyncadd.s32 $0xFFFFC000  }
0x54: {  	[tilespmem:s22], [sflag:$0x2] =	stream.indirect.gather [hbm4b:s4+s21], $0x80, s30, s21, $0xb8;
	[tilespmem:$0x1C800] =	vst v63  }
0x55: {  	_ =	swait.ge [sflag:s23], $0x4000  }
0x56: {  	[sflag:s23] =	ssyncset.done $0x0  }
0x57: {  	[sflag:s23] =	ssyncadd.s32 $0xFFFFC000  }
0x58: {  	[spmem:s2] =	stream.indirect.scatter.add.f32 [tilespmem:s18], [sflag:$0x3], $0x80, s31, s21, $0xb8;
	[tilespmem:$0x1C800] =	vst v63  }
0x59: {  	_ =	swait.ge [sflag:s24], $0x4000  }
0x5a: {  	[sflag:s24] =	ssyncset.done $0x0  }
0x5b: {  	[sflag:s24] =	ssyncadd.s32 $0xFFFFC000  }
0x5c: {  	[tilespmem:s18], [sflag:$0x1] =	stream.indirect.gather [hbm4b:s4+s21], $0x80, s0, s21, $0xb8;
	[tilespmem:$0x1C800] =	vst v63  }
0x5d: {  	_ =	swait.ge [sflag:s26], $0x4000  }
0x5e: {  	[sflag:s26] =	ssyncset.done $0x0  }
0x5f: {  	[sflag:s26] =	ssyncadd.s32 $0xFFFFC000  }
0x60: {  	[spmem:s2] =	stream.indirect.scatter.add.f32 [tilespmem:s22], [sflag:$0x4], $0x80, s1, s21, $0xb8;
	[tilespmem:$0x1C800] =	vst v63  }
0x61: {  	_ =	swait.ge [sflag:s29], $0x4000  }
0x62: {  	[sflag:s29] =	ssyncset.done $0x0  }
0x63: {  	[sflag:s29] =	ssyncadd.s32 $0xFFFFC000  }
0x64: {  	[tilespmem:s22], [sflag:$0x2] =	stream.indirect.gather [hbm4b:s4+s21], $0x80, s5, s21, $0xb8;
	[tilespmem:$0x1C800] =	vst v63  }
0x65: {  	_ =	swait.ge [sflag:s23], $0x4000  }
0x66: {  	[sflag:s23] =	ssyncset.done $0x0  }
0x67: {  	[sflag:s23] =	ssyncadd.s32 $0xFFFFC000  }
0x68: {  	[spmem:s2] =	stream.indirect.scatter.add.f32 [tilespmem:s18], [sflag:$0x3], $0x80, s11, s21, $0xb8;
	[tilespmem:$0x1C800] =	vst v63  }
0x69: {  	_ =	swait.ge [sflag:s24], $0x4000  }
0x6a: {  	[sflag:s24] =	ssyncset.done $0x0  }
0x6b: {  	[sflag:s24] =	ssyncadd.s32 $0xFFFFC000  }
0x6c: {  	[tilespmem:s18], [sflag:$0x1] =	stream.indirect.gather [hbm4b:s4+s21], $0x80, s12, s21, $0xb8;
	[tilespmem:$0x1C800] =	vst v63  }
0x6d: {  	_ =	swait.ge [sflag:s26], $0x4000  }
0x6e: {  	[sflag:s26] =	ssyncset.done $0x0  }
0x6f: {  	[sflag:s26] =	ssyncadd.s32 $0xFFFFC000  }
0x70: {  	[spmem:s2] =	stream.indirect.scatter.add.f32 [tilespmem:s22], [sflag:$0x4], $0x80, s13, s21, $0xb8;
	[tilespmem:$0x1C800] =	vst v63  }
0x71: {  	_ =	swait.ge [sflag:s29], $0x4000  }
0x72: {  	[sflag:s29] =	ssyncset.done $0x0  }
0x73: {  	[sflag:s29] =	ssyncadd.s32 $0xFFFFC000  }
0x74: {  	[tilespmem:s22], [sflag:$0x2] =	stream.indirect.gather [hbm4b:s4+s21], $0x80, s14, s21, $0xb8;
	[tilespmem:$0x1C800] =	vst v63  }
0x75: {  	_ =	swait.ge [sflag:s23], $0x4000  }
0x76: {  	[sflag:s23] =	ssyncset.done $0x0  }
0x77: {  	[sflag:s23] =	ssyncadd.s32 $0xFFFFC000  }
0x78: {  	[spmem:s2] =	stream.indirect.scatter.add.f32 [tilespmem:s18], [sflag:$0x3], $0x80, s15, s21, $0xb8;
	[tilespmem:$0x1C800] =	vst v63  }
0x79: {  	_ =	swait.ge [sflag:s26], $0x4000  }
0x7a: {  	[sflag:s26] =	ssyncset.done $0x0  }
0x7b: {  	[sflag:s26] =	ssyncadd.s32 $0xFFFFC000  }
0x7c: {  	[spmem:s2] =	stream.indirect.scatter.add.f32 [tilespmem:s22], [sflag:$0x4], $0x80, s16, s21, $0xb8;
	[tilespmem:$0x1C800] =	vst v63  }
0x7d: {  	_ =	swait.ge [sflag:s24], $0x4000  }
0x7e: {  	[sflag:s24] =	ssyncset.done $0x0  }
0x7f: {  	[sflag:s24] =	ssyncadd.s32 $0xFFFFC000  }
0x80: {  	_ =	swait.ge [sflag:s29], $0x4000  }
0x81: {  	s8 =	simm.s32 $0x100;
	s7 =	simm.s32 $0x80;
	[sflag:s29] =	ssyncset.done $0x0  }
.LBB2_2:
0x82: {  	s10 =	sadd.s32 s7, s17;
	[sflag:s29] =	ssyncadd.s32 $0xFFFFC000  }
0x83: {  	[tilespmem:s3], [sflag:$0x5] =	stream.linear.gather [hbm4b:s10+s3], $0x400, $0x38;
	[tilespmem:$0x1C800] =	vst v63  }
0x84: {  	s6 =	smov.u32 s8;
	_ =	swait.ge [sflag:s19], $0x400  }
0x85: {  	s9 =	sadd.s32 $0x80, s8;
	s10 =	rddreg [dreg:$0x3];
	[sflag:s19] =	ssyncset.done $0x0  }
0x86: {  	p0 =	sne.s32 s8, $0x480;
	[sflag:s19] =	ssyncadd.s32 $0xFFFFFC00;
	s8 =	sadd.s32 s7, s10  }
0x87: {  	[tilespmem:s20], [sflag:$0x5] =	stream.linear.gather [hbm4b:s8+s3], $0x400, $0x38;
	[tilespmem:$0x1C800] =	vst v63  }
0x88: {  	_ =	swait.ge [sflag:s19], $0x400  }
0x89: {  	[sflag:s19] =	ssyncset.done $0x0  }
0x8a: {  	[sflag:s19] =	ssyncadd.s32 $0xFFFFFC00  }
0x8b: {  	[tilespmem:s18], [sflag:$0x1] =	stream.indirect.gather [hbm4b:s4+s21], $0x80, s3, s21, $0xb8;
	[tilespmem:$0x1C800] =	vst v63  }
0x8c: {  	_ = 	snop  }
0x8d: {  	[tilespmem:s22], [sflag:$0x2] =	stream.indirect.gather [hbm4b:s4+s21], $0x80, s21, s21, $0xb8;
	[tilespmem:$0x1C800] =	vst v63  }
0x8e: {  	_ =	swait.ge [sflag:s23], $0x4000  }
0x8f: {  	[sflag:s23] =	ssyncset.done $0x0  }
0x90: {  	[sflag:s23] =	ssyncadd.s32 $0xFFFFC000  }
0x91: {  	[spmem:s2] =	stream.indirect.scatter.add.f32 [tilespmem:s18], [sflag:$0x3], $0x80, s20, s21, $0xb8;
	[tilespmem:$0x1C800] =	vst v63  }
0x92: {  	_ =	swait.ge [sflag:s24], $0x4000  }
0x93: {  	[sflag:s24] =	ssyncset.done $0x0  }
0x94: {  	[sflag:s24] =	ssyncadd.s32 $0xFFFFC000  }
0x95: {  	[tilespmem:s18], [sflag:$0x1] =	stream.indirect.gather [hbm4b:s4+s21], $0x80, s25, s21, $0xb8;
	[tilespmem:$0x1C800] =	vst v63  }
0x96: {  	_ =	swait.ge [sflag:s26], $0x4000  }
0x97: {  	[sflag:s26] =	ssyncset.done $0x0  }
0x98: {  	[sflag:s26] =	ssyncadd.s32 $0xFFFFC000  }
0x99: {  	[spmem:s2] =	stream.indirect.scatter.add.f32 [tilespmem:s22], [sflag:$0x4], $0x80, s28, s21, $0xb8;
	[tilespmem:$0x1C800] =	vst v63  }
0x9a: {  	_ =	swait.ge [sflag:s29], $0x4000  }
0x9b: {  	[sflag:s29] =	ssyncset.done $0x0  }
0x9c: {  	[sflag:s29] =	ssyncadd.s32 $0xFFFFC000  }
0x9d: {  	[tilespmem:s22], [sflag:$0x2] =	stream.indirect.gather [hbm4b:s4+s21], $0x80, s30, s21, $0xb8;
	[tilespmem:$0x1C800] =	vst v63  }
0x9e: {  	_ =	swait.ge [sflag:s23], $0x4000  }
0x9f: {  	[sflag:s23] =	ssyncset.done $0x0  }
0xa0: {  	[sflag:s23] =	ssyncadd.s32 $0xFFFFC000  }
0xa1: {  	[spmem:s2] =	stream.indirect.scatter.add.f32 [tilespmem:s18], [sflag:$0x3], $0x80, s31, s21, $0xb8;
	[tilespmem:$0x1C800] =	vst v63  }
0xa2: {  	_ =	swait.ge [sflag:s24], $0x4000  }
0xa3: {  	[sflag:s24] =	ssyncset.done $0x0  }
0xa4: {  	[sflag:s24] =	ssyncadd.s32 $0xFFFFC000  }
0xa5: {  	[tilespmem:s18], [sflag:$0x1] =	stream.indirect.gather [hbm4b:s4+s21], $0x80, s0, s21, $0xb8;
	[tilespmem:$0x1C800] =	vst v63  }
0xa6: {  	_ =	swait.ge [sflag:s26], $0x4000  }
0xa7: {  	[sflag:s26] =	ssyncset.done $0x0  }
0xa8: {  	[sflag:s26] =	ssyncadd.s32 $0xFFFFC000  }
0xa9: {  	[spmem:s2] =	stream.indirect.scatter.add.f32 [tilespmem:s22], [sflag:$0x4], $0x80, s1, s21, $0xb8;
	[tilespmem:$0x1C800] =	vst v63  }
0xaa: {  	_ =	swait.ge [sflag:s29], $0x4000  }
0xab: {  	[sflag:s29] =	ssyncset.done $0x0  }
0xac: {  	[sflag:s29] =	ssyncadd.s32 $0xFFFFC000  }
0xad: {  	[tilespmem:s22], [sflag:$0x2] =	stream.indirect.gather [hbm4b:s4+s21], $0x80, s5, s21, $0xb8;
	[tilespmem:$0x1C800] =	vst v63  }
0xae: {  	_ =	swait.ge [sflag:s23], $0x4000  }
0xaf: {  	[sflag:s23] =	ssyncset.done $0x0  }
0xb0: {  	[sflag:s23] =	ssyncadd.s32 $0xFFFFC000  }
0xb1: {  	[spmem:s2] =	stream.indirect.scatter.add.f32 [tilespmem:s18], [sflag:$0x3], $0x80, s11, s21, $0xb8;
	[tilespmem:$0x1C800] =	vst v63  }
0xb2: {  	_ =	swait.ge [sflag:s24], $0x4000  }
0xb3: {  	[sflag:s24] =	ssyncset.done $0x0  }
0xb4: {  	[sflag:s24] =	ssyncadd.s32 $0xFFFFC000  }
0xb5: {  	[tilespmem:s18], [sflag:$0x1] =	stream.indirect.gather [hbm4b:s4+s21], $0x80, s12, s21, $0xb8;
	[tilespmem:$0x1C800] =	vst v63  }
0xb6: {  	_ =	swait.ge [sflag:s26], $0x4000  }
0xb7: {  	[sflag:s26] =	ssyncset.done $0x0  }
0xb8: {  	[sflag:s26] =	ssyncadd.s32 $0xFFFFC000  }
0xb9: {  	[spmem:s2] =	stream.indirect.scatter.add.f32 [tilespmem:s22], [sflag:$0x4], $0x80, s13, s21, $0xb8;
	[tilespmem:$0x1C800] =	vst v63  }
0xba: {  	_ =	swait.ge [sflag:s29], $0x4000  }
0xbb: {  	[sflag:s29] =	ssyncset.done $0x0  }
0xbc: {  	[sflag:s29] =	ssyncadd.s32 $0xFFFFC000  }
0xbd: {  	[tilespmem:s22], [sflag:$0x2] =	stream.indirect.gather [hbm4b:s4+s21], $0x80, s14, s21, $0xb8;
	[tilespmem:$0x1C800] =	vst v63  }
0xbe: {  	_ =	swait.ge [sflag:s23], $0x4000  }
0xbf: {  	[sflag:s23] =	ssyncset.done $0x0  }
0xc0: {  	[sflag:s23] =	ssyncadd.s32 $0xFFFFC000  }
0xc1: {  	[spmem:s2] =	stream.indirect.scatter.add.f32 [tilespmem:s18], [sflag:$0x3], $0x80, s15, s21, $0xb8;
	[tilespmem:$0x1C800] =	vst v63  }
0xc2: {  	_ =	swait.ge [sflag:s26], $0x4000  }
0xc3: {  	[sflag:s26] =	ssyncset.done $0x0  }
0xc4: {  	[sflag:s26] =	ssyncadd.s32 $0xFFFFC000  }
0xc5: {  	[spmem:s2] =	stream.indirect.scatter.add.f32 [tilespmem:s22], [sflag:$0x4], $0x80, s16, s21, $0xb8;
	[tilespmem:$0x1C800] =	vst v63  }
.Ltmp0:
0xc6: {  	_ =	swait.ge [sflag:s24], $0x4000;
	(pc) =	sbr.rel @p0 .LBB2_2-.Ltmp0, $4  }
0xc7: {  	[sflag:s24] =	ssyncset.done $0x0  }
0xc8: {  	[sflag:s24] =	ssyncadd.s32 $0xFFFFC000  }
0xc9: {  	_ =	swait.ge [sflag:s29], $0x4000  }
0xca: {  	s7 =	smov.u32 s6;
	s8 =	smov.u32 s9;
	[sflag:s29] =	ssyncset.done $0x0  }
0xcb: {  	s6 =	sadd.s32 s7, s17;
	[sflag:s29] =	ssyncadd.s32 $0xFFFFC000  }
0xcc: {  	[tilespmem:s3], [sflag:$0x5] =	stream.linear.gather [hbm4b:s6+s3], $0x400, $0x38;
	[tilespmem:$0x1C800] =	vst v63  }
0xcd: {  	_ =	swait.ge [sflag:s19], $0x400  }
0xce: {  	s9 =	rddreg [dreg:$0x3];
	[sflag:s19] =	ssyncset.done $0x0  }
0xcf: {  	s6 =	sadd.s32 s7, s9;
	[sflag:s19] =	ssyncadd.s32 $0xFFFFFC00  }
0xd0: {  	[tilespmem:s20], [sflag:$0x5] =	stream.linear.gather [hbm4b:s6+s3], $0x400, $0x38;
	[tilespmem:$0x1C800] =	vst v63  }
0xd1: {  	_ =	swait.ge [sflag:s19], $0x400  }
0xd2: {  	[sflag:s19] =	ssyncset.done $0x0  }
0xd3: {  	[sflag:s19] =	ssyncadd.s32 $0xFFFFFC00  }
0xd4: {  	[tilespmem:s18], [sflag:$0x1] =	stream.indirect.gather [hbm4b:s4+s21], $0x80, s3, s21, $0xb8;
	[tilespmem:$0x1C800] =	vst v63  }
0xd5: {  	_ = 	snop  }
0xd6: {  	[tilespmem:s22], [sflag:$0x2] =	stream.indirect.gather [hbm4b:s4+s21], $0x80, s21, s21, $0xb8;
	[tilespmem:$0x1C800] =	vst v63  }
0xd7: {  	_ =	swait.ge [sflag:s23], $0x4000  }
0xd8: {  	[sflag:s23] =	ssyncset.done $0x0  }
0xd9: {  	[sflag:s23] =	ssyncadd.s32 $0xFFFFC000  }
0xda: {  	[spmem:s2] =	stream.indirect.scatter.add.f32 [tilespmem:s18], [sflag:$0x3], $0x80, s20, s21, $0xb8;
	[tilespmem:$0x1C800] =	vst v63  }
0xdb: {  	_ =	swait.ge [sflag:s24], $0x4000  }
0xdc: {  	[sflag:s24] =	ssyncset.done $0x0  }
0xdd: {  	[sflag:s24] =	ssyncadd.s32 $0xFFFFC000  }
0xde: {  	[tilespmem:s18], [sflag:$0x1] =	stream.indirect.gather [hbm4b:s4+s21], $0x80, s25, s21, $0xb8;
	[tilespmem:$0x1C800] =	vst v63  }
0xdf: {  	_ =	swait.ge [sflag:s26], $0x4000  }
0xe0: {  	[sflag:s26] =	ssyncset.done $0x0  }
0xe1: {  	[sflag:s26] =	ssyncadd.s32 $0xFFFFC000  }
0xe2: {  	[spmem:s2] =	stream.indirect.scatter.add.f32 [tilespmem:s22], [sflag:$0x4], $0x80, s28, s21, $0xb8;
	[tilespmem:$0x1C800] =	vst v63  }
0xe3: {  	_ =	swait.ge [sflag:s29], $0x4000  }
0xe4: {  	[sflag:s29] =	ssyncset.done $0x0  }
0xe5: {  	[sflag:s29] =	ssyncadd.s32 $0xFFFFC000  }
0xe6: {  	[tilespmem:s22], [sflag:$0x2] =	stream.indirect.gather [hbm4b:s4+s21], $0x80, s30, s21, $0xb8;
	[tilespmem:$0x1C800] =	vst v63  }
0xe7: {  	_ =	swait.ge [sflag:s23], $0x4000  }
0xe8: {  	[sflag:s23] =	ssyncset.done $0x0  }
0xe9: {  	[sflag:s23] =	ssyncadd.s32 $0xFFFFC000  }
0xea: {  	[spmem:s2] =	stream.indirect.scatter.add.f32 [tilespmem:s18], [sflag:$0x3], $0x80, s31, s21, $0xb8;
	[tilespmem:$0x1C800] =	vst v63  }
0xeb: {  	_ =	swait.ge [sflag:s24], $0x4000  }
0xec: {  	[sflag:s24] =	ssyncset.done $0x0  }
0xed: {  	[sflag:s24] =	ssyncadd.s32 $0xFFFFC000  }
0xee: {  	[tilespmem:s18], [sflag:$0x1] =	stream.indirect.gather [hbm4b:s4+s21], $0x80, s0, s21, $0xb8;
	[tilespmem:$0x1C800] =	vst v63  }
0xef: {  	_ =	swait.ge [sflag:s26], $0x4000  }
0xf0: {  	[sflag:s26] =	ssyncset.done $0x0  }
0xf1: {  	[sflag:s26] =	ssyncadd.s32 $0xFFFFC000  }
0xf2: {  	[spmem:s2] =	stream.indirect.scatter.add.f32 [tilespmem:s22], [sflag:$0x4], $0x80, s1, s21, $0xb8;
	[tilespmem:$0x1C800] =	vst v63  }
0xf3: {  	_ =	swait.ge [sflag:s29], $0x4000  }
0xf4: {  	[sflag:s29] =	ssyncset.done $0x0  }
0xf5: {  	[sflag:s29] =	ssyncadd.s32 $0xFFFFC000  }
0xf6: {  	[tilespmem:s22], [sflag:$0x2] =	stream.indirect.gather [hbm4b:s4+s21], $0x80, s5, s21, $0xb8;
	[tilespmem:$0x1C800] =	vst v63  }
0xf7: {  	_ =	swait.ge [sflag:s23], $0x4000  }
0xf8: {  	[sflag:s23] =	ssyncset.done $0x0  }
0xf9: {  	[sflag:s23] =	ssyncadd.s32 $0xFFFFC000  }
0xfa: {  	[spmem:s2] =	stream.indirect.scatter.add.f32 [tilespmem:s18], [sflag:$0x3], $0x80, s11, s21, $0xb8;
	[tilespmem:$0x1C800] =	vst v63  }
0xfb: {  	_ =	swait.ge [sflag:s24], $0x4000  }
0xfc: {  	[sflag:s24] =	ssyncset.done $0x0  }
0xfd: {  	[sflag:s24] =	ssyncadd.s32 $0xFFFFC000  }
0xfe: {  	[tilespmem:s18], [sflag:$0x1] =	stream.indirect.gather [hbm4b:s4+s21], $0x80, s12, s21, $0xb8;
	[tilespmem:$0x1C800] =	vst v63  }
0xff: {  	_ =	swait.ge [sflag:s26], $0x4000  }
0x100: {  	[sflag:s26] =	ssyncset.done $0x0  }
0x101: {  	[sflag:s26] =	ssyncadd.s32 $0xFFFFC000  }
0x102: {  	[spmem:s2] =	stream.indirect.scatter.add.f32 [tilespmem:s22], [sflag:$0x4], $0x80, s13, s21, $0xb8;
	[tilespmem:$0x1C800] =	vst v63  }
0x103: {  	_ =	swait.ge [sflag:s29], $0x4000  }
0x104: {  	[sflag:s29] =	ssyncset.done $0x0  }
0x105: {  	[sflag:s29] =	ssyncadd.s32 $0xFFFFC000  }
0x106: {  	[tilespmem:s22], [sflag:$0x2] =	stream.indirect.gather [hbm4b:s4+s21], $0x80, s14, s21, $0xb8;
	[tilespmem:$0x1C800] =	vst v63  }
0x107: {  	_ =	swait.ge [sflag:s23], $0x4000  }
0x108: {  	[sflag:s23] =	ssyncset.done $0x0  }
0x109: {  	[sflag:s23] =	ssyncadd.s32 $0xFFFFC000  }
0x10a: {  	[spmem:s2] =	stream.indirect.scatter.add.f32 [tilespmem:s18], [sflag:$0x3], $0x80, s15, s21, $0xb8;
	[tilespmem:$0x1C800] =	vst v63  }
0x10b: {  	_ =	swait.ge [sflag:s26], $0x4000  }
0x10c: {  	[sflag:s26] =	ssyncset.done $0x0  }
0x10d: {  	[sflag:s26] =	ssyncadd.s32 $0xFFFFC000  }
0x10e: {  	[spmem:s2] =	stream.indirect.scatter.add.f32 [tilespmem:s22], [sflag:$0x4], $0x80, s16, s21, $0xb8;
	[tilespmem:$0x1C800] =	vst v63  }
0x10f: {  	_ =	swait.ge [sflag:s24], $0x4000  }
0x110: {  	[sflag:s24] =	ssyncset.done $0x0  }
0x111: {  	[sflag:s24] =	ssyncadd.s32 $0xFFFFC000  }
0x112: {  	_ =	swait.ge [sflag:s29], $0x4000  }
0x113: {  	[sflag:s29] =	ssyncset.done $0x0  }
0x114: {  	[sflag:s29] =	ssyncadd.s32 $0xFFFFC000  }
0x115: {  	[bflag:$0x0] =	sbarrier.arrive $0xFFFF  }
0x116: {  	s10 =	rddreg [dreg:$0x5]  }
0x117: {  	[tilespmem:s18], [sflag:$0x5] =	stream.linear.gather [spmem:s10], $0x4000, $0x38;
	[tilespmem:$0x1C800] =	vst v63  }
0x118: {  	_ =	swait.ge [sflag:s19], $0x4000  }
0x119: {  	[sflag:s19] =	ssyncset.done $0x0  }
0x11a: {  	s7 =	rddreg [dreg:$0xa];
	[sflag:s19] =	ssyncadd.s32 $0xFFFFC000  }
0x11b: {  	[hbm4b:s7+s3] =	stream.linear.scatter [tilespmem:s18], [sflag:$0x5], $0x4000, $0x38;
	[tilespmem:$0x1C800] =	vst v63  }
0x11c: {  	_ =	swait.ge [sflag:s19], $0x4000  }
0x11d: {  	[sflag:s19] =	ssyncset.done $0x0  }
0x11e: {  	s7 =	rddreg [dreg:$0x6];
	[sflag:s19] =	ssyncadd.s32 $0xFFFFC000  }
0x11f: {  	[tilespmem:s18], [sflag:$0x5] =	stream.linear.gather [spmem:s7], $0x4000, $0x38;
	[tilespmem:$0x1C800] =	vst v63  }
0x120: {  	_ =	swait.ge [sflag:s19], $0x4000  }
0x121: {  	[sflag:s19] =	ssyncset.done $0x0  }
0x122: {  	s8 =	rddreg [dreg:$0xb];
	[sflag:s19] =	ssyncadd.s32 $0xFFFFC000  }
0x123: {  	[hbm4b:s8+s3] =	stream.linear.scatter [tilespmem:s18], [sflag:$0x5], $0x4000, $0x38;
	[tilespmem:$0x1C800] =	vst v63  }
0x124: {  	_ =	swait.ge [sflag:s19], $0x4000  }
0x125: {  	[sflag:s19] =	ssyncset.done $0x0  }
0x126: {  	s8 =	rddreg [dreg:$0x7];
	[sflag:s19] =	ssyncadd.s32 $0xFFFFC000  }
0x127: {  	[tilespmem:s18], [sflag:$0x5] =	stream.linear.gather [spmem:s8], $0x4000, $0x38;
	[tilespmem:$0x1C800] =	vst v63  }
0x128: {  	_ =	swait.ge [sflag:s19], $0x4000  }
0x129: {  	[sflag:s19] =	ssyncset.done $0x0  }
0x12a: {  	s9 =	rddreg [dreg:$0xc];
	[sflag:s19] =	ssyncadd.s32 $0xFFFFC000  }
0x12b: {  	[hbm4b:s9+s3] =	stream.linear.scatter [tilespmem:s18], [sflag:$0x5], $0x4000, $0x38;
	[tilespmem:$0x1C800] =	vst v63  }
0x12c: {  	_ =	swait.ge [sflag:s19], $0x4000  }
0x12d: {  	[sflag:s19] =	ssyncset.done $0x0  }
0x12e: {  	s9 =	rddreg [dreg:$0x8];
	[sflag:s19] =	ssyncadd.s32 $0xFFFFC000  }
0x12f: {  	[tilespmem:s18], [sflag:$0x5] =	stream.linear.gather [spmem:s9], $0x4000, $0x38;
	[tilespmem:$0x1C800] =	vst v63  }
0x130: {  	_ =	swait.ge [sflag:s19], $0x4000  }
0x131: {  	[sflag:s19] =	ssyncset.done $0x0  }
0x132: {  	s10 =	rddreg [dreg:$0xd];
	[sflag:s19] =	ssyncadd.s32 $0xFFFFC000  }
0x133: {  	[hbm4b:s10+s3] =	stream.linear.scatter [tilespmem:s18], [sflag:$0x5], $0x4000, $0x38;
	[tilespmem:$0x1C800] =	vst v63  }
0x134: {  	_ =	swait.ge [sflag:s19], $0x4000  }
0x135: {  	[sflag:s19] =	ssyncset.done $0x0  }
0x136: {  	s10 =	rddreg [dreg:$0x9];
	[sflag:s19] =	ssyncadd.s32 $0xFFFFC000  }
0x137: {  	[tilespmem:s18], [sflag:$0x5] =	stream.linear.gather [spmem:s10], $0x4000, $0x38;
	[tilespmem:$0x1C800] =	vst v63  }
0x138: {  	_ =	swait.ge [sflag:s19], $0x4000  }
0x139: {  	[sflag:s19] =	ssyncset.done $0x0  }
0x13a: {  	s10 =	rddreg [dreg:$0xe];
	[sflag:s19] =	ssyncadd.s32 $0xFFFFC000  }
0x13b: {  	[hbm4b:s10+s3] =	stream.linear.scatter [tilespmem:s18], [sflag:$0x5], $0x4000, $0x38;
	[tilespmem:$0x1C800] =	vst v63  }
0x13c: {  	_ =	swait.ge [sflag:s19], $0x4000  }
0x13d: {  	s10 =	rddreg [dreg:$0x10]  }
0x13e: {  	s6 =	rddreg [dreg:$0xf];
	s10 =	sadd.s32 $0x1, s10  }
0x13f: {  	p0 =	sne.s32 s10, s6  }
.Ltmp1:
0x140: {  	_ = 	snop;
	(pc) =	sbr.rel @p0 .LBB2_1-.Ltmp1, $3  }
0x141: {  	_ =	sdelay $0x1  }
0x142: {  	[sflag:s19] =	ssyncset.done $0x0;
	[dreg:$0x10] =	wrdreg s10  }
0x143: {  	[sflag:s19] =	ssyncadd.s32 $0xFFFFC000;
	s10 =	rddreg [dreg:$0x5]  }
0x144: {  	_ =	sfence.sel $0x180000  }
0x145: {  	[bflag:$0x0] =	sbarrier.arrive $0xFFFF  }
0x146: {  	_ =	strace $0x90000050  }
0x147: {  	s0 =	stileid.u32;
	[bflag:$0x2] =	sbarrier.arrive $0xFFFF  }
0x148: {  	p0 =	sne.s32 s0, $0x0;
	s0 =	rddreg [dreg:$0x2]  }
0x149: {  	s0 =	sadd.s32 @!p0 $0x100000, s0  }
0x14a: {  	[sflag:s0] =	ssyncadd.tile.s32 @!p0 $0x1;
	_ =	shalt  }
.Lfunc_end2:
_tile_overlayer_lowered:
.L_overlay_start_2:
0x14b: {  	(tag) =	ssettag $0x2  }
0x14c: {  	s0 =	rddreg [dreg:$0x0];
	s2 =	stileid.u32  }
0x14d: {  	s1 =	rddreg [dreg:$0x1];
	p0 =	sne.s32 s2, $0x0  }
0x14e: {  	s3 =	rddreg [dreg:$0x2];
	[bflag:$0x3] =	sbarrier.arrive $0xFFFF;
	s2 =	simm.s32 @!p0 $0x1C05  }
0x14f: {  	[timem:s3], [sflag:s2] =	dma.local @!p0 [hbm:s0], s1  }
0x150: {  	s0 =	simm.s32 @!p0 $0x5  }
0x151: {  	_ =	swait.ge @!p0 [sflag:s0], s1  }
0x152: {  	s1 =	ssub.s32 @!p0 $0x0, s1;
	[sflag:s0] =	ssyncset.done @!p0 $0x0  }
0x153: {  	[sflag:s0] =	ssyncadd.s32 @!p0 s1  }
0x154: {  	[bflag:$0x3] =	sbarrier.arrive $0xFFFF  }
0x155: {  	_ =	shalt  }

</sc_bundles>
